<compile_context>
chip_gen: v7x
topology: tpu7x:2x2x1
jax: 0.10.2.dev20260603
libtpu: 0.0.44.dev20260713+nightly
codegen_flags: <defaults>
</compile_context>

<pallas_src>
import functools

import jax
import jax.numpy as jnp
from jax import lax
from jax.experimental import pallas as pl
from jax.experimental.pallas import tpu as pltpu
from jax.experimental.pallas import tpu_sc as plsc

NC = 2
NS = 16
NW = NC * NS
LANES = 128
TARGET_CHUNK = 4096

_f32 = jnp.float32


def _edge_plan(e):
    epw = -(-e // (NW * 16)) * 16
    n_chunks = max(2, -(-epw // TARGET_CHUNK))
    n_chunks += n_chunks % 2
    chunk = -(-epw // (n_chunks * 8)) * 8
    return NW * chunk * n_chunks, chunk, n_chunks


def _edge_pass(src1d, dst1d, tables, zeros, chunk, n_chunks):
    nt = len(tables)
    na = max(nt, 1)
    npad = zeros.shape[0]
    edges_per_worker = chunk * n_chunks
    sl = npad // NS
    n_idx = 2 if nt else 1

    scratch = (
        [pltpu.VMEM((chunk,), jnp.int32)] * (2 * n_idx)
        + [pltpu.VMEM_SHARED((npad,), _f32)] * na
        + [pltpu.VMEM_SHARED((npad,), _f32)] * nt
        + [pltpu.VMEM((chunk,), _f32)] * (2 * nt if nt else 1)
        + [pltpu.SemaphoreType.DMA] * 4
    )

    @functools.partial(
        pl.kernel,
        mesh=plsc.VectorSubcoreMesh(core_axis_name="c", subcore_axis_name="s"),
        out_type=tuple(jax.ShapeDtypeStruct((NC, npad), _f32)
                       for _ in range(na)),
        scratch_types=scratch,
        compiler_params=pltpu.CompilerParams(use_tc_tiling_on_sc=False),
    )
    def run(*args):
        it = iter(args)
        src_h, dst_h = next(it), next(it)
        tab_h = [next(it) for _ in range(nt)]
        z_h = next(it)
        out_h = [next(it) for _ in range(na)]
        if nt:
            sidx = [next(it), next(it)]
        didx = [next(it), next(it)]
        acc = [next(it) for _ in range(na)]
        tab = [next(it) for _ in range(nt)]
        if nt:
            rbuf = [[next(it) for _ in range(nt)] for _ in range(2)]
        else:
            ones_v = next(it)
        sem_i, sem_g, sem_sa, sem_sb = next(it), next(it), next(it), next(it)

        cid = lax.axis_index("c")
        sid = lax.axis_index("s")
        wid = cid * NS + sid
        tsl = pl.ds(sid * sl, sl)

        for a in acc:
            pltpu.sync_copy(z_h.at[tsl], a.at[tsl])
        for k in range(nt):
            pltpu.sync_copy(tab_h[k].at[tsl], tab[k].at[tsl])
        if not nt:
            for k in range(chunk // 16):
                ones_v[pl.ds(k * 16, 16)] = jnp.ones((16,), _f32)
        plsc.subcore_barrier()

        e0 = wid * edges_per_worker

        def load_idx(base, p):
            cps = []
            if nt:
                cps.append(pltpu.async_copy(src_h.at[pl.ds(base, chunk)],
                                            sidx[p], sem_i))
            cps.append(pltpu.async_copy(dst_h.at[pl.ds(base, chunk)],
                                        didx[p], sem_i))
            return cps

        def gathers(p):
            return [pltpu.async_copy(tab[k].at[sidx[p]], rbuf[p][k], sem_g)
                    for k in range(nt)]

        def scatters(p, sem):
            srcs = rbuf[p] if nt else [ones_v]
            return [pltpu.async_copy(srcs[k], acc[k].at[didx[p]], sem,
                                     add=True)
                    for k in range(na)]

        def body(i, carry):
            base = e0 + i * (2 * chunk)
            ia = load_idx(base, 0)
            for c in ia:
                c.wait()
            ga = gathers(0)
            ib = load_idx(base + chunk, 1)
            for c in ga:
                c.wait()
            sa = scatters(0, sem_sa)
            for c in ib:
                c.wait()
            gb = gathers(1)
            for c in gb:
                c.wait()
            sb = scatters(1, sem_sb)
            for c in sa:
                c.wait()
            for c in sb:
                c.wait()
            return carry

        lax.fori_loop(0, n_chunks // 2, body, 0)

        plsc.subcore_barrier()
        for k in range(na):
            pltpu.sync_copy(acc[k].at[tsl], out_h[k].at[cid, tsl])

    return run(src1d, dst1d, *tables, zeros)


def _tc1_body(degp_ref, xt_ref, dinv_ref, yt_ref):
    deg = degp_ref[0] + degp_ref[1] + 1.0
    dinv = lax.rsqrt(deg)
    dinv_ref[...] = dinv
    for c in range(3):
        yt_ref[c] = xt_ref[c] * dinv


def _tc2_body(s1a_ref, s1b_ref, s1c_ref, yt_ref, dinv_ref, w1_ref, b1_ref,
              w2_ref, z_ref):
    dinv = dinv_ref[...]
    s1 = [s1a_ref, s1b_ref, s1c_ref]
    t = [dinv * (s1[c][0] + s1[c][1] + yt_ref[c]) for c in range(3)]
    z = jnp.zeros_like(dinv)
    for j in range(16):
        h = (b1_ref[0, j] + t[0] * w1_ref[0, j] + t[1] * w1_ref[1, j]
             + t[2] * w1_ref[2, j])
        z = z + jnp.maximum(h, 0.0) * w2_ref[j, 0]
    z_ref[...] = z * dinv


def _tc3_body(s2p_ref, z_ref, dinv_ref, b2_ref, out_ref):
    t = dinv_ref[...] * (s2p_ref[0] + s2p_ref[1] + z_ref[...]) + b2_ref[0, 0]
    out_ref[...] = jax.nn.sigmoid(t)


def _vspec():
    return pl.BlockSpec(memory_space=pltpu.VMEM)


def _sspec():
    return pl.BlockSpec(memory_space=pltpu.SMEM)


def kernel(x, edge_index, W1, b1, W2, b2):
    n = x.shape[0]
    e = edge_index.shape[1]
    npad = -(-n // 2048) * 2048
    r128 = npad // LANES
    e_pad, chunk, n_chunks = _edge_plan(e)

    src = edge_index[0].astype(jnp.int32)
    dst = edge_index[1].astype(jnp.int32)
    pad_cnt = e_pad - e
    if pad_cnt:
        pad_idx = n + (jnp.arange(pad_cnt, dtype=jnp.int32) % (npad - n))
        src = jnp.concatenate([src, pad_idx])
        dst = jnp.concatenate([dst, pad_idx])

    zeros1 = jnp.zeros((npad,), _f32)

    (degp,) = _edge_pass(src, dst, (), zeros1, chunk, n_chunks)

    xp = jnp.pad(x, ((0, npad - n), (0, 0)))
    xt = xp.T.reshape(3, r128, LANES)
    dinv, yt = pl.pallas_call(
        _tc1_body,
        out_shape=(jax.ShapeDtypeStruct((r128, LANES), _f32),
                   jax.ShapeDtypeStruct((3, r128, LANES), _f32)),
        in_specs=[_vspec(), _vspec()],
        out_specs=(_vspec(), _vspec()),
    )(degp.reshape(2, r128, LANES), xt)

    ycols = tuple(yt[c].reshape(npad) for c in range(3))
    s1 = _edge_pass(src, dst, ycols, zeros1, chunk, n_chunks)

    s1r = [s.reshape(2, r128, LANES) for s in s1]
    z = pl.pallas_call(
        _tc2_body,
        out_shape=jax.ShapeDtypeStruct((r128, LANES), _f32),
        in_specs=[_vspec(), _vspec(), _vspec(), _vspec(), _vspec(),
                  _sspec(), _sspec(), _sspec()],
        out_specs=_vspec(),
    )(s1r[0], s1r[1], s1r[2], yt, dinv, W1, b1.reshape(1, 16), W2)

    (s2,) = _edge_pass(src, dst, (z.reshape(npad),), zeros1,
                       chunk, n_chunks)

    out = pl.pallas_call(
        _tc3_body,
        out_shape=jax.ShapeDtypeStruct((r128, LANES), _f32),
        in_specs=[_vspec(), _vspec(), _vspec(), _sspec()],
        out_specs=_vspec(),
    )(s2.reshape(2, r128, LANES), z, dinv, b2.reshape(1, 1))

    return out.reshape(npad, 1)[:n]

# --- scband reference (transcript-rebuilt; emitter-appended) ---
"""Pipeline reference for scband-croquet-gnn-43215960932690 (READ-ONLY COPY).

The authoritative reference and input builder live on the scoring server;
editing this copy changes nothing except your own understanding.
"""

import jax, jax.numpy as jnp
import numpy as np

N_NODES = 100000
N_EDGES = 6400000


def gcn_conv(x, edge_index, W, b, n_nodes):
    # PyG GCNConv with default add_self_loops=True, normalize=True, bias=True
    src = edge_index[0]
    dst = edge_index[1]
    loop = jnp.arange(n_nodes, dtype=src.dtype)
    src = jnp.concatenate([src, loop], axis=0)
    dst = jnp.concatenate([dst, loop], axis=0)
    # linear transform first (in_dim -> out_dim)
    xw = x @ W
    # symmetric normalization: deg computed on dst (in-degree incl. self loops)
    deg = jnp.zeros((n_nodes,), dtype=x.dtype).at[dst].add(1.0)
    dinv = jnp.where(deg > 0, jax.lax.rsqrt(deg), 0.0)
    norm = dinv[src] * dinv[dst]
    msg = xw[src] * norm[:, None]
    out = jnp.zeros((n_nodes, W.shape[1]), dtype=x.dtype).at[dst].add(msg)
    return out + b


def setup_inputs(seed: int = 0) -> dict:
    key = jax.random.key(seed)
    k1, k2, k3, k4, k5 = jax.random.split(key, 5)
    x = jax.random.normal(k1, (N_NODES, 3), dtype=jnp.float32)
    edge_index = jax.random.randint(k2, (2, N_EDGES), 0, N_NODES, dtype=jnp.int64)
    # GCNConv(3, 16) weights (glorot-like init)
    W1 = jax.random.normal(k3, (3, 16), dtype=jnp.float32) * (1.0 / np.sqrt(3.0))
    b1 = jnp.zeros((16,), dtype=jnp.float32)
    # GCNConv(16, 1) weights
    W2 = jax.random.normal(k4, (16, 1), dtype=jnp.float32) * (1.0 / np.sqrt(16.0))
    b2 = jnp.zeros((1,), dtype=jnp.float32)
    return {"x": x, "edge_index": edge_index, "W1": W1, "b1": b1, "W2": W2, "b2": b2}


def reference(x, edge_index, W1, b1, W2, b2):
    n_nodes = x.shape[0]
    h = gcn_conv(x, edge_index, W1, b1, n_nodes)
    h = jax.nn.relu(h)
    h = gcn_conv(h, edge_index, W2, b2, n_nodes)
    return jax.nn.sigmoid(h)

if __name__ == "__main__":
    import jax
    _d = setup_inputs()
    print(jax.jit(kernel)(*tuple(_d.values())))

</pallas_src>

<mosaic_0001>
#map = affine_map<(d0, d1) -> (0)>
#map1 = affine_map<(d0, d1) -> (0, 0)>
module attributes {stable_mosaic.version = 14 : i64} {
  func.func @run(%arg0: i32, %arg1: i32, %arg2: memref<6400000xi32, #tpu.memory_space<hbm>>, %arg3: memref<6400000xi32, #tpu.memory_space<hbm>>, %arg4: memref<100352xf32, #tpu.memory_space<hbm>>, %arg5: memref<100352xf32, #tpu.memory_space<hbm>>, %arg6: memref<2x100352xf32, #tpu.memory_space<hbm>>, %arg7: memref<4000xi32, #tpu.memory_space<vmem>>, %arg8: memref<4000xi32, #tpu.memory_space<vmem>>, %arg9: memref<4000xi32, #tpu.memory_space<vmem>>, %arg10: memref<4000xi32, #tpu.memory_space<vmem>>, %arg11: memref<100352xf32, #tpu.memory_space<vmem_shared>>, %arg12: memref<100352xf32, #tpu.memory_space<vmem_shared>>, %arg13: memref<4000xf32, #tpu.memory_space<vmem>>, %arg14: memref<4000xf32, #tpu.memory_space<vmem>>, %arg15: memref<!tpu.dma_semaphore, #tpu.memory_space<semaphore_mem>>, %arg16: memref<!tpu.dma_semaphore, #tpu.memory_space<semaphore_mem>>, %arg17: memref<!tpu.dma_semaphore, #tpu.memory_space<semaphore_mem>>, %arg18: memref<!tpu.dma_semaphore, #tpu.memory_space<semaphore_mem>>) attributes {dimension_semantics = [#tpu.dimension_semantics<core_parallel>, #tpu.dimension_semantics<subcore_parallel>], iteration_bounds = array<i64: 2, 16>, scalar_prefetch = 0 : i64, scratch_operands = 12 : i64, tpu.core_type = #tpu.core_type<sc_vector_subcore>, window_params = [{transform_indices = #map}, {transform_indices = #map}, {transform_indices = #map}, {transform_indices = #map}, {transform_indices = #map1}]} {
    %mul3A = arith.constant 16 : i32
    %mul3A_0 = arith.muli %arg0, %mul3A : i32
    %add3A = arith.addi %mul3A_0, %arg1 : i32
    %mul3A_1 = arith.constant 6272 : i32
    %mul3A_2 = arith.muli %arg1, %mul3A_1 : i32
    "tpu.region"() ({
      %run_scoped3A = tpu.sem_alloc : memref<!tpu.dma_semaphore, #tpu.memory_space<semaphore_mem>>
      %dma_start3A = tpu.memref_slice %arg11[%mul3A_2] : memref<100352xf32, #tpu.memory_space<vmem_shared>> -> memref<6272xf32, #tpu.memory_space<vmem_shared>>
      %dma_start3A_11 = tpu.memref_slice %arg5[%mul3A_2] : memref<100352xf32, #tpu.memory_space<hbm>> -> memref<6272xf32, #tpu.memory_space<hbm>>
      tpu.enqueue_dma source(%dma_start3A_11 : memref<6272xf32, #tpu.memory_space<hbm>>) target(%dma_start3A : memref<6272xf32, #tpu.memory_space<vmem_shared>>) target_semaphore(%run_scoped3A : memref<!tpu.dma_semaphore, #tpu.memory_space<semaphore_mem>>)
      %dma_wait3A = tpu.memref_slice %arg11[%mul3A_2] : memref<100352xf32, #tpu.memory_space<vmem_shared>> -> memref<6272xf32, #tpu.memory_space<vmem_shared>>
      %dma_wait3A_12 = tpu.memref_slice %arg5[%mul3A_2] : memref<100352xf32, #tpu.memory_space<hbm>> -> memref<6272xf32, #tpu.memory_space<hbm>>
      tpu.wait_dma2 semaphore(%run_scoped3A : memref<!tpu.dma_semaphore, #tpu.memory_space<semaphore_mem>>) src(%dma_wait3A_12 : memref<6272xf32, #tpu.memory_space<hbm>>) dst(%dma_wait3A : memref<6272xf32, #tpu.memory_space<vmem_shared>>)
      tpu.yield
    }) : () -> ()
    "tpu.region"() ({
      %run_scoped3A = tpu.sem_alloc : memref<!tpu.dma_semaphore, #tpu.memory_space<semaphore_mem>>
      %dma_start3A = tpu.memref_slice %arg12[%mul3A_2] : memref<100352xf32, #tpu.memory_space<vmem_shared>> -> memref<6272xf32, #tpu.memory_space<vmem_shared>>
      %dma_start3A_11 = tpu.memref_slice %arg4[%mul3A_2] : memref<100352xf32, #tpu.memory_space<hbm>> -> memref<6272xf32, #tpu.memory_space<hbm>>
      tpu.enqueue_dma source(%dma_start3A_11 : memref<6272xf32, #tpu.memory_space<hbm>>) target(%dma_start3A : memref<6272xf32, #tpu.memory_space<vmem_shared>>) target_semaphore(%run_scoped3A : memref<!tpu.dma_semaphore, #tpu.memory_space<semaphore_mem>>)
      %dma_wait3A = tpu.memref_slice %arg12[%mul3A_2] : memref<100352xf32, #tpu.memory_space<vmem_shared>> -> memref<6272xf32, #tpu.memory_space<vmem_shared>>
      %dma_wait3A_12 = tpu.memref_slice %arg4[%mul3A_2] : memref<100352xf32, #tpu.memory_space<hbm>> -> memref<6272xf32, #tpu.memory_space<hbm>>
      tpu.wait_dma2 semaphore(%run_scoped3A : memref<!tpu.dma_semaphore, #tpu.memory_space<semaphore_mem>>) src(%dma_wait3A_12 : memref<6272xf32, #tpu.memory_space<hbm>>) dst(%dma_wait3A : memref<6272xf32, #tpu.memory_space<vmem_shared>>)
      tpu.yield
    }) : () -> ()
    %barrier3A = arith.constant 0 : index
    tpu.barrier barrier_id(%barrier3A)
    %mul3A_3 = arith.constant 200000 : i32
    %mul3A_4 = arith.muli %add3A, %mul3A_3 : i32
    %scan3A = arith.constant 0 : i32
    %scan3A_5 = arith.constant 0 : i32
    %scan3A_6 = arith.constant 25 : i32
    %scan3A_7 = arith.addi %scan3A_5, %scan3A_6 : i32
    %scan3A_8 = arith.constant 1 : i32
    scf.for %scan3A_11 = %scan3A_5 to %scan3A_7 step %scan3A_8  : i32 {
      %mul3A_12 = arith.constant 8000 : i32
      %mul3A_13 = arith.muli %scan3A_11, %mul3A_12 : i32
      %add3A_14 = arith.addi %mul3A_4, %mul3A_13 : i32
      %dma_start3A = tpu.memref_slice %arg2[%add3A_14] : memref<6400000xi32, #tpu.memory_space<hbm>> -> memref<4000xi32, #tpu.memory_space<hbm>>
      %dma_start3A_15 = tpu.memref_slice %arg2[%add3A_14] : memref<6400000xi32, #tpu.memory_space<hbm>> -> memref<4000xi32, #tpu.memory_space<hbm>>
      tpu.enqueue_dma source(%dma_start3A_15 : memref<4000xi32, #tpu.memory_space<hbm>>) target(%arg7 : memref<4000xi32, #tpu.memory_space<vmem>>) target_semaphore(%arg15 : memref<!tpu.dma_semaphore, #tpu.memory_space<semaphore_mem>>)
      %dma_start3A_16 = tpu.memref_slice %arg3[%add3A_14] : memref<6400000xi32, #tpu.memory_space<hbm>> -> memref<4000xi32, #tpu.memory_space<hbm>>
      %dma_start3A_17 = tpu.memref_slice %arg3[%add3A_14] : memref<6400000xi32, #tpu.memory_space<hbm>> -> memref<4000xi32, #tpu.memory_space<hbm>>
      tpu.enqueue_dma source(%dma_start3A_17 : memref<4000xi32, #tpu.memory_space<hbm>>) target(%arg9 : memref<4000xi32, #tpu.memory_space<vmem>>) target_semaphore(%arg15 : memref<!tpu.dma_semaphore, #tpu.memory_space<semaphore_mem>>)
      %dma_wait3A = tpu.memref_slice %arg2[%add3A_14] : memref<6400000xi32, #tpu.memory_space<hbm>> -> memref<4000xi32, #tpu.memory_space<hbm>>
      %dma_wait3A_18 = tpu.memref_slice %arg2[%add3A_14] : memref<6400000xi32, #tpu.memory_space<hbm>> -> memref<4000xi32, #tpu.memory_space<hbm>>
      tpu.wait_dma2 semaphore(%arg15 : memref<!tpu.dma_semaphore, #tpu.memory_space<semaphore_mem>>) src(%dma_wait3A_18 : memref<4000xi32, #tpu.memory_space<hbm>>) dst(%arg7 : memref<4000xi32, #tpu.memory_space<vmem>>)
      %dma_wait3A_19 = tpu.memref_slice %arg3[%add3A_14] : memref<6400000xi32, #tpu.memory_space<hbm>> -> memref<4000xi32, #tpu.memory_space<hbm>>
      %dma_wait3A_20 = tpu.memref_slice %arg3[%add3A_14] : memref<6400000xi32, #tpu.memory_space<hbm>> -> memref<4000xi32, #tpu.memory_space<hbm>>
      tpu.wait_dma2 semaphore(%arg15 : memref<!tpu.dma_semaphore, #tpu.memory_space<semaphore_mem>>) src(%dma_wait3A_20 : memref<4000xi32, #tpu.memory_space<hbm>>) dst(%arg9 : memref<4000xi32, #tpu.memory_space<vmem>>)
      %dma_start3A_21 = arith.constant 0 : i32
      %dma_start3A_22 = tpu.memref_slice %arg12[%dma_start3A_21] : memref<100352xf32, #tpu.memory_space<vmem_shared>> -> memref<100352xf32, #tpu.memory_space<vmem_shared>>
      tpu.enqueue_indirect_dma source(%dma_start3A_22 : memref<100352xf32, #tpu.memory_space<vmem_shared>>) target(%arg13 : memref<4000xf32, #tpu.memory_space<vmem>>) offsets(%arg7 : memref<4000xi32, #tpu.memory_space<vmem>>) semaphore(%arg16 : memref<!tpu.dma_semaphore, #tpu.memory_space<semaphore_mem>>)
      %add3A_23 = arith.constant 4000 : i32
      %add3A_24 = arith.addi %add3A_14, %add3A_23 : i32
      %dma_start3A_25 = tpu.memref_slice %arg2[%add3A_24] : memref<6400000xi32, #tpu.memory_space<hbm>> -> memref<4000xi32, #tpu.memory_space<hbm>>
      %dma_start3A_26 = tpu.memref_slice %arg2[%add3A_24] : memref<6400000xi32, #tpu.memory_space<hbm>> -> memref<4000xi32, #tpu.memory_space<hbm>>
      tpu.enqueue_dma source(%dma_start3A_26 : memref<4000xi32, #tpu.memory_space<hbm>>) target(%arg8 : memref<4000xi32, #tpu.memory_space<vmem>>) target_semaphore(%arg15 : memref<!tpu.dma_semaphore, #tpu.memory_space<semaphore_mem>>)
      %dma_start3A_27 = tpu.memref_slice %arg3[%add3A_24] : memref<6400000xi32, #tpu.memory_space<hbm>> -> memref<4000xi32, #tpu.memory_space<hbm>>
      %dma_start3A_28 = tpu.memref_slice %arg3[%add3A_24] : memref<6400000xi32, #tpu.memory_space<hbm>> -> memref<4000xi32, #tpu.memory_space<hbm>>
      tpu.enqueue_dma source(%dma_start3A_28 : memref<4000xi32, #tpu.memory_space<hbm>>) target(%arg10 : memref<4000xi32, #tpu.memory_space<vmem>>) target_semaphore(%arg15 : memref<!tpu.dma_semaphore, #tpu.memory_space<semaphore_mem>>)
      %dma_wait3A_29 = arith.constant 0 : i32
      %dma_wait3A_30 = tpu.memref_slice %arg12[%dma_wait3A_29] : memref<100352xf32, #tpu.memory_space<vmem_shared>> -> memref<100352xf32, #tpu.memory_space<vmem_shared>>
      tpu.wait_indirect_dma semaphore(%arg16 : memref<!tpu.dma_semaphore, #tpu.memory_space<semaphore_mem>>) src(%dma_wait3A_30 : memref<100352xf32, #tpu.memory_space<vmem_shared>>) dst(%arg13 : memref<4000xf32, #tpu.memory_space<vmem>>)
      %dma_start3A_31 = arith.constant 0 : i32
      %dma_start3A_32 = tpu.memref_slice %arg11[%dma_start3A_31] : memref<100352xf32, #tpu.memory_space<vmem_shared>> -> memref<100352xf32, #tpu.memory_space<vmem_shared>>
      tpu.enqueue_indirect_dma source(%arg13 : memref<4000xf32, #tpu.memory_space<vmem>>) target(%dma_start3A_32 : memref<100352xf32, #tpu.memory_space<vmem_shared>>) offsets(%arg9 : memref<4000xi32, #tpu.memory_space<vmem>>) semaphore(%arg17 : memref<!tpu.dma_semaphore, #tpu.memory_space<semaphore_mem>>) {add = true}
      %dma_wait3A_33 = tpu.memref_slice %arg2[%add3A_24] : memref<6400000xi32, #tpu.memory_space<hbm>> -> memref<4000xi32, #tpu.memory_space<hbm>>
      %dma_wait3A_34 = tpu.memref_slice %arg2[%add3A_24] : memref<6400000xi32, #tpu.memory_space<hbm>> -> memref<4000xi32, #tpu.memory_space<hbm>>
      tpu.wait_dma2 semaphore(%arg15 : memref<!tpu.dma_semaphore, #tpu.memory_space<semaphore_mem>>) src(%dma_wait3A_34 : memref<4000xi32, #tpu.memory_space<hbm>>) dst(%arg8 : memref<4000xi32, #tpu.memory_space<vmem>>)
      %dma_wait3A_35 = tpu.memref_slice %arg3[%add3A_24] : memref<6400000xi32, #tpu.memory_space<hbm>> -> memref<4000xi32, #tpu.memory_space<hbm>>
      %dma_wait3A_36 = tpu.memref_slice %arg3[%add3A_24] : memref<6400000xi32, #tpu.memory_space<hbm>> -> memref<4000xi32, #tpu.memory_space<hbm>>
      tpu.wait_dma2 semaphore(%arg15 : memref<!tpu.dma_semaphore, #tpu.memory_space<semaphore_mem>>) src(%dma_wait3A_36 : memref<4000xi32, #tpu.memory_space<hbm>>) dst(%arg10 : memref<4000xi32, #tpu.memory_space<vmem>>)
      %dma_start3A_37 = arith.constant 0 : i32
      %dma_start3A_38 = tpu.memref_slice %arg12[%dma_start3A_37] : memref<100352xf32, #tpu.memory_space<vmem_shared>> -> memref<100352xf32, #tpu.memory_space<vmem_shared>>
      tpu.enqueue_indirect_dma source(%dma_start3A_38 : memref<100352xf32, #tpu.memory_space<vmem_shared>>) target(%arg14 : memref<4000xf32, #tpu.memory_space<vmem>>) offsets(%arg8 : memref<4000xi32, #tpu.memory_space<vmem>>) semaphore(%arg16 : memref<!tpu.dma_semaphore, #tpu.memory_space<semaphore_mem>>)
      %dma_wait3A_39 = arith.constant 0 : i32
      %dma_wait3A_40 = tpu.memref_slice %arg12[%dma_wait3A_39] : memref<100352xf32, #tpu.memory_space<vmem_shared>> -> memref<100352xf32, #tpu.memory_space<vmem_shared>>
      tpu.wait_indirect_dma semaphore(%arg16 : memref<!tpu.dma_semaphore, #tpu.memory_space<semaphore_mem>>) src(%dma_wait3A_40 : memref<100352xf32, #tpu.memory_space<vmem_shared>>) dst(%arg14 : memref<4000xf32, #tpu.memory_space<vmem>>)
      %dma_start3A_41 = arith.constant 0 : i32
      %dma_start3A_42 = tpu.memref_slice %arg11[%dma_start3A_41] : memref<100352xf32, #tpu.memory_space<vmem_shared>> -> memref<100352xf32, #tpu.memory_space<vmem_shared>>
      tpu.enqueue_indirect_dma source(%arg14 : memref<4000xf32, #tpu.memory_space<vmem>>) target(%dma_start3A_42 : memref<100352xf32, #tpu.memory_space<vmem_shared>>) offsets(%arg10 : memref<4000xi32, #tpu.memory_space<vmem>>) semaphore(%arg18 : memref<!tpu.dma_semaphore, #tpu.memory_space<semaphore_mem>>) {add = true}
      %dma_wait3A_43 = arith.constant 0 : i32
      %dma_wait3A_44 = tpu.memref_slice %arg11[%dma_wait3A_43] : memref<100352xf32, #tpu.memory_space<vmem_shared>> -> memref<100352xf32, #tpu.memory_space<vmem_shared>>
      tpu.wait_indirect_dma semaphore(%arg17 : memref<!tpu.dma_semaphore, #tpu.memory_space<semaphore_mem>>) src(%arg13 : memref<4000xf32, #tpu.memory_space<vmem>>) dst(%dma_wait3A_44 : memref<100352xf32, #tpu.memory_space<vmem_shared>>)
      %dma_wait3A_45 = arith.constant 0 : i32
      %dma_wait3A_46 = tpu.memref_slice %arg11[%dma_wait3A_45] : memref<100352xf32, #tpu.memory_space<vmem_shared>> -> memref<100352xf32, #tpu.memory_space<vmem_shared>>
      tpu.wait_indirect_dma semaphore(%arg18 : memref<!tpu.dma_semaphore, #tpu.memory_space<semaphore_mem>>) src(%arg14 : memref<4000xf32, #tpu.memory_space<vmem>>) dst(%dma_wait3A_46 : memref<100352xf32, #tpu.memory_space<vmem_shared>>)
    }
    %scan3A_9 = arith.constant 25 : i32
    %barrier3A_10 = arith.constant 0 : index
    tpu.barrier barrier_id(%barrier3A_10)
    "tpu.region"() ({
      %run_scoped3A = tpu.sem_alloc : memref<!tpu.dma_semaphore, #tpu.memory_space<semaphore_mem>>
      %dma_start3A = tpu.memref_slice %arg6[%arg0, %mul3A_2] : memref<2x100352xf32, #tpu.memory_space<hbm>> -> memref<1x6272xf32, #tpu.memory_space<hbm>>
      %dma_start3A_11 = tpu.memref_squeeze %dma_start3A : memref<1x6272xf32, #tpu.memory_space<hbm>> -> memref<6272xf32, #tpu.memory_space<hbm>>
      %dma_start3A_12 = tpu.memref_slice %arg11[%mul3A_2] : memref<100352xf32, #tpu.memory_space<vmem_shared>> -> memref<6272xf32, #tpu.memory_space<vmem_shared>>
      tpu.enqueue_dma source(%dma_start3A_12 : memref<6272xf32, #tpu.memory_space<vmem_shared>>) target(%dma_start3A_11 : memref<6272xf32, #tpu.memory_space<hbm>>) target_semaphore(%run_scoped3A : memref<!tpu.dma_semaphore, #tpu.memory_space<semaphore_mem>>)
      %dma_wait3A = tpu.memref_slice %arg6[%arg0, %mul3A_2] : memref<2x100352xf32, #tpu.memory_space<hbm>> -> memref<1x6272xf32, #tpu.memory_space<hbm>>
      %dma_wait3A_13 = tpu.memref_squeeze %dma_wait3A : memref<1x6272xf32, #tpu.memory_space<hbm>> -> memref<6272xf32, #tpu.memory_space<hbm>>
      %dma_wait3A_14 = tpu.memref_slice %arg11[%mul3A_2] : memref<100352xf32, #tpu.memory_space<vmem_shared>> -> memref<6272xf32, #tpu.memory_space<vmem_shared>>
      tpu.wait_dma2 semaphore(%run_scoped3A : memref<!tpu.dma_semaphore, #tpu.memory_space<semaphore_mem>>) src(%dma_wait3A_14 : memref<6272xf32, #tpu.memory_space<vmem_shared>>) dst(%dma_wait3A_13 : memref<6272xf32, #tpu.memory_space<hbm>>)
      tpu.yield
    }) : () -> ()
    return
  }
}

#map = affine_map<(d0, d1) -> (0)>
#map1 = affine_map<(d0, d1) -> (0, 0)>
module attributes {stable_mosaic.version = 14 : i64} {
  func.func @run(%arg0: i32, %arg1: i32, %arg2: memref<6400000xi32, #tpu.memory_space<hbm>>, %arg3: memref<6400000xi32, #tpu.memory_space<hbm>>, %arg4: memref<100352xf32, #tpu.memory_space<hbm>>, %arg5: memref<2x100352xf32, #tpu.memory_space<hbm>>, %arg6: memref<4000xi32, #tpu.memory_space<vmem>>, %arg7: memref<4000xi32, #tpu.memory_space<vmem>>, %arg8: memref<100352xf32, #tpu.memory_space<vmem_shared>>, %arg9: memref<4000xf32, #tpu.memory_space<vmem>>, %arg10: memref<!tpu.dma_semaphore, #tpu.memory_space<semaphore_mem>>, %arg11: memref<!tpu.dma_semaphore, #tpu.memory_space<semaphore_mem>>, %arg12: memref<!tpu.dma_semaphore, #tpu.memory_space<semaphore_mem>>, %arg13: memref<!tpu.dma_semaphore, #tpu.memory_space<semaphore_mem>>) attributes {dimension_semantics = [#tpu.dimension_semantics<core_parallel>, #tpu.dimension_semantics<subcore_parallel>], iteration_bounds = array<i64: 2, 16>, scalar_prefetch = 0 : i64, scratch_operands = 8 : i64, tpu.core_type = #tpu.core_type<sc_vector_subcore>, window_params = [{transform_indices = #map}, {transform_indices = #map}, {transform_indices = #map}, {transform_indices = #map1}]} {
    %mul3A = arith.constant 16 : i32
    %mul3A_0 = arith.muli %arg0, %mul3A : i32
    %add3A = arith.addi %mul3A_0, %arg1 : i32
    %mul3A_1 = arith.constant 6272 : i32
    %mul3A_2 = arith.muli %arg1, %mul3A_1 : i32
    "tpu.region"() ({
      %run_scoped3A = tpu.sem_alloc : memref<!tpu.dma_semaphore, #tpu.memory_space<semaphore_mem>>
      %dma_start3A = tpu.memref_slice %arg8[%mul3A_2] : memref<100352xf32, #tpu.memory_space<vmem_shared>> -> memref<6272xf32, #tpu.memory_space<vmem_shared>>
      %dma_start3A_1509 = tpu.memref_slice %arg4[%mul3A_2] : memref<100352xf32, #tpu.memory_space<hbm>> -> memref<6272xf32, #tpu.memory_space<hbm>>
      tpu.enqueue_dma source(%dma_start3A_1509 : memref<6272xf32, #tpu.memory_space<hbm>>) target(%dma_start3A : memref<6272xf32, #tpu.memory_space<vmem_shared>>) target_semaphore(%run_scoped3A : memref<!tpu.dma_semaphore, #tpu.memory_space<semaphore_mem>>)
      %dma_wait3A = tpu.memref_slice %arg8[%mul3A_2] : memref<100352xf32, #tpu.memory_space<vmem_shared>> -> memref<6272xf32, #tpu.memory_space<vmem_shared>>
      %dma_wait3A_1510 = tpu.memref_slice %arg4[%mul3A_2] : memref<100352xf32, #tpu.memory_space<hbm>> -> memref<6272xf32, #tpu.memory_space<hbm>>
      tpu.wait_dma2 semaphore(%run_scoped3A : memref<!tpu.dma_semaphore, #tpu.memory_space<semaphore_mem>>) src(%dma_wait3A_1510 : memref<6272xf32, #tpu.memory_space<hbm>>) dst(%dma_wait3A : memref<6272xf32, #tpu.memory_space<vmem_shared>>)
      tpu.yield
    }) : () -> ()
    %broadcast_in_dim3A = arith.constant 1.000000e+00 : f32
    %broadcast_in_dim3A_3 = vector.broadcast %broadcast_in_dim3A : f32 to vector<16xf32>
    %swap3A = arith.constant 0 : index
    %swap3A_4 = tpu.vector_load %arg9[%swap3A] {strides = array<i32>} : memref<4000xf32, #tpu.memory_space<vmem>>, vector<16xf32>,
    %swap3A_5 = vector.shape_cast %swap3A_4 : vector<16xf32> to vector<16xf32>
    %swap3A_6 = vector.shape_cast %broadcast_in_dim3A_3 : vector<16xf32> to vector<16xf32>
    tpu.vector_store %arg9[%swap3A], %swap3A_6 {strides = array<i32>} : memref<4000xf32, #tpu.memory_space<vmem>>, vector<16xf32>,
    %broadcast_in_dim3A_7 = arith.constant 1.000000e+00 : f32
    %broadcast_in_dim3A_8 = vector.broadcast %broadcast_in_dim3A_7 : f32 to vector<16xf32>
    %swap3A_9 = arith.constant 16 : index
    %swap3A_10 = tpu.vector_load %arg9[%swap3A_9] {strides = array<i32>} : memref<4000xf32, #tpu.memory_space<vmem>>, vector<16xf32>,
    %swap3A_11 = vector.shape_cast %swap3A_10 : vector<16xf32> to vector<16xf32>
    %swap3A_12 = vector.shape_cast %broadcast_in_dim3A_8 : vector<16xf32> to vector<16xf32>
    tpu.vector_store %arg9[%swap3A_9], %swap3A_12 {strides = array<i32>} : memref<4000xf32, #tpu.memory_space<vmem>>, vector<16xf32>,
    %broadcast_in_dim3A_13 = arith.constant 1.000000e+00 : f32
    %broadcast_in_dim3A_14 = vector.broadcast %broadcast_in_dim3A_13 : f32 to vector<16xf32>
    %swap3A_15 = arith.constant 32 : index
    %swap3A_16 = tpu.vector_load %arg9[%swap3A_15] {strides = array<i32>} : memref<4000xf32, #tpu.memory_space<vmem>>, vector<16xf32>,
    %swap3A_17 = vector.shape_cast %swap3A_16 : vector<16xf32> to vector<16xf32>
    %swap3A_18 = vector.shape_cast %broadcast_in_dim3A_14 : vector<16xf32> to vector<16xf32>
    tpu.vector_store %arg9[%swap3A_15], %swap3A_18 {strides = array<i32>} : memref<4000xf32, #tpu.memory_space<vmem>>, vector<16xf32>,
    %broadcast_in_dim3A_19 = arith.constant 1.000000e+00 : f32
    %broadcast_in_dim3A_20 = vector.broadcast %broadcast_in_dim3A_19 : f32 to vector<16xf32>
    %swap3A_21 = arith.constant 48 : index
    %swap3A_22 = tpu.vector_load %arg9[%swap3A_21] {strides = array<i32>} : memref<4000xf32, #tpu.memory_space<vmem>>, vector<16xf32>,
    %swap3A_23 = vector.shape_cast %swap3A_22 : vector<16xf32> to vector<16xf32>
    %swap3A_24 = vector.shape_cast %broadcast_in_dim3A_20 : vector<16xf32> to vector<16xf32>
    tpu.vector_store %arg9[%swap3A_21], %swap3A_24 {strides = array<i32>} : memref<4000xf32, #tpu.memory_space<vmem>>, vector<16xf32>,
    %broadcast_in_dim3A_25 = arith.constant 1.000000e+00 : f32
    %broadcast_in_dim3A_26 = vector.broadcast %broadcast_in_dim3A_25 : f32 to vector<16xf32>
    %swap3A_27 = arith.constant 64 : index
    %swap3A_28 = tpu.vector_load %arg9[%swap3A_27] {strides = array<i32>} : memref<4000xf32, #tpu.memory_space<vmem>>, vector<16xf32>,
    %swap3A_29 = vector.shape_cast %swap3A_28 : vector<16xf32> to vector<16xf32>
    %swap3A_30 = vector.shape_cast %broadcast_in_dim3A_26 : vector<16xf32> to vector<16xf32>
    tpu.vector_store %arg9[%swap3A_27], %swap3A_30 {strides = array<i32>} : memref<4000xf32, #tpu.memory_space<vmem>>, vector<16xf32>,
    %broadcast_in_dim3A_31 = arith.constant 1.000000e+00 : f32
    %broadcast_in_dim3A_32 = vector.broadcast %broadcast_in_dim3A_31 : f32 to vector<16xf32>
    %swap3A_33 = arith.constant 80 : index
    %swap3A_34 = tpu.vector_load %arg9[%swap3A_33] {strides = array<i32>} : memref<4000xf32, #tpu.memory_space<vmem>>, vector<16xf32>,
    %swap3A_35 = vector.shape_cast %swap3A_34 : vector<16xf32> to vector<16xf32>
    %swap3A_36 = vector.shape_cast %broadcast_in_dim3A_32 : vector<16xf32> to vector<16xf32>
    tpu.vector_store %arg9[%swap3A_33], %swap3A_36 {strides = array<i32>} : memref<4000xf32, #tpu.memory_space<vmem>>, vector<16xf32>,
    %broadcast_in_dim3A_37 = arith.constant 1.000000e+00 : f32
    %broadcast_in_dim3A_38 = vector.broadcast %broadcast_in_dim3A_37 : f32 to vector<16xf32>
    %swap3A_39 = arith.constant 96 : index
    %swap3A_40 = tpu.vector_load %arg9[%swap3A_39] {strides = array<i32>} : memref<4000xf32, #tpu.memory_space<vmem>>, vector<16xf32>,
    %swap3A_41 = vector.shape_cast %swap3A_40 : vector<16xf32> to vector<16xf32>
    %swap3A_42 = vector.shape_cast %broadcast_in_dim3A_38 : vector<16xf32> to vector<16xf32>
    tpu.vector_store %arg9[%swap3A_39], %swap3A_42 {strides = array<i32>} : memref<4000xf32, #tpu.memory_space<vmem>>, vector<16xf32>,
    %broadcast_in_dim3A_43 = arith.constant 1.000000e+00 : f32
    %broadcast_in_dim3A_44 = vector.broadcast %broadcast_in_dim3A_43 : f32 to vector<16xf32>
    %swap3A_45 = arith.constant 112 : index
    %swap3A_46 = tpu.vector_load %arg9[%swap3A_45] {strides = array<i32>} : memref<4000xf32, #tpu.memory_space<vmem>>, vector<16xf32>,
    %swap3A_47 = vector.shape_cast %swap3A_46 : vector<16xf32> to vector<16xf32>
    %swap3A_48 = vector.shape_cast %broadcast_in_dim3A_44 : vector<16xf32> to vector<16xf32>
    tpu.vector_store %arg9[%swap3A_45], %swap3A_48 {strides = array<i32>} : memref<4000xf32, #tpu.memory_space<vmem>>, vector<16xf32>,
    %broadcast_in_dim3A_49 = arith.constant 1.000000e+00 : f32
    %broadcast_in_dim3A_50 = vector.broadcast %broadcast_in_dim3A_49 : f32 to vector<16xf32>
    %swap3A_51 = arith.constant 128 : index
    %swap3A_52 = tpu.vector_load %arg9[%swap3A_51] {strides = array<i32>} : memref<4000xf32, #tpu.memory_space<vmem>>, vector<16xf32>,
    %swap3A_53 = vector.shape_cast %swap3A_52 : vector<16xf32> to vector<16xf32>
    %swap3A_54 = vector.shape_cast %broadcast_in_dim3A_50 : vector<16xf32> to vector<16xf32>
    tpu.vector_store %arg9[%swap3A_51], %swap3A_54 {strides = array<i32>} : memref<4000xf32, #tpu.memory_space<vmem>>, vector<16xf32>,
    %broadcast_in_dim3A_55 = arith.constant 1.000000e+00 : f32
    %broadcast_in_dim3A_56 = vector.broadcast %broadcast_in_dim3A_55 : f32 to vector<16xf32>
    %swap3A_57 = arith.constant 144 : index
    %swap3A_58 = tpu.vector_load %arg9[%swap3A_57] {strides = array<i32>} : memref<4000xf32, #tpu.memory_space<vmem>>, vector<16xf32>,
    %swap3A_59 = vector.shape_cast %swap3A_58 : vector<16xf32> to vector<16xf32>
    %swap3A_60 = vector.shape_cast %broadcast_in_dim3A_56 : vector<16xf32> to vector<16xf32>
    tpu.vector_store %arg9[%swap3A_57], %swap3A_60 {strides = array<i32>} : memref<4000xf32, #tpu.memory_space<vmem>>, vector<16xf32>,
    %broadcast_in_dim3A_61 = arith.constant 1.000000e+00 : f32
    %broadcast_in_dim3A_62 = vector.broadcast %broadcast_in_dim3A_61 : f32 to vector<16xf32>
    %swap3A_63 = arith.constant 160 : index
    %swap3A_64 = tpu.vector_load %arg9[%swap3A_63] {strides = array<i32>} : memref<4000xf32, #tpu.memory_space<vmem>>, vector<16xf32>,
    %swap3A_65 = vector.shape_cast %swap3A_64 : vector<16xf32> to vector<16xf32>
    %swap3A_66 = vector.shape_cast %broadcast_in_dim3A_62 : vector<16xf32> to vector<16xf32>
    tpu.vector_store %arg9[%swap3A_63], %swap3A_66 {strides = array<i32>} : memref<4000xf32, #tpu.memory_space<vmem>>, vector<16xf32>,
    %broadcast_in_dim3A_67 = arith.constant 1.000000e+00 : f32
    %broadcast_in_dim3A_68 = vector.broadcast %broadcast_in_dim3A_67 : f32 to vector<16xf32>
    %swap3A_69 = arith.constant 176 : index
    %swap3A_70 = tpu.vector_load %arg9[%swap3A_69] {strides = array<i32>} : memref<4000xf32, #tpu.memory_space<vmem>>, vector<16xf32>,
    %swap3A_71 = vector.shape_cast %swap3A_70 : vector<16xf32> to vector<16xf32>
    %swap3A_72 = vector.shape_cast %broadcast_in_dim3A_68 : vector<16xf32> to vector<16xf32>
    tpu.vector_store %arg9[%swap3A_69], %swap3A_72 {strides = array<i32>} : memref<4000xf32, #tpu.memory_space<vmem>>, vector<16xf32>,
    %broadcast_in_dim3A_73 = arith.constant 1.000000e+00 : f32
    %broadcast_in_dim3A_74 = vector.broadcast %broadcast_in_dim3A_73 : f32 to vector<16xf32>
    %swap3A_75 = arith.constant 192 : index
    %swap3A_76 = tpu.vector_load %arg9[%swap3A_75] {strides = array<i32>} : memref<4000xf32, #tpu.memory_space<vmem>>, vector<16xf32>,
    %swap3A_77 = vector.shape_cast %swap3A_76 : vector<16xf32> to vector<16xf32>
    %swap3A_78 = vector.shape_cast %broadcast_in_dim3A_74 : vector<16xf32> to vector<16xf32>
    tpu.vector_store %arg9[%swap3A_75], %swap3A_78 {strides = array<i32>} : memref<4000xf32, #tpu.memory_space<vmem>>, vector<16xf32>,
    %broadcast_in_dim3A_79 = arith.constant 1.000000e+00 : f32
    %broadcast_in_dim3A_80 = vector.broadcast %broadcast_in_dim3A_79 : f32 to vector<16xf32>
    %swap3A_81 = arith.constant 208 : index
    %swap3A_82 = tpu.vector_load %arg9[%swap3A_81] {strides = array<i32>} : memref<4000xf32, #tpu.memory_space<vmem>>, vector<16xf32>,
    %swap3A_83 = vector.shape_cast %swap3A_82 : vector<16xf32> to vector<16xf32>
    %swap3A_84 = vector.shape_cast %broadcast_in_dim3A_80 : vector<16xf32> to vector<16xf32>
    tpu.vector_store %arg9[%swap3A_81], %swap3A_84 {strides = array<i32>} : memref<4000xf32, #tpu.memory_space<vmem>>, vector<16xf32>,
    %broadcast_in_dim3A_85 = arith.constant 1.000000e+00 : f32
    %broadcast_in_dim3A_86 = vector.broadcast %broadcast_in_dim3A_85 : f32 to vector<16xf32>
    %swap3A_87 = arith.constant 224 : index
    %swap3A_88 = tpu.vector_load %arg9[%swap3A_87] {strides = array<i32>} : memref<4000xf32, #tpu.memory_space<vmem>>, vector<16xf32>,
    %swap3A_89 = vector.shape_cast %swap3A_88 : vector<16xf32> to vector<16xf32>
    %swap3A_90 = vector.shape_cast %broadcast_in_dim3A_86 : vector<16xf32> to vector<16xf32>
    tpu.vector_store %arg9[%swap3A_87], %swap3A_90 {strides = array<i32>} : memref<4000xf32, #tpu.memory_space<vmem>>, vector<16xf32>,
    %broadcast_in_dim3A_91 = arith.constant 1.000000e+00 : f32
    %broadcast_in_dim3A_92 = vector.broadcast %broadcast_in_dim3A_91 : f32 to vector<16xf32>
    %swap3A_93 = arith.constant 240 : index
    %swap3A_94 = tpu.vector_load %arg9[%swap3A_93] {strides = array<i32>} : memref<4000xf32, #tpu.memory_space<vmem>>, vector<16xf32>,
    %swap3A_95 = vector.shape_cast %swap3A_94 : vector<16xf32> to vector<16xf32>
    %swap3A_96 = vector.shape_cast %broadcast_in_dim3A_92 : vector<16xf32> to vector<16xf32>
    tpu.vector_store %arg9[%swap3A_93], %swap3A_96 {strides = array<i32>} : memref<4000xf32, #tpu.memory_space<vmem>>, vector<16xf32>,
    %broadcast_in_dim3A_97 = arith.constant 1.000000e+00 : f32
    %broadcast_in_dim3A_98 = vector.broadcast %broadcast_in_dim3A_97 : f32 to vector<16xf32>
    %swap3A_99 = arith.constant 256 : index
    %swap3A_100 = tpu.vector_load %arg9[%swap3A_99] {strides = array<i32>} : memref<4000xf32, #tpu.memory_space<vmem>>, vector<16xf32>,
    %swap3A_101 = vector.shape_cast %swap3A_100 : vector<16xf32> to vector<16xf32>
    %swap3A_102 = vector.shape_cast %broadcast_in_dim3A_98 : vector<16xf32> to vector<16xf32>
    tpu.vector_store %arg9[%swap3A_99], %swap3A_102 {strides = array<i32>} : memref<4000xf32, #tpu.memory_space<vmem>>, vector<16xf32>,
    %broadcast_in_dim3A_103 = arith.constant 1.000000e+00 : f32
    %broadcast_in_dim3A_104 = vector.broadcast %broadcast_in_dim3A_103 : f32 to vector<16xf32>
    %swap3A_105 = arith.constant 272 : index
    %swap3A_106 = tpu.vector_load %arg9[%swap3A_105] {strides = array<i32>} : memref<4000xf32, #tpu.memory_space<vmem>>, vector<16xf32>,
    %swap3A_107 = vector.shape_cast %swap3A_106 : vector<16xf32> to vector<16xf32>
    %swap3A_108 = vector.shape_cast %broadcast_in_dim3A_104 : vector<16xf32> to vector<16xf32>
    tpu.vector_store %arg9[%swap3A_105], %swap3A_108 {strides = array<i32>} : memref<4000xf32, #tpu.memory_space<vmem>>, vector<16xf32>,
    %broadcast_in_dim3A_109 = arith.constant 1.000000e+00 : f32
    %broadcast_in_dim3A_110 = vector.broadcast %broadcast_in_dim3A_109 : f32 to vector<16xf32>
    %swap3A_111 = arith.constant 288 : index
    %swap3A_112 = tpu.vector_load %arg9[%swap3A_111] {strides = array<i32>} : memref<4000xf32, #tpu.memory_space<vmem>>, vector<16xf32>,
    %swap3A_113 = vector.shape_cast %swap3A_112 : vector<16xf32> to vector<16xf32>
    %swap3A_114 = vector.shape_cast %broadcast_in_dim3A_110 : vector<16xf32> to vector<16xf32>
    tpu.vector_store %arg9[%swap3A_111], %swap3A_114 {strides = array<i32>} : memref<4000xf32, #tpu.memory_space<vmem>>, vector<16xf32>,
    %broadcast_in_dim3A_115 = arith.constant 1.000000e+00 : f32
    %broadcast_in_dim3A_116 = vector.broadcast %broadcast_in_dim3A_115 : f32 to vector<16xf32>
    %swap3A_117 = arith.constant 304 : index
    %swap3A_118 = tpu.vector_load %arg9[%swap3A_117] {strides = array<i32>} : memref<4000xf32, #tpu.memory_space<vmem>>, vector<16xf32>,
    %swap3A_119 = vector.shape_cast %swap3A_118 : vector<16xf32> to vector<16xf32>
    %swap3A_120 = vector.shape_cast %broadcast_in_dim3A_116 : vector<16xf32> to vector<16xf32>
    tpu.vector_store %arg9[%swap3A_117], %swap3A_120 {strides = array<i32>} : memref<4000xf32, #tpu.memory_space<vmem>>, vector<16xf32>,
    %broadcast_in_dim3A_121 = arith.constant 1.000000e+00 : f32
    %broadcast_in_dim3A_122 = vector.broadcast %broadcast_in_dim3A_121 : f32 to vector<16xf32>
    %swap3A_123 = arith.constant 320 : index
    %swap3A_124 = tpu.vector_load %arg9[%swap3A_123] {strides = array<i32>} : memref<4000xf32, #tpu.memory_space<vmem>>, vector<16xf32>,
    %swap3A_125 = vector.shape_cast %swap3A_124 : vector<16xf32> to vector<16xf32>
    %swap3A_126 = vector.shape_cast %broadcast_in_dim3A_122 : vector<16xf32> to vector<16xf32>
    tpu.vector_store %arg9[%swap3A_123], %swap3A_126 {strides = array<i32>} : memref<4000xf32, #tpu.memory_space<vmem>>, vector<16xf32>,
    %broadcast_in_dim3A_127 = arith.constant 1.000000e+00 : f32
    %broadcast_in_dim3A_128 = vector.broadcast %broadcast_in_dim3A_127 : f32 to vector<16xf32>
    %swap3A_129 = arith.constant 336 : index
    %swap3A_130 = tpu.vector_load %arg9[%swap3A_129] {strides = array<i32>} : memref<4000xf32, #tpu.memory_space<vmem>>, vector<16xf32>,
    %swap3A_131 = vector.shape_cast %swap3A_130 : vector<16xf32> to vector<16xf32>
    %swap3A_132 = vector.shape_cast %broadcast_in_dim3A_128 : vector<16xf32> to vector<16xf32>
    tpu.vector_store %arg9[%swap3A_129], %swap3A_132 {strides = array<i32>} : memref<4000xf32, #tpu.memory_space<vmem>>, vector<16xf32>,
    %broadcast_in_dim3A_133 = arith.constant 1.000000e+00 : f32
    %broadcast_in_dim3A_134 = vector.broadcast %broadcast_in_dim3A_133 : f32 to vector<16xf32>
    %swap3A_135 = arith.constant 352 : index
    %swap3A_136 = tpu.vector_load %arg9[%swap3A_135] {strides = array<i32>} : memref<4000xf32, #tpu.memory_space<vmem>>, vector<16xf32>,
    %swap3A_137 = vector.shape_cast %swap3A_136 : vector<16xf32> to vector<16xf32>
    %swap3A_138 = vector.shape_cast %broadcast_in_dim3A_134 : vector<16xf32> to vector<16xf32>
    tpu.vector_store %arg9[%swap3A_135], %swap3A_138 {strides = array<i32>} : memref<4000xf32, #tpu.memory_space<vmem>>, vector<16xf32>,
    %broadcast_in_dim3A_139 = arith.constant 1.000000e+00 : f32
    %broadcast_in_dim3A_140 = vector.broadcast %broadcast_in_dim3A_139 : f32 to vector<16xf32>
    %swap3A_141 = arith.constant 368 : index
    %swap3A_142 = tpu.vector_load %arg9[%swap3A_141] {strides = array<i32>} : memref<4000xf32, #tpu.memory_space<vmem>>, vector<16xf32>,
    %swap3A_143 = vector.shape_cast %swap3A_142 : vector<16xf32> to vector<16xf32>
    %swap3A_144 = vector.shape_cast %broadcast_in_dim3A_140 : vector<16xf32> to vector<16xf32>
    tpu.vector_store %arg9[%swap3A_141], %swap3A_144 {strides = array<i32>} : memref<4000xf32, #tpu.memory_space<vmem>>, vector<16xf32>,
    %broadcast_in_dim3A_145 = arith.constant 1.000000e+00 : f32
    %broadcast_in_dim3A_146 = vector.broadcast %broadcast_in_dim3A_145 : f32 to vector<16xf32>
    %swap3A_147 = arith.constant 384 : index
    %swap3A_148 = tpu.vector_load %arg9[%swap3A_147] {strides = array<i32>} : memref<4000xf32, #tpu.memory_space<vmem>>, vector<16xf32>,
    %swap3A_149 = vector.shape_cast %swap3A_148 : vector<16xf32> to vector<16xf32>
    %swap3A_150 = vector.shape_cast %broadcast_in_dim3A_146 : vector<16xf32> to vector<16xf32>
    tpu.vector_store %arg9[%swap3A_147], %swap3A_150 {strides = array<i32>} : memref<4000xf32, #tpu.memory_space<vmem>>, vector<16xf32>,
    %broadcast_in_dim3A_151 = arith.constant 1.000000e+00 : f32
    %broadcast_in_dim3A_152 = vector.broadcast %broadcast_in_dim3A_151 : f32 to vector<16xf32>
    %swap3A_153 = arith.constant 400 : index
    %swap3A_154 = tpu.vector_load %arg9[%swap3A_153] {strides = array<i32>} : memref<4000xf32, #tpu.memory_space<vmem>>, vector<16xf32>,
    %swap3A_155 = vector.shape_cast %swap3A_154 : vector<16xf32> to vector<16xf32>
    %swap3A_156 = vector.shape_cast %broadcast_in_dim3A_152 : vector<16xf32> to vector<16xf32>
    tpu.vector_store %arg9[%swap3A_153], %swap3A_156 {strides = array<i32>} : memref<4000xf32, #tpu.memory_space<vmem>>, vector<16xf32>,
    %broadcast_in_dim3A_157 = arith.constant 1.000000e+00 : f32
    %broadcast_in_dim3A_158 = vector.broadcast %broadcast_in_dim3A_157 : f32 to vector<16xf32>
    %swap3A_159 = arith.constant 416 : index
    %swap3A_160 = tpu.vector_load %arg9[%swap3A_159] {strides = array<i32>} : memref<4000xf32, #tpu.memory_space<vmem>>, vector<16xf32>,
    %swap3A_161 = vector.shape_cast %swap3A_160 : vector<16xf32> to vector<16xf32>
    %swap3A_162 = vector.shape_cast %broadcast_in_dim3A_158 : vector<16xf32> to vector<16xf32>
    tpu.vector_store %arg9[%swap3A_159], %swap3A_162 {strides = array<i32>} : memref<4000xf32, #tpu.memory_space<vmem>>, vector<16xf32>,
    %broadcast_in_dim3A_163 = arith.constant 1.000000e+00 : f32
    %broadcast_in_dim3A_164 = vector.broadcast %broadcast_in_dim3A_163 : f32 to vector<16xf32>
    %swap3A_165 = arith.constant 432 : index
    %swap3A_166 = tpu.vector_load %arg9[%swap3A_165] {strides = array<i32>} : memref<4000xf32, #tpu.memory_space<vmem>>, vector<16xf32>,
    %swap3A_167 = vector.shape_cast %swap3A_166 : vector<16xf32> to vector<16xf32>
    %swap3A_168 = vector.shape_cast %broadcast_in_dim3A_164 : vector<16xf32> to vector<16xf32>
    tpu.vector_store %arg9[%swap3A_165], %swap3A_168 {strides = array<i32>} : memref<4000xf32, #tpu.memory_space<vmem>>, vector<16xf32>,
    %broadcast_in_dim3A_169 = arith.constant 1.000000e+00 : f32
    %broadcast_in_dim3A_170 = vector.broadcast %broadcast_in_dim3A_169 : f32 to vector<16xf32>
    %swap3A_171 = arith.constant 448 : index
    %swap3A_172 = tpu.vector_load %arg9[%swap3A_171] {strides = array<i32>} : memref<4000xf32, #tpu.memory_space<vmem>>, vector<16xf32>,
    %swap3A_173 = vector.shape_cast %swap3A_172 : vector<16xf32> to vector<16xf32>
    %swap3A_174 = vector.shape_cast %broadcast_in_dim3A_170 : vector<16xf32> to vector<16xf32>
    tpu.vector_store %arg9[%swap3A_171], %swap3A_174 {strides = array<i32>} : memref<4000xf32, #tpu.memory_space<vmem>>, vector<16xf32>,
    %broadcast_in_dim3A_175 = arith.constant 1.000000e+00 : f32
    %broadcast_in_dim3A_176 = vector.broadcast %broadcast_in_dim3A_175 : f32 to vector<16xf32>
    %swap3A_177 = arith.constant 464 : index
    %swap3A_178 = tpu.vector_load %arg9[%swap3A_177] {strides = array<i32>} : memref<4000xf32, #tpu.memory_space<vmem>>, vector<16xf32>,
    %swap3A_179 = vector.shape_cast %swap3A_178 : vector<16xf32> to vector<16xf32>
    %swap3A_180 = vector.shape_cast %broadcast_in_dim3A_176 : vector<16xf32> to vector<16xf32>
    tpu.vector_store %arg9[%swap3A_177], %swap3A_180 {strides = array<i32>} : memref<4000xf32, #tpu.memory_space<vmem>>, vector<16xf32>,
    %broadcast_in_dim3A_181 = arith.constant 1.000000e+00 : f32
    %broadcast_in_dim3A_182 = vector.broadcast %broadcast_in_dim3A_181 : f32 to vector<16xf32>
    %swap3A_183 = arith.constant 480 : index
    %swap3A_184 = tpu.vector_load %arg9[%swap3A_183] {strides = array<i32>} : memref<4000xf32, #tpu.memory_space<vmem>>, vector<16xf32>,
    %swap3A_185 = vector.shape_cast %swap3A_184 : vector<16xf32> to vector<16xf32>
    %swap3A_186 = vector.shape_cast %broadcast_in_dim3A_182 : vector<16xf32> to vector<16xf32>
    tpu.vector_store %arg9[%swap3A_183], %swap3A_186 {strides = array<i32>} : memref<4000xf32, #tpu.memory_space<vmem>>, vector<16xf32>,
    %broadcast_in_dim3A_187 = arith.constant 1.000000e+00 : f32
    %broadcast_in_dim3A_188 = vector.broadcast %broadcast_in_dim3A_187 : f32 to vector<16xf32>
    %swap3A_189 = arith.constant 496 : index
    %swap3A_190 = tpu.vector_load %arg9[%swap3A_189] {strides = array<i32>} : memref<4000xf32, #tpu.memory_space<vmem>>, vector<16xf32>,
    %swap3A_191 = vector.shape_cast %swap3A_190 : vector<16xf32> to vector<16xf32>
    %swap3A_192 = vector.shape_cast %broadcast_in_dim3A_188 : vector<16xf32> to vector<16xf32>
    tpu.vector_store %arg9[%swap3A_189], %swap3A_192 {strides = array<i32>} : memref<4000xf32, #tpu.memory_space<vmem>>, vector<16xf32>,
    %broadcast_in_dim3A_193 = arith.constant 1.000000e+00 : f32
    %broadcast_in_dim3A_194 = vector.broadcast %broadcast_in_dim3A_193 : f32 to vector<16xf32>
    %swap3A_195 = arith.constant 512 : index
    %swap3A_196 = tpu.vector_load %arg9[%swap3A_195] {strides = array<i32>} : memref<4000xf32, #tpu.memory_space<vmem>>, vector<16xf32>,
    %swap3A_197 = vector.shape_cast %swap3A_196 : vector<16xf32> to vector<16xf32>
    %swap3A_198 = vector.shape_cast %broadcast_in_dim3A_194 : vector<16xf32> to vector<16xf32>
    tpu.vector_store %arg9[%swap3A_195], %swap3A_198 {strides = array<i32>} : memref<4000xf32, #tpu.memory_space<vmem>>, vector<16xf32>,
    %broadcast_in_dim3A_199 = arith.constant 1.000000e+00 : f32
    %broadcast_in_dim3A_200 = vector.broadcast %broadcast_in_dim3A_199 : f32 to vector<16xf32>
    %swap3A_201 = arith.constant 528 : index
    %swap3A_202 = tpu.vector_load %arg9[%swap3A_201] {strides = array<i32>} : memref<4000xf32, #tpu.memory_space<vmem>>, vector<16xf32>,
    %swap3A_203 = vector.shape_cast %swap3A_202 : vector<16xf32> to vector<16xf32>
    %swap3A_204 = vector.shape_cast %broadcast_in_dim3A_200 : vector<16xf32> to vector<16xf32>
    tpu.vector_store %arg9[%swap3A_201], %swap3A_204 {strides = array<i32>} : memref<4000xf32, #tpu.memory_space<vmem>>, vector<16xf32>,
    %broadcast_in_dim3A_205 = arith.constant 1.000000e+00 : f32
    %broadcast_in_dim3A_206 = vector.broadcast %broadcast_in_dim3A_205 : f32 to vector<16xf32>
    %swap3A_207 = arith.constant 544 : index
    %swap3A_208 = tpu.vector_load %arg9[%swap3A_207] {strides = array<i32>} : memref<4000xf32, #tpu.memory_space<vmem>>, vector<16xf32>,
    %swap3A_209 = vector.shape_cast %swap3A_208 : vector<16xf32> to vector<16xf32>
    %swap3A_210 = vector.shape_cast %broadcast_in_dim3A_206 : vector<16xf32> to vector<16xf32>
    tpu.vector_store %arg9[%swap3A_207], %swap3A_210 {strides = array<i32>} : memref<4000xf32, #tpu.memory_space<vmem>>, vector<16xf32>,
    %broadcast_in_dim3A_211 = arith.constant 1.000000e+00 : f32
    %broadcast_in_dim3A_212 = vector.broadcast %broadcast_in_dim3A_211 : f32 to vector<16xf32>
    %swap3A_213 = arith.constant 560 : index
    %swap3A_214 = tpu.vector_load %arg9[%swap3A_213] {strides = array<i32>} : memref<4000xf32, #tpu.memory_space<vmem>>, vector<16xf32>,
    %swap3A_215 = vector.shape_cast %swap3A_214 : vector<16xf32> to vector<16xf32>
    %swap3A_216 = vector.shape_cast %broadcast_in_dim3A_212 : vector<16xf32> to vector<16xf32>
    tpu.vector_store %arg9[%swap3A_213], %swap3A_216 {strides = array<i32>} : memref<4000xf32, #tpu.memory_space<vmem>>, vector<16xf32>,
    %broadcast_in_dim3A_217 = arith.constant 1.000000e+00 : f32
    %broadcast_in_dim3A_218 = vector.broadcast %broadcast_in_dim3A_217 : f32 to vector<16xf32>
    %swap3A_219 = arith.constant 576 : index
    %swap3A_220 = tpu.vector_load %arg9[%swap3A_219] {strides = array<i32>} : memref<4000xf32, #tpu.memory_space<vmem>>, vector<16xf32>,
    %swap3A_221 = vector.shape_cast %swap3A_220 : vector<16xf32> to vector<16xf32>
    %swap3A_222 = vector.shape_cast %broadcast_in_dim3A_218 : vector<16xf32> to vector<16xf32>
    tpu.vector_store %arg9[%swap3A_219], %swap3A_222 {strides = array<i32>} : memref<4000xf32, #tpu.memory_space<vmem>>, vector<16xf32>,
    %broadcast_in_dim3A_223 = arith.constant 1.000000e+00 : f32
    %broadcast_in_dim3A_224 = vector.broadcast %broadcast_in_dim3A_223 : f32 to vector<16xf32>
    %swap3A_225 = arith.constant 592 : index
    %swap3A_226 = tpu.vector_load %arg9[%swap3A_225] {strides = array<i32>} : memref<4000xf32, #tpu.memory_space<vmem>>, vector<16xf32>,
    %swap3A_227 = vector.shape_cast %swap3A_226 : vector<16xf32> to vector<16xf32>
    %swap3A_228 = vector.shape_cast %broadcast_in_dim3A_224 : vector<16xf32> to vector<16xf32>
    tpu.vector_store %arg9[%swap3A_225], %swap3A_228 {strides = array<i32>} : memref<4000xf32, #tpu.memory_space<vmem>>, vector<16xf32>,
    %broadcast_in_dim3A_229 = arith.constant 1.000000e+00 : f32
    %broadcast_in_dim3A_230 = vector.broadcast %broadcast_in_dim3A_229 : f32 to vector<16xf32>
    %swap3A_231 = arith.constant 608 : index
    %swap3A_232 = tpu.vector_load %arg9[%swap3A_231] {strides = array<i32>} : memref<4000xf32, #tpu.memory_space<vmem>>, vector<16xf32>,
    %swap3A_233 = vector.shape_cast %swap3A_232 : vector<16xf32> to vector<16xf32>
    %swap3A_234 = vector.shape_cast %broadcast_in_dim3A_230 : vector<16xf32> to vector<16xf32>
    tpu.vector_store %arg9[%swap3A_231], %swap3A_234 {strides = array<i32>} : memref<4000xf32, #tpu.memory_space<vmem>>, vector<16xf32>,
    %broadcast_in_dim3A_235 = arith.constant 1.000000e+00 : f32
    %broadcast_in_dim3A_236 = vector.broadcast %broadcast_in_dim3A_235 : f32 to vector<16xf32>
    %swap3A_237 = arith.constant 624 : index
    %swap3A_238 = tpu.vector_load %arg9[%swap3A_237] {strides = array<i32>} : memref<4000xf32, #tpu.memory_space<vmem>>, vector<16xf32>,
    %swap3A_239 = vector.shape_cast %swap3A_238 : vector<16xf32> to vector<16xf32>
    %swap3A_240 = vector.shape_cast %broadcast_in_dim3A_236 : vector<16xf32> to vector<16xf32>
    tpu.vector_store %arg9[%swap3A_237], %swap3A_240 {strides = array<i32>} : memref<4000xf32, #tpu.memory_space<vmem>>, vector<16xf32>,
    %broadcast_in_dim3A_241 = arith.constant 1.000000e+00 : f32
    %broadcast_in_dim3A_242 = vector.broadcast %broadcast_in_dim3A_241 : f32 to vector<16xf32>
    %swap3A_243 = arith.constant 640 : index
    %swap3A_244 = tpu.vector_load %arg9[%swap3A_243] {strides = array<i32>} : memref<4000xf32, #tpu.memory_space<vmem>>, vector<16xf32>,
    %swap3A_245 = vector.shape_cast %swap3A_244 : vector<16xf32> to vector<16xf32>
    %swap3A_246 = vector.shape_cast %broadcast_in_dim3A_242 : vector<16xf32> to vector<16xf32>
    tpu.vector_store %arg9[%swap3A_243], %swap3A_246 {strides = array<i32>} : memref<4000xf32, #tpu.memory_space<vmem>>, vector<16xf32>,
    %broadcast_in_dim3A_247 = arith.constant 1.000000e+00 : f32
    %broadcast_in_dim3A_248 = vector.broadcast %broadcast_in_dim3A_247 : f32 to vector<16xf32>
    %swap3A_249 = arith.constant 656 : index
    %swap3A_250 = tpu.vector_load %arg9[%swap3A_249] {strides = array<i32>} : memref<4000xf32, #tpu.memory_space<vmem>>, vector<16xf32>,
    %swap3A_251 = vector.shape_cast %swap3A_250 : vector<16xf32> to vector<16xf32>
    %swap3A_252 = vector.shape_cast %broadcast_in_dim3A_248 : vector<16xf32> to vector<16xf32>
    tpu.vector_store %arg9[%swap3A_249], %swap3A_252 {strides = array<i32>} : memref<4000xf32, #tpu.memory_space<vmem>>, vector<16xf32>,
    %broadcast_in_dim3A_253 = arith.constant 1.000000e+00 : f32
    %broadcast_in_dim3A_254 = vector.broadcast %broadcast_in_dim3A_253 : f32 to vector<16xf32>
    %swap3A_255 = arith.constant 672 : index
    %swap3A_256 = tpu.vector_load %arg9[%swap3A_255] {strides = array<i32>} : memref<4000xf32, #tpu.memory_space<vmem>>, vector<16xf32>,
    %swap3A_257 = vector.shape_cast %swap3A_256 : vector<16xf32> to vector<16xf32>
    %swap3A_258 = vector.shape_cast %broadcast_in_dim3A_254 : vector<16xf32> to vector<16xf32>
    tpu.vector_store %arg9[%swap3A_255], %swap3A_258 {strides = array<i32>} : memref<4000xf32, #tpu.memory_space<vmem>>, vector<16xf32>,
    %broadcast_in_dim3A_259 = arith.constant 1.000000e+00 : f32
    %broadcast_in_dim3A_260 = vector.broadcast %broadcast_in_dim3A_259 : f32 to vector<16xf32>
    %swap3A_261 = arith.constant 688 : index
    %swap3A_262 = tpu.vector_load %arg9[%swap3A_261] {strides = array<i32>} : memref<4000xf32, #tpu.memory_space<vmem>>, vector<16xf32>,
    %swap3A_263 = vector.shape_cast %swap3A_262 : vector<16xf32> to vector<16xf32>
    %swap3A_264 = vector.shape_cast %broadcast_in_dim3A_260 : vector<16xf32> to vector<16xf32>
    tpu.vector_store %arg9[%swap3A_261], %swap3A_264 {strides = array<i32>} : memref<4000xf32, #tpu.memory_space<vmem>>, vector<16xf32>,
    %broadcast_in_dim3A_265 = arith.constant 1.000000e+00 : f32
    %broadcast_in_dim3A_266 = vector.broadcast %broadcast_in_dim3A_265 : f32 to vector<16xf32>
    %swap3A_267 = arith.constant 704 : index
    %swap3A_268 = tpu.vector_load %arg9[%swap3A_267] {strides = array<i32>} : memref<4000xf32, #tpu.memory_space<vmem>>, vector<16xf32>,
    %swap3A_269 = vector.shape_cast %swap3A_268 : vector<16xf32> to vector<16xf32>
    %swap3A_270 = vector.shape_cast %broadcast_in_dim3A_266 : vector<16xf32> to vector<16xf32>
    tpu.vector_store %arg9[%swap3A_267], %swap3A_270 {strides = array<i32>} : memref<4000xf32, #tpu.memory_space<vmem>>, vector<16xf32>,
    %broadcast_in_dim3A_271 = arith.constant 1.000000e+00 : f32
    %broadcast_in_dim3A_272 = vector.broadcast %broadcast_in_dim3A_271 : f32 to vector<16xf32>
    %swap3A_273 = arith.constant 720 : index
    %swap3A_274 = tpu.vector_load %arg9[%swap3A_273] {strides = array<i32>} : memref<4000xf32, #tpu.memory_space<vmem>>, vector<16xf32>,
    %swap3A_275 = vector.shape_cast %swap3A_274 : vector<16xf32> to vector<16xf32>
    %swap3A_276 = vector.shape_cast %broadcast_in_dim3A_272 : vector<16xf32> to vector<16xf32>
    tpu.vector_store %arg9[%swap3A_273], %swap3A_276 {strides = array<i32>} : memref<4000xf32, #tpu.memory_space<vmem>>, vector<16xf32>,
    %broadcast_in_dim3A_277 = arith.constant 1.000000e+00 : f32
    %broadcast_in_dim3A_278 = vector.broadcast %broadcast_in_dim3A_277 : f32 to vector<16xf32>
    %swap3A_279 = arith.constant 736 : index
    %swap3A_280 = tpu.vector_load %arg9[%swap3A_279] {strides = array<i32>} : memref<4000xf32, #tpu.memory_space<vmem>>, vector<16xf32>,
    %swap3A_281 = vector.shape_cast %swap3A_280 : vector<16xf32> to vector<16xf32>
    %swap3A_282 = vector.shape_cast %broadcast_in_dim3A_278 : vector<16xf32> to vector<16xf32>
    tpu.vector_store %arg9[%swap3A_279], %swap3A_282 {strides = array<i32>} : memref<4000xf32, #tpu.memory_space<vmem>>, vector<16xf32>,
    %broadcast_in_dim3A_283 = arith.constant 1.000000e+00 : f32
    %broadcast_in_dim3A_284 = vector.broadcast %broadcast_in_dim3A_283 : f32 to vector<16xf32>
    %swap3A_285 = arith.constant 752 : index
    %swap3A_286 = tpu.vector_load %arg9[%swap3A_285] {strides = array<i32>} : memref<4000xf32, #tpu.memory_space<vmem>>, vector<16xf32>,
    %swap3A_287 = vector.shape_cast %swap3A_286 : vector<16xf32> to vector<16xf32>
    %swap3A_288 = vector.shape_cast %broadcast_in_dim3A_284 : vector<16xf32> to vector<16xf32>
    tpu.vector_store %arg9[%swap3A_285], %swap3A_288 {strides = array<i32>} : memref<4000xf32, #tpu.memory_space<vmem>>, vector<16xf32>,
    %broadcast_in_dim3A_289 = arith.constant 1.000000e+00 : f32
    %broadcast_in_dim3A_290 = vector.broadcast %broadcast_in_dim3A_289 : f32 to vector<16xf32>
    %swap3A_291 = arith.constant 768 : index
    %swap3A_292 = tpu.vector_load %arg9[%swap3A_291] {strides = array<i32>} : memref<4000xf32, #tpu.memory_space<vmem>>, vector<16xf32>,
    %swap3A_293 = vector.shape_cast %swap3A_292 : vector<16xf32> to vector<16xf32>
    %swap3A_294 = vector.shape_cast %broadcast_in_dim3A_290 : vector<16xf32> to vector<16xf32>
    tpu.vector_store %arg9[%swap3A_291], %swap3A_294 {strides = array<i32>} : memref<4000xf32, #tpu.memory_space<vmem>>, vector<16xf32>,
    %broadcast_in_dim3A_295 = arith.constant 1.000000e+00 : f32
    %broadcast_in_dim3A_296 = vector.broadcast %broadcast_in_dim3A_295 : f32 to vector<16xf32>
    %swap3A_297 = arith.constant 784 : index
    %swap3A_298 = tpu.vector_load %arg9[%swap3A_297] {strides = array<i32>} : memref<4000xf32, #tpu.memory_space<vmem>>, vector<16xf32>,
    %swap3A_299 = vector.shape_cast %swap3A_298 : vector<16xf32> to vector<16xf32>
    %swap3A_300 = vector.shape_cast %broadcast_in_dim3A_296 : vector<16xf32> to vector<16xf32>
    tpu.vector_store %arg9[%swap3A_297], %swap3A_300 {strides = array<i32>} : memref<4000xf32, #tpu.memory_space<vmem>>, vector<16xf32>,
    %broadcast_in_dim3A_301 = arith.constant 1.000000e+00 : f32
    %broadcast_in_dim3A_302 = vector.broadcast %broadcast_in_dim3A_301 : f32 to vector<16xf32>
    %swap3A_303 = arith.constant 800 : index
    %swap3A_304 = tpu.vector_load %arg9[%swap3A_303] {strides = array<i32>} : memref<4000xf32, #tpu.memory_space<vmem>>, vector<16xf32>,
    %swap3A_305 = vector.shape_cast %swap3A_304 : vector<16xf32> to vector<16xf32>
    %swap3A_306 = vector.shape_cast %broadcast_in_dim3A_302 : vector<16xf32> to vector<16xf32>
    tpu.vector_store %arg9[%swap3A_303], %swap3A_306 {strides = array<i32>} : memref<4000xf32, #tpu.memory_space<vmem>>, vector<16xf32>,
    %broadcast_in_dim3A_307 = arith.constant 1.000000e+00 : f32
    %broadcast_in_dim3A_308 = vector.broadcast %broadcast_in_dim3A_307 : f32 to vector<16xf32>
    %swap3A_309 = arith.constant 816 : index
    %swap3A_310 = tpu.vector_load %arg9[%swap3A_309] {strides = array<i32>} : memref<4000xf32, #tpu.memory_space<vmem>>, vector<16xf32>,
    %swap3A_311 = vector.shape_cast %swap3A_310 : vector<16xf32> to vector<16xf32>
    %swap3A_312 = vector.shape_cast %broadcast_in_dim3A_308 : vector<16xf32> to vector<16xf32>
    tpu.vector_store %arg9[%swap3A_309], %swap3A_312 {strides = array<i32>} : memref<4000xf32, #tpu.memory_space<vmem>>, vector<16xf32>,
    %broadcast_in_dim3A_313 = arith.constant 1.000000e+00 : f32
    %broadcast_in_dim3A_314 = vector.broadcast %broadcast_in_dim3A_313 : f32 to vector<16xf32>
    %swap3A_315 = arith.constant 832 : index
    %swap3A_316 = tpu.vector_load %arg9[%swap3A_315] {strides = array<i32>} : memref<4000xf32, #tpu.memory_space<vmem>>, vector<16xf32>,
    %swap3A_317 = vector.shape_cast %swap3A_316 : vector<16xf32> to vector<16xf32>
    %swap3A_318 = vector.shape_cast %broadcast_in_dim3A_314 : vector<16xf32> to vector<16xf32>
    tpu.vector_store %arg9[%swap3A_315], %swap3A_318 {strides = array<i32>} : memref<4000xf32, #tpu.memory_space<vmem>>, vector<16xf32>,
    %broadcast_in_dim3A_319 = arith.constant 1.000000e+00 : f32
    %broadcast_in_dim3A_320 = vector.broadcast %broadcast_in_dim3A_319 : f32 to vector<16xf32>
    %swap3A_321 = arith.constant 848 : index
    %swap3A_322 = tpu.vector_load %arg9[%swap3A_321] {strides = array<i32>} : memref<4000xf32, #tpu.memory_space<vmem>>, vector<16xf32>,
    %swap3A_323 = vector.shape_cast %swap3A_322 : vector<16xf32> to vector<16xf32>
    %swap3A_324 = vector.shape_cast %broadcast_in_dim3A_320 : vector<16xf32> to vector<16xf32>
    tpu.vector_store %arg9[%swap3A_321], %swap3A_324 {strides = array<i32>} : memref<4000xf32, #tpu.memory_space<vmem>>, vector<16xf32>,
    %broadcast_in_dim3A_325 = arith.constant 1.000000e+00 : f32
    %broadcast_in_dim3A_326 = vector.broadcast %broadcast_in_dim3A_325 : f32 to vector<16xf32>
    %swap3A_327 = arith.constant 864 : index
    %swap3A_328 = tpu.vector_load %arg9[%swap3A_327] {strides = array<i32>} : memref<4000xf32, #tpu.memory_space<vmem>>, vector<16xf32>,
    %swap3A_329 = vector.shape_cast %swap3A_328 : vector<16xf32> to vector<16xf32>
    %swap3A_330 = vector.shape_cast %broadcast_in_dim3A_326 : vector<16xf32> to vector<16xf32>
    tpu.vector_store %arg9[%swap3A_327], %swap3A_330 {strides = array<i32>} : memref<4000xf32, #tpu.memory_space<vmem>>, vector<16xf32>,
    %broadcast_in_dim3A_331 = arith.constant 1.000000e+00 : f32
    %broadcast_in_dim3A_332 = vector.broadcast %broadcast_in_dim3A_331 : f32 to vector<16xf32>
    %swap3A_333 = arith.constant 880 : index
    %swap3A_334 = tpu.vector_load %arg9[%swap3A_333] {strides = array<i32>} : memref<4000xf32, #tpu.memory_space<vmem>>, vector<16xf32>,
    %swap3A_335 = vector.shape_cast %swap3A_334 : vector<16xf32> to vector<16xf32>
    %swap3A_336 = vector.shape_cast %broadcast_in_dim3A_332 : vector<16xf32> to vector<16xf32>
    tpu.vector_store %arg9[%swap3A_333], %swap3A_336 {strides = array<i32>} : memref<4000xf32, #tpu.memory_space<vmem>>, vector<16xf32>,
    %broadcast_in_dim3A_337 = arith.constant 1.000000e+00 : f32
    %broadcast_in_dim3A_338 = vector.broadcast %broadcast_in_dim3A_337 : f32 to vector<16xf32>
    %swap3A_339 = arith.constant 896 : index
    %swap3A_340 = tpu.vector_load %arg9[%swap3A_339] {strides = array<i32>} : memref<4000xf32, #tpu.memory_space<vmem>>, vector<16xf32>,
    %swap3A_341 = vector.shape_cast %swap3A_340 : vector<16xf32> to vector<16xf32>
    %swap3A_342 = vector.shape_cast %broadcast_in_dim3A_338 : vector<16xf32> to vector<16xf32>
    tpu.vector_store %arg9[%swap3A_339], %swap3A_342 {strides = array<i32>} : memref<4000xf32, #tpu.memory_space<vmem>>, vector<16xf32>,
    %broadcast_in_dim3A_343 = arith.constant 1.000000e+00 : f32
    %broadcast_in_dim3A_344 = vector.broadcast %broadcast_in_dim3A_343 : f32 to vector<16xf32>
    %swap3A_345 = arith.constant 912 : index
    %swap3A_346 = tpu.vector_load %arg9[%swap3A_345] {strides = array<i32>} : memref<4000xf32, #tpu.memory_space<vmem>>, vector<16xf32>,
    %swap3A_347 = vector.shape_cast %swap3A_346 : vector<16xf32> to vector<16xf32>
    %swap3A_348 = vector.shape_cast %broadcast_in_dim3A_344 : vector<16xf32> to vector<16xf32>
    tpu.vector_store %arg9[%swap3A_345], %swap3A_348 {strides = array<i32>} : memref<4000xf32, #tpu.memory_space<vmem>>, vector<16xf32>,
    %broadcast_in_dim3A_349 = arith.constant 1.000000e+00 : f32
    %broadcast_in_dim3A_350 = vector.broadcast %broadcast_in_dim3A_349 : f32 to vector<16xf32>
    %swap3A_351 = arith.constant 928 : index
    %swap3A_352 = tpu.vector_load %arg9[%swap3A_351] {strides = array<i32>} : memref<4000xf32, #tpu.memory_space<vmem>>, vector<16xf32>,
    %swap3A_353 = vector.shape_cast %swap3A_352 : vector<16xf32> to vector<16xf32>
    %swap3A_354 = vector.shape_cast %broadcast_in_dim3A_350 : vector<16xf32> to vector<16xf32>
    tpu.vector_store %arg9[%swap3A_351], %swap3A_354 {strides = array<i32>} : memref<4000xf32, #tpu.memory_space<vmem>>, vector<16xf32>,
    %broadcast_in_dim3A_355 = arith.constant 1.000000e+00 : f32
    %broadcast_in_dim3A_356 = vector.broadcast %broadcast_in_dim3A_355 : f32 to vector<16xf32>
    %swap3A_357 = arith.constant 944 : index
    %swap3A_358 = tpu.vector_load %arg9[%swap3A_357] {strides = array<i32>} : memref<4000xf32, #tpu.memory_space<vmem>>, vector<16xf32>,
    %swap3A_359 = vector.shape_cast %swap3A_358 : vector<16xf32> to vector<16xf32>
    %swap3A_360 = vector.shape_cast %broadcast_in_dim3A_356 : vector<16xf32> to vector<16xf32>
    tpu.vector_store %arg9[%swap3A_357], %swap3A_360 {strides = array<i32>} : memref<4000xf32, #tpu.memory_space<vmem>>, vector<16xf32>,
    %broadcast_in_dim3A_361 = arith.constant 1.000000e+00 : f32
    %broadcast_in_dim3A_362 = vector.broadcast %broadcast_in_dim3A_361 : f32 to vector<16xf32>
    %swap3A_363 = arith.constant 960 : index
    %swap3A_364 = tpu.vector_load %arg9[%swap3A_363] {strides = array<i32>} : memref<4000xf32, #tpu.memory_space<vmem>>, vector<16xf32>,
    %swap3A_365 = vector.shape_cast %swap3A_364 : vector<16xf32> to vector<16xf32>
    %swap3A_366 = vector.shape_cast %broadcast_in_dim3A_362 : vector<16xf32> to vector<16xf32>
    tpu.vector_store %arg9[%swap3A_363], %swap3A_366 {strides = array<i32>} : memref<4000xf32, #tpu.memory_space<vmem>>, vector<16xf32>,
    %broadcast_in_dim3A_367 = arith.constant 1.000000e+00 : f32
    %broadcast_in_dim3A_368 = vector.broadcast %broadcast_in_dim3A_367 : f32 to vector<16xf32>
    %swap3A_369 = arith.constant 976 : index
    %swap3A_370 = tpu.vector_load %arg9[%swap3A_369] {strides = array<i32>} : memref<4000xf32, #tpu.memory_space<vmem>>, vector<16xf32>,
    %swap3A_371 = vector.shape_cast %swap3A_370 : vector<16xf32> to vector<16xf32>
    %swap3A_372 = vector.shape_cast %broadcast_in_dim3A_368 : vector<16xf32> to vector<16xf32>
    tpu.vector_store %arg9[%swap3A_369], %swap3A_372 {strides = array<i32>} : memref<4000xf32, #tpu.memory_space<vmem>>, vector<16xf32>,
    %broadcast_in_dim3A_373 = arith.constant 1.000000e+00 : f32
    %broadcast_in_dim3A_374 = vector.broadcast %broadcast_in_dim3A_373 : f32 to vector<16xf32>
    %swap3A_375 = arith.constant 992 : index
    %swap3A_376 = tpu.vector_load %arg9[%swap3A_375] {strides = array<i32>} : memref<4000xf32, #tpu.memory_space<vmem>>, vector<16xf32>,
    %swap3A_377 = vector.shape_cast %swap3A_376 : vector<16xf32> to vector<16xf32>
    %swap3A_378 = vector.shape_cast %broadcast_in_dim3A_374 : vector<16xf32> to vector<16xf32>
    tpu.vector_store %arg9[%swap3A_375], %swap3A_378 {strides = array<i32>} : memref<4000xf32, #tpu.memory_space<vmem>>, vector<16xf32>,
    %broadcast_in_dim3A_379 = arith.constant 1.000000e+00 : f32
    %broadcast_in_dim3A_380 = vector.broadcast %broadcast_in_dim3A_379 : f32 to vector<16xf32>
    %swap3A_381 = arith.constant 1008 : index
    %swap3A_382 = tpu.vector_load %arg9[%swap3A_381] {strides = array<i32>} : memref<4000xf32, #tpu.memory_space<vmem>>, vector<16xf32>,
    %swap3A_383 = vector.shape_cast %swap3A_382 : vector<16xf32> to vector<16xf32>
    %swap3A_384 = vector.shape_cast %broadcast_in_dim3A_380 : vector<16xf32> to vector<16xf32>
    tpu.vector_store %arg9[%swap3A_381], %swap3A_384 {strides = array<i32>} : memref<4000xf32, #tpu.memory_space<vmem>>, vector<16xf32>,
    %broadcast_in_dim3A_385 = arith.constant 1.000000e+00 : f32
    %broadcast_in_dim3A_386 = vector.broadcast %broadcast_in_dim3A_385 : f32 to vector<16xf32>
    %swap3A_387 = arith.constant 1024 : index
    %swap3A_388 = tpu.vector_load %arg9[%swap3A_387] {strides = array<i32>} : memref<4000xf32, #tpu.memory_space<vmem>>, vector<16xf32>,
    %swap3A_389 = vector.shape_cast %swap3A_388 : vector<16xf32> to vector<16xf32>
    %swap3A_390 = vector.shape_cast %broadcast_in_dim3A_386 : vector<16xf32> to vector<16xf32>
    tpu.vector_store %arg9[%swap3A_387], %swap3A_390 {strides = array<i32>} : memref<4000xf32, #tpu.memory_space<vmem>>, vector<16xf32>,
    %broadcast_in_dim3A_391 = arith.constant 1.000000e+00 : f32
    %broadcast_in_dim3A_392 = vector.broadcast %broadcast_in_dim3A_391 : f32 to vector<16xf32>
    %swap3A_393 = arith.constant 1040 : index
    %swap3A_394 = tpu.vector_load %arg9[%swap3A_393] {strides = array<i32>} : memref<4000xf32, #tpu.memory_space<vmem>>, vector<16xf32>,
    %swap3A_395 = vector.shape_cast %swap3A_394 : vector<16xf32> to vector<16xf32>
    %swap3A_396 = vector.shape_cast %broadcast_in_dim3A_392 : vector<16xf32> to vector<16xf32>
    tpu.vector_store %arg9[%swap3A_393], %swap3A_396 {strides = array<i32>} : memref<4000xf32, #tpu.memory_space<vmem>>, vector<16xf32>,
    %broadcast_in_dim3A_397 = arith.constant 1.000000e+00 : f32
    %broadcast_in_dim3A_398 = vector.broadcast %broadcast_in_dim3A_397 : f32 to vector<16xf32>
    %swap3A_399 = arith.constant 1056 : index
    %swap3A_400 = tpu.vector_load %arg9[%swap3A_399] {strides = array<i32>} : memref<4000xf32, #tpu.memory_space<vmem>>, vector<16xf32>,
    %swap3A_401 = vector.shape_cast %swap3A_400 : vector<16xf32> to vector<16xf32>
    %swap3A_402 = vector.shape_cast %broadcast_in_dim3A_398 : vector<16xf32> to vector<16xf32>
    tpu.vector_store %arg9[%swap3A_399], %swap3A_402 {strides = array<i32>} : memref<4000xf32, #tpu.memory_space<vmem>>, vector<16xf32>,
    %broadcast_in_dim3A_403 = arith.constant 1.000000e+00 : f32
    %broadcast_in_dim3A_404 = vector.broadcast %broadcast_in_dim3A_403 : f32 to vector<16xf32>
    %swap3A_405 = arith.constant 1072 : index
    %swap3A_406 = tpu.vector_load %arg9[%swap3A_405] {strides = array<i32>} : memref<4000xf32, #tpu.memory_space<vmem>>, vector<16xf32>,
    %swap3A_407 = vector.shape_cast %swap3A_406 : vector<16xf32> to vector<16xf32>
    %swap3A_408 = vector.shape_cast %broadcast_in_dim3A_404 : vector<16xf32> to vector<16xf32>
    tpu.vector_store %arg9[%swap3A_405], %swap3A_408 {strides = array<i32>} : memref<4000xf32, #tpu.memory_space<vmem>>, vector<16xf32>,
    %broadcast_in_dim3A_409 = arith.constant 1.000000e+00 : f32
    %broadcast_in_dim3A_410 = vector.broadcast %broadcast_in_dim3A_409 : f32 to vector<16xf32>
    %swap3A_411 = arith.constant 1088 : index
    %swap3A_412 = tpu.vector_load %arg9[%swap3A_411] {strides = array<i32>} : memref<4000xf32, #tpu.memory_space<vmem>>, vector<16xf32>,
    %swap3A_413 = vector.shape_cast %swap3A_412 : vector<16xf32> to vector<16xf32>
    %swap3A_414 = vector.shape_cast %broadcast_in_dim3A_410 : vector<16xf32> to vector<16xf32>
    tpu.vector_store %arg9[%swap3A_411], %swap3A_414 {strides = array<i32>} : memref<4000xf32, #tpu.memory_space<vmem>>, vector<16xf32>,
    %broadcast_in_dim3A_415 = arith.constant 1.000000e+00 : f32
    %broadcast_in_dim3A_416 = vector.broadcast %broadcast_in_dim3A_415 : f32 to vector<16xf32>
    %swap3A_417 = arith.constant 1104 : index
    %swap3A_418 = tpu.vector_load %arg9[%swap3A_417] {strides = array<i32>} : memref<4000xf32, #tpu.memory_space<vmem>>, vector<16xf32>,
    %swap3A_419 = vector.shape_cast %swap3A_418 : vector<16xf32> to vector<16xf32>
    %swap3A_420 = vector.shape_cast %broadcast_in_dim3A_416 : vector<16xf32> to vector<16xf32>
    tpu.vector_store %arg9[%swap3A_417], %swap3A_420 {strides = array<i32>} : memref<4000xf32, #tpu.memory_space<vmem>>, vector<16xf32>,
    %broadcast_in_dim3A_421 = arith.constant 1.000000e+00 : f32
    %broadcast_in_dim3A_422 = vector.broadcast %broadcast_in_dim3A_421 : f32 to vector<16xf32>
    %swap3A_423 = arith.constant 1120 : index
    %swap3A_424 = tpu.vector_load %arg9[%swap3A_423] {strides = array<i32>} : memref<4000xf32, #tpu.memory_space<vmem>>, vector<16xf32>,
    %swap3A_425 = vector.shape_cast %swap3A_424 : vector<16xf32> to vector<16xf32>
    %swap3A_426 = vector.shape_cast %broadcast_in_dim3A_422 : vector<16xf32> to vector<16xf32>
    tpu.vector_store %arg9[%swap3A_423], %swap3A_426 {strides = array<i32>} : memref<4000xf32, #tpu.memory_space<vmem>>, vector<16xf32>,
    %broadcast_in_dim3A_427 = arith.constant 1.000000e+00 : f32
    %broadcast_in_dim3A_428 = vector.broadcast %broadcast_in_dim3A_427 : f32 to vector<16xf32>
    %swap3A_429 = arith.constant 1136 : index
    %swap3A_430 = tpu.vector_load %arg9[%swap3A_429] {strides = array<i32>} : memref<4000xf32, #tpu.memory_space<vmem>>, vector<16xf32>,
    %swap3A_431 = vector.shape_cast %swap3A_430 : vector<16xf32> to vector<16xf32>
    %swap3A_432 = vector.shape_cast %broadcast_in_dim3A_428 : vector<16xf32> to vector<16xf32>
    tpu.vector_store %arg9[%swap3A_429], %swap3A_432 {strides = array<i32>} : memref<4000xf32, #tpu.memory_space<vmem>>, vector<16xf32>,
    %broadcast_in_dim3A_433 = arith.constant 1.000000e+00 : f32
    %broadcast_in_dim3A_434 = vector.broadcast %broadcast_in_dim3A_433 : f32 to vector<16xf32>
    %swap3A_435 = arith.constant 1152 : index
    %swap3A_436 = tpu.vector_load %arg9[%swap3A_435] {strides = array<i32>} : memref<4000xf32, #tpu.memory_space<vmem>>, vector<16xf32>,
    %swap3A_437 = vector.shape_cast %swap3A_436 : vector<16xf32> to vector<16xf32>
    %swap3A_438 = vector.shape_cast %broadcast_in_dim3A_434 : vector<16xf32> to vector<16xf32>
    tpu.vector_store %arg9[%swap3A_435], %swap3A_438 {strides = array<i32>} : memref<4000xf32, #tpu.memory_space<vmem>>, vector<16xf32>,
    %broadcast_in_dim3A_439 = arith.constant 1.000000e+00 : f32
    %broadcast_in_dim3A_440 = vector.broadcast %broadcast_in_dim3A_439 : f32 to vector<16xf32>
    %swap3A_441 = arith.constant 1168 : index
    %swap3A_442 = tpu.vector_load %arg9[%swap3A_441] {strides = array<i32>} : memref<4000xf32, #tpu.memory_space<vmem>>, vector<16xf32>,
    %swap3A_443 = vector.shape_cast %swap3A_442 : vector<16xf32> to vector<16xf32>
    %swap3A_444 = vector.shape_cast %broadcast_in_dim3A_440 : vector<16xf32> to vector<16xf32>
    tpu.vector_store %arg9[%swap3A_441], %swap3A_444 {strides = array<i32>} : memref<4000xf32, #tpu.memory_space<vmem>>, vector<16xf32>,
    %broadcast_in_dim3A_445 = arith.constant 1.000000e+00 : f32
    %broadcast_in_dim3A_446 = vector.broadcast %broadcast_in_dim3A_445 : f32 to vector<16xf32>
    %swap3A_447 = arith.constant 1184 : index
    %swap3A_448 = tpu.vector_load %arg9[%swap3A_447] {strides = array<i32>} : memref<4000xf32, #tpu.memory_space<vmem>>, vector<16xf32>,
    %swap3A_449 = vector.shape_cast %swap3A_448 : vector<16xf32> to vector<16xf32>
    %swap3A_450 = vector.shape_cast %broadcast_in_dim3A_446 : vector<16xf32> to vector<16xf32>
    tpu.vector_store %arg9[%swap3A_447], %swap3A_450 {strides = array<i32>} : memref<4000xf32, #tpu.memory_space<vmem>>, vector<16xf32>,
    %broadcast_in_dim3A_451 = arith.constant 1.000000e+00 : f32
    %broadcast_in_dim3A_452 = vector.broadcast %broadcast_in_dim3A_451 : f32 to vector<16xf32>
    %swap3A_453 = arith.constant 1200 : index
    %swap3A_454 = tpu.vector_load %arg9[%swap3A_453] {strides = array<i32>} : memref<4000xf32, #tpu.memory_space<vmem>>, vector<16xf32>,
    %swap3A_455 = vector.shape_cast %swap3A_454 : vector<16xf32> to vector<16xf32>
    %swap3A_456 = vector.shape_cast %broadcast_in_dim3A_452 : vector<16xf32> to vector<16xf32>
    tpu.vector_store %arg9[%swap3A_453], %swap3A_456 {strides = array<i32>} : memref<4000xf32, #tpu.memory_space<vmem>>, vector<16xf32>,
    %broadcast_in_dim3A_457 = arith.constant 1.000000e+00 : f32
    %broadcast_in_dim3A_458 = vector.broadcast %broadcast_in_dim3A_457 : f32 to vector<16xf32>
    %swap3A_459 = arith.constant 1216 : index
    %swap3A_460 = tpu.vector_load %arg9[%swap3A_459] {strides = array<i32>} : memref<4000xf32, #tpu.memory_space<vmem>>, vector<16xf32>,
    %swap3A_461 = vector.shape_cast %swap3A_460 : vector<16xf32> to vector<16xf32>
    %swap3A_462 = vector.shape_cast %broadcast_in_dim3A_458 : vector<16xf32> to vector<16xf32>
    tpu.vector_store %arg9[%swap3A_459], %swap3A_462 {strides = array<i32>} : memref<4000xf32, #tpu.memory_space<vmem>>, vector<16xf32>,
    %broadcast_in_dim3A_463 = arith.constant 1.000000e+00 : f32
    %broadcast_in_dim3A_464 = vector.broadcast %broadcast_in_dim3A_463 : f32 to vector<16xf32>
    %swap3A_465 = arith.constant 1232 : index
    %swap3A_466 = tpu.vector_load %arg9[%swap3A_465] {strides = array<i32>} : memref<4000xf32, #tpu.memory_space<vmem>>, vector<16xf32>,
    %swap3A_467 = vector.shape_cast %swap3A_466 : vector<16xf32> to vector<16xf32>
    %swap3A_468 = vector.shape_cast %broadcast_in_dim3A_464 : vector<16xf32> to vector<16xf32>
    tpu.vector_store %arg9[%swap3A_465], %swap3A_468 {strides = array<i32>} : memref<4000xf32, #tpu.memory_space<vmem>>, vector<16xf32>,
    %broadcast_in_dim3A_469 = arith.constant 1.000000e+00 : f32
    %broadcast_in_dim3A_470 = vector.broadcast %broadcast_in_dim3A_469 : f32 to vector<16xf32>
    %swap3A_471 = arith.constant 1248 : index
    %swap3A_472 = tpu.vector_load %arg9[%swap3A_471] {strides = array<i32>} : memref<4000xf32, #tpu.memory_space<vmem>>, vector<16xf32>,
    %swap3A_473 = vector.shape_cast %swap3A_472 : vector<16xf32> to vector<16xf32>
    %swap3A_474 = vector.shape_cast %broadcast_in_dim3A_470 : vector<16xf32> to vector<16xf32>
    tpu.vector_store %arg9[%swap3A_471], %swap3A_474 {strides = array<i32>} : memref<4000xf32, #tpu.memory_space<vmem>>, vector<16xf32>,
    %broadcast_in_dim3A_475 = arith.constant 1.000000e+00 : f32
    %broadcast_in_dim3A_476 = vector.broadcast %broadcast_in_dim3A_475 : f32 to vector<16xf32>
    %swap3A_477 = arith.constant 1264 : index
    %swap3A_478 = tpu.vector_load %arg9[%swap3A_477] {strides = array<i32>} : memref<4000xf32, #tpu.memory_space<vmem>>, vector<16xf32>,
    %swap3A_479 = vector.shape_cast %swap3A_478 : vector<16xf32> to vector<16xf32>
    %swap3A_480 = vector.shape_cast %broadcast_in_dim3A_476 : vector<16xf32> to vector<16xf32>
    tpu.vector_store %arg9[%swap3A_477], %swap3A_480 {strides = array<i32>} : memref<4000xf32, #tpu.memory_space<vmem>>, vector<16xf32>,
    %broadcast_in_dim3A_481 = arith.constant 1.000000e+00 : f32
    %broadcast_in_dim3A_482 = vector.broadcast %broadcast_in_dim3A_481 : f32 to vector<16xf32>
    %swap3A_483 = arith.constant 1280 : index
    %swap3A_484 = tpu.vector_load %arg9[%swap3A_483] {strides = array<i32>} : memref<4000xf32, #tpu.memory_space<vmem>>, vector<16xf32>,
    %swap3A_485 = vector.shape_cast %swap3A_484 : vector<16xf32> to vector<16xf32>
    %swap3A_486 = vector.shape_cast %broadcast_in_dim3A_482 : vector<16xf32> to vector<16xf32>
    tpu.vector_store %arg9[%swap3A_483], %swap3A_486 {strides = array<i32>} : memref<4000xf32, #tpu.memory_space<vmem>>, vector<16xf32>,
    %broadcast_in_dim3A_487 = arith.constant 1.000000e+00 : f32
    %broadcast_in_dim3A_488 = vector.broadcast %broadcast_in_dim3A_487 : f32 to vector<16xf32>
    %swap3A_489 = arith.constant 1296 : index
    %swap3A_490 = tpu.vector_load %arg9[%swap3A_489] {strides = array<i32>} : memref<4000xf32, #tpu.memory_space<vmem>>, vector<16xf32>,
    %swap3A_491 = vector.shape_cast %swap3A_490 : vector<16xf32> to vector<16xf32>
    %swap3A_492 = vector.shape_cast %broadcast_in_dim3A_488 : vector<16xf32> to vector<16xf32>
    tpu.vector_store %arg9[%swap3A_489], %swap3A_492 {strides = array<i32>} : memref<4000xf32, #tpu.memory_space<vmem>>, vector<16xf32>,
    %broadcast_in_dim3A_493 = arith.constant 1.000000e+00 : f32
    %broadcast_in_dim3A_494 = vector.broadcast %broadcast_in_dim3A_493 : f32 to vector<16xf32>
    %swap3A_495 = arith.constant 1312 : index
    %swap3A_496 = tpu.vector_load %arg9[%swap3A_495] {strides = array<i32>} : memref<4000xf32, #tpu.memory_space<vmem>>, vector<16xf32>,
    %swap3A_497 = vector.shape_cast %swap3A_496 : vector<16xf32> to vector<16xf32>
    %swap3A_498 = vector.shape_cast %broadcast_in_dim3A_494 : vector<16xf32> to vector<16xf32>
    tpu.vector_store %arg9[%swap3A_495], %swap3A_498 {strides = array<i32>} : memref<4000xf32, #tpu.memory_space<vmem>>, vector<16xf32>,
    %broadcast_in_dim3A_499 = arith.constant 1.000000e+00 : f32
    %broadcast_in_dim3A_500 = vector.broadcast %broadcast_in_dim3A_499 : f32 to vector<16xf32>
    %swap3A_501 = arith.constant 1328 : index
    %swap3A_502 = tpu.vector_load %arg9[%swap3A_501] {strides = array<i32>} : memref<4000xf32, #tpu.memory_space<vmem>>, vector<16xf32>,
    %swap3A_503 = vector.shape_cast %swap3A_502 : vector<16xf32> to vector<16xf32>
    %swap3A_504 = vector.shape_cast %broadcast_in_dim3A_500 : vector<16xf32> to vector<16xf32>
    tpu.vector_store %arg9[%swap3A_501], %swap3A_504 {strides = array<i32>} : memref<4000xf32, #tpu.memory_space<vmem>>, vector<16xf32>,
    %broadcast_in_dim3A_505 = arith.constant 1.000000e+00 : f32
    %broadcast_in_dim3A_506 = vector.broadcast %broadcast_in_dim3A_505 : f32 to vector<16xf32>
    %swap3A_507 = arith.constant 1344 : index
    %swap3A_508 = tpu.vector_load %arg9[%swap3A_507] {strides = array<i32>} : memref<4000xf32, #tpu.memory_space<vmem>>, vector<16xf32>,
    %swap3A_509 = vector.shape_cast %swap3A_508 : vector<16xf32> to vector<16xf32>
    %swap3A_510 = vector.shape_cast %broadcast_in_dim3A_506 : vector<16xf32> to vector<16xf32>
    tpu.vector_store %arg9[%swap3A_507], %swap3A_510 {strides = array<i32>} : memref<4000xf32, #tpu.memory_space<vmem>>, vector<16xf32>,
    %broadcast_in_dim3A_511 = arith.constant 1.000000e+00 : f32
    %broadcast_in_dim3A_512 = vector.broadcast %broadcast_in_dim3A_511 : f32 to vector<16xf32>
    %swap3A_513 = arith.constant 1360 : index
    %swap3A_514 = tpu.vector_load %arg9[%swap3A_513] {strides = array<i32>} : memref<4000xf32, #tpu.memory_space<vmem>>, vector<16xf32>,
    %swap3A_515 = vector.shape_cast %swap3A_514 : vector<16xf32> to vector<16xf32>
    %swap3A_516 = vector.shape_cast %broadcast_in_dim3A_512 : vector<16xf32> to vector<16xf32>
    tpu.vector_store %arg9[%swap3A_513], %swap3A_516 {strides = array<i32>} : memref<4000xf32, #tpu.memory_space<vmem>>, vector<16xf32>,
    %broadcast_in_dim3A_517 = arith.constant 1.000000e+00 : f32
    %broadcast_in_dim3A_518 = vector.broadcast %broadcast_in_dim3A_517 : f32 to vector<16xf32>
    %swap3A_519 = arith.constant 1376 : index
    %swap3A_520 = tpu.vector_load %arg9[%swap3A_519] {strides = array<i32>} : memref<4000xf32, #tpu.memory_space<vmem>>, vector<16xf32>,
    %swap3A_521 = vector.shape_cast %swap3A_520 : vector<16xf32> to vector<16xf32>
    %swap3A_522 = vector.shape_cast %broadcast_in_dim3A_518 : vector<16xf32> to vector<16xf32>
    tpu.vector_store %arg9[%swap3A_519], %swap3A_522 {strides = array<i32>} : memref<4000xf32, #tpu.memory_space<vmem>>, vector<16xf32>,
    %broadcast_in_dim3A_523 = arith.constant 1.000000e+00 : f32
    %broadcast_in_dim3A_524 = vector.broadcast %broadcast_in_dim3A_523 : f32 to vector<16xf32>
    %swap3A_525 = arith.constant 1392 : index
    %swap3A_526 = tpu.vector_load %arg9[%swap3A_525] {strides = array<i32>} : memref<4000xf32, #tpu.memory_space<vmem>>, vector<16xf32>,
    %swap3A_527 = vector.shape_cast %swap3A_526 : vector<16xf32> to vector<16xf32>
    %swap3A_528 = vector.shape_cast %broadcast_in_dim3A_524 : vector<16xf32> to vector<16xf32>
    tpu.vector_store %arg9[%swap3A_525], %swap3A_528 {strides = array<i32>} : memref<4000xf32, #tpu.memory_space<vmem>>, vector<16xf32>,
    %broadcast_in_dim3A_529 = arith.constant 1.000000e+00 : f32
    %broadcast_in_dim3A_530 = vector.broadcast %broadcast_in_dim3A_529 : f32 to vector<16xf32>
    %swap3A_531 = arith.constant 1408 : index
    %swap3A_532 = tpu.vector_load %arg9[%swap3A_531] {strides = array<i32>} : memref<4000xf32, #tpu.memory_space<vmem>>, vector<16xf32>,
    %swap3A_533 = vector.shape_cast %swap3A_532 : vector<16xf32> to vector<16xf32>
    %swap3A_534 = vector.shape_cast %broadcast_in_dim3A_530 : vector<16xf32> to vector<16xf32>
    tpu.vector_store %arg9[%swap3A_531], %swap3A_534 {strides = array<i32>} : memref<4000xf32, #tpu.memory_space<vmem>>, vector<16xf32>,
    %broadcast_in_dim3A_535 = arith.constant 1.000000e+00 : f32
    %broadcast_in_dim3A_536 = vector.broadcast %broadcast_in_dim3A_535 : f32 to vector<16xf32>
    %swap3A_537 = arith.constant 1424 : index
    %swap3A_538 = tpu.vector_load %arg9[%swap3A_537] {strides = array<i32>} : memref<4000xf32, #tpu.memory_space<vmem>>, vector<16xf32>,
    %swap3A_539 = vector.shape_cast %swap3A_538 : vector<16xf32> to vector<16xf32>
    %swap3A_540 = vector.shape_cast %broadcast_in_dim3A_536 : vector<16xf32> to vector<16xf32>
    tpu.vector_store %arg9[%swap3A_537], %swap3A_540 {strides = array<i32>} : memref<4000xf32, #tpu.memory_space<vmem>>, vector<16xf32>,
    %broadcast_in_dim3A_541 = arith.constant 1.000000e+00 : f32
    %broadcast_in_dim3A_542 = vector.broadcast %broadcast_in_dim3A_541 : f32 to vector<16xf32>
    %swap3A_543 = arith.constant 1440 : index
    %swap3A_544 = tpu.vector_load %arg9[%swap3A_543] {strides = array<i32>} : memref<4000xf32, #tpu.memory_space<vmem>>, vector<16xf32>,
    %swap3A_545 = vector.shape_cast %swap3A_544 : vector<16xf32> to vector<16xf32>
    %swap3A_546 = vector.shape_cast %broadcast_in_dim3A_542 : vector<16xf32> to vector<16xf32>
    tpu.vector_store %arg9[%swap3A_543], %swap3A_546 {strides = array<i32>} : memref<4000xf32, #tpu.memory_space<vmem>>, vector<16xf32>,
    %broadcast_in_dim3A_547 = arith.constant 1.000000e+00 : f32
    %broadcast_in_dim3A_548 = vector.broadcast %broadcast_in_dim3A_547 : f32 to vector<16xf32>
    %swap3A_549 = arith.constant 1456 : index
    %swap3A_550 = tpu.vector_load %arg9[%swap3A_549] {strides = array<i32>} : memref<4000xf32, #tpu.memory_space<vmem>>, vector<16xf32>,
    %swap3A_551 = vector.shape_cast %swap3A_550 : vector<16xf32> to vector<16xf32>
    %swap3A_552 = vector.shape_cast %broadcast_in_dim3A_548 : vector<16xf32> to vector<16xf32>
    tpu.vector_store %arg9[%swap3A_549], %swap3A_552 {strides = array<i32>} : memref<4000xf32, #tpu.memory_space<vmem>>, vector<16xf32>,
    %broadcast_in_dim3A_553 = arith.constant 1.000000e+00 : f32
    %broadcast_in_dim3A_554 = vector.broadcast %broadcast_in_dim3A_553 : f32 to vector<16xf32>
    %swap3A_555 = arith.constant 1472 : index
    %swap3A_556 = tpu.vector_load %arg9[%swap3A_555] {strides = array<i32>} : memref<4000xf32, #tpu.memory_space<vmem>>, vector<16xf32>,
    %swap3A_557 = vector.shape_cast %swap3A_556 : vector<16xf32> to vector<16xf32>
    %swap3A_558 = vector.shape_cast %broadcast_in_dim3A_554 : vector<16xf32> to vector<16xf32>
    tpu.vector_store %arg9[%swap3A_555], %swap3A_558 {strides = array<i32>} : memref<4000xf32, #tpu.memory_space<vmem>>, vector<16xf32>,
    %broadcast_in_dim3A_559 = arith.constant 1.000000e+00 : f32
    %broadcast_in_dim3A_560 = vector.broadcast %broadcast_in_dim3A_559 : f32 to vector<16xf32>
    %swap3A_561 = arith.constant 1488 : index
    %swap3A_562 = tpu.vector_load %arg9[%swap3A_561] {strides = array<i32>} : memref<4000xf32, #tpu.memory_space<vmem>>, vector<16xf32>,
    %swap3A_563 = vector.shape_cast %swap3A_562 : vector<16xf32> to vector<16xf32>
    %swap3A_564 = vector.shape_cast %broadcast_in_dim3A_560 : vector<16xf32> to vector<16xf32>
    tpu.vector_store %arg9[%swap3A_561], %swap3A_564 {strides = array<i32>} : memref<4000xf32, #tpu.memory_space<vmem>>, vector<16xf32>,
    %broadcast_in_dim3A_565 = arith.constant 1.000000e+00 : f32
    %broadcast_in_dim3A_566 = vector.broadcast %broadcast_in_dim3A_565 : f32 to vector<16xf32>
    %swap3A_567 = arith.constant 1504 : index
    %swap3A_568 = tpu.vector_load %arg9[%swap3A_567] {strides = array<i32>} : memref<4000xf32, #tpu.memory_space<vmem>>, vector<16xf32>,
    %swap3A_569 = vector.shape_cast %swap3A_568 : vector<16xf32> to vector<16xf32>
    %swap3A_570 = vector.shape_cast %broadcast_in_dim3A_566 : vector<16xf32> to vector<16xf32>
    tpu.vector_store %arg9[%swap3A_567], %swap3A_570 {strides = array<i32>} : memref<4000xf32, #tpu.memory_space<vmem>>, vector<16xf32>,
    %broadcast_in_dim3A_571 = arith.constant 1.000000e+00 : f32
    %broadcast_in_dim3A_572 = vector.broadcast %broadcast_in_dim3A_571 : f32 to vector<16xf32>
    %swap3A_573 = arith.constant 1520 : index
    %swap3A_574 = tpu.vector_load %arg9[%swap3A_573] {strides = array<i32>} : memref<4000xf32, #tpu.memory_space<vmem>>, vector<16xf32>,
    %swap3A_575 = vector.shape_cast %swap3A_574 : vector<16xf32> to vector<16xf32>
    %swap3A_576 = vector.shape_cast %broadcast_in_dim3A_572 : vector<16xf32> to vector<16xf32>
    tpu.vector_store %arg9[%swap3A_573], %swap3A_576 {strides = array<i32>} : memref<4000xf32, #tpu.memory_space<vmem>>, vector<16xf32>,
    %broadcast_in_dim3A_577 = arith.constant 1.000000e+00 : f32
    %broadcast_in_dim3A_578 = vector.broadcast %broadcast_in_dim3A_577 : f32 to vector<16xf32>
    %swap3A_579 = arith.constant 1536 : index
    %swap3A_580 = tpu.vector_load %arg9[%swap3A_579] {strides = array<i32>} : memref<4000xf32, #tpu.memory_space<vmem>>, vector<16xf32>,
    %swap3A_581 = vector.shape_cast %swap3A_580 : vector<16xf32> to vector<16xf32>
    %swap3A_582 = vector.shape_cast %broadcast_in_dim3A_578 : vector<16xf32> to vector<16xf32>
    tpu.vector_store %arg9[%swap3A_579], %swap3A_582 {strides = array<i32>} : memref<4000xf32, #tpu.memory_space<vmem>>, vector<16xf32>,
    %broadcast_in_dim3A_583 = arith.constant 1.000000e+00 : f32
    %broadcast_in_dim3A_584 = vector.broadcast %broadcast_in_dim3A_583 : f32 to vector<16xf32>
    %swap3A_585 = arith.constant 1552 : index
    %swap3A_586 = tpu.vector_load %arg9[%swap3A_585] {strides = array<i32>} : memref<4000xf32, #tpu.memory_space<vmem>>, vector<16xf32>,
    %swap3A_587 = vector.shape_cast %swap3A_586 : vector<16xf32> to vector<16xf32>
    %swap3A_588 = vector.shape_cast %broadcast_in_dim3A_584 : vector<16xf32> to vector<16xf32>
    tpu.vector_store %arg9[%swap3A_585], %swap3A_588 {strides = array<i32>} : memref<4000xf32, #tpu.memory_space<vmem>>, vector<16xf32>,
    %broadcast_in_dim3A_589 = arith.constant 1.000000e+00 : f32
    %broadcast_in_dim3A_590 = vector.broadcast %broadcast_in_dim3A_589 : f32 to vector<16xf32>
    %swap3A_591 = arith.constant 1568 : index
    %swap3A_592 = tpu.vector_load %arg9[%swap3A_591] {strides = array<i32>} : memref<4000xf32, #tpu.memory_space<vmem>>, vector<16xf32>,
    %swap3A_593 = vector.shape_cast %swap3A_592 : vector<16xf32> to vector<16xf32>
    %swap3A_594 = vector.shape_cast %broadcast_in_dim3A_590 : vector<16xf32> to vector<16xf32>
    tpu.vector_store %arg9[%swap3A_591], %swap3A_594 {strides = array<i32>} : memref<4000xf32, #tpu.memory_space<vmem>>, vector<16xf32>,
    %broadcast_in_dim3A_595 = arith.constant 1.000000e+00 : f32
    %broadcast_in_dim3A_596 = vector.broadcast %broadcast_in_dim3A_595 : f32 to vector<16xf32>
    %swap3A_597 = arith.constant 1584 : index
    %swap3A_598 = tpu.vector_load %arg9[%swap3A_597] {strides = array<i32>} : memref<4000xf32, #tpu.memory_space<vmem>>, vector<16xf32>,
    %swap3A_599 = vector.shape_cast %swap3A_598 : vector<16xf32> to vector<16xf32>
    %swap3A_600 = vector.shape_cast %broadcast_in_dim3A_596 : vector<16xf32> to vector<16xf32>
    tpu.vector_store %arg9[%swap3A_597], %swap3A_600 {strides = array<i32>} : memref<4000xf32, #tpu.memory_space<vmem>>, vector<16xf32>,
    %broadcast_in_dim3A_601 = arith.constant 1.000000e+00 : f32
    %broadcast_in_dim3A_602 = vector.broadcast %broadcast_in_dim3A_601 : f32 to vector<16xf32>
    %swap3A_603 = arith.constant 1600 : index
    %swap3A_604 = tpu.vector_load %arg9[%swap3A_603] {strides = array<i32>} : memref<4000xf32, #tpu.memory_space<vmem>>, vector<16xf32>,
    %swap3A_605 = vector.shape_cast %swap3A_604 : vector<16xf32> to vector<16xf32>
    %swap3A_606 = vector.shape_cast %broadcast_in_dim3A_602 : vector<16xf32> to vector<16xf32>
    tpu.vector_store %arg9[%swap3A_603], %swap3A_606 {strides = array<i32>} : memref<4000xf32, #tpu.memory_space<vmem>>, vector<16xf32>,
    %broadcast_in_dim3A_607 = arith.constant 1.000000e+00 : f32
    %broadcast_in_dim3A_608 = vector.broadcast %broadcast_in_dim3A_607 : f32 to vector<16xf32>
    %swap3A_609 = arith.constant 1616 : index
    %swap3A_610 = tpu.vector_load %arg9[%swap3A_609] {strides = array<i32>} : memref<4000xf32, #tpu.memory_space<vmem>>, vector<16xf32>,
    %swap3A_611 = vector.shape_cast %swap3A_610 : vector<16xf32> to vector<16xf32>
    %swap3A_612 = vector.shape_cast %broadcast_in_dim3A_608 : vector<16xf32> to vector<16xf32>
    tpu.vector_store %arg9[%swap3A_609], %swap3A_612 {strides = array<i32>} : memref<4000xf32, #tpu.memory_space<vmem>>, vector<16xf32>,
    %broadcast_in_dim3A_613 = arith.constant 1.000000e+00 : f32
    %broadcast_in_dim3A_614 = vector.broadcast %broadcast_in_dim3A_613 : f32 to vector<16xf32>
    %swap3A_615 = arith.constant 1632 : index
    %swap3A_616 = tpu.vector_load %arg9[%swap3A_615] {strides = array<i32>} : memref<4000xf32, #tpu.memory_space<vmem>>, vector<16xf32>,
    %swap3A_617 = vector.shape_cast %swap3A_616 : vector<16xf32> to vector<16xf32>
    %swap3A_618 = vector.shape_cast %broadcast_in_dim3A_614 : vector<16xf32> to vector<16xf32>
    tpu.vector_store %arg9[%swap3A_615], %swap3A_618 {strides = array<i32>} : memref<4000xf32, #tpu.memory_space<vmem>>, vector<16xf32>,
    %broadcast_in_dim3A_619 = arith.constant 1.000000e+00 : f32
    %broadcast_in_dim3A_620 = vector.broadcast %broadcast_in_dim3A_619 : f32 to vector<16xf32>
    %swap3A_621 = arith.constant 1648 : index
    %swap3A_622 = tpu.vector_load %arg9[%swap3A_621] {strides = array<i32>} : memref<4000xf32, #tpu.memory_space<vmem>>, vector<16xf32>,
    %swap3A_623 = vector.shape_cast %swap3A_622 : vector<16xf32> to vector<16xf32>
    %swap3A_624 = vector.shape_cast %broadcast_in_dim3A_620 : vector<16xf32> to vector<16xf32>
    tpu.vector_store %arg9[%swap3A_621], %swap3A_624 {strides = array<i32>} : memref<4000xf32, #tpu.memory_space<vmem>>, vector<16xf32>,
    %broadcast_in_dim3A_625 = arith.constant 1.000000e+00 : f32
    %broadcast_in_dim3A_626 = vector.broadcast %broadcast_in_dim3A_625 : f32 to vector<16xf32>
    %swap3A_627 = arith.constant 1664 : index
    %swap3A_628 = tpu.vector_load %arg9[%swap3A_627] {strides = array<i32>} : memref<4000xf32, #tpu.memory_space<vmem>>, vector<16xf32>,
    %swap3A_629 = vector.shape_cast %swap3A_628 : vector<16xf32> to vector<16xf32>
    %swap3A_630 = vector.shape_cast %broadcast_in_dim3A_626 : vector<16xf32> to vector<16xf32>
    tpu.vector_store %arg9[%swap3A_627], %swap3A_630 {strides = array<i32>} : memref<4000xf32, #tpu.memory_space<vmem>>, vector<16xf32>,
    %broadcast_in_dim3A_631 = arith.constant 1.000000e+00 : f32
    %broadcast_in_dim3A_632 = vector.broadcast %broadcast_in_dim3A_631 : f32 to vector<16xf32>
    %swap3A_633 = arith.constant 1680 : index
    %swap3A_634 = tpu.vector_load %arg9[%swap3A_633] {strides = array<i32>} : memref<4000xf32, #tpu.memory_space<vmem>>, vector<16xf32>,
    %swap3A_635 = vector.shape_cast %swap3A_634 : vector<16xf32> to vector<16xf32>
    %swap3A_636 = vector.shape_cast %broadcast_in_dim3A_632 : vector<16xf32> to vector<16xf32>
    tpu.vector_store %arg9[%swap3A_633], %swap3A_636 {strides = array<i32>} : memref<4000xf32, #tpu.memory_space<vmem>>, vector<16xf32>,
    %broadcast_in_dim3A_637 = arith.constant 1.000000e+00 : f32
    %broadcast_in_dim3A_638 = vector.broadcast %broadcast_in_dim3A_637 : f32 to vector<16xf32>
    %swap3A_639 = arith.constant 1696 : index
    %swap3A_640 = tpu.vector_load %arg9[%swap3A_639] {strides = array<i32>} : memref<4000xf32, #tpu.memory_space<vmem>>, vector<16xf32>,
    %swap3A_641 = vector.shape_cast %swap3A_640 : vector<16xf32> to vector<16xf32>
    %swap3A_642 = vector.shape_cast %broadcast_in_dim3A_638 : vector<16xf32> to vector<16xf32>
    tpu.vector_store %arg9[%swap3A_639], %swap3A_642 {strides = array<i32>} : memref<4000xf32, #tpu.memory_space<vmem>>, vector<16xf32>,
    %broadcast_in_dim3A_643 = arith.constant 1.000000e+00 : f32
    %broadcast_in_dim3A_644 = vector.broadcast %broadcast_in_dim3A_643 : f32 to vector<16xf32>
    %swap3A_645 = arith.constant 1712 : index
    %swap3A_646 = tpu.vector_load %arg9[%swap3A_645] {strides = array<i32>} : memref<4000xf32, #tpu.memory_space<vmem>>, vector<16xf32>,
    %swap3A_647 = vector.shape_cast %swap3A_646 : vector<16xf32> to vector<16xf32>
    %swap3A_648 = vector.shape_cast %broadcast_in_dim3A_644 : vector<16xf32> to vector<16xf32>
    tpu.vector_store %arg9[%swap3A_645], %swap3A_648 {strides = array<i32>} : memref<4000xf32, #tpu.memory_space<vmem>>, vector<16xf32>,
    %broadcast_in_dim3A_649 = arith.constant 1.000000e+00 : f32
    %broadcast_in_dim3A_650 = vector.broadcast %broadcast_in_dim3A_649 : f32 to vector<16xf32>
    %swap3A_651 = arith.constant 1728 : index
    %swap3A_652 = tpu.vector_load %arg9[%swap3A_651] {strides = array<i32>} : memref<4000xf32, #tpu.memory_space<vmem>>, vector<16xf32>,
    %swap3A_653 = vector.shape_cast %swap3A_652 : vector<16xf32> to vector<16xf32>
    %swap3A_654 = vector.shape_cast %broadcast_in_dim3A_650 : vector<16xf32> to vector<16xf32>
    tpu.vector_store %arg9[%swap3A_651], %swap3A_654 {strides = array<i32>} : memref<4000xf32, #tpu.memory_space<vmem>>, vector<16xf32>,
    %broadcast_in_dim3A_655 = arith.constant 1.000000e+00 : f32
    %broadcast_in_dim3A_656 = vector.broadcast %broadcast_in_dim3A_655 : f32 to vector<16xf32>
    %swap3A_657 = arith.constant 1744 : index
    %swap3A_658 = tpu.vector_load %arg9[%swap3A_657] {strides = array<i32>} : memref<4000xf32, #tpu.memory_space<vmem>>, vector<16xf32>,
    %swap3A_659 = vector.shape_cast %swap3A_658 : vector<16xf32> to vector<16xf32>
    %swap3A_660 = vector.shape_cast %broadcast_in_dim3A_656 : vector<16xf32> to vector<16xf32>
    tpu.vector_store %arg9[%swap3A_657], %swap3A_660 {strides = array<i32>} : memref<4000xf32, #tpu.memory_space<vmem>>, vector<16xf32>,
    %broadcast_in_dim3A_661 = arith.constant 1.000000e+00 : f32
    %broadcast_in_dim3A_662 = vector.broadcast %broadcast_in_dim3A_661 : f32 to vector<16xf32>
    %swap3A_663 = arith.constant 1760 : index
    %swap3A_664 = tpu.vector_load %arg9[%swap3A_663] {strides = array<i32>} : memref<4000xf32, #tpu.memory_space<vmem>>, vector<16xf32>,
    %swap3A_665 = vector.shape_cast %swap3A_664 : vector<16xf32> to vector<16xf32>
    %swap3A_666 = vector.shape_cast %broadcast_in_dim3A_662 : vector<16xf32> to vector<16xf32>
    tpu.vector_store %arg9[%swap3A_663], %swap3A_666 {strides = array<i32>} : memref<4000xf32, #tpu.memory_space<vmem>>, vector<16xf32>,
    %broadcast_in_dim3A_667 = arith.constant 1.000000e+00 : f32
    %broadcast_in_dim3A_668 = vector.broadcast %broadcast_in_dim3A_667 : f32 to vector<16xf32>
    %swap3A_669 = arith.constant 1776 : index
    %swap3A_670 = tpu.vector_load %arg9[%swap3A_669] {strides = array<i32>} : memref<4000xf32, #tpu.memory_space<vmem>>, vector<16xf32>,
    %swap3A_671 = vector.shape_cast %swap3A_670 : vector<16xf32> to vector<16xf32>
    %swap3A_672 = vector.shape_cast %broadcast_in_dim3A_668 : vector<16xf32> to vector<16xf32>
    tpu.vector_store %arg9[%swap3A_669], %swap3A_672 {strides = array<i32>} : memref<4000xf32, #tpu.memory_space<vmem>>, vector<16xf32>,
    %broadcast_in_dim3A_673 = arith.constant 1.000000e+00 : f32
    %broadcast_in_dim3A_674 = vector.broadcast %broadcast_in_dim3A_673 : f32 to vector<16xf32>
    %swap3A_675 = arith.constant 1792 : index
    %swap3A_676 = tpu.vector_load %arg9[%swap3A_675] {strides = array<i32>} : memref<4000xf32, #tpu.memory_space<vmem>>, vector<16xf32>,
    %swap3A_677 = vector.shape_cast %swap3A_676 : vector<16xf32> to vector<16xf32>
    %swap3A_678 = vector.shape_cast %broadcast_in_dim3A_674 : vector<16xf32> to vector<16xf32>
    tpu.vector_store %arg9[%swap3A_675], %swap3A_678 {strides = array<i32>} : memref<4000xf32, #tpu.memory_space<vmem>>, vector<16xf32>,
    %broadcast_in_dim3A_679 = arith.constant 1.000000e+00 : f32
    %broadcast_in_dim3A_680 = vector.broadcast %broadcast_in_dim3A_679 : f32 to vector<16xf32>
    %swap3A_681 = arith.constant 1808 : index
    %swap3A_682 = tpu.vector_load %arg9[%swap3A_681] {strides = array<i32>} : memref<4000xf32, #tpu.memory_space<vmem>>, vector<16xf32>,
    %swap3A_683 = vector.shape_cast %swap3A_682 : vector<16xf32> to vector<16xf32>
    %swap3A_684 = vector.shape_cast %broadcast_in_dim3A_680 : vector<16xf32> to vector<16xf32>
    tpu.vector_store %arg9[%swap3A_681], %swap3A_684 {strides = array<i32>} : memref<4000xf32, #tpu.memory_space<vmem>>, vector<16xf32>,
    %broadcast_in_dim3A_685 = arith.constant 1.000000e+00 : f32
    %broadcast_in_dim3A_686 = vector.broadcast %broadcast_in_dim3A_685 : f32 to vector<16xf32>
    %swap3A_687 = arith.constant 1824 : index
    %swap3A_688 = tpu.vector_load %arg9[%swap3A_687] {strides = array<i32>} : memref<4000xf32, #tpu.memory_space<vmem>>, vector<16xf32>,
    %swap3A_689 = vector.shape_cast %swap3A_688 : vector<16xf32> to vector<16xf32>
    %swap3A_690 = vector.shape_cast %broadcast_in_dim3A_686 : vector<16xf32> to vector<16xf32>
    tpu.vector_store %arg9[%swap3A_687], %swap3A_690 {strides = array<i32>} : memref<4000xf32, #tpu.memory_space<vmem>>, vector<16xf32>,
    %broadcast_in_dim3A_691 = arith.constant 1.000000e+00 : f32
    %broadcast_in_dim3A_692 = vector.broadcast %broadcast_in_dim3A_691 : f32 to vector<16xf32>
    %swap3A_693 = arith.constant 1840 : index
    %swap3A_694 = tpu.vector_load %arg9[%swap3A_693] {strides = array<i32>} : memref<4000xf32, #tpu.memory_space<vmem>>, vector<16xf32>,
    %swap3A_695 = vector.shape_cast %swap3A_694 : vector<16xf32> to vector<16xf32>
    %swap3A_696 = vector.shape_cast %broadcast_in_dim3A_692 : vector<16xf32> to vector<16xf32>
    tpu.vector_store %arg9[%swap3A_693], %swap3A_696 {strides = array<i32>} : memref<4000xf32, #tpu.memory_space<vmem>>, vector<16xf32>,
    %broadcast_in_dim3A_697 = arith.constant 1.000000e+00 : f32
    %broadcast_in_dim3A_698 = vector.broadcast %broadcast_in_dim3A_697 : f32 to vector<16xf32>
    %swap3A_699 = arith.constant 1856 : index
    %swap3A_700 = tpu.vector_load %arg9[%swap3A_699] {strides = array<i32>} : memref<4000xf32, #tpu.memory_space<vmem>>, vector<16xf32>,
    %swap3A_701 = vector.shape_cast %swap3A_700 : vector<16xf32> to vector<16xf32>
    %swap3A_702 = vector.shape_cast %broadcast_in_dim3A_698 : vector<16xf32> to vector<16xf32>
    tpu.vector_store %arg9[%swap3A_699], %swap3A_702 {strides = array<i32>} : memref<4000xf32, #tpu.memory_space<vmem>>, vector<16xf32>,
    %broadcast_in_dim3A_703 = arith.constant 1.000000e+00 : f32
    %broadcast_in_dim3A_704 = vector.broadcast %broadcast_in_dim3A_703 : f32 to vector<16xf32>
    %swap3A_705 = arith.constant 1872 : index
    %swap3A_706 = tpu.vector_load %arg9[%swap3A_705] {strides = array<i32>} : memref<4000xf32, #tpu.memory_space<vmem>>, vector<16xf32>,
    %swap3A_707 = vector.shape_cast %swap3A_706 : vector<16xf32> to vector<16xf32>
    %swap3A_708 = vector.shape_cast %broadcast_in_dim3A_704 : vector<16xf32> to vector<16xf32>
    tpu.vector_store %arg9[%swap3A_705], %swap3A_708 {strides = array<i32>} : memref<4000xf32, #tpu.memory_space<vmem>>, vector<16xf32>,
    %broadcast_in_dim3A_709 = arith.constant 1.000000e+00 : f32
    %broadcast_in_dim3A_710 = vector.broadcast %broadcast_in_dim3A_709 : f32 to vector<16xf32>
    %swap3A_711 = arith.constant 1888 : index
    %swap3A_712 = tpu.vector_load %arg9[%swap3A_711] {strides = array<i32>} : memref<4000xf32, #tpu.memory_space<vmem>>, vector<16xf32>,
    %swap3A_713 = vector.shape_cast %swap3A_712 : vector<16xf32> to vector<16xf32>
    %swap3A_714 = vector.shape_cast %broadcast_in_dim3A_710 : vector<16xf32> to vector<16xf32>
    tpu.vector_store %arg9[%swap3A_711], %swap3A_714 {strides = array<i32>} : memref<4000xf32, #tpu.memory_space<vmem>>, vector<16xf32>,
    %broadcast_in_dim3A_715 = arith.constant 1.000000e+00 : f32
    %broadcast_in_dim3A_716 = vector.broadcast %broadcast_in_dim3A_715 : f32 to vector<16xf32>
    %swap3A_717 = arith.constant 1904 : index
    %swap3A_718 = tpu.vector_load %arg9[%swap3A_717] {strides = array<i32>} : memref<4000xf32, #tpu.memory_space<vmem>>, vector<16xf32>,
    %swap3A_719 = vector.shape_cast %swap3A_718 : vector<16xf32> to vector<16xf32>
    %swap3A_720 = vector.shape_cast %broadcast_in_dim3A_716 : vector<16xf32> to vector<16xf32>
    tpu.vector_store %arg9[%swap3A_717], %swap3A_720 {strides = array<i32>} : memref<4000xf32, #tpu.memory_space<vmem>>, vector<16xf32>,
    %broadcast_in_dim3A_721 = arith.constant 1.000000e+00 : f32
    %broadcast_in_dim3A_722 = vector.broadcast %broadcast_in_dim3A_721 : f32 to vector<16xf32>
    %swap3A_723 = arith.constant 1920 : index
    %swap3A_724 = tpu.vector_load %arg9[%swap3A_723] {strides = array<i32>} : memref<4000xf32, #tpu.memory_space<vmem>>, vector<16xf32>,
    %swap3A_725 = vector.shape_cast %swap3A_724 : vector<16xf32> to vector<16xf32>
    %swap3A_726 = vector.shape_cast %broadcast_in_dim3A_722 : vector<16xf32> to vector<16xf32>
    tpu.vector_store %arg9[%swap3A_723], %swap3A_726 {strides = array<i32>} : memref<4000xf32, #tpu.memory_space<vmem>>, vector<16xf32>,
    %broadcast_in_dim3A_727 = arith.constant 1.000000e+00 : f32
    %broadcast_in_dim3A_728 = vector.broadcast %broadcast_in_dim3A_727 : f32 to vector<16xf32>
    %swap3A_729 = arith.constant 1936 : index
    %swap3A_730 = tpu.vector_load %arg9[%swap3A_729] {strides = array<i32>} : memref<4000xf32, #tpu.memory_space<vmem>>, vector<16xf32>,
    %swap3A_731 = vector.shape_cast %swap3A_730 : vector<16xf32> to vector<16xf32>
    %swap3A_732 = vector.shape_cast %broadcast_in_dim3A_728 : vector<16xf32> to vector<16xf32>
    tpu.vector_store %arg9[%swap3A_729], %swap3A_732 {strides = array<i32>} : memref<4000xf32, #tpu.memory_space<vmem>>, vector<16xf32>,
    %broadcast_in_dim3A_733 = arith.constant 1.000000e+00 : f32
    %broadcast_in_dim3A_734 = vector.broadcast %broadcast_in_dim3A_733 : f32 to vector<16xf32>
    %swap3A_735 = arith.constant 1952 : index
    %swap3A_736 = tpu.vector_load %arg9[%swap3A_735] {strides = array<i32>} : memref<4000xf32, #tpu.memory_space<vmem>>, vector<16xf32>,
    %swap3A_737 = vector.shape_cast %swap3A_736 : vector<16xf32> to vector<16xf32>
    %swap3A_738 = vector.shape_cast %broadcast_in_dim3A_734 : vector<16xf32> to vector<16xf32>
    tpu.vector_store %arg9[%swap3A_735], %swap3A_738 {strides = array<i32>} : memref<4000xf32, #tpu.memory_space<vmem>>, vector<16xf32>,
    %broadcast_in_dim3A_739 = arith.constant 1.000000e+00 : f32
    %broadcast_in_dim3A_740 = vector.broadcast %broadcast_in_dim3A_739 : f32 to vector<16xf32>
    %swap3A_741 = arith.constant 1968 : index
    %swap3A_742 = tpu.vector_load %arg9[%swap3A_741] {strides = array<i32>} : memref<4000xf32, #tpu.memory_space<vmem>>, vector<16xf32>,
    %swap3A_743 = vector.shape_cast %swap3A_742 : vector<16xf32> to vector<16xf32>
    %swap3A_744 = vector.shape_cast %broadcast_in_dim3A_740 : vector<16xf32> to vector<16xf32>
    tpu.vector_store %arg9[%swap3A_741], %swap3A_744 {strides = array<i32>} : memref<4000xf32, #tpu.memory_space<vmem>>, vector<16xf32>,
    %broadcast_in_dim3A_745 = arith.constant 1.000000e+00 : f32
    %broadcast_in_dim3A_746 = vector.broadcast %broadcast_in_dim3A_745 : f32 to vector<16xf32>
    %swap3A_747 = arith.constant 1984 : index
    %swap3A_748 = tpu.vector_load %arg9[%swap3A_747] {strides = array<i32>} : memref<4000xf32, #tpu.memory_space<vmem>>, vector<16xf32>,
    %swap3A_749 = vector.shape_cast %swap3A_748 : vector<16xf32> to vector<16xf32>
    %swap3A_750 = vector.shape_cast %broadcast_in_dim3A_746 : vector<16xf32> to vector<16xf32>
    tpu.vector_store %arg9[%swap3A_747], %swap3A_750 {strides = array<i32>} : memref<4000xf32, #tpu.memory_space<vmem>>, vector<16xf32>,
    %broadcast_in_dim3A_751 = arith.constant 1.000000e+00 : f32
    %broadcast_in_dim3A_752 = vector.broadcast %broadcast_in_dim3A_751 : f32 to vector<16xf32>
    %swap3A_753 = arith.constant 2000 : index
    %swap3A_754 = tpu.vector_load %arg9[%swap3A_753] {strides = array<i32>} : memref<4000xf32, #tpu.memory_space<vmem>>, vector<16xf32>,
    %swap3A_755 = vector.shape_cast %swap3A_754 : vector<16xf32> to vector<16xf32>
    %swap3A_756 = vector.shape_cast %broadcast_in_dim3A_752 : vector<16xf32> to vector<16xf32>
    tpu.vector_store %arg9[%swap3A_753], %swap3A_756 {strides = array<i32>} : memref<4000xf32, #tpu.memory_space<vmem>>, vector<16xf32>,
    %broadcast_in_dim3A_757 = arith.constant 1.000000e+00 : f32
    %broadcast_in_dim3A_758 = vector.broadcast %broadcast_in_dim3A_757 : f32 to vector<16xf32>
    %swap3A_759 = arith.constant 2016 : index
    %swap3A_760 = tpu.vector_load %arg9[%swap3A_759] {strides = array<i32>} : memref<4000xf32, #tpu.memory_space<vmem>>, vector<16xf32>,
    %swap3A_761 = vector.shape_cast %swap3A_760 : vector<16xf32> to vector<16xf32>
    %swap3A_762 = vector.shape_cast %broadcast_in_dim3A_758 : vector<16xf32> to vector<16xf32>
    tpu.vector_store %arg9[%swap3A_759], %swap3A_762 {strides = array<i32>} : memref<4000xf32, #tpu.memory_space<vmem>>, vector<16xf32>,
    %broadcast_in_dim3A_763 = arith.constant 1.000000e+00 : f32
    %broadcast_in_dim3A_764 = vector.broadcast %broadcast_in_dim3A_763 : f32 to vector<16xf32>
    %swap3A_765 = arith.constant 2032 : index
    %swap3A_766 = tpu.vector_load %arg9[%swap3A_765] {strides = array<i32>} : memref<4000xf32, #tpu.memory_space<vmem>>, vector<16xf32>,
    %swap3A_767 = vector.shape_cast %swap3A_766 : vector<16xf32> to vector<16xf32>
    %swap3A_768 = vector.shape_cast %broadcast_in_dim3A_764 : vector<16xf32> to vector<16xf32>
    tpu.vector_store %arg9[%swap3A_765], %swap3A_768 {strides = array<i32>} : memref<4000xf32, #tpu.memory_space<vmem>>, vector<16xf32>,
    %broadcast_in_dim3A_769 = arith.constant 1.000000e+00 : f32
    %broadcast_in_dim3A_770 = vector.broadcast %broadcast_in_dim3A_769 : f32 to vector<16xf32>
    %swap3A_771 = arith.constant 2048 : index
    %swap3A_772 = tpu.vector_load %arg9[%swap3A_771] {strides = array<i32>} : memref<4000xf32, #tpu.memory_space<vmem>>, vector<16xf32>,
    %swap3A_773 = vector.shape_cast %swap3A_772 : vector<16xf32> to vector<16xf32>
    %swap3A_774 = vector.shape_cast %broadcast_in_dim3A_770 : vector<16xf32> to vector<16xf32>
    tpu.vector_store %arg9[%swap3A_771], %swap3A_774 {strides = array<i32>} : memref<4000xf32, #tpu.memory_space<vmem>>, vector<16xf32>,
    %broadcast_in_dim3A_775 = arith.constant 1.000000e+00 : f32
    %broadcast_in_dim3A_776 = vector.broadcast %broadcast_in_dim3A_775 : f32 to vector<16xf32>
    %swap3A_777 = arith.constant 2064 : index
    %swap3A_778 = tpu.vector_load %arg9[%swap3A_777] {strides = array<i32>} : memref<4000xf32, #tpu.memory_space<vmem>>, vector<16xf32>,
    %swap3A_779 = vector.shape_cast %swap3A_778 : vector<16xf32> to vector<16xf32>
    %swap3A_780 = vector.shape_cast %broadcast_in_dim3A_776 : vector<16xf32> to vector<16xf32>
    tpu.vector_store %arg9[%swap3A_777], %swap3A_780 {strides = array<i32>} : memref<4000xf32, #tpu.memory_space<vmem>>, vector<16xf32>,
    %broadcast_in_dim3A_781 = arith.constant 1.000000e+00 : f32
    %broadcast_in_dim3A_782 = vector.broadcast %broadcast_in_dim3A_781 : f32 to vector<16xf32>
    %swap3A_783 = arith.constant 2080 : index
    %swap3A_784 = tpu.vector_load %arg9[%swap3A_783] {strides = array<i32>} : memref<4000xf32, #tpu.memory_space<vmem>>, vector<16xf32>,
    %swap3A_785 = vector.shape_cast %swap3A_784 : vector<16xf32> to vector<16xf32>
    %swap3A_786 = vector.shape_cast %broadcast_in_dim3A_782 : vector<16xf32> to vector<16xf32>
    tpu.vector_store %arg9[%swap3A_783], %swap3A_786 {strides = array<i32>} : memref<4000xf32, #tpu.memory_space<vmem>>, vector<16xf32>,
    %broadcast_in_dim3A_787 = arith.constant 1.000000e+00 : f32
    %broadcast_in_dim3A_788 = vector.broadcast %broadcast_in_dim3A_787 : f32 to vector<16xf32>
    %swap3A_789 = arith.constant 2096 : index
    %swap3A_790 = tpu.vector_load %arg9[%swap3A_789] {strides = array<i32>} : memref<4000xf32, #tpu.memory_space<vmem>>, vector<16xf32>,
    %swap3A_791 = vector.shape_cast %swap3A_790 : vector<16xf32> to vector<16xf32>
    %swap3A_792 = vector.shape_cast %broadcast_in_dim3A_788 : vector<16xf32> to vector<16xf32>
    tpu.vector_store %arg9[%swap3A_789], %swap3A_792 {strides = array<i32>} : memref<4000xf32, #tpu.memory_space<vmem>>, vector<16xf32>,
    %broadcast_in_dim3A_793 = arith.constant 1.000000e+00 : f32
    %broadcast_in_dim3A_794 = vector.broadcast %broadcast_in_dim3A_793 : f32 to vector<16xf32>
    %swap3A_795 = arith.constant 2112 : index
    %swap3A_796 = tpu.vector_load %arg9[%swap3A_795] {strides = array<i32>} : memref<4000xf32, #tpu.memory_space<vmem>>, vector<16xf32>,
    %swap3A_797 = vector.shape_cast %swap3A_796 : vector<16xf32> to vector<16xf32>
    %swap3A_798 = vector.shape_cast %broadcast_in_dim3A_794 : vector<16xf32> to vector<16xf32>
    tpu.vector_store %arg9[%swap3A_795], %swap3A_798 {strides = array<i32>} : memref<4000xf32, #tpu.memory_space<vmem>>, vector<16xf32>,
    %broadcast_in_dim3A_799 = arith.constant 1.000000e+00 : f32
    %broadcast_in_dim3A_800 = vector.broadcast %broadcast_in_dim3A_799 : f32 to vector<16xf32>
    %swap3A_801 = arith.constant 2128 : index
    %swap3A_802 = tpu.vector_load %arg9[%swap3A_801] {strides = array<i32>} : memref<4000xf32, #tpu.memory_space<vmem>>, vector<16xf32>,
    %swap3A_803 = vector.shape_cast %swap3A_802 : vector<16xf32> to vector<16xf32>
    %swap3A_804 = vector.shape_cast %broadcast_in_dim3A_800 : vector<16xf32> to vector<16xf32>
    tpu.vector_store %arg9[%swap3A_801], %swap3A_804 {strides = array<i32>} : memref<4000xf32, #tpu.memory_space<vmem>>, vector<16xf32>,
    %broadcast_in_dim3A_805 = arith.constant 1.000000e+00 : f32
    %broadcast_in_dim3A_806 = vector.broadcast %broadcast_in_dim3A_805 : f32 to vector<16xf32>
    %swap3A_807 = arith.constant 2144 : index
    %swap3A_808 = tpu.vector_load %arg9[%swap3A_807] {strides = array<i32>} : memref<4000xf32, #tpu.memory_space<vmem>>, vector<16xf32>,
    %swap3A_809 = vector.shape_cast %swap3A_808 : vector<16xf32> to vector<16xf32>
    %swap3A_810 = vector.shape_cast %broadcast_in_dim3A_806 : vector<16xf32> to vector<16xf32>
    tpu.vector_store %arg9[%swap3A_807], %swap3A_810 {strides = array<i32>} : memref<4000xf32, #tpu.memory_space<vmem>>, vector<16xf32>,
    %broadcast_in_dim3A_811 = arith.constant 1.000000e+00 : f32
    %broadcast_in_dim3A_812 = vector.broadcast %broadcast_in_dim3A_811 : f32 to vector<16xf32>
    %swap3A_813 = arith.constant 2160 : index
    %swap3A_814 = tpu.vector_load %arg9[%swap3A_813] {strides = array<i32>} : memref<4000xf32, #tpu.memory_space<vmem>>, vector<16xf32>,
    %swap3A_815 = vector.shape_cast %swap3A_814 : vector<16xf32> to vector<16xf32>
    %swap3A_816 = vector.shape_cast %broadcast_in_dim3A_812 : vector<16xf32> to vector<16xf32>
    tpu.vector_store %arg9[%swap3A_813], %swap3A_816 {strides = array<i32>} : memref<4000xf32, #tpu.memory_space<vmem>>, vector<16xf32>,
    %broadcast_in_dim3A_817 = arith.constant 1.000000e+00 : f32
    %broadcast_in_dim3A_818 = vector.broadcast %broadcast_in_dim3A_817 : f32 to vector<16xf32>
    %swap3A_819 = arith.constant 2176 : index
    %swap3A_820 = tpu.vector_load %arg9[%swap3A_819] {strides = array<i32>} : memref<4000xf32, #tpu.memory_space<vmem>>, vector<16xf32>,
    %swap3A_821 = vector.shape_cast %swap3A_820 : vector<16xf32> to vector<16xf32>
    %swap3A_822 = vector.shape_cast %broadcast_in_dim3A_818 : vector<16xf32> to vector<16xf32>
    tpu.vector_store %arg9[%swap3A_819], %swap3A_822 {strides = array<i32>} : memref<4000xf32, #tpu.memory_space<vmem>>, vector<16xf32>,
    %broadcast_in_dim3A_823 = arith.constant 1.000000e+00 : f32
    %broadcast_in_dim3A_824 = vector.broadcast %broadcast_in_dim3A_823 : f32 to vector<16xf32>
    %swap3A_825 = arith.constant 2192 : index
    %swap3A_826 = tpu.vector_load %arg9[%swap3A_825] {strides = array<i32>} : memref<4000xf32, #tpu.memory_space<vmem>>, vector<16xf32>,
    %swap3A_827 = vector.shape_cast %swap3A_826 : vector<16xf32> to vector<16xf32>
    %swap3A_828 = vector.shape_cast %broadcast_in_dim3A_824 : vector<16xf32> to vector<16xf32>
    tpu.vector_store %arg9[%swap3A_825], %swap3A_828 {strides = array<i32>} : memref<4000xf32, #tpu.memory_space<vmem>>, vector<16xf32>,
    %broadcast_in_dim3A_829 = arith.constant 1.000000e+00 : f32
    %broadcast_in_dim3A_830 = vector.broadcast %broadcast_in_dim3A_829 : f32 to vector<16xf32>
    %swap3A_831 = arith.constant 2208 : index
    %swap3A_832 = tpu.vector_load %arg9[%swap3A_831] {strides = array<i32>} : memref<4000xf32, #tpu.memory_space<vmem>>, vector<16xf32>,
    %swap3A_833 = vector.shape_cast %swap3A_832 : vector<16xf32> to vector<16xf32>
    %swap3A_834 = vector.shape_cast %broadcast_in_dim3A_830 : vector<16xf32> to vector<16xf32>
    tpu.vector_store %arg9[%swap3A_831], %swap3A_834 {strides = array<i32>} : memref<4000xf32, #tpu.memory_space<vmem>>, vector<16xf32>,
    %broadcast_in_dim3A_835 = arith.constant 1.000000e+00 : f32
    %broadcast_in_dim3A_836 = vector.broadcast %broadcast_in_dim3A_835 : f32 to vector<16xf32>
    %swap3A_837 = arith.constant 2224 : index
    %swap3A_838 = tpu.vector_load %arg9[%swap3A_837] {strides = array<i32>} : memref<4000xf32, #tpu.memory_space<vmem>>, vector<16xf32>,
    %swap3A_839 = vector.shape_cast %swap3A_838 : vector<16xf32> to vector<16xf32>
    %swap3A_840 = vector.shape_cast %broadcast_in_dim3A_836 : vector<16xf32> to vector<16xf32>
    tpu.vector_store %arg9[%swap3A_837], %swap3A_840 {strides = array<i32>} : memref<4000xf32, #tpu.memory_space<vmem>>, vector<16xf32>,
    %broadcast_in_dim3A_841 = arith.constant 1.000000e+00 : f32
    %broadcast_in_dim3A_842 = vector.broadcast %broadcast_in_dim3A_841 : f32 to vector<16xf32>
    %swap3A_843 = arith.constant 2240 : index
    %swap3A_844 = tpu.vector_load %arg9[%swap3A_843] {strides = array<i32>} : memref<4000xf32, #tpu.memory_space<vmem>>, vector<16xf32>,
    %swap3A_845 = vector.shape_cast %swap3A_844 : vector<16xf32> to vector<16xf32>
    %swap3A_846 = vector.shape_cast %broadcast_in_dim3A_842 : vector<16xf32> to vector<16xf32>
    tpu.vector_store %arg9[%swap3A_843], %swap3A_846 {strides = array<i32>} : memref<4000xf32, #tpu.memory_space<vmem>>, vector<16xf32>,
    %broadcast_in_dim3A_847 = arith.constant 1.000000e+00 : f32
    %broadcast_in_dim3A_848 = vector.broadcast %broadcast_in_dim3A_847 : f32 to vector<16xf32>
    %swap3A_849 = arith.constant 2256 : index
    %swap3A_850 = tpu.vector_load %arg9[%swap3A_849] {strides = array<i32>} : memref<4000xf32, #tpu.memory_space<vmem>>, vector<16xf32>,
    %swap3A_851 = vector.shape_cast %swap3A_850 : vector<16xf32> to vector<16xf32>
    %swap3A_852 = vector.shape_cast %broadcast_in_dim3A_848 : vector<16xf32> to vector<16xf32>
    tpu.vector_store %arg9[%swap3A_849], %swap3A_852 {strides = array<i32>} : memref<4000xf32, #tpu.memory_space<vmem>>, vector<16xf32>,
    %broadcast_in_dim3A_853 = arith.constant 1.000000e+00 : f32
    %broadcast_in_dim3A_854 = vector.broadcast %broadcast_in_dim3A_853 : f32 to vector<16xf32>
    %swap3A_855 = arith.constant 2272 : index
    %swap3A_856 = tpu.vector_load %arg9[%swap3A_855] {strides = array<i32>} : memref<4000xf32, #tpu.memory_space<vmem>>, vector<16xf32>,
    %swap3A_857 = vector.shape_cast %swap3A_856 : vector<16xf32> to vector<16xf32>
    %swap3A_858 = vector.shape_cast %broadcast_in_dim3A_854 : vector<16xf32> to vector<16xf32>
    tpu.vector_store %arg9[%swap3A_855], %swap3A_858 {strides = array<i32>} : memref<4000xf32, #tpu.memory_space<vmem>>, vector<16xf32>,
    %broadcast_in_dim3A_859 = arith.constant 1.000000e+00 : f32
    %broadcast_in_dim3A_860 = vector.broadcast %broadcast_in_dim3A_859 : f32 to vector<16xf32>
    %swap3A_861 = arith.constant 2288 : index
    %swap3A_862 = tpu.vector_load %arg9[%swap3A_861] {strides = array<i32>} : memref<4000xf32, #tpu.memory_space<vmem>>, vector<16xf32>,
    %swap3A_863 = vector.shape_cast %swap3A_862 : vector<16xf32> to vector<16xf32>
    %swap3A_864 = vector.shape_cast %broadcast_in_dim3A_860 : vector<16xf32> to vector<16xf32>
    tpu.vector_store %arg9[%swap3A_861], %swap3A_864 {strides = array<i32>} : memref<4000xf32, #tpu.memory_space<vmem>>, vector<16xf32>,
    %broadcast_in_dim3A_865 = arith.constant 1.000000e+00 : f32
    %broadcast_in_dim3A_866 = vector.broadcast %broadcast_in_dim3A_865 : f32 to vector<16xf32>
    %swap3A_867 = arith.constant 2304 : index
    %swap3A_868 = tpu.vector_load %arg9[%swap3A_867] {strides = array<i32>} : memref<4000xf32, #tpu.memory_space<vmem>>, vector<16xf32>,
    %swap3A_869 = vector.shape_cast %swap3A_868 : vector<16xf32> to vector<16xf32>
    %swap3A_870 = vector.shape_cast %broadcast_in_dim3A_866 : vector<16xf32> to vector<16xf32>
    tpu.vector_store %arg9[%swap3A_867], %swap3A_870 {strides = array<i32>} : memref<4000xf32, #tpu.memory_space<vmem>>, vector<16xf32>,
    %broadcast_in_dim3A_871 = arith.constant 1.000000e+00 : f32
    %broadcast_in_dim3A_872 = vector.broadcast %broadcast_in_dim3A_871 : f32 to vector<16xf32>
    %swap3A_873 = arith.constant 2320 : index
    %swap3A_874 = tpu.vector_load %arg9[%swap3A_873] {strides = array<i32>} : memref<4000xf32, #tpu.memory_space<vmem>>, vector<16xf32>,
    %swap3A_875 = vector.shape_cast %swap3A_874 : vector<16xf32> to vector<16xf32>
    %swap3A_876 = vector.shape_cast %broadcast_in_dim3A_872 : vector<16xf32> to vector<16xf32>
    tpu.vector_store %arg9[%swap3A_873], %swap3A_876 {strides = array<i32>} : memref<4000xf32, #tpu.memory_space<vmem>>, vector<16xf32>,
    %broadcast_in_dim3A_877 = arith.constant 1.000000e+00 : f32
    %broadcast_in_dim3A_878 = vector.broadcast %broadcast_in_dim3A_877 : f32 to vector<16xf32>
    %swap3A_879 = arith.constant 2336 : index
    %swap3A_880 = tpu.vector_load %arg9[%swap3A_879] {strides = array<i32>} : memref<4000xf32, #tpu.memory_space<vmem>>, vector<16xf32>,
    %swap3A_881 = vector.shape_cast %swap3A_880 : vector<16xf32> to vector<16xf32>
    %swap3A_882 = vector.shape_cast %broadcast_in_dim3A_878 : vector<16xf32> to vector<16xf32>
    tpu.vector_store %arg9[%swap3A_879], %swap3A_882 {strides = array<i32>} : memref<4000xf32, #tpu.memory_space<vmem>>, vector<16xf32>,
    %broadcast_in_dim3A_883 = arith.constant 1.000000e+00 : f32
    %broadcast_in_dim3A_884 = vector.broadcast %broadcast_in_dim3A_883 : f32 to vector<16xf32>
    %swap3A_885 = arith.constant 2352 : index
    %swap3A_886 = tpu.vector_load %arg9[%swap3A_885] {strides = array<i32>} : memref<4000xf32, #tpu.memory_space<vmem>>, vector<16xf32>,
    %swap3A_887 = vector.shape_cast %swap3A_886 : vector<16xf32> to vector<16xf32>
    %swap3A_888 = vector.shape_cast %broadcast_in_dim3A_884 : vector<16xf32> to vector<16xf32>
    tpu.vector_store %arg9[%swap3A_885], %swap3A_888 {strides = array<i32>} : memref<4000xf32, #tpu.memory_space<vmem>>, vector<16xf32>,
    %broadcast_in_dim3A_889 = arith.constant 1.000000e+00 : f32
    %broadcast_in_dim3A_890 = vector.broadcast %broadcast_in_dim3A_889 : f32 to vector<16xf32>
    %swap3A_891 = arith.constant 2368 : index
    %swap3A_892 = tpu.vector_load %arg9[%swap3A_891] {strides = array<i32>} : memref<4000xf32, #tpu.memory_space<vmem>>, vector<16xf32>,
    %swap3A_893 = vector.shape_cast %swap3A_892 : vector<16xf32> to vector<16xf32>
    %swap3A_894 = vector.shape_cast %broadcast_in_dim3A_890 : vector<16xf32> to vector<16xf32>
    tpu.vector_store %arg9[%swap3A_891], %swap3A_894 {strides = array<i32>} : memref<4000xf32, #tpu.memory_space<vmem>>, vector<16xf32>,
    %broadcast_in_dim3A_895 = arith.constant 1.000000e+00 : f32
    %broadcast_in_dim3A_896 = vector.broadcast %broadcast_in_dim3A_895 : f32 to vector<16xf32>
    %swap3A_897 = arith.constant 2384 : index
    %swap3A_898 = tpu.vector_load %arg9[%swap3A_897] {strides = array<i32>} : memref<4000xf32, #tpu.memory_space<vmem>>, vector<16xf32>,
    %swap3A_899 = vector.shape_cast %swap3A_898 : vector<16xf32> to vector<16xf32>
    %swap3A_900 = vector.shape_cast %broadcast_in_dim3A_896 : vector<16xf32> to vector<16xf32>
    tpu.vector_store %arg9[%swap3A_897], %swap3A_900 {strides = array<i32>} : memref<4000xf32, #tpu.memory_space<vmem>>, vector<16xf32>,
    %broadcast_in_dim3A_901 = arith.constant 1.000000e+00 : f32
    %broadcast_in_dim3A_902 = vector.broadcast %broadcast_in_dim3A_901 : f32 to vector<16xf32>
    %swap3A_903 = arith.constant 2400 : index
    %swap3A_904 = tpu.vector_load %arg9[%swap3A_903] {strides = array<i32>} : memref<4000xf32, #tpu.memory_space<vmem>>, vector<16xf32>,
    %swap3A_905 = vector.shape_cast %swap3A_904 : vector<16xf32> to vector<16xf32>
    %swap3A_906 = vector.shape_cast %broadcast_in_dim3A_902 : vector<16xf32> to vector<16xf32>
    tpu.vector_store %arg9[%swap3A_903], %swap3A_906 {strides = array<i32>} : memref<4000xf32, #tpu.memory_space<vmem>>, vector<16xf32>,
    %broadcast_in_dim3A_907 = arith.constant 1.000000e+00 : f32
    %broadcast_in_dim3A_908 = vector.broadcast %broadcast_in_dim3A_907 : f32 to vector<16xf32>
    %swap3A_909 = arith.constant 2416 : index
    %swap3A_910 = tpu.vector_load %arg9[%swap3A_909] {strides = array<i32>} : memref<4000xf32, #tpu.memory_space<vmem>>, vector<16xf32>,
    %swap3A_911 = vector.shape_cast %swap3A_910 : vector<16xf32> to vector<16xf32>
    %swap3A_912 = vector.shape_cast %broadcast_in_dim3A_908 : vector<16xf32> to vector<16xf32>
    tpu.vector_store %arg9[%swap3A_909], %swap3A_912 {strides = array<i32>} : memref<4000xf32, #tpu.memory_space<vmem>>, vector<16xf32>,
    %broadcast_in_dim3A_913 = arith.constant 1.000000e+00 : f32
    %broadcast_in_dim3A_914 = vector.broadcast %broadcast_in_dim3A_913 : f32 to vector<16xf32>
    %swap3A_915 = arith.constant 2432 : index
    %swap3A_916 = tpu.vector_load %arg9[%swap3A_915] {strides = array<i32>} : memref<4000xf32, #tpu.memory_space<vmem>>, vector<16xf32>,
    %swap3A_917 = vector.shape_cast %swap3A_916 : vector<16xf32> to vector<16xf32>
    %swap3A_918 = vector.shape_cast %broadcast_in_dim3A_914 : vector<16xf32> to vector<16xf32>
    tpu.vector_store %arg9[%swap3A_915], %swap3A_918 {strides = array<i32>} : memref<4000xf32, #tpu.memory_space<vmem>>, vector<16xf32>,
    %broadcast_in_dim3A_919 = arith.constant 1.000000e+00 : f32
    %broadcast_in_dim3A_920 = vector.broadcast %broadcast_in_dim3A_919 : f32 to vector<16xf32>
    %swap3A_921 = arith.constant 2448 : index
    %swap3A_922 = tpu.vector_load %arg9[%swap3A_921] {strides = array<i32>} : memref<4000xf32, #tpu.memory_space<vmem>>, vector<16xf32>,
    %swap3A_923 = vector.shape_cast %swap3A_922 : vector<16xf32> to vector<16xf32>
    %swap3A_924 = vector.shape_cast %broadcast_in_dim3A_920 : vector<16xf32> to vector<16xf32>
    tpu.vector_store %arg9[%swap3A_921], %swap3A_924 {strides = array<i32>} : memref<4000xf32, #tpu.memory_space<vmem>>, vector<16xf32>,
    %broadcast_in_dim3A_925 = arith.constant 1.000000e+00 : f32
    %broadcast_in_dim3A_926 = vector.broadcast %broadcast_in_dim3A_925 : f32 to vector<16xf32>
    %swap3A_927 = arith.constant 2464 : index
    %swap3A_928 = tpu.vector_load %arg9[%swap3A_927] {strides = array<i32>} : memref<4000xf32, #tpu.memory_space<vmem>>, vector<16xf32>,
    %swap3A_929 = vector.shape_cast %swap3A_928 : vector<16xf32> to vector<16xf32>
    %swap3A_930 = vector.shape_cast %broadcast_in_dim3A_926 : vector<16xf32> to vector<16xf32>
    tpu.vector_store %arg9[%swap3A_927], %swap3A_930 {strides = array<i32>} : memref<4000xf32, #tpu.memory_space<vmem>>, vector<16xf32>,
    %broadcast_in_dim3A_931 = arith.constant 1.000000e+00 : f32
    %broadcast_in_dim3A_932 = vector.broadcast %broadcast_in_dim3A_931 : f32 to vector<16xf32>
    %swap3A_933 = arith.constant 2480 : index
    %swap3A_934 = tpu.vector_load %arg9[%swap3A_933] {strides = array<i32>} : memref<4000xf32, #tpu.memory_space<vmem>>, vector<16xf32>,
    %swap3A_935 = vector.shape_cast %swap3A_934 : vector<16xf32> to vector<16xf32>
    %swap3A_936 = vector.shape_cast %broadcast_in_dim3A_932 : vector<16xf32> to vector<16xf32>
    tpu.vector_store %arg9[%swap3A_933], %swap3A_936 {strides = array<i32>} : memref<4000xf32, #tpu.memory_space<vmem>>, vector<16xf32>,
    %broadcast_in_dim3A_937 = arith.constant 1.000000e+00 : f32
    %broadcast_in_dim3A_938 = vector.broadcast %broadcast_in_dim3A_937 : f32 to vector<16xf32>
    %swap3A_939 = arith.constant 2496 : index
    %swap3A_940 = tpu.vector_load %arg9[%swap3A_939] {strides = array<i32>} : memref<4000xf32, #tpu.memory_space<vmem>>, vector<16xf32>,
    %swap3A_941 = vector.shape_cast %swap3A_940 : vector<16xf32> to vector<16xf32>
    %swap3A_942 = vector.shape_cast %broadcast_in_dim3A_938 : vector<16xf32> to vector<16xf32>
    tpu.vector_store %arg9[%swap3A_939], %swap3A_942 {strides = array<i32>} : memref<4000xf32, #tpu.memory_space<vmem>>, vector<16xf32>,
    %broadcast_in_dim3A_943 = arith.constant 1.000000e+00 : f32
    %broadcast_in_dim3A_944 = vector.broadcast %broadcast_in_dim3A_943 : f32 to vector<16xf32>
    %swap3A_945 = arith.constant 2512 : index
    %swap3A_946 = tpu.vector_load %arg9[%swap3A_945] {strides = array<i32>} : memref<4000xf32, #tpu.memory_space<vmem>>, vector<16xf32>,
    %swap3A_947 = vector.shape_cast %swap3A_946 : vector<16xf32> to vector<16xf32>
    %swap3A_948 = vector.shape_cast %broadcast_in_dim3A_944 : vector<16xf32> to vector<16xf32>
    tpu.vector_store %arg9[%swap3A_945], %swap3A_948 {strides = array<i32>} : memref<4000xf32, #tpu.memory_space<vmem>>, vector<16xf32>,
    %broadcast_in_dim3A_949 = arith.constant 1.000000e+00 : f32
    %broadcast_in_dim3A_950 = vector.broadcast %broadcast_in_dim3A_949 : f32 to vector<16xf32>
    %swap3A_951 = arith.constant 2528 : index
    %swap3A_952 = tpu.vector_load %arg9[%swap3A_951] {strides = array<i32>} : memref<4000xf32, #tpu.memory_space<vmem>>, vector<16xf32>,
    %swap3A_953 = vector.shape_cast %swap3A_952 : vector<16xf32> to vector<16xf32>
    %swap3A_954 = vector.shape_cast %broadcast_in_dim3A_950 : vector<16xf32> to vector<16xf32>
    tpu.vector_store %arg9[%swap3A_951], %swap3A_954 {strides = array<i32>} : memref<4000xf32, #tpu.memory_space<vmem>>, vector<16xf32>,
    %broadcast_in_dim3A_955 = arith.constant 1.000000e+00 : f32
    %broadcast_in_dim3A_956 = vector.broadcast %broadcast_in_dim3A_955 : f32 to vector<16xf32>
    %swap3A_957 = arith.constant 2544 : index
    %swap3A_958 = tpu.vector_load %arg9[%swap3A_957] {strides = array<i32>} : memref<4000xf32, #tpu.memory_space<vmem>>, vector<16xf32>,
    %swap3A_959 = vector.shape_cast %swap3A_958 : vector<16xf32> to vector<16xf32>
    %swap3A_960 = vector.shape_cast %broadcast_in_dim3A_956 : vector<16xf32> to vector<16xf32>
    tpu.vector_store %arg9[%swap3A_957], %swap3A_960 {strides = array<i32>} : memref<4000xf32, #tpu.memory_space<vmem>>, vector<16xf32>,
    %broadcast_in_dim3A_961 = arith.constant 1.000000e+00 : f32
    %broadcast_in_dim3A_962 = vector.broadcast %broadcast_in_dim3A_961 : f32 to vector<16xf32>
    %swap3A_963 = arith.constant 2560 : index
    %swap3A_964 = tpu.vector_load %arg9[%swap3A_963] {strides = array<i32>} : memref<4000xf32, #tpu.memory_space<vmem>>, vector<16xf32>,
    %swap3A_965 = vector.shape_cast %swap3A_964 : vector<16xf32> to vector<16xf32>
    %swap3A_966 = vector.shape_cast %broadcast_in_dim3A_962 : vector<16xf32> to vector<16xf32>
    tpu.vector_store %arg9[%swap3A_963], %swap3A_966 {strides = array<i32>} : memref<4000xf32, #tpu.memory_space<vmem>>, vector<16xf32>,
    %broadcast_in_dim3A_967 = arith.constant 1.000000e+00 : f32
    %broadcast_in_dim3A_968 = vector.broadcast %broadcast_in_dim3A_967 : f32 to vector<16xf32>
    %swap3A_969 = arith.constant 2576 : index
    %swap3A_970 = tpu.vector_load %arg9[%swap3A_969] {strides = array<i32>} : memref<4000xf32, #tpu.memory_space<vmem>>, vector<16xf32>,
    %swap3A_971 = vector.shape_cast %swap3A_970 : vector<16xf32> to vector<16xf32>
    %swap3A_972 = vector.shape_cast %broadcast_in_dim3A_968 : vector<16xf32> to vector<16xf32>
    tpu.vector_store %arg9[%swap3A_969], %swap3A_972 {strides = array<i32>} : memref<4000xf32, #tpu.memory_space<vmem>>, vector<16xf32>,
    %broadcast_in_dim3A_973 = arith.constant 1.000000e+00 : f32
    %broadcast_in_dim3A_974 = vector.broadcast %broadcast_in_dim3A_973 : f32 to vector<16xf32>
    %swap3A_975 = arith.constant 2592 : index
    %swap3A_976 = tpu.vector_load %arg9[%swap3A_975] {strides = array<i32>} : memref<4000xf32, #tpu.memory_space<vmem>>, vector<16xf32>,
    %swap3A_977 = vector.shape_cast %swap3A_976 : vector<16xf32> to vector<16xf32>
    %swap3A_978 = vector.shape_cast %broadcast_in_dim3A_974 : vector<16xf32> to vector<16xf32>
    tpu.vector_store %arg9[%swap3A_975], %swap3A_978 {strides = array<i32>} : memref<4000xf32, #tpu.memory_space<vmem>>, vector<16xf32>,
    %broadcast_in_dim3A_979 = arith.constant 1.000000e+00 : f32
    %broadcast_in_dim3A_980 = vector.broadcast %broadcast_in_dim3A_979 : f32 to vector<16xf32>
    %swap3A_981 = arith.constant 2608 : index
    %swap3A_982 = tpu.vector_load %arg9[%swap3A_981] {strides = array<i32>} : memref<4000xf32, #tpu.memory_space<vmem>>, vector<16xf32>,
    %swap3A_983 = vector.shape_cast %swap3A_982 : vector<16xf32> to vector<16xf32>
    %swap3A_984 = vector.shape_cast %broadcast_in_dim3A_980 : vector<16xf32> to vector<16xf32>
    tpu.vector_store %arg9[%swap3A_981], %swap3A_984 {strides = array<i32>} : memref<4000xf32, #tpu.memory_space<vmem>>, vector<16xf32>,
    %broadcast_in_dim3A_985 = arith.constant 1.000000e+00 : f32
    %broadcast_in_dim3A_986 = vector.broadcast %broadcast_in_dim3A_985 : f32 to vector<16xf32>
    %swap3A_987 = arith.constant 2624 : index
    %swap3A_988 = tpu.vector_load %arg9[%swap3A_987] {strides = array<i32>} : memref<4000xf32, #tpu.memory_space<vmem>>, vector<16xf32>,
    %swap3A_989 = vector.shape_cast %swap3A_988 : vector<16xf32> to vector<16xf32>
    %swap3A_990 = vector.shape_cast %broadcast_in_dim3A_986 : vector<16xf32> to vector<16xf32>
    tpu.vector_store %arg9[%swap3A_987], %swap3A_990 {strides = array<i32>} : memref<4000xf32, #tpu.memory_space<vmem>>, vector<16xf32>,
    %broadcast_in_dim3A_991 = arith.constant 1.000000e+00 : f32
    %broadcast_in_dim3A_992 = vector.broadcast %broadcast_in_dim3A_991 : f32 to vector<16xf32>
    %swap3A_993 = arith.constant 2640 : index
    %swap3A_994 = tpu.vector_load %arg9[%swap3A_993] {strides = array<i32>} : memref<4000xf32, #tpu.memory_space<vmem>>, vector<16xf32>,
    %swap3A_995 = vector.shape_cast %swap3A_994 : vector<16xf32> to vector<16xf32>
    %swap3A_996 = vector.shape_cast %broadcast_in_dim3A_992 : vector<16xf32> to vector<16xf32>
    tpu.vector_store %arg9[%swap3A_993], %swap3A_996 {strides = array<i32>} : memref<4000xf32, #tpu.memory_space<vmem>>, vector<16xf32>,
    %broadcast_in_dim3A_997 = arith.constant 1.000000e+00 : f32
    %broadcast_in_dim3A_998 = vector.broadcast %broadcast_in_dim3A_997 : f32 to vector<16xf32>
    %swap3A_999 = arith.constant 2656 : index
    %swap3A_1000 = tpu.vector_load %arg9[%swap3A_999] {strides = array<i32>} : memref<4000xf32, #tpu.memory_space<vmem>>, vector<16xf32>,
    %swap3A_1001 = vector.shape_cast %swap3A_1000 : vector<16xf32> to vector<16xf32>
    %swap3A_1002 = vector.shape_cast %broadcast_in_dim3A_998 : vector<16xf32> to vector<16xf32>
    tpu.vector_store %arg9[%swap3A_999], %swap3A_1002 {strides = array<i32>} : memref<4000xf32, #tpu.memory_space<vmem>>, vector<16xf32>,
    %broadcast_in_dim3A_1003 = arith.constant 1.000000e+00 : f32
    %broadcast_in_dim3A_1004 = vector.broadcast %broadcast_in_dim3A_1003 : f32 to vector<16xf32>
    %swap3A_1005 = arith.constant 2672 : index
    %swap3A_1006 = tpu.vector_load %arg9[%swap3A_1005] {strides = array<i32>} : memref<4000xf32, #tpu.memory_space<vmem>>, vector<16xf32>,
    %swap3A_1007 = vector.shape_cast %swap3A_1006 : vector<16xf32> to vector<16xf32>
    %swap3A_1008 = vector.shape_cast %broadcast_in_dim3A_1004 : vector<16xf32> to vector<16xf32>
    tpu.vector_store %arg9[%swap3A_1005], %swap3A_1008 {strides = array<i32>} : memref<4000xf32, #tpu.memory_space<vmem>>, vector<16xf32>,
    %broadcast_in_dim3A_1009 = arith.constant 1.000000e+00 : f32
    %broadcast_in_dim3A_1010 = vector.broadcast %broadcast_in_dim3A_1009 : f32 to vector<16xf32>
    %swap3A_1011 = arith.constant 2688 : index
    %swap3A_1012 = tpu.vector_load %arg9[%swap3A_1011] {strides = array<i32>} : memref<4000xf32, #tpu.memory_space<vmem>>, vector<16xf32>,
    %swap3A_1013 = vector.shape_cast %swap3A_1012 : vector<16xf32> to vector<16xf32>
    %swap3A_1014 = vector.shape_cast %broadcast_in_dim3A_1010 : vector<16xf32> to vector<16xf32>
    tpu.vector_store %arg9[%swap3A_1011], %swap3A_1014 {strides = array<i32>} : memref<4000xf32, #tpu.memory_space<vmem>>, vector<16xf32>,
    %broadcast_in_dim3A_1015 = arith.constant 1.000000e+00 : f32
    %broadcast_in_dim3A_1016 = vector.broadcast %broadcast_in_dim3A_1015 : f32 to vector<16xf32>
    %swap3A_1017 = arith.constant 2704 : index
    %swap3A_1018 = tpu.vector_load %arg9[%swap3A_1017] {strides = array<i32>} : memref<4000xf32, #tpu.memory_space<vmem>>, vector<16xf32>,
    %swap3A_1019 = vector.shape_cast %swap3A_1018 : vector<16xf32> to vector<16xf32>
    %swap3A_1020 = vector.shape_cast %broadcast_in_dim3A_1016 : vector<16xf32> to vector<16xf32>
    tpu.vector_store %arg9[%swap3A_1017], %swap3A_1020 {strides = array<i32>} : memref<4000xf32, #tpu.memory_space<vmem>>, vector<16xf32>,
    %broadcast_in_dim3A_1021 = arith.constant 1.000000e+00 : f32
    %broadcast_in_dim3A_1022 = vector.broadcast %broadcast_in_dim3A_1021 : f32 to vector<16xf32>
    %swap3A_1023 = arith.constant 2720 : index
    %swap3A_1024 = tpu.vector_load %arg9[%swap3A_1023] {strides = array<i32>} : memref<4000xf32, #tpu.memory_space<vmem>>, vector<16xf32>,
    %swap3A_1025 = vector.shape_cast %swap3A_1024 : vector<16xf32> to vector<16xf32>
    %swap3A_1026 = vector.shape_cast %broadcast_in_dim3A_1022 : vector<16xf32> to vector<16xf32>
    tpu.vector_store %arg9[%swap3A_1023], %swap3A_1026 {strides = array<i32>} : memref<4000xf32, #tpu.memory_space<vmem>>, vector<16xf32>,
    %broadcast_in_dim3A_1027 = arith.constant 1.000000e+00 : f32
    %broadcast_in_dim3A_1028 = vector.broadcast %broadcast_in_dim3A_1027 : f32 to vector<16xf32>
    %swap3A_1029 = arith.constant 2736 : index
    %swap3A_1030 = tpu.vector_load %arg9[%swap3A_1029] {strides = array<i32>} : memref<4000xf32, #tpu.memory_space<vmem>>, vector<16xf32>,
    %swap3A_1031 = vector.shape_cast %swap3A_1030 : vector<16xf32> to vector<16xf32>
    %swap3A_1032 = vector.shape_cast %broadcast_in_dim3A_1028 : vector<16xf32> to vector<16xf32>
    tpu.vector_store %arg9[%swap3A_1029], %swap3A_1032 {strides = array<i32>} : memref<4000xf32, #tpu.memory_space<vmem>>, vector<16xf32>,
    %broadcast_in_dim3A_1033 = arith.constant 1.000000e+00 : f32
    %broadcast_in_dim3A_1034 = vector.broadcast %broadcast_in_dim3A_1033 : f32 to vector<16xf32>
    %swap3A_1035 = arith.constant 2752 : index
    %swap3A_1036 = tpu.vector_load %arg9[%swap3A_1035] {strides = array<i32>} : memref<4000xf32, #tpu.memory_space<vmem>>, vector<16xf32>,
    %swap3A_1037 = vector.shape_cast %swap3A_1036 : vector<16xf32> to vector<16xf32>
    %swap3A_1038 = vector.shape_cast %broadcast_in_dim3A_1034 : vector<16xf32> to vector<16xf32>
    tpu.vector_store %arg9[%swap3A_1035], %swap3A_1038 {strides = array<i32>} : memref<4000xf32, #tpu.memory_space<vmem>>, vector<16xf32>,
    %broadcast_in_dim3A_1039 = arith.constant 1.000000e+00 : f32
    %broadcast_in_dim3A_1040 = vector.broadcast %broadcast_in_dim3A_1039 : f32 to vector<16xf32>
    %swap3A_1041 = arith.constant 2768 : index
    %swap3A_1042 = tpu.vector_load %arg9[%swap3A_1041] {strides = array<i32>} : memref<4000xf32, #tpu.memory_space<vmem>>, vector<16xf32>,
    %swap3A_1043 = vector.shape_cast %swap3A_1042 : vector<16xf32> to vector<16xf32>
    %swap3A_1044 = vector.shape_cast %broadcast_in_dim3A_1040 : vector<16xf32> to vector<16xf32>
    tpu.vector_store %arg9[%swap3A_1041], %swap3A_1044 {strides = array<i32>} : memref<4000xf32, #tpu.memory_space<vmem>>, vector<16xf32>,
    %broadcast_in_dim3A_1045 = arith.constant 1.000000e+00 : f32
    %broadcast_in_dim3A_1046 = vector.broadcast %broadcast_in_dim3A_1045 : f32 to vector<16xf32>
    %swap3A_1047 = arith.constant 2784 : index
    %swap3A_1048 = tpu.vector_load %arg9[%swap3A_1047] {strides = array<i32>} : memref<4000xf32, #tpu.memory_space<vmem>>, vector<16xf32>,
    %swap3A_1049 = vector.shape_cast %swap3A_1048 : vector<16xf32> to vector<16xf32>
    %swap3A_1050 = vector.shape_cast %broadcast_in_dim3A_1046 : vector<16xf32> to vector<16xf32>
    tpu.vector_store %arg9[%swap3A_1047], %swap3A_1050 {strides = array<i32>} : memref<4000xf32, #tpu.memory_space<vmem>>, vector<16xf32>,
    %broadcast_in_dim3A_1051 = arith.constant 1.000000e+00 : f32
    %broadcast_in_dim3A_1052 = vector.broadcast %broadcast_in_dim3A_1051 : f32 to vector<16xf32>
    %swap3A_1053 = arith.constant 2800 : index
    %swap3A_1054 = tpu.vector_load %arg9[%swap3A_1053] {strides = array<i32>} : memref<4000xf32, #tpu.memory_space<vmem>>, vector<16xf32>,
    %swap3A_1055 = vector.shape_cast %swap3A_1054 : vector<16xf32> to vector<16xf32>
    %swap3A_1056 = vector.shape_cast %broadcast_in_dim3A_1052 : vector<16xf32> to vector<16xf32>
    tpu.vector_store %arg9[%swap3A_1053], %swap3A_1056 {strides = array<i32>} : memref<4000xf32, #tpu.memory_space<vmem>>, vector<16xf32>,
    %broadcast_in_dim3A_1057 = arith.constant 1.000000e+00 : f32
    %broadcast_in_dim3A_1058 = vector.broadcast %broadcast_in_dim3A_1057 : f32 to vector<16xf32>
    %swap3A_1059 = arith.constant 2816 : index
    %swap3A_1060 = tpu.vector_load %arg9[%swap3A_1059] {strides = array<i32>} : memref<4000xf32, #tpu.memory_space<vmem>>, vector<16xf32>,
    %swap3A_1061 = vector.shape_cast %swap3A_1060 : vector<16xf32> to vector<16xf32>
    %swap3A_1062 = vector.shape_cast %broadcast_in_dim3A_1058 : vector<16xf32> to vector<16xf32>
    tpu.vector_store %arg9[%swap3A_1059], %swap3A_1062 {strides = array<i32>} : memref<4000xf32, #tpu.memory_space<vmem>>, vector<16xf32>,
    %broadcast_in_dim3A_1063 = arith.constant 1.000000e+00 : f32
    %broadcast_in_dim3A_1064 = vector.broadcast %broadcast_in_dim3A_1063 : f32 to vector<16xf32>
    %swap3A_1065 = arith.constant 2832 : index
    %swap3A_1066 = tpu.vector_load %arg9[%swap3A_1065] {strides = array<i32>} : memref<4000xf32, #tpu.memory_space<vmem>>, vector<16xf32>,
    %swap3A_1067 = vector.shape_cast %swap3A_1066 : vector<16xf32> to vector<16xf32>
    %swap3A_1068 = vector.shape_cast %broadcast_in_dim3A_1064 : vector<16xf32> to vector<16xf32>
    tpu.vector_store %arg9[%swap3A_1065], %swap3A_1068 {strides = array<i32>} : memref<4000xf32, #tpu.memory_space<vmem>>, vector<16xf32>,
    %broadcast_in_dim3A_1069 = arith.constant 1.000000e+00 : f32
    %broadcast_in_dim3A_1070 = vector.broadcast %broadcast_in_dim3A_1069 : f32 to vector<16xf32>
    %swap3A_1071 = arith.constant 2848 : index
    %swap3A_1072 = tpu.vector_load %arg9[%swap3A_1071] {strides = array<i32>} : memref<4000xf32, #tpu.memory_space<vmem>>, vector<16xf32>,
    %swap3A_1073 = vector.shape_cast %swap3A_1072 : vector<16xf32> to vector<16xf32>
    %swap3A_1074 = vector.shape_cast %broadcast_in_dim3A_1070 : vector<16xf32> to vector<16xf32>
    tpu.vector_store %arg9[%swap3A_1071], %swap3A_1074 {strides = array<i32>} : memref<4000xf32, #tpu.memory_space<vmem>>, vector<16xf32>,
    %broadcast_in_dim3A_1075 = arith.constant 1.000000e+00 : f32
    %broadcast_in_dim3A_1076 = vector.broadcast %broadcast_in_dim3A_1075 : f32 to vector<16xf32>
    %swap3A_1077 = arith.constant 2864 : index
    %swap3A_1078 = tpu.vector_load %arg9[%swap3A_1077] {strides = array<i32>} : memref<4000xf32, #tpu.memory_space<vmem>>, vector<16xf32>,
    %swap3A_1079 = vector.shape_cast %swap3A_1078 : vector<16xf32> to vector<16xf32>
    %swap3A_1080 = vector.shape_cast %broadcast_in_dim3A_1076 : vector<16xf32> to vector<16xf32>
    tpu.vector_store %arg9[%swap3A_1077], %swap3A_1080 {strides = array<i32>} : memref<4000xf32, #tpu.memory_space<vmem>>, vector<16xf32>,
    %broadcast_in_dim3A_1081 = arith.constant 1.000000e+00 : f32
    %broadcast_in_dim3A_1082 = vector.broadcast %broadcast_in_dim3A_1081 : f32 to vector<16xf32>
    %swap3A_1083 = arith.constant 2880 : index
    %swap3A_1084 = tpu.vector_load %arg9[%swap3A_1083] {strides = array<i32>} : memref<4000xf32, #tpu.memory_space<vmem>>, vector<16xf32>,
    %swap3A_1085 = vector.shape_cast %swap3A_1084 : vector<16xf32> to vector<16xf32>
    %swap3A_1086 = vector.shape_cast %broadcast_in_dim3A_1082 : vector<16xf32> to vector<16xf32>
    tpu.vector_store %arg9[%swap3A_1083], %swap3A_1086 {strides = array<i32>} : memref<4000xf32, #tpu.memory_space<vmem>>, vector<16xf32>,
    %broadcast_in_dim3A_1087 = arith.constant 1.000000e+00 : f32
    %broadcast_in_dim3A_1088 = vector.broadcast %broadcast_in_dim3A_1087 : f32 to vector<16xf32>
    %swap3A_1089 = arith.constant 2896 : index
    %swap3A_1090 = tpu.vector_load %arg9[%swap3A_1089] {strides = array<i32>} : memref<4000xf32, #tpu.memory_space<vmem>>, vector<16xf32>,
    %swap3A_1091 = vector.shape_cast %swap3A_1090 : vector<16xf32> to vector<16xf32>
    %swap3A_1092 = vector.shape_cast %broadcast_in_dim3A_1088 : vector<16xf32> to vector<16xf32>
    tpu.vector_store %arg9[%swap3A_1089], %swap3A_1092 {strides = array<i32>} : memref<4000xf32, #tpu.memory_space<vmem>>, vector<16xf32>,
    %broadcast_in_dim3A_1093 = arith.constant 1.000000e+00 : f32
    %broadcast_in_dim3A_1094 = vector.broadcast %broadcast_in_dim3A_1093 : f32 to vector<16xf32>
    %swap3A_1095 = arith.constant 2912 : index
    %swap3A_1096 = tpu.vector_load %arg9[%swap3A_1095] {strides = array<i32>} : memref<4000xf32, #tpu.memory_space<vmem>>, vector<16xf32>,
    %swap3A_1097 = vector.shape_cast %swap3A_1096 : vector<16xf32> to vector<16xf32>
    %swap3A_1098 = vector.shape_cast %broadcast_in_dim3A_1094 : vector<16xf32> to vector<16xf32>
    tpu.vector_store %arg9[%swap3A_1095], %swap3A_1098 {strides = array<i32>} : memref<4000xf32, #tpu.memory_space<vmem>>, vector<16xf32>,
    %broadcast_in_dim3A_1099 = arith.constant 1.000000e+00 : f32
    %broadcast_in_dim3A_1100 = vector.broadcast %broadcast_in_dim3A_1099 : f32 to vector<16xf32>
    %swap3A_1101 = arith.constant 2928 : index
    %swap3A_1102 = tpu.vector_load %arg9[%swap3A_1101] {strides = array<i32>} : memref<4000xf32, #tpu.memory_space<vmem>>, vector<16xf32>,
    %swap3A_1103 = vector.shape_cast %swap3A_1102 : vector<16xf32> to vector<16xf32>
    %swap3A_1104 = vector.shape_cast %broadcast_in_dim3A_1100 : vector<16xf32> to vector<16xf32>
    tpu.vector_store %arg9[%swap3A_1101], %swap3A_1104 {strides = array<i32>} : memref<4000xf32, #tpu.memory_space<vmem>>, vector<16xf32>,
    %broadcast_in_dim3A_1105 = arith.constant 1.000000e+00 : f32
    %broadcast_in_dim3A_1106 = vector.broadcast %broadcast_in_dim3A_1105 : f32 to vector<16xf32>
    %swap3A_1107 = arith.constant 2944 : index
    %swap3A_1108 = tpu.vector_load %arg9[%swap3A_1107] {strides = array<i32>} : memref<4000xf32, #tpu.memory_space<vmem>>, vector<16xf32>,
    %swap3A_1109 = vector.shape_cast %swap3A_1108 : vector<16xf32> to vector<16xf32>
    %swap3A_1110 = vector.shape_cast %broadcast_in_dim3A_1106 : vector<16xf32> to vector<16xf32>
    tpu.vector_store %arg9[%swap3A_1107], %swap3A_1110 {strides = array<i32>} : memref<4000xf32, #tpu.memory_space<vmem>>, vector<16xf32>,
    %broadcast_in_dim3A_1111 = arith.constant 1.000000e+00 : f32
    %broadcast_in_dim3A_1112 = vector.broadcast %broadcast_in_dim3A_1111 : f32 to vector<16xf32>
    %swap3A_1113 = arith.constant 2960 : index
    %swap3A_1114 = tpu.vector_load %arg9[%swap3A_1113] {strides = array<i32>} : memref<4000xf32, #tpu.memory_space<vmem>>, vector<16xf32>,
    %swap3A_1115 = vector.shape_cast %swap3A_1114 : vector<16xf32> to vector<16xf32>
    %swap3A_1116 = vector.shape_cast %broadcast_in_dim3A_1112 : vector<16xf32> to vector<16xf32>
    tpu.vector_store %arg9[%swap3A_1113], %swap3A_1116 {strides = array<i32>} : memref<4000xf32, #tpu.memory_space<vmem>>, vector<16xf32>,
    %broadcast_in_dim3A_1117 = arith.constant 1.000000e+00 : f32
    %broadcast_in_dim3A_1118 = vector.broadcast %broadcast_in_dim3A_1117 : f32 to vector<16xf32>
    %swap3A_1119 = arith.constant 2976 : index
    %swap3A_1120 = tpu.vector_load %arg9[%swap3A_1119] {strides = array<i32>} : memref<4000xf32, #tpu.memory_space<vmem>>, vector<16xf32>,
    %swap3A_1121 = vector.shape_cast %swap3A_1120 : vector<16xf32> to vector<16xf32>
    %swap3A_1122 = vector.shape_cast %broadcast_in_dim3A_1118 : vector<16xf32> to vector<16xf32>
    tpu.vector_store %arg9[%swap3A_1119], %swap3A_1122 {strides = array<i32>} : memref<4000xf32, #tpu.memory_space<vmem>>, vector<16xf32>,
    %broadcast_in_dim3A_1123 = arith.constant 1.000000e+00 : f32
    %broadcast_in_dim3A_1124 = vector.broadcast %broadcast_in_dim3A_1123 : f32 to vector<16xf32>
    %swap3A_1125 = arith.constant 2992 : index
    %swap3A_1126 = tpu.vector_load %arg9[%swap3A_1125] {strides = array<i32>} : memref<4000xf32, #tpu.memory_space<vmem>>, vector<16xf32>,
    %swap3A_1127 = vector.shape_cast %swap3A_1126 : vector<16xf32> to vector<16xf32>
    %swap3A_1128 = vector.shape_cast %broadcast_in_dim3A_1124 : vector<16xf32> to vector<16xf32>
    tpu.vector_store %arg9[%swap3A_1125], %swap3A_1128 {strides = array<i32>} : memref<4000xf32, #tpu.memory_space<vmem>>, vector<16xf32>,
    %broadcast_in_dim3A_1129 = arith.constant 1.000000e+00 : f32
    %broadcast_in_dim3A_1130 = vector.broadcast %broadcast_in_dim3A_1129 : f32 to vector<16xf32>
    %swap3A_1131 = arith.constant 3008 : index
    %swap3A_1132 = tpu.vector_load %arg9[%swap3A_1131] {strides = array<i32>} : memref<4000xf32, #tpu.memory_space<vmem>>, vector<16xf32>,
    %swap3A_1133 = vector.shape_cast %swap3A_1132 : vector<16xf32> to vector<16xf32>
    %swap3A_1134 = vector.shape_cast %broadcast_in_dim3A_1130 : vector<16xf32> to vector<16xf32>
    tpu.vector_store %arg9[%swap3A_1131], %swap3A_1134 {strides = array<i32>} : memref<4000xf32, #tpu.memory_space<vmem>>, vector<16xf32>,
    %broadcast_in_dim3A_1135 = arith.constant 1.000000e+00 : f32
    %broadcast_in_dim3A_1136 = vector.broadcast %broadcast_in_dim3A_1135 : f32 to vector<16xf32>
    %swap3A_1137 = arith.constant 3024 : index
    %swap3A_1138 = tpu.vector_load %arg9[%swap3A_1137] {strides = array<i32>} : memref<4000xf32, #tpu.memory_space<vmem>>, vector<16xf32>,
    %swap3A_1139 = vector.shape_cast %swap3A_1138 : vector<16xf32> to vector<16xf32>
    %swap3A_1140 = vector.shape_cast %broadcast_in_dim3A_1136 : vector<16xf32> to vector<16xf32>
    tpu.vector_store %arg9[%swap3A_1137], %swap3A_1140 {strides = array<i32>} : memref<4000xf32, #tpu.memory_space<vmem>>, vector<16xf32>,
    %broadcast_in_dim3A_1141 = arith.constant 1.000000e+00 : f32
    %broadcast_in_dim3A_1142 = vector.broadcast %broadcast_in_dim3A_1141 : f32 to vector<16xf32>
    %swap3A_1143 = arith.constant 3040 : index
    %swap3A_1144 = tpu.vector_load %arg9[%swap3A_1143] {strides = array<i32>} : memref<4000xf32, #tpu.memory_space<vmem>>, vector<16xf32>,
    %swap3A_1145 = vector.shape_cast %swap3A_1144 : vector<16xf32> to vector<16xf32>
    %swap3A_1146 = vector.shape_cast %broadcast_in_dim3A_1142 : vector<16xf32> to vector<16xf32>
    tpu.vector_store %arg9[%swap3A_1143], %swap3A_1146 {strides = array<i32>} : memref<4000xf32, #tpu.memory_space<vmem>>, vector<16xf32>,
    %broadcast_in_dim3A_1147 = arith.constant 1.000000e+00 : f32
    %broadcast_in_dim3A_1148 = vector.broadcast %broadcast_in_dim3A_1147 : f32 to vector<16xf32>
    %swap3A_1149 = arith.constant 3056 : index
    %swap3A_1150 = tpu.vector_load %arg9[%swap3A_1149] {strides = array<i32>} : memref<4000xf32, #tpu.memory_space<vmem>>, vector<16xf32>,
    %swap3A_1151 = vector.shape_cast %swap3A_1150 : vector<16xf32> to vector<16xf32>
    %swap3A_1152 = vector.shape_cast %broadcast_in_dim3A_1148 : vector<16xf32> to vector<16xf32>
    tpu.vector_store %arg9[%swap3A_1149], %swap3A_1152 {strides = array<i32>} : memref<4000xf32, #tpu.memory_space<vmem>>, vector<16xf32>,
    %broadcast_in_dim3A_1153 = arith.constant 1.000000e+00 : f32
    %broadcast_in_dim3A_1154 = vector.broadcast %broadcast_in_dim3A_1153 : f32 to vector<16xf32>
    %swap3A_1155 = arith.constant 3072 : index
    %swap3A_1156 = tpu.vector_load %arg9[%swap3A_1155] {strides = array<i32>} : memref<4000xf32, #tpu.memory_space<vmem>>, vector<16xf32>,
    %swap3A_1157 = vector.shape_cast %swap3A_1156 : vector<16xf32> to vector<16xf32>
    %swap3A_1158 = vector.shape_cast %broadcast_in_dim3A_1154 : vector<16xf32> to vector<16xf32>
    tpu.vector_store %arg9[%swap3A_1155], %swap3A_1158 {strides = array<i32>} : memref<4000xf32, #tpu.memory_space<vmem>>, vector<16xf32>,
    %broadcast_in_dim3A_1159 = arith.constant 1.000000e+00 : f32
    %broadcast_in_dim3A_1160 = vector.broadcast %broadcast_in_dim3A_1159 : f32 to vector<16xf32>
    %swap3A_1161 = arith.constant 3088 : index
    %swap3A_1162 = tpu.vector_load %arg9[%swap3A_1161] {strides = array<i32>} : memref<4000xf32, #tpu.memory_space<vmem>>, vector<16xf32>,
    %swap3A_1163 = vector.shape_cast %swap3A_1162 : vector<16xf32> to vector<16xf32>
    %swap3A_1164 = vector.shape_cast %broadcast_in_dim3A_1160 : vector<16xf32> to vector<16xf32>
    tpu.vector_store %arg9[%swap3A_1161], %swap3A_1164 {strides = array<i32>} : memref<4000xf32, #tpu.memory_space<vmem>>, vector<16xf32>,
    %broadcast_in_dim3A_1165 = arith.constant 1.000000e+00 : f32
    %broadcast_in_dim3A_1166 = vector.broadcast %broadcast_in_dim3A_1165 : f32 to vector<16xf32>
    %swap3A_1167 = arith.constant 3104 : index
    %swap3A_1168 = tpu.vector_load %arg9[%swap3A_1167] {strides = array<i32>} : memref<4000xf32, #tpu.memory_space<vmem>>, vector<16xf32>,
    %swap3A_1169 = vector.shape_cast %swap3A_1168 : vector<16xf32> to vector<16xf32>
    %swap3A_1170 = vector.shape_cast %broadcast_in_dim3A_1166 : vector<16xf32> to vector<16xf32>
    tpu.vector_store %arg9[%swap3A_1167], %swap3A_1170 {strides = array<i32>} : memref<4000xf32, #tpu.memory_space<vmem>>, vector<16xf32>,
    %broadcast_in_dim3A_1171 = arith.constant 1.000000e+00 : f32
    %broadcast_in_dim3A_1172 = vector.broadcast %broadcast_in_dim3A_1171 : f32 to vector<16xf32>
    %swap3A_1173 = arith.constant 3120 : index
    %swap3A_1174 = tpu.vector_load %arg9[%swap3A_1173] {strides = array<i32>} : memref<4000xf32, #tpu.memory_space<vmem>>, vector<16xf32>,
    %swap3A_1175 = vector.shape_cast %swap3A_1174 : vector<16xf32> to vector<16xf32>
    %swap3A_1176 = vector.shape_cast %broadcast_in_dim3A_1172 : vector<16xf32> to vector<16xf32>
    tpu.vector_store %arg9[%swap3A_1173], %swap3A_1176 {strides = array<i32>} : memref<4000xf32, #tpu.memory_space<vmem>>, vector<16xf32>,
    %broadcast_in_dim3A_1177 = arith.constant 1.000000e+00 : f32
    %broadcast_in_dim3A_1178 = vector.broadcast %broadcast_in_dim3A_1177 : f32 to vector<16xf32>
    %swap3A_1179 = arith.constant 3136 : index
    %swap3A_1180 = tpu.vector_load %arg9[%swap3A_1179] {strides = array<i32>} : memref<4000xf32, #tpu.memory_space<vmem>>, vector<16xf32>,
    %swap3A_1181 = vector.shape_cast %swap3A_1180 : vector<16xf32> to vector<16xf32>
    %swap3A_1182 = vector.shape_cast %broadcast_in_dim3A_1178 : vector<16xf32> to vector<16xf32>
    tpu.vector_store %arg9[%swap3A_1179], %swap3A_1182 {strides = array<i32>} : memref<4000xf32, #tpu.memory_space<vmem>>, vector<16xf32>,
    %broadcast_in_dim3A_1183 = arith.constant 1.000000e+00 : f32
    %broadcast_in_dim3A_1184 = vector.broadcast %broadcast_in_dim3A_1183 : f32 to vector<16xf32>
    %swap3A_1185 = arith.constant 3152 : index
    %swap3A_1186 = tpu.vector_load %arg9[%swap3A_1185] {strides = array<i32>} : memref<4000xf32, #tpu.memory_space<vmem>>, vector<16xf32>,
    %swap3A_1187 = vector.shape_cast %swap3A_1186 : vector<16xf32> to vector<16xf32>
    %swap3A_1188 = vector.shape_cast %broadcast_in_dim3A_1184 : vector<16xf32> to vector<16xf32>
    tpu.vector_store %arg9[%swap3A_1185], %swap3A_1188 {strides = array<i32>} : memref<4000xf32, #tpu.memory_space<vmem>>, vector<16xf32>,
    %broadcast_in_dim3A_1189 = arith.constant 1.000000e+00 : f32
    %broadcast_in_dim3A_1190 = vector.broadcast %broadcast_in_dim3A_1189 : f32 to vector<16xf32>
    %swap3A_1191 = arith.constant 3168 : index
    %swap3A_1192 = tpu.vector_load %arg9[%swap3A_1191] {strides = array<i32>} : memref<4000xf32, #tpu.memory_space<vmem>>, vector<16xf32>,
    %swap3A_1193 = vector.shape_cast %swap3A_1192 : vector<16xf32> to vector<16xf32>
    %swap3A_1194 = vector.shape_cast %broadcast_in_dim3A_1190 : vector<16xf32> to vector<16xf32>
    tpu.vector_store %arg9[%swap3A_1191], %swap3A_1194 {strides = array<i32>} : memref<4000xf32, #tpu.memory_space<vmem>>, vector<16xf32>,
    %broadcast_in_dim3A_1195 = arith.constant 1.000000e+00 : f32
    %broadcast_in_dim3A_1196 = vector.broadcast %broadcast_in_dim3A_1195 : f32 to vector<16xf32>
    %swap3A_1197 = arith.constant 3184 : index
    %swap3A_1198 = tpu.vector_load %arg9[%swap3A_1197] {strides = array<i32>} : memref<4000xf32, #tpu.memory_space<vmem>>, vector<16xf32>,
    %swap3A_1199 = vector.shape_cast %swap3A_1198 : vector<16xf32> to vector<16xf32>
    %swap3A_1200 = vector.shape_cast %broadcast_in_dim3A_1196 : vector<16xf32> to vector<16xf32>
    tpu.vector_store %arg9[%swap3A_1197], %swap3A_1200 {strides = array<i32>} : memref<4000xf32, #tpu.memory_space<vmem>>, vector<16xf32>,
    %broadcast_in_dim3A_1201 = arith.constant 1.000000e+00 : f32
    %broadcast_in_dim3A_1202 = vector.broadcast %broadcast_in_dim3A_1201 : f32 to vector<16xf32>
    %swap3A_1203 = arith.constant 3200 : index
    %swap3A_1204 = tpu.vector_load %arg9[%swap3A_1203] {strides = array<i32>} : memref<4000xf32, #tpu.memory_space<vmem>>, vector<16xf32>,
    %swap3A_1205 = vector.shape_cast %swap3A_1204 : vector<16xf32> to vector<16xf32>
    %swap3A_1206 = vector.shape_cast %broadcast_in_dim3A_1202 : vector<16xf32> to vector<16xf32>
    tpu.vector_store %arg9[%swap3A_1203], %swap3A_1206 {strides = array<i32>} : memref<4000xf32, #tpu.memory_space<vmem>>, vector<16xf32>,
    %broadcast_in_dim3A_1207 = arith.constant 1.000000e+00 : f32
    %broadcast_in_dim3A_1208 = vector.broadcast %broadcast_in_dim3A_1207 : f32 to vector<16xf32>
    %swap3A_1209 = arith.constant 3216 : index
    %swap3A_1210 = tpu.vector_load %arg9[%swap3A_1209] {strides = array<i32>} : memref<4000xf32, #tpu.memory_space<vmem>>, vector<16xf32>,
    %swap3A_1211 = vector.shape_cast %swap3A_1210 : vector<16xf32> to vector<16xf32>
    %swap3A_1212 = vector.shape_cast %broadcast_in_dim3A_1208 : vector<16xf32> to vector<16xf32>
    tpu.vector_store %arg9[%swap3A_1209], %swap3A_1212 {strides = array<i32>} : memref<4000xf32, #tpu.memory_space<vmem>>, vector<16xf32>,
    %broadcast_in_dim3A_1213 = arith.constant 1.000000e+00 : f32
    %broadcast_in_dim3A_1214 = vector.broadcast %broadcast_in_dim3A_1213 : f32 to vector<16xf32>
    %swap3A_1215 = arith.constant 3232 : index
    %swap3A_1216 = tpu.vector_load %arg9[%swap3A_1215] {strides = array<i32>} : memref<4000xf32, #tpu.memory_space<vmem>>, vector<16xf32>,
    %swap3A_1217 = vector.shape_cast %swap3A_1216 : vector<16xf32> to vector<16xf32>
    %swap3A_1218 = vector.shape_cast %broadcast_in_dim3A_1214 : vector<16xf32> to vector<16xf32>
    tpu.vector_store %arg9[%swap3A_1215], %swap3A_1218 {strides = array<i32>} : memref<4000xf32, #tpu.memory_space<vmem>>, vector<16xf32>,
    %broadcast_in_dim3A_1219 = arith.constant 1.000000e+00 : f32
    %broadcast_in_dim3A_1220 = vector.broadcast %broadcast_in_dim3A_1219 : f32 to vector<16xf32>
    %swap3A_1221 = arith.constant 3248 : index
    %swap3A_1222 = tpu.vector_load %arg9[%swap3A_1221] {strides = array<i32>} : memref<4000xf32, #tpu.memory_space<vmem>>, vector<16xf32>,
    %swap3A_1223 = vector.shape_cast %swap3A_1222 : vector<16xf32> to vector<16xf32>
    %swap3A_1224 = vector.shape_cast %broadcast_in_dim3A_1220 : vector<16xf32> to vector<16xf32>
    tpu.vector_store %arg9[%swap3A_1221], %swap3A_1224 {strides = array<i32>} : memref<4000xf32, #tpu.memory_space<vmem>>, vector<16xf32>,
    %broadcast_in_dim3A_1225 = arith.constant 1.000000e+00 : f32
    %broadcast_in_dim3A_1226 = vector.broadcast %broadcast_in_dim3A_1225 : f32 to vector<16xf32>
    %swap3A_1227 = arith.constant 3264 : index
    %swap3A_1228 = tpu.vector_load %arg9[%swap3A_1227] {strides = array<i32>} : memref<4000xf32, #tpu.memory_space<vmem>>, vector<16xf32>,
    %swap3A_1229 = vector.shape_cast %swap3A_1228 : vector<16xf32> to vector<16xf32>
    %swap3A_1230 = vector.shape_cast %broadcast_in_dim3A_1226 : vector<16xf32> to vector<16xf32>
    tpu.vector_store %arg9[%swap3A_1227], %swap3A_1230 {strides = array<i32>} : memref<4000xf32, #tpu.memory_space<vmem>>, vector<16xf32>,
    %broadcast_in_dim3A_1231 = arith.constant 1.000000e+00 : f32
    %broadcast_in_dim3A_1232 = vector.broadcast %broadcast_in_dim3A_1231 : f32 to vector<16xf32>
    %swap3A_1233 = arith.constant 3280 : index
    %swap3A_1234 = tpu.vector_load %arg9[%swap3A_1233] {strides = array<i32>} : memref<4000xf32, #tpu.memory_space<vmem>>, vector<16xf32>,
    %swap3A_1235 = vector.shape_cast %swap3A_1234 : vector<16xf32> to vector<16xf32>
    %swap3A_1236 = vector.shape_cast %broadcast_in_dim3A_1232 : vector<16xf32> to vector<16xf32>
    tpu.vector_store %arg9[%swap3A_1233], %swap3A_1236 {strides = array<i32>} : memref<4000xf32, #tpu.memory_space<vmem>>, vector<16xf32>,
    %broadcast_in_dim3A_1237 = arith.constant 1.000000e+00 : f32
    %broadcast_in_dim3A_1238 = vector.broadcast %broadcast_in_dim3A_1237 : f32 to vector<16xf32>
    %swap3A_1239 = arith.constant 3296 : index
    %swap3A_1240 = tpu.vector_load %arg9[%swap3A_1239] {strides = array<i32>} : memref<4000xf32, #tpu.memory_space<vmem>>, vector<16xf32>,
    %swap3A_1241 = vector.shape_cast %swap3A_1240 : vector<16xf32> to vector<16xf32>
    %swap3A_1242 = vector.shape_cast %broadcast_in_dim3A_1238 : vector<16xf32> to vector<16xf32>
    tpu.vector_store %arg9[%swap3A_1239], %swap3A_1242 {strides = array<i32>} : memref<4000xf32, #tpu.memory_space<vmem>>, vector<16xf32>,
    %broadcast_in_dim3A_1243 = arith.constant 1.000000e+00 : f32
    %broadcast_in_dim3A_1244 = vector.broadcast %broadcast_in_dim3A_1243 : f32 to vector<16xf32>
    %swap3A_1245 = arith.constant 3312 : index
    %swap3A_1246 = tpu.vector_load %arg9[%swap3A_1245] {strides = array<i32>} : memref<4000xf32, #tpu.memory_space<vmem>>, vector<16xf32>,
    %swap3A_1247 = vector.shape_cast %swap3A_1246 : vector<16xf32> to vector<16xf32>
    %swap3A_1248 = vector.shape_cast %broadcast_in_dim3A_1244 : vector<16xf32> to vector<16xf32>
    tpu.vector_store %arg9[%swap3A_1245], %swap3A_1248 {strides = array<i32>} : memref<4000xf32, #tpu.memory_space<vmem>>, vector<16xf32>,
    %broadcast_in_dim3A_1249 = arith.constant 1.000000e+00 : f32
    %broadcast_in_dim3A_1250 = vector.broadcast %broadcast_in_dim3A_1249 : f32 to vector<16xf32>
    %swap3A_1251 = arith.constant 3328 : index
    %swap3A_1252 = tpu.vector_load %arg9[%swap3A_1251] {strides = array<i32>} : memref<4000xf32, #tpu.memory_space<vmem>>, vector<16xf32>,
    %swap3A_1253 = vector.shape_cast %swap3A_1252 : vector<16xf32> to vector<16xf32>
    %swap3A_1254 = vector.shape_cast %broadcast_in_dim3A_1250 : vector<16xf32> to vector<16xf32>
    tpu.vector_store %arg9[%swap3A_1251], %swap3A_1254 {strides = array<i32>} : memref<4000xf32, #tpu.memory_space<vmem>>, vector<16xf32>,
    %broadcast_in_dim3A_1255 = arith.constant 1.000000e+00 : f32
    %broadcast_in_dim3A_1256 = vector.broadcast %broadcast_in_dim3A_1255 : f32 to vector<16xf32>
    %swap3A_1257 = arith.constant 3344 : index
    %swap3A_1258 = tpu.vector_load %arg9[%swap3A_1257] {strides = array<i32>} : memref<4000xf32, #tpu.memory_space<vmem>>, vector<16xf32>,
    %swap3A_1259 = vector.shape_cast %swap3A_1258 : vector<16xf32> to vector<16xf32>
    %swap3A_1260 = vector.shape_cast %broadcast_in_dim3A_1256 : vector<16xf32> to vector<16xf32>
    tpu.vector_store %arg9[%swap3A_1257], %swap3A_1260 {strides = array<i32>} : memref<4000xf32, #tpu.memory_space<vmem>>, vector<16xf32>,
    %broadcast_in_dim3A_1261 = arith.constant 1.000000e+00 : f32
    %broadcast_in_dim3A_1262 = vector.broadcast %broadcast_in_dim3A_1261 : f32 to vector<16xf32>
    %swap3A_1263 = arith.constant 3360 : index
    %swap3A_1264 = tpu.vector_load %arg9[%swap3A_1263] {strides = array<i32>} : memref<4000xf32, #tpu.memory_space<vmem>>, vector<16xf32>,
    %swap3A_1265 = vector.shape_cast %swap3A_1264 : vector<16xf32> to vector<16xf32>
    %swap3A_1266 = vector.shape_cast %broadcast_in_dim3A_1262 : vector<16xf32> to vector<16xf32>
    tpu.vector_store %arg9[%swap3A_1263], %swap3A_1266 {strides = array<i32>} : memref<4000xf32, #tpu.memory_space<vmem>>, vector<16xf32>,
    %broadcast_in_dim3A_1267 = arith.constant 1.000000e+00 : f32
    %broadcast_in_dim3A_1268 = vector.broadcast %broadcast_in_dim3A_1267 : f32 to vector<16xf32>
    %swap3A_1269 = arith.constant 3376 : index
    %swap3A_1270 = tpu.vector_load %arg9[%swap3A_1269] {strides = array<i32>} : memref<4000xf32, #tpu.memory_space<vmem>>, vector<16xf32>,
    %swap3A_1271 = vector.shape_cast %swap3A_1270 : vector<16xf32> to vector<16xf32>
    %swap3A_1272 = vector.shape_cast %broadcast_in_dim3A_1268 : vector<16xf32> to vector<16xf32>
    tpu.vector_store %arg9[%swap3A_1269], %swap3A_1272 {strides = array<i32>} : memref<4000xf32, #tpu.memory_space<vmem>>, vector<16xf32>,
    %broadcast_in_dim3A_1273 = arith.constant 1.000000e+00 : f32
    %broadcast_in_dim3A_1274 = vector.broadcast %broadcast_in_dim3A_1273 : f32 to vector<16xf32>
    %swap3A_1275 = arith.constant 3392 : index
    %swap3A_1276 = tpu.vector_load %arg9[%swap3A_1275] {strides = array<i32>} : memref<4000xf32, #tpu.memory_space<vmem>>, vector<16xf32>,
    %swap3A_1277 = vector.shape_cast %swap3A_1276 : vector<16xf32> to vector<16xf32>
    %swap3A_1278 = vector.shape_cast %broadcast_in_dim3A_1274 : vector<16xf32> to vector<16xf32>
    tpu.vector_store %arg9[%swap3A_1275], %swap3A_1278 {strides = array<i32>} : memref<4000xf32, #tpu.memory_space<vmem>>, vector<16xf32>,
    %broadcast_in_dim3A_1279 = arith.constant 1.000000e+00 : f32
    %broadcast_in_dim3A_1280 = vector.broadcast %broadcast_in_dim3A_1279 : f32 to vector<16xf32>
    %swap3A_1281 = arith.constant 3408 : index
    %swap3A_1282 = tpu.vector_load %arg9[%swap3A_1281] {strides = array<i32>} : memref<4000xf32, #tpu.memory_space<vmem>>, vector<16xf32>,
    %swap3A_1283 = vector.shape_cast %swap3A_1282 : vector<16xf32> to vector<16xf32>
    %swap3A_1284 = vector.shape_cast %broadcast_in_dim3A_1280 : vector<16xf32> to vector<16xf32>
    tpu.vector_store %arg9[%swap3A_1281], %swap3A_1284 {strides = array<i32>} : memref<4000xf32, #tpu.memory_space<vmem>>, vector<16xf32>,
    %broadcast_in_dim3A_1285 = arith.constant 1.000000e+00 : f32
    %broadcast_in_dim3A_1286 = vector.broadcast %broadcast_in_dim3A_1285 : f32 to vector<16xf32>
    %swap3A_1287 = arith.constant 3424 : index
    %swap3A_1288 = tpu.vector_load %arg9[%swap3A_1287] {strides = array<i32>} : memref<4000xf32, #tpu.memory_space<vmem>>, vector<16xf32>,
    %swap3A_1289 = vector.shape_cast %swap3A_1288 : vector<16xf32> to vector<16xf32>
    %swap3A_1290 = vector.shape_cast %broadcast_in_dim3A_1286 : vector<16xf32> to vector<16xf32>
    tpu.vector_store %arg9[%swap3A_1287], %swap3A_1290 {strides = array<i32>} : memref<4000xf32, #tpu.memory_space<vmem>>, vector<16xf32>,
    %broadcast_in_dim3A_1291 = arith.constant 1.000000e+00 : f32
    %broadcast_in_dim3A_1292 = vector.broadcast %broadcast_in_dim3A_1291 : f32 to vector<16xf32>
    %swap3A_1293 = arith.constant 3440 : index
    %swap3A_1294 = tpu.vector_load %arg9[%swap3A_1293] {strides = array<i32>} : memref<4000xf32, #tpu.memory_space<vmem>>, vector<16xf32>,
    %swap3A_1295 = vector.shape_cast %swap3A_1294 : vector<16xf32> to vector<16xf32>
    %swap3A_1296 = vector.shape_cast %broadcast_in_dim3A_1292 : vector<16xf32> to vector<16xf32>
    tpu.vector_store %arg9[%swap3A_1293], %swap3A_1296 {strides = array<i32>} : memref<4000xf32, #tpu.memory_space<vmem>>, vector<16xf32>,
    %broadcast_in_dim3A_1297 = arith.constant 1.000000e+00 : f32
    %broadcast_in_dim3A_1298 = vector.broadcast %broadcast_in_dim3A_1297 : f32 to vector<16xf32>
    %swap3A_1299 = arith.constant 3456 : index
    %swap3A_1300 = tpu.vector_load %arg9[%swap3A_1299] {strides = array<i32>} : memref<4000xf32, #tpu.memory_space<vmem>>, vector<16xf32>,
    %swap3A_1301 = vector.shape_cast %swap3A_1300 : vector<16xf32> to vector<16xf32>
    %swap3A_1302 = vector.shape_cast %broadcast_in_dim3A_1298 : vector<16xf32> to vector<16xf32>
    tpu.vector_store %arg9[%swap3A_1299], %swap3A_1302 {strides = array<i32>} : memref<4000xf32, #tpu.memory_space<vmem>>, vector<16xf32>,
    %broadcast_in_dim3A_1303 = arith.constant 1.000000e+00 : f32
    %broadcast_in_dim3A_1304 = vector.broadcast %broadcast_in_dim3A_1303 : f32 to vector<16xf32>
    %swap3A_1305 = arith.constant 3472 : index
    %swap3A_1306 = tpu.vector_load %arg9[%swap3A_1305] {strides = array<i32>} : memref<4000xf32, #tpu.memory_space<vmem>>, vector<16xf32>,
    %swap3A_1307 = vector.shape_cast %swap3A_1306 : vector<16xf32> to vector<16xf32>
    %swap3A_1308 = vector.shape_cast %broadcast_in_dim3A_1304 : vector<16xf32> to vector<16xf32>
    tpu.vector_store %arg9[%swap3A_1305], %swap3A_1308 {strides = array<i32>} : memref<4000xf32, #tpu.memory_space<vmem>>, vector<16xf32>,
    %broadcast_in_dim3A_1309 = arith.constant 1.000000e+00 : f32
    %broadcast_in_dim3A_1310 = vector.broadcast %broadcast_in_dim3A_1309 : f32 to vector<16xf32>
    %swap3A_1311 = arith.constant 3488 : index
    %swap3A_1312 = tpu.vector_load %arg9[%swap3A_1311] {strides = array<i32>} : memref<4000xf32, #tpu.memory_space<vmem>>, vector<16xf32>,
    %swap3A_1313 = vector.shape_cast %swap3A_1312 : vector<16xf32> to vector<16xf32>
    %swap3A_1314 = vector.shape_cast %broadcast_in_dim3A_1310 : vector<16xf32> to vector<16xf32>
    tpu.vector_store %arg9[%swap3A_1311], %swap3A_1314 {strides = array<i32>} : memref<4000xf32, #tpu.memory_space<vmem>>, vector<16xf32>,
    %broadcast_in_dim3A_1315 = arith.constant 1.000000e+00 : f32
    %broadcast_in_dim3A_1316 = vector.broadcast %broadcast_in_dim3A_1315 : f32 to vector<16xf32>
    %swap3A_1317 = arith.constant 3504 : index
    %swap3A_1318 = tpu.vector_load %arg9[%swap3A_1317] {strides = array<i32>} : memref<4000xf32, #tpu.memory_space<vmem>>, vector<16xf32>,
    %swap3A_1319 = vector.shape_cast %swap3A_1318 : vector<16xf32> to vector<16xf32>
    %swap3A_1320 = vector.shape_cast %broadcast_in_dim3A_1316 : vector<16xf32> to vector<16xf32>
    tpu.vector_store %arg9[%swap3A_1317], %swap3A_1320 {strides = array<i32>} : memref<4000xf32, #tpu.memory_space<vmem>>, vector<16xf32>,
    %broadcast_in_dim3A_1321 = arith.constant 1.000000e+00 : f32
    %broadcast_in_dim3A_1322 = vector.broadcast %broadcast_in_dim3A_1321 : f32 to vector<16xf32>
    %swap3A_1323 = arith.constant 3520 : index
    %swap3A_1324 = tpu.vector_load %arg9[%swap3A_1323] {strides = array<i32>} : memref<4000xf32, #tpu.memory_space<vmem>>, vector<16xf32>,
    %swap3A_1325 = vector.shape_cast %swap3A_1324 : vector<16xf32> to vector<16xf32>
    %swap3A_1326 = vector.shape_cast %broadcast_in_dim3A_1322 : vector<16xf32> to vector<16xf32>
    tpu.vector_store %arg9[%swap3A_1323], %swap3A_1326 {strides = array<i32>} : memref<4000xf32, #tpu.memory_space<vmem>>, vector<16xf32>,
    %broadcast_in_dim3A_1327 = arith.constant 1.000000e+00 : f32
    %broadcast_in_dim3A_1328 = vector.broadcast %broadcast_in_dim3A_1327 : f32 to vector<16xf32>
    %swap3A_1329 = arith.constant 3536 : index
    %swap3A_1330 = tpu.vector_load %arg9[%swap3A_1329] {strides = array<i32>} : memref<4000xf32, #tpu.memory_space<vmem>>, vector<16xf32>,
    %swap3A_1331 = vector.shape_cast %swap3A_1330 : vector<16xf32> to vector<16xf32>
    %swap3A_1332 = vector.shape_cast %broadcast_in_dim3A_1328 : vector<16xf32> to vector<16xf32>
    tpu.vector_store %arg9[%swap3A_1329], %swap3A_1332 {strides = array<i32>} : memref<4000xf32, #tpu.memory_space<vmem>>, vector<16xf32>,
    %broadcast_in_dim3A_1333 = arith.constant 1.000000e+00 : f32
    %broadcast_in_dim3A_1334 = vector.broadcast %broadcast_in_dim3A_1333 : f32 to vector<16xf32>
    %swap3A_1335 = arith.constant 3552 : index
    %swap3A_1336 = tpu.vector_load %arg9[%swap3A_1335] {strides = array<i32>} : memref<4000xf32, #tpu.memory_space<vmem>>, vector<16xf32>,
    %swap3A_1337 = vector.shape_cast %swap3A_1336 : vector<16xf32> to vector<16xf32>
    %swap3A_1338 = vector.shape_cast %broadcast_in_dim3A_1334 : vector<16xf32> to vector<16xf32>
    tpu.vector_store %arg9[%swap3A_1335], %swap3A_1338 {strides = array<i32>} : memref<4000xf32, #tpu.memory_space<vmem>>, vector<16xf32>,
    %broadcast_in_dim3A_1339 = arith.constant 1.000000e+00 : f32
    %broadcast_in_dim3A_1340 = vector.broadcast %broadcast_in_dim3A_1339 : f32 to vector<16xf32>
    %swap3A_1341 = arith.constant 3568 : index
    %swap3A_1342 = tpu.vector_load %arg9[%swap3A_1341] {strides = array<i32>} : memref<4000xf32, #tpu.memory_space<vmem>>, vector<16xf32>,
    %swap3A_1343 = vector.shape_cast %swap3A_1342 : vector<16xf32> to vector<16xf32>
    %swap3A_1344 = vector.shape_cast %broadcast_in_dim3A_1340 : vector<16xf32> to vector<16xf32>
    tpu.vector_store %arg9[%swap3A_1341], %swap3A_1344 {strides = array<i32>} : memref<4000xf32, #tpu.memory_space<vmem>>, vector<16xf32>,
    %broadcast_in_dim3A_1345 = arith.constant 1.000000e+00 : f32
    %broadcast_in_dim3A_1346 = vector.broadcast %broadcast_in_dim3A_1345 : f32 to vector<16xf32>
    %swap3A_1347 = arith.constant 3584 : index
    %swap3A_1348 = tpu.vector_load %arg9[%swap3A_1347] {strides = array<i32>} : memref<4000xf32, #tpu.memory_space<vmem>>, vector<16xf32>,
    %swap3A_1349 = vector.shape_cast %swap3A_1348 : vector<16xf32> to vector<16xf32>
    %swap3A_1350 = vector.shape_cast %broadcast_in_dim3A_1346 : vector<16xf32> to vector<16xf32>
    tpu.vector_store %arg9[%swap3A_1347], %swap3A_1350 {strides = array<i32>} : memref<4000xf32, #tpu.memory_space<vmem>>, vector<16xf32>,
    %broadcast_in_dim3A_1351 = arith.constant 1.000000e+00 : f32
    %broadcast_in_dim3A_1352 = vector.broadcast %broadcast_in_dim3A_1351 : f32 to vector<16xf32>
    %swap3A_1353 = arith.constant 3600 : index
    %swap3A_1354 = tpu.vector_load %arg9[%swap3A_1353] {strides = array<i32>} : memref<4000xf32, #tpu.memory_space<vmem>>, vector<16xf32>,
    %swap3A_1355 = vector.shape_cast %swap3A_1354 : vector<16xf32> to vector<16xf32>
    %swap3A_1356 = vector.shape_cast %broadcast_in_dim3A_1352 : vector<16xf32> to vector<16xf32>
    tpu.vector_store %arg9[%swap3A_1353], %swap3A_1356 {strides = array<i32>} : memref<4000xf32, #tpu.memory_space<vmem>>, vector<16xf32>,
    %broadcast_in_dim3A_1357 = arith.constant 1.000000e+00 : f32
    %broadcast_in_dim3A_1358 = vector.broadcast %broadcast_in_dim3A_1357 : f32 to vector<16xf32>
    %swap3A_1359 = arith.constant 3616 : index
    %swap3A_1360 = tpu.vector_load %arg9[%swap3A_1359] {strides = array<i32>} : memref<4000xf32, #tpu.memory_space<vmem>>, vector<16xf32>,
    %swap3A_1361 = vector.shape_cast %swap3A_1360 : vector<16xf32> to vector<16xf32>
    %swap3A_1362 = vector.shape_cast %broadcast_in_dim3A_1358 : vector<16xf32> to vector<16xf32>
    tpu.vector_store %arg9[%swap3A_1359], %swap3A_1362 {strides = array<i32>} : memref<4000xf32, #tpu.memory_space<vmem>>, vector<16xf32>,
    %broadcast_in_dim3A_1363 = arith.constant 1.000000e+00 : f32
    %broadcast_in_dim3A_1364 = vector.broadcast %broadcast_in_dim3A_1363 : f32 to vector<16xf32>
    %swap3A_1365 = arith.constant 3632 : index
    %swap3A_1366 = tpu.vector_load %arg9[%swap3A_1365] {strides = array<i32>} : memref<4000xf32, #tpu.memory_space<vmem>>, vector<16xf32>,
    %swap3A_1367 = vector.shape_cast %swap3A_1366 : vector<16xf32> to vector<16xf32>
    %swap3A_1368 = vector.shape_cast %broadcast_in_dim3A_1364 : vector<16xf32> to vector<16xf32>
    tpu.vector_store %arg9[%swap3A_1365], %swap3A_1368 {strides = array<i32>} : memref<4000xf32, #tpu.memory_space<vmem>>, vector<16xf32>,
    %broadcast_in_dim3A_1369 = arith.constant 1.000000e+00 : f32
    %broadcast_in_dim3A_1370 = vector.broadcast %broadcast_in_dim3A_1369 : f32 to vector<16xf32>
    %swap3A_1371 = arith.constant 3648 : index
    %swap3A_1372 = tpu.vector_load %arg9[%swap3A_1371] {strides = array<i32>} : memref<4000xf32, #tpu.memory_space<vmem>>, vector<16xf32>,
    %swap3A_1373 = vector.shape_cast %swap3A_1372 : vector<16xf32> to vector<16xf32>
    %swap3A_1374 = vector.shape_cast %broadcast_in_dim3A_1370 : vector<16xf32> to vector<16xf32>
    tpu.vector_store %arg9[%swap3A_1371], %swap3A_1374 {strides = array<i32>} : memref<4000xf32, #tpu.memory_space<vmem>>, vector<16xf32>,
    %broadcast_in_dim3A_1375 = arith.constant 1.000000e+00 : f32
    %broadcast_in_dim3A_1376 = vector.broadcast %broadcast_in_dim3A_1375 : f32 to vector<16xf32>
    %swap3A_1377 = arith.constant 3664 : index
    %swap3A_1378 = tpu.vector_load %arg9[%swap3A_1377] {strides = array<i32>} : memref<4000xf32, #tpu.memory_space<vmem>>, vector<16xf32>,
    %swap3A_1379 = vector.shape_cast %swap3A_1378 : vector<16xf32> to vector<16xf32>
    %swap3A_1380 = vector.shape_cast %broadcast_in_dim3A_1376 : vector<16xf32> to vector<16xf32>
    tpu.vector_store %arg9[%swap3A_1377], %swap3A_1380 {strides = array<i32>} : memref<4000xf32, #tpu.memory_space<vmem>>, vector<16xf32>,
    %broadcast_in_dim3A_1381 = arith.constant 1.000000e+00 : f32
    %broadcast_in_dim3A_1382 = vector.broadcast %broadcast_in_dim3A_1381 : f32 to vector<16xf32>
    %swap3A_1383 = arith.constant 3680 : index
    %swap3A_1384 = tpu.vector_load %arg9[%swap3A_1383] {strides = array<i32>} : memref<4000xf32, #tpu.memory_space<vmem>>, vector<16xf32>,
    %swap3A_1385 = vector.shape_cast %swap3A_1384 : vector<16xf32> to vector<16xf32>
    %swap3A_1386 = vector.shape_cast %broadcast_in_dim3A_1382 : vector<16xf32> to vector<16xf32>
    tpu.vector_store %arg9[%swap3A_1383], %swap3A_1386 {strides = array<i32>} : memref<4000xf32, #tpu.memory_space<vmem>>, vector<16xf32>,
    %broadcast_in_dim3A_1387 = arith.constant 1.000000e+00 : f32
    %broadcast_in_dim3A_1388 = vector.broadcast %broadcast_in_dim3A_1387 : f32 to vector<16xf32>
    %swap3A_1389 = arith.constant 3696 : index
    %swap3A_1390 = tpu.vector_load %arg9[%swap3A_1389] {strides = array<i32>} : memref<4000xf32, #tpu.memory_space<vmem>>, vector<16xf32>,
    %swap3A_1391 = vector.shape_cast %swap3A_1390 : vector<16xf32> to vector<16xf32>
    %swap3A_1392 = vector.shape_cast %broadcast_in_dim3A_1388 : vector<16xf32> to vector<16xf32>
    tpu.vector_store %arg9[%swap3A_1389], %swap3A_1392 {strides = array<i32>} : memref<4000xf32, #tpu.memory_space<vmem>>, vector<16xf32>,
    %broadcast_in_dim3A_1393 = arith.constant 1.000000e+00 : f32
    %broadcast_in_dim3A_1394 = vector.broadcast %broadcast_in_dim3A_1393 : f32 to vector<16xf32>
    %swap3A_1395 = arith.constant 3712 : index
    %swap3A_1396 = tpu.vector_load %arg9[%swap3A_1395] {strides = array<i32>} : memref<4000xf32, #tpu.memory_space<vmem>>, vector<16xf32>,
    %swap3A_1397 = vector.shape_cast %swap3A_1396 : vector<16xf32> to vector<16xf32>
    %swap3A_1398 = vector.shape_cast %broadcast_in_dim3A_1394 : vector<16xf32> to vector<16xf32>
    tpu.vector_store %arg9[%swap3A_1395], %swap3A_1398 {strides = array<i32>} : memref<4000xf32, #tpu.memory_space<vmem>>, vector<16xf32>,
    %broadcast_in_dim3A_1399 = arith.constant 1.000000e+00 : f32
    %broadcast_in_dim3A_1400 = vector.broadcast %broadcast_in_dim3A_1399 : f32 to vector<16xf32>
    %swap3A_1401 = arith.constant 3728 : index
    %swap3A_1402 = tpu.vector_load %arg9[%swap3A_1401] {strides = array<i32>} : memref<4000xf32, #tpu.memory_space<vmem>>, vector<16xf32>,
    %swap3A_1403 = vector.shape_cast %swap3A_1402 : vector<16xf32> to vector<16xf32>
    %swap3A_1404 = vector.shape_cast %broadcast_in_dim3A_1400 : vector<16xf32> to vector<16xf32>
    tpu.vector_store %arg9[%swap3A_1401], %swap3A_1404 {strides = array<i32>} : memref<4000xf32, #tpu.memory_space<vmem>>, vector<16xf32>,
    %broadcast_in_dim3A_1405 = arith.constant 1.000000e+00 : f32
    %broadcast_in_dim3A_1406 = vector.broadcast %broadcast_in_dim3A_1405 : f32 to vector<16xf32>
    %swap3A_1407 = arith.constant 3744 : index
    %swap3A_1408 = tpu.vector_load %arg9[%swap3A_1407] {strides = array<i32>} : memref<4000xf32, #tpu.memory_space<vmem>>, vector<16xf32>,
    %swap3A_1409 = vector.shape_cast %swap3A_1408 : vector<16xf32> to vector<16xf32>
    %swap3A_1410 = vector.shape_cast %broadcast_in_dim3A_1406 : vector<16xf32> to vector<16xf32>
    tpu.vector_store %arg9[%swap3A_1407], %swap3A_1410 {strides = array<i32>} : memref<4000xf32, #tpu.memory_space<vmem>>, vector<16xf32>,
    %broadcast_in_dim3A_1411 = arith.constant 1.000000e+00 : f32
    %broadcast_in_dim3A_1412 = vector.broadcast %broadcast_in_dim3A_1411 : f32 to vector<16xf32>
    %swap3A_1413 = arith.constant 3760 : index
    %swap3A_1414 = tpu.vector_load %arg9[%swap3A_1413] {strides = array<i32>} : memref<4000xf32, #tpu.memory_space<vmem>>, vector<16xf32>,
    %swap3A_1415 = vector.shape_cast %swap3A_1414 : vector<16xf32> to vector<16xf32>
    %swap3A_1416 = vector.shape_cast %broadcast_in_dim3A_1412 : vector<16xf32> to vector<16xf32>
    tpu.vector_store %arg9[%swap3A_1413], %swap3A_1416 {strides = array<i32>} : memref<4000xf32, #tpu.memory_space<vmem>>, vector<16xf32>,
    %broadcast_in_dim3A_1417 = arith.constant 1.000000e+00 : f32
    %broadcast_in_dim3A_1418 = vector.broadcast %broadcast_in_dim3A_1417 : f32 to vector<16xf32>
    %swap3A_1419 = arith.constant 3776 : index
    %swap3A_1420 = tpu.vector_load %arg9[%swap3A_1419] {strides = array<i32>} : memref<4000xf32, #tpu.memory_space<vmem>>, vector<16xf32>,
    %swap3A_1421 = vector.shape_cast %swap3A_1420 : vector<16xf32> to vector<16xf32>
    %swap3A_1422 = vector.shape_cast %broadcast_in_dim3A_1418 : vector<16xf32> to vector<16xf32>
    tpu.vector_store %arg9[%swap3A_1419], %swap3A_1422 {strides = array<i32>} : memref<4000xf32, #tpu.memory_space<vmem>>, vector<16xf32>,
    %broadcast_in_dim3A_1423 = arith.constant 1.000000e+00 : f32
    %broadcast_in_dim3A_1424 = vector.broadcast %broadcast_in_dim3A_1423 : f32 to vector<16xf32>
    %swap3A_1425 = arith.constant 3792 : index
    %swap3A_1426 = tpu.vector_load %arg9[%swap3A_1425] {strides = array<i32>} : memref<4000xf32, #tpu.memory_space<vmem>>, vector<16xf32>,
    %swap3A_1427 = vector.shape_cast %swap3A_1426 : vector<16xf32> to vector<16xf32>
    %swap3A_1428 = vector.shape_cast %broadcast_in_dim3A_1424 : vector<16xf32> to vector<16xf32>
    tpu.vector_store %arg9[%swap3A_1425], %swap3A_1428 {strides = array<i32>} : memref<4000xf32, #tpu.memory_space<vmem>>, vector<16xf32>,
    %broadcast_in_dim3A_1429 = arith.constant 1.000000e+00 : f32
    %broadcast_in_dim3A_1430 = vector.broadcast %broadcast_in_dim3A_1429 : f32 to vector<16xf32>
    %swap3A_1431 = arith.constant 3808 : index
    %swap3A_1432 = tpu.vector_load %arg9[%swap3A_1431] {strides = array<i32>} : memref<4000xf32, #tpu.memory_space<vmem>>, vector<16xf32>,
    %swap3A_1433 = vector.shape_cast %swap3A_1432 : vector<16xf32> to vector<16xf32>
    %swap3A_1434 = vector.shape_cast %broadcast_in_dim3A_1430 : vector<16xf32> to vector<16xf32>
    tpu.vector_store %arg9[%swap3A_1431], %swap3A_1434 {strides = array<i32>} : memref<4000xf32, #tpu.memory_space<vmem>>, vector<16xf32>,
    %broadcast_in_dim3A_1435 = arith.constant 1.000000e+00 : f32
    %broadcast_in_dim3A_1436 = vector.broadcast %broadcast_in_dim3A_1435 : f32 to vector<16xf32>
    %swap3A_1437 = arith.constant 3824 : index
    %swap3A_1438 = tpu.vector_load %arg9[%swap3A_1437] {strides = array<i32>} : memref<4000xf32, #tpu.memory_space<vmem>>, vector<16xf32>,
    %swap3A_1439 = vector.shape_cast %swap3A_1438 : vector<16xf32> to vector<16xf32>
    %swap3A_1440 = vector.shape_cast %broadcast_in_dim3A_1436 : vector<16xf32> to vector<16xf32>
    tpu.vector_store %arg9[%swap3A_1437], %swap3A_1440 {strides = array<i32>} : memref<4000xf32, #tpu.memory_space<vmem>>, vector<16xf32>,
    %broadcast_in_dim3A_1441 = arith.constant 1.000000e+00 : f32
    %broadcast_in_dim3A_1442 = vector.broadcast %broadcast_in_dim3A_1441 : f32 to vector<16xf32>
    %swap3A_1443 = arith.constant 3840 : index
    %swap3A_1444 = tpu.vector_load %arg9[%swap3A_1443] {strides = array<i32>} : memref<4000xf32, #tpu.memory_space<vmem>>, vector<16xf32>,
    %swap3A_1445 = vector.shape_cast %swap3A_1444 : vector<16xf32> to vector<16xf32>
    %swap3A_1446 = vector.shape_cast %broadcast_in_dim3A_1442 : vector<16xf32> to vector<16xf32>
    tpu.vector_store %arg9[%swap3A_1443], %swap3A_1446 {strides = array<i32>} : memref<4000xf32, #tpu.memory_space<vmem>>, vector<16xf32>,
    %broadcast_in_dim3A_1447 = arith.constant 1.000000e+00 : f32
    %broadcast_in_dim3A_1448 = vector.broadcast %broadcast_in_dim3A_1447 : f32 to vector<16xf32>
    %swap3A_1449 = arith.constant 3856 : index
    %swap3A_1450 = tpu.vector_load %arg9[%swap3A_1449] {strides = array<i32>} : memref<4000xf32, #tpu.memory_space<vmem>>, vector<16xf32>,
    %swap3A_1451 = vector.shape_cast %swap3A_1450 : vector<16xf32> to vector<16xf32>
    %swap3A_1452 = vector.shape_cast %broadcast_in_dim3A_1448 : vector<16xf32> to vector<16xf32>
    tpu.vector_store %arg9[%swap3A_1449], %swap3A_1452 {strides = array<i32>} : memref<4000xf32, #tpu.memory_space<vmem>>, vector<16xf32>,
    %broadcast_in_dim3A_1453 = arith.constant 1.000000e+00 : f32
    %broadcast_in_dim3A_1454 = vector.broadcast %broadcast_in_dim3A_1453 : f32 to vector<16xf32>
    %swap3A_1455 = arith.constant 3872 : index
    %swap3A_1456 = tpu.vector_load %arg9[%swap3A_1455] {strides = array<i32>} : memref<4000xf32, #tpu.memory_space<vmem>>, vector<16xf32>,
    %swap3A_1457 = vector.shape_cast %swap3A_1456 : vector<16xf32> to vector<16xf32>
    %swap3A_1458 = vector.shape_cast %broadcast_in_dim3A_1454 : vector<16xf32> to vector<16xf32>
    tpu.vector_store %arg9[%swap3A_1455], %swap3A_1458 {strides = array<i32>} : memref<4000xf32, #tpu.memory_space<vmem>>, vector<16xf32>,
    %broadcast_in_dim3A_1459 = arith.constant 1.000000e+00 : f32
    %broadcast_in_dim3A_1460 = vector.broadcast %broadcast_in_dim3A_1459 : f32 to vector<16xf32>
    %swap3A_1461 = arith.constant 3888 : index
    %swap3A_1462 = tpu.vector_load %arg9[%swap3A_1461] {strides = array<i32>} : memref<4000xf32, #tpu.memory_space<vmem>>, vector<16xf32>,
    %swap3A_1463 = vector.shape_cast %swap3A_1462 : vector<16xf32> to vector<16xf32>
    %swap3A_1464 = vector.shape_cast %broadcast_in_dim3A_1460 : vector<16xf32> to vector<16xf32>
    tpu.vector_store %arg9[%swap3A_1461], %swap3A_1464 {strides = array<i32>} : memref<4000xf32, #tpu.memory_space<vmem>>, vector<16xf32>,
    %broadcast_in_dim3A_1465 = arith.constant 1.000000e+00 : f32
    %broadcast_in_dim3A_1466 = vector.broadcast %broadcast_in_dim3A_1465 : f32 to vector<16xf32>
    %swap3A_1467 = arith.constant 3904 : index
    %swap3A_1468 = tpu.vector_load %arg9[%swap3A_1467] {strides = array<i32>} : memref<4000xf32, #tpu.memory_space<vmem>>, vector<16xf32>,
    %swap3A_1469 = vector.shape_cast %swap3A_1468 : vector<16xf32> to vector<16xf32>
    %swap3A_1470 = vector.shape_cast %broadcast_in_dim3A_1466 : vector<16xf32> to vector<16xf32>
    tpu.vector_store %arg9[%swap3A_1467], %swap3A_1470 {strides = array<i32>} : memref<4000xf32, #tpu.memory_space<vmem>>, vector<16xf32>,
    %broadcast_in_dim3A_1471 = arith.constant 1.000000e+00 : f32
    %broadcast_in_dim3A_1472 = vector.broadcast %broadcast_in_dim3A_1471 : f32 to vector<16xf32>
    %swap3A_1473 = arith.constant 3920 : index
    %swap3A_1474 = tpu.vector_load %arg9[%swap3A_1473] {strides = array<i32>} : memref<4000xf32, #tpu.memory_space<vmem>>, vector<16xf32>,
    %swap3A_1475 = vector.shape_cast %swap3A_1474 : vector<16xf32> to vector<16xf32>
    %swap3A_1476 = vector.shape_cast %broadcast_in_dim3A_1472 : vector<16xf32> to vector<16xf32>
    tpu.vector_store %arg9[%swap3A_1473], %swap3A_1476 {strides = array<i32>} : memref<4000xf32, #tpu.memory_space<vmem>>, vector<16xf32>,
    %broadcast_in_dim3A_1477 = arith.constant 1.000000e+00 : f32
    %broadcast_in_dim3A_1478 = vector.broadcast %broadcast_in_dim3A_1477 : f32 to vector<16xf32>
    %swap3A_1479 = arith.constant 3936 : index
    %swap3A_1480 = tpu.vector_load %arg9[%swap3A_1479] {strides = array<i32>} : memref<4000xf32, #tpu.memory_space<vmem>>, vector<16xf32>,
    %swap3A_1481 = vector.shape_cast %swap3A_1480 : vector<16xf32> to vector<16xf32>
    %swap3A_1482 = vector.shape_cast %broadcast_in_dim3A_1478 : vector<16xf32> to vector<16xf32>
    tpu.vector_store %arg9[%swap3A_1479], %swap3A_1482 {strides = array<i32>} : memref<4000xf32, #tpu.memory_space<vmem>>, vector<16xf32>,
    %broadcast_in_dim3A_1483 = arith.constant 1.000000e+00 : f32
    %broadcast_in_dim3A_1484 = vector.broadcast %broadcast_in_dim3A_1483 : f32 to vector<16xf32>
    %swap3A_1485 = arith.constant 3952 : index
    %swap3A_1486 = tpu.vector_load %arg9[%swap3A_1485] {strides = array<i32>} : memref<4000xf32, #tpu.memory_space<vmem>>, vector<16xf32>,
    %swap3A_1487 = vector.shape_cast %swap3A_1486 : vector<16xf32> to vector<16xf32>
    %swap3A_1488 = vector.shape_cast %broadcast_in_dim3A_1484 : vector<16xf32> to vector<16xf32>
    tpu.vector_store %arg9[%swap3A_1485], %swap3A_1488 {strides = array<i32>} : memref<4000xf32, #tpu.memory_space<vmem>>, vector<16xf32>,
    %broadcast_in_dim3A_1489 = arith.constant 1.000000e+00 : f32
    %broadcast_in_dim3A_1490 = vector.broadcast %broadcast_in_dim3A_1489 : f32 to vector<16xf32>
    %swap3A_1491 = arith.constant 3968 : index
    %swap3A_1492 = tpu.vector_load %arg9[%swap3A_1491] {strides = array<i32>} : memref<4000xf32, #tpu.memory_space<vmem>>, vector<16xf32>,
    %swap3A_1493 = vector.shape_cast %swap3A_1492 : vector<16xf32> to vector<16xf32>
    %swap3A_1494 = vector.shape_cast %broadcast_in_dim3A_1490 : vector<16xf32> to vector<16xf32>
    tpu.vector_store %arg9[%swap3A_1491], %swap3A_1494 {strides = array<i32>} : memref<4000xf32, #tpu.memory_space<vmem>>, vector<16xf32>,
    %broadcast_in_dim3A_1495 = arith.constant 1.000000e+00 : f32
    %broadcast_in_dim3A_1496 = vector.broadcast %broadcast_in_dim3A_1495 : f32 to vector<16xf32>
    %swap3A_1497 = arith.constant 3984 : index
    %swap3A_1498 = tpu.vector_load %arg9[%swap3A_1497] {strides = array<i32>} : memref<4000xf32, #tpu.memory_space<vmem>>, vector<16xf32>,
    %swap3A_1499 = vector.shape_cast %swap3A_1498 : vector<16xf32> to vector<16xf32>
    %swap3A_1500 = vector.shape_cast %broadcast_in_dim3A_1496 : vector<16xf32> to vector<16xf32>
    tpu.vector_store %arg9[%swap3A_1497], %swap3A_1500 {strides = array<i32>} : memref<4000xf32, #tpu.memory_space<vmem>>, vector<16xf32>,
    %barrier3A = arith.constant 0 : index
    tpu.barrier barrier_id(%barrier3A)
    %mul3A_1501 = arith.constant 200000 : i32
    %mul3A_1502 = arith.muli %add3A, %mul3A_1501 : i32
    %scan3A = arith.constant 0 : i32
    %scan3A_1503 = arith.constant 0 : i32
    %scan3A_1504 = arith.constant 25 : i32
    %scan3A_1505 = arith.addi %scan3A_1503, %scan3A_1504 : i32
    %scan3A_1506 = arith.constant 1 : i32
    scf.for %scan3A_1509 = %scan3A_1503 to %scan3A_1505 step %scan3A_1506  : i32 {
      %mul3A_1510 = arith.constant 8000 : i32
      %mul3A_1511 = arith.muli %scan3A_1509, %mul3A_1510 : i32
      %add3A_1512 = arith.addi %mul3A_1502, %mul3A_1511 : i32
      %dma_start3A = tpu.memref_slice %arg3[%add3A_1512] : memref<6400000xi32, #tpu.memory_space<hbm>> -> memref<4000xi32, #tpu.memory_space<hbm>>
      %dma_start3A_1513 = tpu.memref_slice %arg3[%add3A_1512] : memref<6400000xi32, #tpu.memory_space<hbm>> -> memref<4000xi32, #tpu.memory_space<hbm>>
      tpu.enqueue_dma source(%dma_start3A_1513 : memref<4000xi32, #tpu.memory_space<hbm>>) target(%arg6 : memref<4000xi32, #tpu.memory_space<vmem>>) target_semaphore(%arg10 : memref<!tpu.dma_semaphore, #tpu.memory_space<semaphore_mem>>)
      %dma_wait3A = tpu.memref_slice %arg3[%add3A_1512] : memref<6400000xi32, #tpu.memory_space<hbm>> -> memref<4000xi32, #tpu.memory_space<hbm>>
      %dma_wait3A_1514 = tpu.memref_slice %arg3[%add3A_1512] : memref<6400000xi32, #tpu.memory_space<hbm>> -> memref<4000xi32, #tpu.memory_space<hbm>>
      tpu.wait_dma2 semaphore(%arg10 : memref<!tpu.dma_semaphore, #tpu.memory_space<semaphore_mem>>) src(%dma_wait3A_1514 : memref<4000xi32, #tpu.memory_space<hbm>>) dst(%arg6 : memref<4000xi32, #tpu.memory_space<vmem>>)
      %add3A_1515 = arith.constant 4000 : i32
      %add3A_1516 = arith.addi %add3A_1512, %add3A_1515 : i32
      %dma_start3A_1517 = tpu.memref_slice %arg3[%add3A_1516] : memref<6400000xi32, #tpu.memory_space<hbm>> -> memref<4000xi32, #tpu.memory_space<hbm>>
      %dma_start3A_1518 = tpu.memref_slice %arg3[%add3A_1516] : memref<6400000xi32, #tpu.memory_space<hbm>> -> memref<4000xi32, #tpu.memory_space<hbm>>
      tpu.enqueue_dma source(%dma_start3A_1518 : memref<4000xi32, #tpu.memory_space<hbm>>) target(%arg7 : memref<4000xi32, #tpu.memory_space<vmem>>) target_semaphore(%arg10 : memref<!tpu.dma_semaphore, #tpu.memory_space<semaphore_mem>>)
      %dma_start3A_1519 = arith.constant 0 : i32
      %dma_start3A_1520 = tpu.memref_slice %arg8[%dma_start3A_1519] : memref<100352xf32, #tpu.memory_space<vmem_shared>> -> memref<100352xf32, #tpu.memory_space<vmem_shared>>
      tpu.enqueue_indirect_dma source(%arg9 : memref<4000xf32, #tpu.memory_space<vmem>>) target(%dma_start3A_1520 : memref<100352xf32, #tpu.memory_space<vmem_shared>>) offsets(%arg6 : memref<4000xi32, #tpu.memory_space<vmem>>) semaphore(%arg12 : memref<!tpu.dma_semaphore, #tpu.memory_space<semaphore_mem>>) {add = true}
      %dma_wait3A_1521 = tpu.memref_slice %arg3[%add3A_1516] : memref<6400000xi32, #tpu.memory_space<hbm>> -> memref<4000xi32, #tpu.memory_space<hbm>>
      %dma_wait3A_1522 = tpu.memref_slice %arg3[%add3A_1516] : memref<6400000xi32, #tpu.memory_space<hbm>> -> memref<4000xi32, #tpu.memory_space<hbm>>
      tpu.wait_dma2 semaphore(%arg10 : memref<!tpu.dma_semaphore, #tpu.memory_space<semaphore_mem>>) src(%dma_wait3A_1522 : memref<4000xi32, #tpu.memory_space<hbm>>) dst(%arg7 : memref<4000xi32, #tpu.memory_space<vmem>>)
      %dma_start3A_1523 = arith.constant 0 : i32
      %dma_start3A_1524 = tpu.memref_slice %arg8[%dma_start3A_1523] : memref<100352xf32, #tpu.memory_space<vmem_shared>> -> memref<100352xf32, #tpu.memory_space<vmem_shared>>
      tpu.enqueue_indirect_dma source(%arg9 : memref<4000xf32, #tpu.memory_space<vmem>>) target(%dma_start3A_1524 : memref<100352xf32, #tpu.memory_space<vmem_shared>>) offsets(%arg7 : memref<4000xi32, #tpu.memory_space<vmem>>) semaphore(%arg13 : memref<!tpu.dma_semaphore, #tpu.memory_space<semaphore_mem>>) {add = true}
      %dma_wait3A_1525 = arith.constant 0 : i32
      %dma_wait3A_1526 = tpu.memref_slice %arg8[%dma_wait3A_1525] : memref<100352xf32, #tpu.memory_space<vmem_shared>> -> memref<100352xf32, #tpu.memory_space<vmem_shared>>
      tpu.wait_indirect_dma semaphore(%arg12 : memref<!tpu.dma_semaphore, #tpu.memory_space<semaphore_mem>>) src(%arg9 : memref<4000xf32, #tpu.memory_space<vmem>>) dst(%dma_wait3A_1526 : memref<100352xf32, #tpu.memory_space<vmem_shared>>)
      %dma_wait3A_1527 = arith.constant 0 : i32
      %dma_wait3A_1528 = tpu.memref_slice %arg8[%dma_wait3A_1527] : memref<100352xf32, #tpu.memory_space<vmem_shared>> -> memref<100352xf32, #tpu.memory_space<vmem_shared>>
      tpu.wait_indirect_dma semaphore(%arg13 : memref<!tpu.dma_semaphore, #tpu.memory_space<semaphore_mem>>) src(%arg9 : memref<4000xf32, #tpu.memory_space<vmem>>) dst(%dma_wait3A_1528 : memref<100352xf32, #tpu.memory_space<vmem_shared>>)
    }
    %scan3A_1507 = arith.constant 25 : i32
    %barrier3A_1508 = arith.constant 0 : index
    tpu.barrier barrier_id(%barrier3A_1508)
    "tpu.region"() ({
      %run_scoped3A = tpu.sem_alloc : memref<!tpu.dma_semaphore, #tpu.memory_space<semaphore_mem>>
      %dma_start3A = tpu.memref_slice %arg5[%arg0, %mul3A_2] : memref<2x100352xf32, #tpu.memory_space<hbm>> -> memref<1x6272xf32, #tpu.memory_space<hbm>>
      %dma_start3A_1509 = tpu.memref_squeeze %dma_start3A : memref<1x6272xf32, #tpu.memory_space<hbm>> -> memref<6272xf32, #tpu.memory_space<hbm>>
      %dma_start3A_1510 = tpu.memref_slice %arg8[%mul3A_2] : memref<100352xf32, #tpu.memory_space<vmem_shared>> -> memref<6272xf32, #tpu.memory_space<vmem_shared>>
      tpu.enqueue_dma source(%dma_start3A_1510 : memref<6272xf32, #tpu.memory_space<vmem_shared>>) target(%dma_start3A_1509 : memref<6272xf32, #tpu.memory_space<hbm>>) target_semaphore(%run_scoped3A : memref<!tpu.dma_semaphore, #tpu.memory_space<semaphore_mem>>)
      %dma_wait3A = tpu.memref_slice %arg5[%arg0, %mul3A_2] : memref<2x100352xf32, #tpu.memory_space<hbm>> -> memref<1x6272xf32, #tpu.memory_space<hbm>>
      %dma_wait3A_1511 = tpu.memref_squeeze %dma_wait3A : memref<1x6272xf32, #tpu.memory_space<hbm>> -> memref<6272xf32, #tpu.memory_space<hbm>>
      %dma_wait3A_1512 = tpu.memref_slice %arg8[%mul3A_2] : memref<100352xf32, #tpu.memory_space<vmem_shared>> -> memref<6272xf32, #tpu.memory_space<vmem_shared>>
      tpu.wait_dma2 semaphore(%run_scoped3A : memref<!tpu.dma_semaphore, #tpu.memory_space<semaphore_mem>>) src(%dma_wait3A_1512 : memref<6272xf32, #tpu.memory_space<vmem_shared>>) dst(%dma_wait3A_1511 : memref<6272xf32, #tpu.memory_space<hbm>>)
      tpu.yield
    }) : () -> ()
    return
  }
}

#map = affine_map<(d0, d1) -> (0)>
#map1 = affine_map<(d0, d1) -> (0, 0)>
module attributes {stable_mosaic.version = 14 : i64} {
  func.func @run(%arg0: i32, %arg1: i32, %arg2: memref<6400000xi32, #tpu.memory_space<hbm>>, %arg3: memref<6400000xi32, #tpu.memory_space<hbm>>, %arg4: memref<100352xf32, #tpu.memory_space<hbm>>, %arg5: memref<100352xf32, #tpu.memory_space<hbm>>, %arg6: memref<100352xf32, #tpu.memory_space<hbm>>, %arg7: memref<100352xf32, #tpu.memory_space<hbm>>, %arg8: memref<2x100352xf32, #tpu.memory_space<hbm>>, %arg9: memref<2x100352xf32, #tpu.memory_space<hbm>>, %arg10: memref<2x100352xf32, #tpu.memory_space<hbm>>, %arg11: memref<4000xi32, #tpu.memory_space<vmem>>, %arg12: memref<4000xi32, #tpu.memory_space<vmem>>, %arg13: memref<4000xi32, #tpu.memory_space<vmem>>, %arg14: memref<4000xi32, #tpu.memory_space<vmem>>, %arg15: memref<100352xf32, #tpu.memory_space<vmem_shared>>, %arg16: memref<100352xf32, #tpu.memory_space<vmem_shared>>, %arg17: memref<100352xf32, #tpu.memory_space<vmem_shared>>, %arg18: memref<100352xf32, #tpu.memory_space<vmem_shared>>, %arg19: memref<100352xf32, #tpu.memory_space<vmem_shared>>, %arg20: memref<100352xf32, #tpu.memory_space<vmem_shared>>, %arg21: memref<4000xf32, #tpu.memory_space<vmem>>, %arg22: memref<4000xf32, #tpu.memory_space<vmem>>, %arg23: memref<4000xf32, #tpu.memory_space<vmem>>, %arg24: memref<4000xf32, #tpu.memory_space<vmem>>, %arg25: memref<4000xf32, #tpu.memory_space<vmem>>, %arg26: memref<4000xf32, #tpu.memory_space<vmem>>, %arg27: memref<!tpu.dma_semaphore, #tpu.memory_space<semaphore_mem>>, %arg28: memref<!tpu.dma_semaphore, #tpu.memory_space<semaphore_mem>>, %arg29: memref<!tpu.dma_semaphore, #tpu.memory_space<semaphore_mem>>, %arg30: memref<!tpu.dma_semaphore, #tpu.memory_space<semaphore_mem>>) attributes {dimension_semantics = [#tpu.dimension_semantics<core_parallel>, #tpu.dimension_semantics<subcore_parallel>], iteration_bounds = array<i64: 2, 16>, scalar_prefetch = 0 : i64, scratch_operands = 20 : i64, tpu.core_type = #tpu.core_type<sc_vector_subcore>, window_params = [{transform_indices = #map}, {transform_indices = #map}, {transform_indices = #map}, {transform_indices = #map}, {transform_indices = #map}, {transform_indices = #map}, {transform_indices = #map1}, {transform_indices = #map1}, {transform_indices = #map1}]} {
    %mul3A = arith.constant 16 : i32
    %mul3A_0 = arith.muli %arg0, %mul3A : i32
    %add3A = arith.addi %mul3A_0, %arg1 : i32
    %mul3A_1 = arith.constant 6272 : i32
    %mul3A_2 = arith.muli %arg1, %mul3A_1 : i32
    "tpu.region"() ({
      %run_scoped3A = tpu.sem_alloc : memref<!tpu.dma_semaphore, #tpu.memory_space<semaphore_mem>>
      %dma_start3A = tpu.memref_slice %arg15[%mul3A_2] : memref<100352xf32, #tpu.memory_space<vmem_shared>> -> memref<6272xf32, #tpu.memory_space<vmem_shared>>
      %dma_start3A_11 = tpu.memref_slice %arg7[%mul3A_2] : memref<100352xf32, #tpu.memory_space<hbm>> -> memref<6272xf32, #tpu.memory_space<hbm>>
      tpu.enqueue_dma source(%dma_start3A_11 : memref<6272xf32, #tpu.memory_space<hbm>>) target(%dma_start3A : memref<6272xf32, #tpu.memory_space<vmem_shared>>) target_semaphore(%run_scoped3A : memref<!tpu.dma_semaphore, #tpu.memory_space<semaphore_mem>>)
      %dma_wait3A = tpu.memref_slice %arg15[%mul3A_2] : memref<100352xf32, #tpu.memory_space<vmem_shared>> -> memref<6272xf32, #tpu.memory_space<vmem_shared>>
      %dma_wait3A_12 = tpu.memref_slice %arg7[%mul3A_2] : memref<100352xf32, #tpu.memory_space<hbm>> -> memref<6272xf32, #tpu.memory_space<hbm>>
      tpu.wait_dma2 semaphore(%run_scoped3A : memref<!tpu.dma_semaphore, #tpu.memory_space<semaphore_mem>>) src(%dma_wait3A_12 : memref<6272xf32, #tpu.memory_space<hbm>>) dst(%dma_wait3A : memref<6272xf32, #tpu.memory_space<vmem_shared>>)
      tpu.yield
    }) : () -> ()
    "tpu.region"() ({
      %run_scoped3A = tpu.sem_alloc : memref<!tpu.dma_semaphore, #tpu.memory_space<semaphore_mem>>
      %dma_start3A = tpu.memref_slice %arg16[%mul3A_2] : memref<100352xf32, #tpu.memory_space<vmem_shared>> -> memref<6272xf32, #tpu.memory_space<vmem_shared>>
      %dma_start3A_11 = tpu.memref_slice %arg7[%mul3A_2] : memref<100352xf32, #tpu.memory_space<hbm>> -> memref<6272xf32, #tpu.memory_space<hbm>>
      tpu.enqueue_dma source(%dma_start3A_11 : memref<6272xf32, #tpu.memory_space<hbm>>) target(%dma_start3A : memref<6272xf32, #tpu.memory_space<vmem_shared>>) target_semaphore(%run_scoped3A : memref<!tpu.dma_semaphore, #tpu.memory_space<semaphore_mem>>)
      %dma_wait3A = tpu.memref_slice %arg16[%mul3A_2] : memref<100352xf32, #tpu.memory_space<vmem_shared>> -> memref<6272xf32, #tpu.memory_space<vmem_shared>>
      %dma_wait3A_12 = tpu.memref_slice %arg7[%mul3A_2] : memref<100352xf32, #tpu.memory_space<hbm>> -> memref<6272xf32, #tpu.memory_space<hbm>>
      tpu.wait_dma2 semaphore(%run_scoped3A : memref<!tpu.dma_semaphore, #tpu.memory_space<semaphore_mem>>) src(%dma_wait3A_12 : memref<6272xf32, #tpu.memory_space<hbm>>) dst(%dma_wait3A : memref<6272xf32, #tpu.memory_space<vmem_shared>>)
      tpu.yield
    }) : () -> ()
    "tpu.region"() ({
      %run_scoped3A = tpu.sem_alloc : memref<!tpu.dma_semaphore, #tpu.memory_space<semaphore_mem>>
      %dma_start3A = tpu.memref_slice %arg17[%mul3A_2] : memref<100352xf32, #tpu.memory_space<vmem_shared>> -> memref<6272xf32, #tpu.memory_space<vmem_shared>>
      %dma_start3A_11 = tpu.memref_slice %arg7[%mul3A_2] : memref<100352xf32, #tpu.memory_space<hbm>> -> memref<6272xf32, #tpu.memory_space<hbm>>
      tpu.enqueue_dma source(%dma_start3A_11 : memref<6272xf32, #tpu.memory_space<hbm>>) target(%dma_start3A : memref<6272xf32, #tpu.memory_space<vmem_shared>>) target_semaphore(%run_scoped3A : memref<!tpu.dma_semaphore, #tpu.memory_space<semaphore_mem>>)
      %dma_wait3A = tpu.memref_slice %arg17[%mul3A_2] : memref<100352xf32, #tpu.memory_space<vmem_shared>> -> memref<6272xf32, #tpu.memory_space<vmem_shared>>
      %dma_wait3A_12 = tpu.memref_slice %arg7[%mul3A_2] : memref<100352xf32, #tpu.memory_space<hbm>> -> memref<6272xf32, #tpu.memory_space<hbm>>
      tpu.wait_dma2 semaphore(%run_scoped3A : memref<!tpu.dma_semaphore, #tpu.memory_space<semaphore_mem>>) src(%dma_wait3A_12 : memref<6272xf32, #tpu.memory_space<hbm>>) dst(%dma_wait3A : memref<6272xf32, #tpu.memory_space<vmem_shared>>)
      tpu.yield
    }) : () -> ()
    "tpu.region"() ({
      %run_scoped3A = tpu.sem_alloc : memref<!tpu.dma_semaphore, #tpu.memory_space<semaphore_mem>>
      %dma_start3A = tpu.memref_slice %arg18[%mul3A_2] : memref<100352xf32, #tpu.memory_space<vmem_shared>> -> memref<6272xf32, #tpu.memory_space<vmem_shared>>
      %dma_start3A_11 = tpu.memref_slice %arg4[%mul3A_2] : memref<100352xf32, #tpu.memory_space<hbm>> -> memref<6272xf32, #tpu.memory_space<hbm>>
      tpu.enqueue_dma source(%dma_start3A_11 : memref<6272xf32, #tpu.memory_space<hbm>>) target(%dma_start3A : memref<6272xf32, #tpu.memory_space<vmem_shared>>) target_semaphore(%run_scoped3A : memref<!tpu.dma_semaphore, #tpu.memory_space<semaphore_mem>>)
      %dma_wait3A = tpu.memref_slice %arg18[%mul3A_2] : memref<100352xf32, #tpu.memory_space<vmem_shared>> -> memref<6272xf32, #tpu.memory_space<vmem_shared>>
      %dma_wait3A_12 = tpu.memref_slice %arg4[%mul3A_2] : memref<100352xf32, #tpu.memory_space<hbm>> -> memref<6272xf32, #tpu.memory_space<hbm>>
      tpu.wait_dma2 semaphore(%run_scoped3A : memref<!tpu.dma_semaphore, #tpu.memory_space<semaphore_mem>>) src(%dma_wait3A_12 : memref<6272xf32, #tpu.memory_space<hbm>>) dst(%dma_wait3A : memref<6272xf32, #tpu.memory_space<vmem_shared>>)
      tpu.yield
    }) : () -> ()
    "tpu.region"() ({
      %run_scoped3A = tpu.sem_alloc : memref<!tpu.dma_semaphore, #tpu.memory_space<semaphore_mem>>
      %dma_start3A = tpu.memref_slice %arg19[%mul3A_2] : memref<100352xf32, #tpu.memory_space<vmem_shared>> -> memref<6272xf32, #tpu.memory_space<vmem_shared>>
      %dma_start3A_11 = tpu.memref_slice %arg5[%mul3A_2] : memref<100352xf32, #tpu.memory_space<hbm>> -> memref<6272xf32, #tpu.memory_space<hbm>>
      tpu.enqueue_dma source(%dma_start3A_11 : memref<6272xf32, #tpu.memory_space<hbm>>) target(%dma_start3A : memref<6272xf32, #tpu.memory_space<vmem_shared>>) target_semaphore(%run_scoped3A : memref<!tpu.dma_semaphore, #tpu.memory_space<semaphore_mem>>)
      %dma_wait3A = tpu.memref_slice %arg19[%mul3A_2] : memref<100352xf32, #tpu.memory_space<vmem_shared>> -> memref<6272xf32, #tpu.memory_space<vmem_shared>>
      %dma_wait3A_12 = tpu.memref_slice %arg5[%mul3A_2] : memref<100352xf32, #tpu.memory_space<hbm>> -> memref<6272xf32, #tpu.memory_space<hbm>>
      tpu.wait_dma2 semaphore(%run_scoped3A : memref<!tpu.dma_semaphore, #tpu.memory_space<semaphore_mem>>) src(%dma_wait3A_12 : memref<6272xf32, #tpu.memory_space<hbm>>) dst(%dma_wait3A : memref<6272xf32, #tpu.memory_space<vmem_shared>>)
      tpu.yield
    }) : () -> ()
    "tpu.region"() ({
      %run_scoped3A = tpu.sem_alloc : memref<!tpu.dma_semaphore, #tpu.memory_space<semaphore_mem>>
      %dma_start3A = tpu.memref_slice %arg20[%mul3A_2] : memref<100352xf32, #tpu.memory_space<vmem_shared>> -> memref<6272xf32, #tpu.memory_space<vmem_shared>>
      %dma_start3A_11 = tpu.memref_slice %arg6[%mul3A_2] : memref<100352xf32, #tpu.memory_space<hbm>> -> memref<6272xf32, #tpu.memory_space<hbm>>
      tpu.enqueue_dma source(%dma_start3A_11 : memref<6272xf32, #tpu.memory_space<hbm>>) target(%dma_start3A : memref<6272xf32, #tpu.memory_space<vmem_shared>>) target_semaphore(%run_scoped3A : memref<!tpu.dma_semaphore, #tpu.memory_space<semaphore_mem>>)
      %dma_wait3A = tpu.memref_slice %arg20[%mul3A_2] : memref<100352xf32, #tpu.memory_space<vmem_shared>> -> memref<6272xf32, #tpu.memory_space<vmem_shared>>
      %dma_wait3A_12 = tpu.memref_slice %arg6[%mul3A_2] : memref<100352xf32, #tpu.memory_space<hbm>> -> memref<6272xf32, #tpu.memory_space<hbm>>
      tpu.wait_dma2 semaphore(%run_scoped3A : memref<!tpu.dma_semaphore, #tpu.memory_space<semaphore_mem>>) src(%dma_wait3A_12 : memref<6272xf32, #tpu.memory_space<hbm>>) dst(%dma_wait3A : memref<6272xf32, #tpu.memory_space<vmem_shared>>)
      tpu.yield
    }) : () -> ()
    %barrier3A = arith.constant 0 : index
    tpu.barrier barrier_id(%barrier3A)
    %mul3A_3 = arith.constant 200000 : i32
    %mul3A_4 = arith.muli %add3A, %mul3A_3 : i32
    %scan3A = arith.constant 0 : i32
    %scan3A_5 = arith.constant 0 : i32
    %scan3A_6 = arith.constant 25 : i32
    %scan3A_7 = arith.addi %scan3A_5, %scan3A_6 : i32
    %scan3A_8 = arith.constant 1 : i32
    scf.for %scan3A_11 = %scan3A_5 to %scan3A_7 step %scan3A_8  : i32 {
      %mul3A_12 = arith.constant 8000 : i32
      %mul3A_13 = arith.muli %scan3A_11, %mul3A_12 : i32
      %add3A_14 = arith.addi %mul3A_4, %mul3A_13 : i32
      %dma_start3A = tpu.memref_slice %arg2[%add3A_14] : memref<6400000xi32, #tpu.memory_space<hbm>> -> memref<4000xi32, #tpu.memory_space<hbm>>
      %dma_start3A_15 = tpu.memref_slice %arg2[%add3A_14] : memref<6400000xi32, #tpu.memory_space<hbm>> -> memref<4000xi32, #tpu.memory_space<hbm>>
      tpu.enqueue_dma source(%dma_start3A_15 : memref<4000xi32, #tpu.memory_space<hbm>>) target(%arg11 : memref<4000xi32, #tpu.memory_space<vmem>>) target_semaphore(%arg27 : memref<!tpu.dma_semaphore, #tpu.memory_space<semaphore_mem>>)
      %dma_start3A_16 = tpu.memref_slice %arg3[%add3A_14] : memref<6400000xi32, #tpu.memory_space<hbm>> -> memref<4000xi32, #tpu.memory_space<hbm>>
      %dma_start3A_17 = tpu.memref_slice %arg3[%add3A_14] : memref<6400000xi32, #tpu.memory_space<hbm>> -> memref<4000xi32, #tpu.memory_space<hbm>>
      tpu.enqueue_dma source(%dma_start3A_17 : memref<4000xi32, #tpu.memory_space<hbm>>) target(%arg13 : memref<4000xi32, #tpu.memory_space<vmem>>) target_semaphore(%arg27 : memref<!tpu.dma_semaphore, #tpu.memory_space<semaphore_mem>>)
      %dma_wait3A = tpu.memref_slice %arg2[%add3A_14] : memref<6400000xi32, #tpu.memory_space<hbm>> -> memref<4000xi32, #tpu.memory_space<hbm>>
      %dma_wait3A_18 = tpu.memref_slice %arg2[%add3A_14] : memref<6400000xi32, #tpu.memory_space<hbm>> -> memref<4000xi32, #tpu.memory_space<hbm>>
      tpu.wait_dma2 semaphore(%arg27 : memref<!tpu.dma_semaphore, #tpu.memory_space<semaphore_mem>>) src(%dma_wait3A_18 : memref<4000xi32, #tpu.memory_space<hbm>>) dst(%arg11 : memref<4000xi32, #tpu.memory_space<vmem>>)
      %dma_wait3A_19 = tpu.memref_slice %arg3[%add3A_14] : memref<6400000xi32, #tpu.memory_space<hbm>> -> memref<4000xi32, #tpu.memory_space<hbm>>
      %dma_wait3A_20 = tpu.memref_slice %arg3[%add3A_14] : memref<6400000xi32, #tpu.memory_space<hbm>> -> memref<4000xi32, #tpu.memory_space<hbm>>
      tpu.wait_dma2 semaphore(%arg27 : memref<!tpu.dma_semaphore, #tpu.memory_space<semaphore_mem>>) src(%dma_wait3A_20 : memref<4000xi32, #tpu.memory_space<hbm>>) dst(%arg13 : memref<4000xi32, #tpu.memory_space<vmem>>)
      %dma_start3A_21 = arith.constant 0 : i32
      %dma_start3A_22 = tpu.memref_slice %arg18[%dma_start3A_21] : memref<100352xf32, #tpu.memory_space<vmem_shared>> -> memref<100352xf32, #tpu.memory_space<vmem_shared>>
      tpu.enqueue_indirect_dma source(%dma_start3A_22 : memref<100352xf32, #tpu.memory_space<vmem_shared>>) target(%arg21 : memref<4000xf32, #tpu.memory_space<vmem>>) offsets(%arg11 : memref<4000xi32, #tpu.memory_space<vmem>>) semaphore(%arg28 : memref<!tpu.dma_semaphore, #tpu.memory_space<semaphore_mem>>)
      %dma_start3A_23 = arith.constant 0 : i32
      %dma_start3A_24 = tpu.memref_slice %arg19[%dma_start3A_23] : memref<100352xf32, #tpu.memory_space<vmem_shared>> -> memref<100352xf32, #tpu.memory_space<vmem_shared>>
      tpu.enqueue_indirect_dma source(%dma_start3A_24 : memref<100352xf32, #tpu.memory_space<vmem_shared>>) target(%arg22 : memref<4000xf32, #tpu.memory_space<vmem>>) offsets(%arg11 : memref<4000xi32, #tpu.memory_space<vmem>>) semaphore(%arg28 : memref<!tpu.dma_semaphore, #tpu.memory_space<semaphore_mem>>)
      %dma_start3A_25 = arith.constant 0 : i32
      %dma_start3A_26 = tpu.memref_slice %arg20[%dma_start3A_25] : memref<100352xf32, #tpu.memory_space<vmem_shared>> -> memref<100352xf32, #tpu.memory_space<vmem_shared>>
      tpu.enqueue_indirect_dma source(%dma_start3A_26 : memref<100352xf32, #tpu.memory_space<vmem_shared>>) target(%arg23 : memref<4000xf32, #tpu.memory_space<vmem>>) offsets(%arg11 : memref<4000xi32, #tpu.memory_space<vmem>>) semaphore(%arg28 : memref<!tpu.dma_semaphore, #tpu.memory_space<semaphore_mem>>)
      %add3A_27 = arith.constant 4000 : i32
      %add3A_28 = arith.addi %add3A_14, %add3A_27 : i32
      %dma_start3A_29 = tpu.memref_slice %arg2[%add3A_28] : memref<6400000xi32, #tpu.memory_space<hbm>> -> memref<4000xi32, #tpu.memory_space<hbm>>
      %dma_start3A_30 = tpu.memref_slice %arg2[%add3A_28] : memref<6400000xi32, #tpu.memory_space<hbm>> -> memref<4000xi32, #tpu.memory_space<hbm>>
      tpu.enqueue_dma source(%dma_start3A_30 : memref<4000xi32, #tpu.memory_space<hbm>>) target(%arg12 : memref<4000xi32, #tpu.memory_space<vmem>>) target_semaphore(%arg27 : memref<!tpu.dma_semaphore, #tpu.memory_space<semaphore_mem>>)
      %dma_start3A_31 = tpu.memref_slice %arg3[%add3A_28] : memref<6400000xi32, #tpu.memory_space<hbm>> -> memref<4000xi32, #tpu.memory_space<hbm>>
      %dma_start3A_32 = tpu.memref_slice %arg3[%add3A_28] : memref<6400000xi32, #tpu.memory_space<hbm>> -> memref<4000xi32, #tpu.memory_space<hbm>>
      tpu.enqueue_dma source(%dma_start3A_32 : memref<4000xi32, #tpu.memory_space<hbm>>) target(%arg14 : memref<4000xi32, #tpu.memory_space<vmem>>) target_semaphore(%arg27 : memref<!tpu.dma_semaphore, #tpu.memory_space<semaphore_mem>>)
      %dma_wait3A_33 = arith.constant 0 : i32
      %dma_wait3A_34 = tpu.memref_slice %arg18[%dma_wait3A_33] : memref<100352xf32, #tpu.memory_space<vmem_shared>> -> memref<100352xf32, #tpu.memory_space<vmem_shared>>
      tpu.wait_indirect_dma semaphore(%arg28 : memref<!tpu.dma_semaphore, #tpu.memory_space<semaphore_mem>>) src(%dma_wait3A_34 : memref<100352xf32, #tpu.memory_space<vmem_shared>>) dst(%arg21 : memref<4000xf32, #tpu.memory_space<vmem>>)
      %dma_wait3A_35 = arith.constant 0 : i32
      %dma_wait3A_36 = tpu.memref_slice %arg19[%dma_wait3A_35] : memref<100352xf32, #tpu.memory_space<vmem_shared>> -> memref<100352xf32, #tpu.memory_space<vmem_shared>>
      tpu.wait_indirect_dma semaphore(%arg28 : memref<!tpu.dma_semaphore, #tpu.memory_space<semaphore_mem>>) src(%dma_wait3A_36 : memref<100352xf32, #tpu.memory_space<vmem_shared>>) dst(%arg22 : memref<4000xf32, #tpu.memory_space<vmem>>)
      %dma_wait3A_37 = arith.constant 0 : i32
      %dma_wait3A_38 = tpu.memref_slice %arg20[%dma_wait3A_37] : memref<100352xf32, #tpu.memory_space<vmem_shared>> -> memref<100352xf32, #tpu.memory_space<vmem_shared>>
      tpu.wait_indirect_dma semaphore(%arg28 : memref<!tpu.dma_semaphore, #tpu.memory_space<semaphore_mem>>) src(%dma_wait3A_38 : memref<100352xf32, #tpu.memory_space<vmem_shared>>) dst(%arg23 : memref<4000xf32, #tpu.memory_space<vmem>>)
      %dma_start3A_39 = arith.constant 0 : i32
      %dma_start3A_40 = tpu.memref_slice %arg15[%dma_start3A_39] : memref<100352xf32, #tpu.memory_space<vmem_shared>> -> memref<100352xf32, #tpu.memory_space<vmem_shared>>
      tpu.enqueue_indirect_dma source(%arg21 : memref<4000xf32, #tpu.memory_space<vmem>>) target(%dma_start3A_40 : memref<100352xf32, #tpu.memory_space<vmem_shared>>) offsets(%arg13 : memref<4000xi32, #tpu.memory_space<vmem>>) semaphore(%arg29 : memref<!tpu.dma_semaphore, #tpu.memory_space<semaphore_mem>>) {add = true}
      %dma_start3A_41 = arith.constant 0 : i32
      %dma_start3A_42 = tpu.memref_slice %arg16[%dma_start3A_41] : memref<100352xf32, #tpu.memory_space<vmem_shared>> -> memref<100352xf32, #tpu.memory_space<vmem_shared>>
      tpu.enqueue_indirect_dma source(%arg22 : memref<4000xf32, #tpu.memory_space<vmem>>) target(%dma_start3A_42 : memref<100352xf32, #tpu.memory_space<vmem_shared>>) offsets(%arg13 : memref<4000xi32, #tpu.memory_space<vmem>>) semaphore(%arg29 : memref<!tpu.dma_semaphore, #tpu.memory_space<semaphore_mem>>) {add = true}
      %dma_start3A_43 = arith.constant 0 : i32
      %dma_start3A_44 = tpu.memref_slice %arg17[%dma_start3A_43] : memref<100352xf32, #tpu.memory_space<vmem_shared>> -> memref<100352xf32, #tpu.memory_space<vmem_shared>>
      tpu.enqueue_indirect_dma source(%arg23 : memref<4000xf32, #tpu.memory_space<vmem>>) target(%dma_start3A_44 : memref<100352xf32, #tpu.memory_space<vmem_shared>>) offsets(%arg13 : memref<4000xi32, #tpu.memory_space<vmem>>) semaphore(%arg29 : memref<!tpu.dma_semaphore, #tpu.memory_space<semaphore_mem>>) {add = true}
      %dma_wait3A_45 = tpu.memref_slice %arg2[%add3A_28] : memref<6400000xi32, #tpu.memory_space<hbm>> -> memref<4000xi32, #tpu.memory_space<hbm>>
      %dma_wait3A_46 = tpu.memref_slice %arg2[%add3A_28] : memref<6400000xi32, #tpu.memory_space<hbm>> -> memref<4000xi32, #tpu.memory_space<hbm>>
      tpu.wait_dma2 semaphore(%arg27 : memref<!tpu.dma_semaphore, #tpu.memory_space<semaphore_mem>>) src(%dma_wait3A_46 : memref<4000xi32, #tpu.memory_space<hbm>>) dst(%arg12 : memref<4000xi32, #tpu.memory_space<vmem>>)
      %dma_wait3A_47 = tpu.memref_slice %arg3[%add3A_28] : memref<6400000xi32, #tpu.memory_space<hbm>> -> memref<4000xi32, #tpu.memory_space<hbm>>
      %dma_wait3A_48 = tpu.memref_slice %arg3[%add3A_28] : memref<6400000xi32, #tpu.memory_space<hbm>> -> memref<4000xi32, #tpu.memory_space<hbm>>
      tpu.wait_dma2 semaphore(%arg27 : memref<!tpu.dma_semaphore, #tpu.memory_space<semaphore_mem>>) src(%dma_wait3A_48 : memref<4000xi32, #tpu.memory_space<hbm>>) dst(%arg14 : memref<4000xi32, #tpu.memory_space<vmem>>)
      %dma_start3A_49 = arith.constant 0 : i32
      %dma_start3A_50 = tpu.memref_slice %arg18[%dma_start3A_49] : memref<100352xf32, #tpu.memory_space<vmem_shared>> -> memref<100352xf32, #tpu.memory_space<vmem_shared>>
      tpu.enqueue_indirect_dma source(%dma_start3A_50 : memref<100352xf32, #tpu.memory_space<vmem_shared>>) target(%arg24 : memref<4000xf32, #tpu.memory_space<vmem>>) offsets(%arg12 : memref<4000xi32, #tpu.memory_space<vmem>>) semaphore(%arg28 : memref<!tpu.dma_semaphore, #tpu.memory_space<semaphore_mem>>)
      %dma_start3A_51 = arith.constant 0 : i32
      %dma_start3A_52 = tpu.memref_slice %arg19[%dma_start3A_51] : memref<100352xf32, #tpu.memory_space<vmem_shared>> -> memref<100352xf32, #tpu.memory_space<vmem_shared>>
      tpu.enqueue_indirect_dma source(%dma_start3A_52 : memref<100352xf32, #tpu.memory_space<vmem_shared>>) target(%arg25 : memref<4000xf32, #tpu.memory_space<vmem>>) offsets(%arg12 : memref<4000xi32, #tpu.memory_space<vmem>>) semaphore(%arg28 : memref<!tpu.dma_semaphore, #tpu.memory_space<semaphore_mem>>)
      %dma_start3A_53 = arith.constant 0 : i32
      %dma_start3A_54 = tpu.memref_slice %arg20[%dma_start3A_53] : memref<100352xf32, #tpu.memory_space<vmem_shared>> -> memref<100352xf32, #tpu.memory_space<vmem_shared>>
      tpu.enqueue_indirect_dma source(%dma_start3A_54 : memref<100352xf32, #tpu.memory_space<vmem_shared>>) target(%arg26 : memref<4000xf32, #tpu.memory_space<vmem>>) offsets(%arg12 : memref<4000xi32, #tpu.memory_space<vmem>>) semaphore(%arg28 : memref<!tpu.dma_semaphore, #tpu.memory_space<semaphore_mem>>)
      %dma_wait3A_55 = arith.constant 0 : i32
      %dma_wait3A_56 = tpu.memref_slice %arg18[%dma_wait3A_55] : memref<100352xf32, #tpu.memory_space<vmem_shared>> -> memref<100352xf32, #tpu.memory_space<vmem_shared>>
      tpu.wait_indirect_dma semaphore(%arg28 : memref<!tpu.dma_semaphore, #tpu.memory_space<semaphore_mem>>) src(%dma_wait3A_56 : memref<100352xf32, #tpu.memory_space<vmem_shared>>) dst(%arg24 : memref<4000xf32, #tpu.memory_space<vmem>>)
      %dma_wait3A_57 = arith.constant 0 : i32
      %dma_wait3A_58 = tpu.memref_slice %arg19[%dma_wait3A_57] : memref<100352xf32, #tpu.memory_space<vmem_shared>> -> memref<100352xf32, #tpu.memory_space<vmem_shared>>
      tpu.wait_indirect_dma semaphore(%arg28 : memref<!tpu.dma_semaphore, #tpu.memory_space<semaphore_mem>>) src(%dma_wait3A_58 : memref<100352xf32, #tpu.memory_space<vmem_shared>>) dst(%arg25 : memref<4000xf32, #tpu.memory_space<vmem>>)
      %dma_wait3A_59 = arith.constant 0 : i32
      %dma_wait3A_60 = tpu.memref_slice %arg20[%dma_wait3A_59] : memref<100352xf32, #tpu.memory_space<vmem_shared>> -> memref<100352xf32, #tpu.memory_space<vmem_shared>>
      tpu.wait_indirect_dma semaphore(%arg28 : memref<!tpu.dma_semaphore, #tpu.memory_space<semaphore_mem>>) src(%dma_wait3A_60 : memref<100352xf32, #tpu.memory_space<vmem_shared>>) dst(%arg26 : memref<4000xf32, #tpu.memory_space<vmem>>)
      %dma_start3A_61 = arith.constant 0 : i32
      %dma_start3A_62 = tpu.memref_slice %arg15[%dma_start3A_61] : memref<100352xf32, #tpu.memory_space<vmem_shared>> -> memref<100352xf32, #tpu.memory_space<vmem_shared>>
      tpu.enqueue_indirect_dma source(%arg24 : memref<4000xf32, #tpu.memory_space<vmem>>) target(%dma_start3A_62 : memref<100352xf32, #tpu.memory_space<vmem_shared>>) offsets(%arg14 : memref<4000xi32, #tpu.memory_space<vmem>>) semaphore(%arg30 : memref<!tpu.dma_semaphore, #tpu.memory_space<semaphore_mem>>) {add = true}
      %dma_start3A_63 = arith.constant 0 : i32
      %dma_start3A_64 = tpu.memref_slice %arg16[%dma_start3A_63] : memref<100352xf32, #tpu.memory_space<vmem_shared>> -> memref<100352xf32, #tpu.memory_space<vmem_shared>>
      tpu.enqueue_indirect_dma source(%arg25 : memref<4000xf32, #tpu.memory_space<vmem>>) target(%dma_start3A_64 : memref<100352xf32, #tpu.memory_space<vmem_shared>>) offsets(%arg14 : memref<4000xi32, #tpu.memory_space<vmem>>) semaphore(%arg30 : memref<!tpu.dma_semaphore, #tpu.memory_space<semaphore_mem>>) {add = true}
      %dma_start3A_65 = arith.constant 0 : i32
      %dma_start3A_66 = tpu.memref_slice %arg17[%dma_start3A_65] : memref<100352xf32, #tpu.memory_space<vmem_shared>> -> memref<100352xf32, #tpu.memory_space<vmem_shared>>
      tpu.enqueue_indirect_dma source(%arg26 : memref<4000xf32, #tpu.memory_space<vmem>>) target(%dma_start3A_66 : memref<100352xf32, #tpu.memory_space<vmem_shared>>) offsets(%arg14 : memref<4000xi32, #tpu.memory_space<vmem>>) semaphore(%arg30 : memref<!tpu.dma_semaphore, #tpu.memory_space<semaphore_mem>>) {add = true}
      %dma_wait3A_67 = arith.constant 0 : i32
      %dma_wait3A_68 = tpu.memref_slice %arg15[%dma_wait3A_67] : memref<100352xf32, #tpu.memory_space<vmem_shared>> -> memref<100352xf32, #tpu.memory_space<vmem_shared>>
      tpu.wait_indirect_dma semaphore(%arg29 : memref<!tpu.dma_semaphore, #tpu.memory_space<semaphore_mem>>) src(%arg21 : memref<4000xf32, #tpu.memory_space<vmem>>) dst(%dma_wait3A_68 : memref<100352xf32, #tpu.memory_space<vmem_shared>>)
      %dma_wait3A_69 = arith.constant 0 : i32
      %dma_wait3A_70 = tpu.memref_slice %arg16[%dma_wait3A_69] : memref<100352xf32, #tpu.memory_space<vmem_shared>> -> memref<100352xf32, #tpu.memory_space<vmem_shared>>
      tpu.wait_indirect_dma semaphore(%arg29 : memref<!tpu.dma_semaphore, #tpu.memory_space<semaphore_mem>>) src(%arg22 : memref<4000xf32, #tpu.memory_space<vmem>>) dst(%dma_wait3A_70 : memref<100352xf32, #tpu.memory_space<vmem_shared>>)
      %dma_wait3A_71 = arith.constant 0 : i32
      %dma_wait3A_72 = tpu.memref_slice %arg17[%dma_wait3A_71] : memref<100352xf32, #tpu.memory_space<vmem_shared>> -> memref<100352xf32, #tpu.memory_space<vmem_shared>>
      tpu.wait_indirect_dma semaphore(%arg29 : memref<!tpu.dma_semaphore, #tpu.memory_space<semaphore_mem>>) src(%arg23 : memref<4000xf32, #tpu.memory_space<vmem>>) dst(%dma_wait3A_72 : memref<100352xf32, #tpu.memory_space<vmem_shared>>)
      %dma_wait3A_73 = arith.constant 0 : i32
      %dma_wait3A_74 = tpu.memref_slice %arg15[%dma_wait3A_73] : memref<100352xf32, #tpu.memory_space<vmem_shared>> -> memref<100352xf32, #tpu.memory_space<vmem_shared>>
      tpu.wait_indirect_dma semaphore(%arg30 : memref<!tpu.dma_semaphore, #tpu.memory_space<semaphore_mem>>) src(%arg24 : memref<4000xf32, #tpu.memory_space<vmem>>) dst(%dma_wait3A_74 : memref<100352xf32, #tpu.memory_space<vmem_shared>>)
      %dma_wait3A_75 = arith.constant 0 : i32
      %dma_wait3A_76 = tpu.memref_slice %arg16[%dma_wait3A_75] : memref<100352xf32, #tpu.memory_space<vmem_shared>> -> memref<100352xf32, #tpu.memory_space<vmem_shared>>
      tpu.wait_indirect_dma semaphore(%arg30 : memref<!tpu.dma_semaphore, #tpu.memory_space<semaphore_mem>>) src(%arg25 : memref<4000xf32, #tpu.memory_space<vmem>>) dst(%dma_wait3A_76 : memref<100352xf32, #tpu.memory_space<vmem_shared>>)
      %dma_wait3A_77 = arith.constant 0 : i32
      %dma_wait3A_78 = tpu.memref_slice %arg17[%dma_wait3A_77] : memref<100352xf32, #tpu.memory_space<vmem_shared>> -> memref<100352xf32, #tpu.memory_space<vmem_shared>>
      tpu.wait_indirect_dma semaphore(%arg30 : memref<!tpu.dma_semaphore, #tpu.memory_space<semaphore_mem>>) src(%arg26 : memref<4000xf32, #tpu.memory_space<vmem>>) dst(%dma_wait3A_78 : memref<100352xf32, #tpu.memory_space<vmem_shared>>)
    }
    %scan3A_9 = arith.constant 25 : i32
    %barrier3A_10 = arith.constant 0 : index
    tpu.barrier barrier_id(%barrier3A_10)
    "tpu.region"() ({
      %run_scoped3A = tpu.sem_alloc : memref<!tpu.dma_semaphore, #tpu.memory_space<semaphore_mem>>
      %dma_start3A = tpu.memref_slice %arg8[%arg0, %mul3A_2] : memref<2x100352xf32, #tpu.memory_space<hbm>> -> memref<1x6272xf32, #tpu.memory_space<hbm>>
      %dma_start3A_11 = tpu.memref_squeeze %dma_start3A : memref<1x6272xf32, #tpu.memory_space<hbm>> -> memref<6272xf32, #tpu.memory_space<hbm>>
      %dma_start3A_12 = tpu.memref_slice %arg15[%mul3A_2] : memref<100352xf32, #tpu.memory_space<vmem_shared>> -> memref<6272xf32, #tpu.memory_space<vmem_shared>>
      tpu.enqueue_dma source(%dma_start3A_12 : memref<6272xf32, #tpu.memory_space<vmem_shared>>) target(%dma_start3A_11 : memref<6272xf32, #tpu.memory_space<hbm>>) target_semaphore(%run_scoped3A : memref<!tpu.dma_semaphore, #tpu.memory_space<semaphore_mem>>)
      %dma_wait3A = tpu.memref_slice %arg8[%arg0, %mul3A_2] : memref<2x100352xf32, #tpu.memory_space<hbm>> -> memref<1x6272xf32, #tpu.memory_space<hbm>>
      %dma_wait3A_13 = tpu.memref_squeeze %dma_wait3A : memref<1x6272xf32, #tpu.memory_space<hbm>> -> memref<6272xf32, #tpu.memory_space<hbm>>
      %dma_wait3A_14 = tpu.memref_slice %arg15[%mul3A_2] : memref<100352xf32, #tpu.memory_space<vmem_shared>> -> memref<6272xf32, #tpu.memory_space<vmem_shared>>
      tpu.wait_dma2 semaphore(%run_scoped3A : memref<!tpu.dma_semaphore, #tpu.memory_space<semaphore_mem>>) src(%dma_wait3A_14 : memref<6272xf32, #tpu.memory_space<vmem_shared>>) dst(%dma_wait3A_13 : memref<6272xf32, #tpu.memory_space<hbm>>)
      tpu.yield
    }) : () -> ()
    "tpu.region"() ({
      %run_scoped3A = tpu.sem_alloc : memref<!tpu.dma_semaphore, #tpu.memory_space<semaphore_mem>>
      %dma_start3A = tpu.memref_slice %arg9[%arg0, %mul3A_2] : memref<2x100352xf32, #tpu.memory_space<hbm>> -> memref<1x6272xf32, #tpu.memory_space<hbm>>
      %dma_start3A_11 = tpu.memref_squeeze %dma_start3A : memref<1x6272xf32, #tpu.memory_space<hbm>> -> memref<6272xf32, #tpu.memory_space<hbm>>
      %dma_start3A_12 = tpu.memref_slice %arg16[%mul3A_2] : memref<100352xf32, #tpu.memory_space<vmem_shared>> -> memref<6272xf32, #tpu.memory_space<vmem_shared>>
      tpu.enqueue_dma source(%dma_start3A_12 : memref<6272xf32, #tpu.memory_space<vmem_shared>>) target(%dma_start3A_11 : memref<6272xf32, #tpu.memory_space<hbm>>) target_semaphore(%run_scoped3A : memref<!tpu.dma_semaphore, #tpu.memory_space<semaphore_mem>>)
      %dma_wait3A = tpu.memref_slice %arg9[%arg0, %mul3A_2] : memref<2x100352xf32, #tpu.memory_space<hbm>> -> memref<1x6272xf32, #tpu.memory_space<hbm>>
      %dma_wait3A_13 = tpu.memref_squeeze %dma_wait3A : memref<1x6272xf32, #tpu.memory_space<hbm>> -> memref<6272xf32, #tpu.memory_space<hbm>>
      %dma_wait3A_14 = tpu.memref_slice %arg16[%mul3A_2] : memref<100352xf32, #tpu.memory_space<vmem_shared>> -> memref<6272xf32, #tpu.memory_space<vmem_shared>>
      tpu.wait_dma2 semaphore(%run_scoped3A : memref<!tpu.dma_semaphore, #tpu.memory_space<semaphore_mem>>) src(%dma_wait3A_14 : memref<6272xf32, #tpu.memory_space<vmem_shared>>) dst(%dma_wait3A_13 : memref<6272xf32, #tpu.memory_space<hbm>>)
      tpu.yield
    }) : () -> ()
    "tpu.region"() ({
      %run_scoped3A = tpu.sem_alloc : memref<!tpu.dma_semaphore, #tpu.memory_space<semaphore_mem>>
      %dma_start3A = tpu.memref_slice %arg10[%arg0, %mul3A_2] : memref<2x100352xf32, #tpu.memory_space<hbm>> -> memref<1x6272xf32, #tpu.memory_space<hbm>>
      %dma_start3A_11 = tpu.memref_squeeze %dma_start3A : memref<1x6272xf32, #tpu.memory_space<hbm>> -> memref<6272xf32, #tpu.memory_space<hbm>>
      %dma_start3A_12 = tpu.memref_slice %arg17[%mul3A_2] : memref<100352xf32, #tpu.memory_space<vmem_shared>> -> memref<6272xf32, #tpu.memory_space<vmem_shared>>
      tpu.enqueue_dma source(%dma_start3A_12 : memref<6272xf32, #tpu.memory_space<vmem_shared>>) target(%dma_start3A_11 : memref<6272xf32, #tpu.memory_space<hbm>>) target_semaphore(%run_scoped3A : memref<!tpu.dma_semaphore, #tpu.memory_space<semaphore_mem>>)
      %dma_wait3A = tpu.memref_slice %arg10[%arg0, %mul3A_2] : memref<2x100352xf32, #tpu.memory_space<hbm>> -> memref<1x6272xf32, #tpu.memory_space<hbm>>
      %dma_wait3A_13 = tpu.memref_squeeze %dma_wait3A : memref<1x6272xf32, #tpu.memory_space<hbm>> -> memref<6272xf32, #tpu.memory_space<hbm>>
      %dma_wait3A_14 = tpu.memref_slice %arg17[%mul3A_2] : memref<100352xf32, #tpu.memory_space<vmem_shared>> -> memref<6272xf32, #tpu.memory_space<vmem_shared>>
      tpu.wait_dma2 semaphore(%run_scoped3A : memref<!tpu.dma_semaphore, #tpu.memory_space<semaphore_mem>>) src(%dma_wait3A_14 : memref<6272xf32, #tpu.memory_space<vmem_shared>>) dst(%dma_wait3A_13 : memref<6272xf32, #tpu.memory_space<hbm>>)
      tpu.yield
    }) : () -> ()
    return
  }
}

module attributes {stable_mosaic.version = 14 : i64} {
  func.func @_tc1_body(%arg0: memref<2x784x128xf32, #tpu.memory_space<vmem>>, %arg1: memref<3x784x128xf32, #tpu.memory_space<vmem>>, %arg2: memref<784x128xf32, #tpu.memory_space<vmem>>, %arg3: memref<3x784x128xf32, #tpu.memory_space<vmem>>) attributes {dimension_semantics = [], scalar_prefetch = 0 : i64, scratch_operands = 0 : i64, tpu.core_type = #tpu.core_type<tc>} {
    %get3A = arith.constant 0 : index
    %get3A_0 = arith.constant 0 : index
    %get3A_1 = arith.constant 0 : index
    %get3A_2 = vector.load %arg0[%get3A, %get3A_0, %get3A_1] : memref<2x784x128xf32, #tpu.memory_space<vmem>>, vector<1x784x128xf32>
    %get3A_3 = vector.shape_cast %get3A_2 : vector<1x784x128xf32> to vector<784x128xf32>
    %get3A_4 = arith.constant 1 : index
    %get3A_5 = arith.constant 0 : index
    %get3A_6 = arith.constant 0 : index
    %get3A_7 = vector.load %arg0[%get3A_4, %get3A_5, %get3A_6] : memref<2x784x128xf32, #tpu.memory_space<vmem>>, vector<1x784x128xf32>
    %get3A_8 = vector.shape_cast %get3A_7 : vector<1x784x128xf32> to vector<784x128xf32>
    %add3A = arith.addf %get3A_3, %get3A_8 : vector<784x128xf32>
    %add3A_9 = arith.constant 1.000000e+00 : f32
    %add3A_10 = vector.broadcast %add3A_9 : f32 to vector<784x128xf32>
    %add3A_11 = arith.addf %add3A, %add3A_10 : vector<784x128xf32>
    %rsqrt3A = math.rsqrt %add3A_11 : vector<784x128xf32>
    %swap3A = arith.constant 0 : index
    %swap3A_12 = arith.constant 0 : index
    %swap3A_13 = vector.load %arg2[%swap3A, %swap3A_12] : memref<784x128xf32, #tpu.memory_space<vmem>>, vector<784x128xf32>
    tpu.vector_store %arg2[%swap3A, %swap3A_12], %rsqrt3A {strides = array<i32>} : memref<784x128xf32, #tpu.memory_space<vmem>>, vector<784x128xf32>,
    %get3A_14 = arith.constant 0 : index
    %get3A_15 = arith.constant 0 : index
    %get3A_16 = arith.constant 0 : index
    %get3A_17 = vector.load %arg1[%get3A_14, %get3A_15, %get3A_16] : memref<3x784x128xf32, #tpu.memory_space<vmem>>, vector<1x784x128xf32>
    %get3A_18 = vector.shape_cast %get3A_17 : vector<1x784x128xf32> to vector<784x128xf32>
    %mul3A = arith.mulf %get3A_18, %rsqrt3A : vector<784x128xf32>
    %swap3A_19 = arith.constant 0 : index
    %swap3A_20 = arith.constant 0 : index
    %swap3A_21 = arith.constant 0 : index
    %swap3A_22 = vector.load %arg3[%swap3A_19, %swap3A_20, %swap3A_21] : memref<3x784x128xf32, #tpu.memory_space<vmem>>, vector<1x784x128xf32>
    %swap3A_23 = vector.shape_cast %swap3A_22 : vector<1x784x128xf32> to vector<784x128xf32>
    %swap3A_24 = vector.shape_cast %mul3A : vector<784x128xf32> to vector<1x784x128xf32>
    tpu.vector_store %arg3[%swap3A_19, %swap3A_20, %swap3A_21], %swap3A_24 {strides = array<i32>} : memref<3x784x128xf32, #tpu.memory_space<vmem>>, vector<1x784x128xf32>,
    %get3A_25 = arith.constant 1 : index
    %get3A_26 = arith.constant 0 : index
    %get3A_27 = arith.constant 0 : index
    %get3A_28 = vector.load %arg1[%get3A_25, %get3A_26, %get3A_27] : memref<3x784x128xf32, #tpu.memory_space<vmem>>, vector<1x784x128xf32>
    %get3A_29 = vector.shape_cast %get3A_28 : vector<1x784x128xf32> to vector<784x128xf32>
    %mul3A_30 = arith.mulf %get3A_29, %rsqrt3A : vector<784x128xf32>
    %swap3A_31 = arith.constant 1 : index
    %swap3A_32 = arith.constant 0 : index
    %swap3A_33 = arith.constant 0 : index
    %swap3A_34 = vector.load %arg3[%swap3A_31, %swap3A_32, %swap3A_33] : memref<3x784x128xf32, #tpu.memory_space<vmem>>, vector<1x784x128xf32>
    %swap3A_35 = vector.shape_cast %swap3A_34 : vector<1x784x128xf32> to vector<784x128xf32>
    %swap3A_36 = vector.shape_cast %mul3A_30 : vector<784x128xf32> to vector<1x784x128xf32>
    tpu.vector_store %arg3[%swap3A_31, %swap3A_32, %swap3A_33], %swap3A_36 {strides = array<i32>} : memref<3x784x128xf32, #tpu.memory_space<vmem>>, vector<1x784x128xf32>,
    %get3A_37 = arith.constant 2 : index
    %get3A_38 = arith.constant 0 : index
    %get3A_39 = arith.constant 0 : index
    %get3A_40 = vector.load %arg1[%get3A_37, %get3A_38, %get3A_39] : memref<3x784x128xf32, #tpu.memory_space<vmem>>, vector<1x784x128xf32>
    %get3A_41 = vector.shape_cast %get3A_40 : vector<1x784x128xf32> to vector<784x128xf32>
    %mul3A_42 = arith.mulf %get3A_41, %rsqrt3A : vector<784x128xf32>
    %swap3A_43 = arith.constant 2 : index
    %swap3A_44 = arith.constant 0 : index
    %swap3A_45 = arith.constant 0 : index
    %swap3A_46 = vector.load %arg3[%swap3A_43, %swap3A_44, %swap3A_45] : memref<3x784x128xf32, #tpu.memory_space<vmem>>, vector<1x784x128xf32>
    %swap3A_47 = vector.shape_cast %swap3A_46 : vector<1x784x128xf32> to vector<784x128xf32>
    %swap3A_48 = vector.shape_cast %mul3A_42 : vector<784x128xf32> to vector<1x784x128xf32>
    tpu.vector_store %arg3[%swap3A_43, %swap3A_44, %swap3A_45], %swap3A_48 {strides = array<i32>} : memref<3x784x128xf32, #tpu.memory_space<vmem>>, vector<1x784x128xf32>,
    return
  }
}

module attributes {stable_mosaic.version = 14 : i64} {
  func.func @_tc2_body(%arg0: memref<2x784x128xf32, #tpu.memory_space<vmem>>, %arg1: memref<2x784x128xf32, #tpu.memory_space<vmem>>, %arg2: memref<2x784x128xf32, #tpu.memory_space<vmem>>, %arg3: memref<3x784x128xf32, #tpu.memory_space<vmem>>, %arg4: memref<784x128xf32, #tpu.memory_space<vmem>>, %arg5: memref<3x16xf32, #tpu.memory_space<smem>>, %arg6: memref<1x16xf32, #tpu.memory_space<smem>>, %arg7: memref<16x1xf32, #tpu.memory_space<smem>>, %arg8: memref<784x128xf32, #tpu.memory_space<vmem>>) attributes {dimension_semantics = [], scalar_prefetch = 0 : i64, scratch_operands = 0 : i64, tpu.core_type = #tpu.core_type<tc>} {
    %get3A = arith.constant 0 : index
    %get3A_0 = arith.constant 0 : index
    %get3A_1 = vector.load %arg4[%get3A, %get3A_0] : memref<784x128xf32, #tpu.memory_space<vmem>>, vector<784x128xf32>
    %get3A_2 = arith.constant 0 : index
    %get3A_3 = arith.constant 0 : index
    %get3A_4 = arith.constant 0 : index
    %get3A_5 = vector.load %arg0[%get3A_2, %get3A_3, %get3A_4] : memref<2x784x128xf32, #tpu.memory_space<vmem>>, vector<1x784x128xf32>
    %get3A_6 = vector.shape_cast %get3A_5 : vector<1x784x128xf32> to vector<784x128xf32>
    %get3A_7 = arith.constant 1 : index
    %get3A_8 = arith.constant 0 : index
    %get3A_9 = arith.constant 0 : index
    %get3A_10 = vector.load %arg0[%get3A_7, %get3A_8, %get3A_9] : memref<2x784x128xf32, #tpu.memory_space<vmem>>, vector<1x784x128xf32>
    %get3A_11 = vector.shape_cast %get3A_10 : vector<1x784x128xf32> to vector<784x128xf32>
    %add3A = arith.addf %get3A_6, %get3A_11 : vector<784x128xf32>
    %get3A_12 = arith.constant 0 : index
    %get3A_13 = arith.constant 0 : index
    %get3A_14 = arith.constant 0 : index
    %get3A_15 = vector.load %arg3[%get3A_12, %get3A_13, %get3A_14] : memref<3x784x128xf32, #tpu.memory_space<vmem>>, vector<1x784x128xf32>
    %get3A_16 = vector.shape_cast %get3A_15 : vector<1x784x128xf32> to vector<784x128xf32>
    %add3A_17 = arith.addf %add3A, %get3A_16 : vector<784x128xf32>
    %mul3A = arith.mulf %get3A_1, %add3A_17 : vector<784x128xf32>
    %get3A_18 = arith.constant 0 : index
    %get3A_19 = arith.constant 0 : index
    %get3A_20 = arith.constant 0 : index
    %get3A_21 = vector.load %arg1[%get3A_18, %get3A_19, %get3A_20] : memref<2x784x128xf32, #tpu.memory_space<vmem>>, vector<1x784x128xf32>
    %get3A_22 = vector.shape_cast %get3A_21 : vector<1x784x128xf32> to vector<784x128xf32>
    %get3A_23 = arith.constant 1 : index
    %get3A_24 = arith.constant 0 : index
    %get3A_25 = arith.constant 0 : index
    %get3A_26 = vector.load %arg1[%get3A_23, %get3A_24, %get3A_25] : memref<2x784x128xf32, #tpu.memory_space<vmem>>, vector<1x784x128xf32>
    %get3A_27 = vector.shape_cast %get3A_26 : vector<1x784x128xf32> to vector<784x128xf32>
    %add3A_28 = arith.addf %get3A_22, %get3A_27 : vector<784x128xf32>
    %get3A_29 = arith.constant 1 : index
    %get3A_30 = arith.constant 0 : index
    %get3A_31 = arith.constant 0 : index
    %get3A_32 = vector.load %arg3[%get3A_29, %get3A_30, %get3A_31] : memref<3x784x128xf32, #tpu.memory_space<vmem>>, vector<1x784x128xf32>
    %get3A_33 = vector.shape_cast %get3A_32 : vector<1x784x128xf32> to vector<784x128xf32>
    %add3A_34 = arith.addf %add3A_28, %get3A_33 : vector<784x128xf32>
    %mul3A_35 = arith.mulf %get3A_1, %add3A_34 : vector<784x128xf32>
    %get3A_36 = arith.constant 0 : index
    %get3A_37 = arith.constant 0 : index
    %get3A_38 = arith.constant 0 : index
    %get3A_39 = vector.load %arg2[%get3A_36, %get3A_37, %get3A_38] : memref<2x784x128xf32, #tpu.memory_space<vmem>>, vector<1x784x128xf32>
    %get3A_40 = vector.shape_cast %get3A_39 : vector<1x784x128xf32> to vector<784x128xf32>
    %get3A_41 = arith.constant 1 : index
    %get3A_42 = arith.constant 0 : index
    %get3A_43 = arith.constant 0 : index
    %get3A_44 = vector.load %arg2[%get3A_41, %get3A_42, %get3A_43] : memref<2x784x128xf32, #tpu.memory_space<vmem>>, vector<1x784x128xf32>
    %get3A_45 = vector.shape_cast %get3A_44 : vector<1x784x128xf32> to vector<784x128xf32>
    %add3A_46 = arith.addf %get3A_40, %get3A_45 : vector<784x128xf32>
    %get3A_47 = arith.constant 2 : index
    %get3A_48 = arith.constant 0 : index
    %get3A_49 = arith.constant 0 : index
    %get3A_50 = vector.load %arg3[%get3A_47, %get3A_48, %get3A_49] : memref<3x784x128xf32, #tpu.memory_space<vmem>>, vector<1x784x128xf32>
    %get3A_51 = vector.shape_cast %get3A_50 : vector<1x784x128xf32> to vector<784x128xf32>
    %add3A_52 = arith.addf %add3A_46, %get3A_51 : vector<784x128xf32>
    %mul3A_53 = arith.mulf %get3A_1, %add3A_52 : vector<784x128xf32>
    %broadcast_in_dim3A = arith.constant 0.000000e+00 : f32
    %broadcast_in_dim3A_54 = vector.broadcast %broadcast_in_dim3A : f32 to vector<784x128xf32>
    %get3A_55 = arith.constant 0 : index
    %get3A_56 = arith.constant 0 : index
    %get3A_57 = memref.load %arg6[%get3A_55, %get3A_56] : memref<1x16xf32, #tpu.memory_space<smem>>
    %get3A_58 = arith.constant 0 : index
    %get3A_59 = arith.constant 0 : index
    %get3A_60 = memref.load %arg5[%get3A_58, %get3A_59] : memref<3x16xf32, #tpu.memory_space<smem>>
    %mul3A_61 = vector.broadcast %get3A_60 : f32 to vector<784x128xf32>
    %mul3A_62 = arith.mulf %mul3A, %mul3A_61 : vector<784x128xf32>
    %add3A_63 = vector.broadcast %get3A_57 : f32 to vector<784x128xf32>
    %add3A_64 = arith.addf %add3A_63, %mul3A_62 : vector<784x128xf32>
    %get3A_65 = arith.constant 1 : index
    %get3A_66 = arith.constant 0 : index
    %get3A_67 = memref.load %arg5[%get3A_65, %get3A_66] : memref<3x16xf32, #tpu.memory_space<smem>>
    %mul3A_68 = vector.broadcast %get3A_67 : f32 to vector<784x128xf32>
    %mul3A_69 = arith.mulf %mul3A_35, %mul3A_68 : vector<784x128xf32>
    %add3A_70 = arith.addf %add3A_64, %mul3A_69 : vector<784x128xf32>
    %get3A_71 = arith.constant 2 : index
    %get3A_72 = arith.constant 0 : index
    %get3A_73 = memref.load %arg5[%get3A_71, %get3A_72] : memref<3x16xf32, #tpu.memory_space<smem>>
    %mul3A_74 = vector.broadcast %get3A_73 : f32 to vector<784x128xf32>
    %mul3A_75 = arith.mulf %mul3A_53, %mul3A_74 : vector<784x128xf32>
    %add3A_76 = arith.addf %add3A_70, %mul3A_75 : vector<784x128xf32>
    %max3A = arith.constant 0.000000e+00 : f32
    %max3A_77 = vector.broadcast %max3A : f32 to vector<784x128xf32>
    %max3A_78 = arith.maximumf %add3A_76, %max3A_77 : vector<784x128xf32>
    %get3A_79 = arith.constant 0 : index
    %get3A_80 = arith.constant 0 : index
    %get3A_81 = memref.load %arg7[%get3A_79, %get3A_80] : memref<16x1xf32, #tpu.memory_space<smem>>
    %mul3A_82 = vector.broadcast %get3A_81 : f32 to vector<784x128xf32>
    %mul3A_83 = arith.mulf %max3A_78, %mul3A_82 : vector<784x128xf32>
    %add3A_84 = arith.addf %broadcast_in_dim3A_54, %mul3A_83 : vector<784x128xf32>
    %get3A_85 = arith.constant 0 : index
    %get3A_86 = arith.constant 1 : index
    %get3A_87 = memref.load %arg6[%get3A_85, %get3A_86] : memref<1x16xf32, #tpu.memory_space<smem>>
    %get3A_88 = arith.constant 0 : index
    %get3A_89 = arith.constant 1 : index
    %get3A_90 = memref.load %arg5[%get3A_88, %get3A_89] : memref<3x16xf32, #tpu.memory_space<smem>>
    %mul3A_91 = vector.broadcast %get3A_90 : f32 to vector<784x128xf32>
    %mul3A_92 = arith.mulf %mul3A, %mul3A_91 : vector<784x128xf32>
    %add3A_93 = vector.broadcast %get3A_87 : f32 to vector<784x128xf32>
    %add3A_94 = arith.addf %add3A_93, %mul3A_92 : vector<784x128xf32>
    %get3A_95 = arith.constant 1 : index
    %get3A_96 = arith.constant 1 : index
    %get3A_97 = memref.load %arg5[%get3A_95, %get3A_96] : memref<3x16xf32, #tpu.memory_space<smem>>
    %mul3A_98 = vector.broadcast %get3A_97 : f32 to vector<784x128xf32>
    %mul3A_99 = arith.mulf %mul3A_35, %mul3A_98 : vector<784x128xf32>
    %add3A_100 = arith.addf %add3A_94, %mul3A_99 : vector<784x128xf32>
    %get3A_101 = arith.constant 2 : index
    %get3A_102 = arith.constant 1 : index
    %get3A_103 = memref.load %arg5[%get3A_101, %get3A_102] : memref<3x16xf32, #tpu.memory_space<smem>>
    %mul3A_104 = vector.broadcast %get3A_103 : f32 to vector<784x128xf32>
    %mul3A_105 = arith.mulf %mul3A_53, %mul3A_104 : vector<784x128xf32>
    %add3A_106 = arith.addf %add3A_100, %mul3A_105 : vector<784x128xf32>
    %max3A_107 = arith.constant 0.000000e+00 : f32
    %max3A_108 = vector.broadcast %max3A_107 : f32 to vector<784x128xf32>
    %max3A_109 = arith.maximumf %add3A_106, %max3A_108 : vector<784x128xf32>
    %get3A_110 = arith.constant 1 : index
    %get3A_111 = arith.constant 0 : index
    %get3A_112 = memref.load %arg7[%get3A_110, %get3A_111] : memref<16x1xf32, #tpu.memory_space<smem>>
    %mul3A_113 = vector.broadcast %get3A_112 : f32 to vector<784x128xf32>
    %mul3A_114 = arith.mulf %max3A_109, %mul3A_113 : vector<784x128xf32>
    %add3A_115 = arith.addf %add3A_84, %mul3A_114 : vector<784x128xf32>
    %get3A_116 = arith.constant 0 : index
    %get3A_117 = arith.constant 2 : index
    %get3A_118 = memref.load %arg6[%get3A_116, %get3A_117] : memref<1x16xf32, #tpu.memory_space<smem>>
    %get3A_119 = arith.constant 0 : index
    %get3A_120 = arith.constant 2 : index
    %get3A_121 = memref.load %arg5[%get3A_119, %get3A_120] : memref<3x16xf32, #tpu.memory_space<smem>>
    %mul3A_122 = vector.broadcast %get3A_121 : f32 to vector<784x128xf32>
    %mul3A_123 = arith.mulf %mul3A, %mul3A_122 : vector<784x128xf32>
    %add3A_124 = vector.broadcast %get3A_118 : f32 to vector<784x128xf32>
    %add3A_125 = arith.addf %add3A_124, %mul3A_123 : vector<784x128xf32>
    %get3A_126 = arith.constant 1 : index
    %get3A_127 = arith.constant 2 : index
    %get3A_128 = memref.load %arg5[%get3A_126, %get3A_127] : memref<3x16xf32, #tpu.memory_space<smem>>
    %mul3A_129 = vector.broadcast %get3A_128 : f32 to vector<784x128xf32>
    %mul3A_130 = arith.mulf %mul3A_35, %mul3A_129 : vector<784x128xf32>
    %add3A_131 = arith.addf %add3A_125, %mul3A_130 : vector<784x128xf32>
    %get3A_132 = arith.constant 2 : index
    %get3A_133 = arith.constant 2 : index
    %get3A_134 = memref.load %arg5[%get3A_132, %get3A_133] : memref<3x16xf32, #tpu.memory_space<smem>>
    %mul3A_135 = vector.broadcast %get3A_134 : f32 to vector<784x128xf32>
    %mul3A_136 = arith.mulf %mul3A_53, %mul3A_135 : vector<784x128xf32>
    %add3A_137 = arith.addf %add3A_131, %mul3A_136 : vector<784x128xf32>
    %max3A_138 = arith.constant 0.000000e+00 : f32
    %max3A_139 = vector.broadcast %max3A_138 : f32 to vector<784x128xf32>
    %max3A_140 = arith.maximumf %add3A_137, %max3A_139 : vector<784x128xf32>
    %get3A_141 = arith.constant 2 : index
    %get3A_142 = arith.constant 0 : index
    %get3A_143 = memref.load %arg7[%get3A_141, %get3A_142] : memref<16x1xf32, #tpu.memory_space<smem>>
    %mul3A_144 = vector.broadcast %get3A_143 : f32 to vector<784x128xf32>
    %mul3A_145 = arith.mulf %max3A_140, %mul3A_144 : vector<784x128xf32>
    %add3A_146 = arith.addf %add3A_115, %mul3A_145 : vector<784x128xf32>
    %get3A_147 = arith.constant 0 : index
    %get3A_148 = arith.constant 3 : index
    %get3A_149 = memref.load %arg6[%get3A_147, %get3A_148] : memref<1x16xf32, #tpu.memory_space<smem>>
    %get3A_150 = arith.constant 0 : index
    %get3A_151 = arith.constant 3 : index
    %get3A_152 = memref.load %arg5[%get3A_150, %get3A_151] : memref<3x16xf32, #tpu.memory_space<smem>>
    %mul3A_153 = vector.broadcast %get3A_152 : f32 to vector<784x128xf32>
    %mul3A_154 = arith.mulf %mul3A, %mul3A_153 : vector<784x128xf32>
    %add3A_155 = vector.broadcast %get3A_149 : f32 to vector<784x128xf32>
    %add3A_156 = arith.addf %add3A_155, %mul3A_154 : vector<784x128xf32>
    %get3A_157 = arith.constant 1 : index
    %get3A_158 = arith.constant 3 : index
    %get3A_159 = memref.load %arg5[%get3A_157, %get3A_158] : memref<3x16xf32, #tpu.memory_space<smem>>
    %mul3A_160 = vector.broadcast %get3A_159 : f32 to vector<784x128xf32>
    %mul3A_161 = arith.mulf %mul3A_35, %mul3A_160 : vector<784x128xf32>
    %add3A_162 = arith.addf %add3A_156, %mul3A_161 : vector<784x128xf32>
    %get3A_163 = arith.constant 2 : index
    %get3A_164 = arith.constant 3 : index
    %get3A_165 = memref.load %arg5[%get3A_163, %get3A_164] : memref<3x16xf32, #tpu.memory_space<smem>>
    %mul3A_166 = vector.broadcast %get3A_165 : f32 to vector<784x128xf32>
    %mul3A_167 = arith.mulf %mul3A_53, %mul3A_166 : vector<784x128xf32>
    %add3A_168 = arith.addf %add3A_162, %mul3A_167 : vector<784x128xf32>
    %max3A_169 = arith.constant 0.000000e+00 : f32
    %max3A_170 = vector.broadcast %max3A_169 : f32 to vector<784x128xf32>
    %max3A_171 = arith.maximumf %add3A_168, %max3A_170 : vector<784x128xf32>
    %get3A_172 = arith.constant 3 : index
    %get3A_173 = arith.constant 0 : index
    %get3A_174 = memref.load %arg7[%get3A_172, %get3A_173] : memref<16x1xf32, #tpu.memory_space<smem>>
    %mul3A_175 = vector.broadcast %get3A_174 : f32 to vector<784x128xf32>
    %mul3A_176 = arith.mulf %max3A_171, %mul3A_175 : vector<784x128xf32>
    %add3A_177 = arith.addf %add3A_146, %mul3A_176 : vector<784x128xf32>
    %get3A_178 = arith.constant 0 : index
    %get3A_179 = arith.constant 4 : index
    %get3A_180 = memref.load %arg6[%get3A_178, %get3A_179] : memref<1x16xf32, #tpu.memory_space<smem>>
    %get3A_181 = arith.constant 0 : index
    %get3A_182 = arith.constant 4 : index
    %get3A_183 = memref.load %arg5[%get3A_181, %get3A_182] : memref<3x16xf32, #tpu.memory_space<smem>>
    %mul3A_184 = vector.broadcast %get3A_183 : f32 to vector<784x128xf32>
    %mul3A_185 = arith.mulf %mul3A, %mul3A_184 : vector<784x128xf32>
    %add3A_186 = vector.broadcast %get3A_180 : f32 to vector<784x128xf32>
    %add3A_187 = arith.addf %add3A_186, %mul3A_185 : vector<784x128xf32>
    %get3A_188 = arith.constant 1 : index
    %get3A_189 = arith.constant 4 : index
    %get3A_190 = memref.load %arg5[%get3A_188, %get3A_189] : memref<3x16xf32, #tpu.memory_space<smem>>
    %mul3A_191 = vector.broadcast %get3A_190 : f32 to vector<784x128xf32>
    %mul3A_192 = arith.mulf %mul3A_35, %mul3A_191 : vector<784x128xf32>
    %add3A_193 = arith.addf %add3A_187, %mul3A_192 : vector<784x128xf32>
    %get3A_194 = arith.constant 2 : index
    %get3A_195 = arith.constant 4 : index
    %get3A_196 = memref.load %arg5[%get3A_194, %get3A_195] : memref<3x16xf32, #tpu.memory_space<smem>>
    %mul3A_197 = vector.broadcast %get3A_196 : f32 to vector<784x128xf32>
    %mul3A_198 = arith.mulf %mul3A_53, %mul3A_197 : vector<784x128xf32>
    %add3A_199 = arith.addf %add3A_193, %mul3A_198 : vector<784x128xf32>
    %max3A_200 = arith.constant 0.000000e+00 : f32
    %max3A_201 = vector.broadcast %max3A_200 : f32 to vector<784x128xf32>
    %max3A_202 = arith.maximumf %add3A_199, %max3A_201 : vector<784x128xf32>
    %get3A_203 = arith.constant 4 : index
    %get3A_204 = arith.constant 0 : index
    %get3A_205 = memref.load %arg7[%get3A_203, %get3A_204] : memref<16x1xf32, #tpu.memory_space<smem>>
    %mul3A_206 = vector.broadcast %get3A_205 : f32 to vector<784x128xf32>
    %mul3A_207 = arith.mulf %max3A_202, %mul3A_206 : vector<784x128xf32>
    %add3A_208 = arith.addf %add3A_177, %mul3A_207 : vector<784x128xf32>
    %get3A_209 = arith.constant 0 : index
    %get3A_210 = arith.constant 5 : index
    %get3A_211 = memref.load %arg6[%get3A_209, %get3A_210] : memref<1x16xf32, #tpu.memory_space<smem>>
    %get3A_212 = arith.constant 0 : index
    %get3A_213 = arith.constant 5 : index
    %get3A_214 = memref.load %arg5[%get3A_212, %get3A_213] : memref<3x16xf32, #tpu.memory_space<smem>>
    %mul3A_215 = vector.broadcast %get3A_214 : f32 to vector<784x128xf32>
    %mul3A_216 = arith.mulf %mul3A, %mul3A_215 : vector<784x128xf32>
    %add3A_217 = vector.broadcast %get3A_211 : f32 to vector<784x128xf32>
    %add3A_218 = arith.addf %add3A_217, %mul3A_216 : vector<784x128xf32>
    %get3A_219 = arith.constant 1 : index
    %get3A_220 = arith.constant 5 : index
    %get3A_221 = memref.load %arg5[%get3A_219, %get3A_220] : memref<3x16xf32, #tpu.memory_space<smem>>
    %mul3A_222 = vector.broadcast %get3A_221 : f32 to vector<784x128xf32>
    %mul3A_223 = arith.mulf %mul3A_35, %mul3A_222 : vector<784x128xf32>
    %add3A_224 = arith.addf %add3A_218, %mul3A_223 : vector<784x128xf32>
    %get3A_225 = arith.constant 2 : index
    %get3A_226 = arith.constant 5 : index
    %get3A_227 = memref.load %arg5[%get3A_225, %get3A_226] : memref<3x16xf32, #tpu.memory_space<smem>>
    %mul3A_228 = vector.broadcast %get3A_227 : f32 to vector<784x128xf32>
    %mul3A_229 = arith.mulf %mul3A_53, %mul3A_228 : vector<784x128xf32>
    %add3A_230 = arith.addf %add3A_224, %mul3A_229 : vector<784x128xf32>
    %max3A_231 = arith.constant 0.000000e+00 : f32
    %max3A_232 = vector.broadcast %max3A_231 : f32 to vector<784x128xf32>
    %max3A_233 = arith.maximumf %add3A_230, %max3A_232 : vector<784x128xf32>
    %get3A_234 = arith.constant 5 : index
    %get3A_235 = arith.constant 0 : index
    %get3A_236 = memref.load %arg7[%get3A_234, %get3A_235] : memref<16x1xf32, #tpu.memory_space<smem>>
    %mul3A_237 = vector.broadcast %get3A_236 : f32 to vector<784x128xf32>
    %mul3A_238 = arith.mulf %max3A_233, %mul3A_237 : vector<784x128xf32>
    %add3A_239 = arith.addf %add3A_208, %mul3A_238 : vector<784x128xf32>
    %get3A_240 = arith.constant 0 : index
    %get3A_241 = arith.constant 6 : index
    %get3A_242 = memref.load %arg6[%get3A_240, %get3A_241] : memref<1x16xf32, #tpu.memory_space<smem>>
    %get3A_243 = arith.constant 0 : index
    %get3A_244 = arith.constant 6 : index
    %get3A_245 = memref.load %arg5[%get3A_243, %get3A_244] : memref<3x16xf32, #tpu.memory_space<smem>>
    %mul3A_246 = vector.broadcast %get3A_245 : f32 to vector<784x128xf32>
    %mul3A_247 = arith.mulf %mul3A, %mul3A_246 : vector<784x128xf32>
    %add3A_248 = vector.broadcast %get3A_242 : f32 to vector<784x128xf32>
    %add3A_249 = arith.addf %add3A_248, %mul3A_247 : vector<784x128xf32>
    %get3A_250 = arith.constant 1 : index
    %get3A_251 = arith.constant 6 : index
    %get3A_252 = memref.load %arg5[%get3A_250, %get3A_251] : memref<3x16xf32, #tpu.memory_space<smem>>
    %mul3A_253 = vector.broadcast %get3A_252 : f32 to vector<784x128xf32>
    %mul3A_254 = arith.mulf %mul3A_35, %mul3A_253 : vector<784x128xf32>
    %add3A_255 = arith.addf %add3A_249, %mul3A_254 : vector<784x128xf32>
    %get3A_256 = arith.constant 2 : index
    %get3A_257 = arith.constant 6 : index
    %get3A_258 = memref.load %arg5[%get3A_256, %get3A_257] : memref<3x16xf32, #tpu.memory_space<smem>>
    %mul3A_259 = vector.broadcast %get3A_258 : f32 to vector<784x128xf32>
    %mul3A_260 = arith.mulf %mul3A_53, %mul3A_259 : vector<784x128xf32>
    %add3A_261 = arith.addf %add3A_255, %mul3A_260 : vector<784x128xf32>
    %max3A_262 = arith.constant 0.000000e+00 : f32
    %max3A_263 = vector.broadcast %max3A_262 : f32 to vector<784x128xf32>
    %max3A_264 = arith.maximumf %add3A_261, %max3A_263 : vector<784x128xf32>
    %get3A_265 = arith.constant 6 : index
    %get3A_266 = arith.constant 0 : index
    %get3A_267 = memref.load %arg7[%get3A_265, %get3A_266] : memref<16x1xf32, #tpu.memory_space<smem>>
    %mul3A_268 = vector.broadcast %get3A_267 : f32 to vector<784x128xf32>
    %mul3A_269 = arith.mulf %max3A_264, %mul3A_268 : vector<784x128xf32>
    %add3A_270 = arith.addf %add3A_239, %mul3A_269 : vector<784x128xf32>
    %get3A_271 = arith.constant 0 : index
    %get3A_272 = arith.constant 7 : index
    %get3A_273 = memref.load %arg6[%get3A_271, %get3A_272] : memref<1x16xf32, #tpu.memory_space<smem>>
    %get3A_274 = arith.constant 0 : index
    %get3A_275 = arith.constant 7 : index
    %get3A_276 = memref.load %arg5[%get3A_274, %get3A_275] : memref<3x16xf32, #tpu.memory_space<smem>>
    %mul3A_277 = vector.broadcast %get3A_276 : f32 to vector<784x128xf32>
    %mul3A_278 = arith.mulf %mul3A, %mul3A_277 : vector<784x128xf32>
    %add3A_279 = vector.broadcast %get3A_273 : f32 to vector<784x128xf32>
    %add3A_280 = arith.addf %add3A_279, %mul3A_278 : vector<784x128xf32>
    %get3A_281 = arith.constant 1 : index
    %get3A_282 = arith.constant 7 : index
    %get3A_283 = memref.load %arg5[%get3A_281, %get3A_282] : memref<3x16xf32, #tpu.memory_space<smem>>
    %mul3A_284 = vector.broadcast %get3A_283 : f32 to vector<784x128xf32>
    %mul3A_285 = arith.mulf %mul3A_35, %mul3A_284 : vector<784x128xf32>
    %add3A_286 = arith.addf %add3A_280, %mul3A_285 : vector<784x128xf32>
    %get3A_287 = arith.constant 2 : index
    %get3A_288 = arith.constant 7 : index
    %get3A_289 = memref.load %arg5[%get3A_287, %get3A_288] : memref<3x16xf32, #tpu.memory_space<smem>>
    %mul3A_290 = vector.broadcast %get3A_289 : f32 to vector<784x128xf32>
    %mul3A_291 = arith.mulf %mul3A_53, %mul3A_290 : vector<784x128xf32>
    %add3A_292 = arith.addf %add3A_286, %mul3A_291 : vector<784x128xf32>
    %max3A_293 = arith.constant 0.000000e+00 : f32
    %max3A_294 = vector.broadcast %max3A_293 : f32 to vector<784x128xf32>
    %max3A_295 = arith.maximumf %add3A_292, %max3A_294 : vector<784x128xf32>
    %get3A_296 = arith.constant 7 : index
    %get3A_297 = arith.constant 0 : index
    %get3A_298 = memref.load %arg7[%get3A_296, %get3A_297] : memref<16x1xf32, #tpu.memory_space<smem>>
    %mul3A_299 = vector.broadcast %get3A_298 : f32 to vector<784x128xf32>
    %mul3A_300 = arith.mulf %max3A_295, %mul3A_299 : vector<784x128xf32>
    %add3A_301 = arith.addf %add3A_270, %mul3A_300 : vector<784x128xf32>
    %get3A_302 = arith.constant 0 : index
    %get3A_303 = arith.constant 8 : index
    %get3A_304 = memref.load %arg6[%get3A_302, %get3A_303] : memref<1x16xf32, #tpu.memory_space<smem>>
    %get3A_305 = arith.constant 0 : index
    %get3A_306 = arith.constant 8 : index
    %get3A_307 = memref.load %arg5[%get3A_305, %get3A_306] : memref<3x16xf32, #tpu.memory_space<smem>>
    %mul3A_308 = vector.broadcast %get3A_307 : f32 to vector<784x128xf32>
    %mul3A_309 = arith.mulf %mul3A, %mul3A_308 : vector<784x128xf32>
    %add3A_310 = vector.broadcast %get3A_304 : f32 to vector<784x128xf32>
    %add3A_311 = arith.addf %add3A_310, %mul3A_309 : vector<784x128xf32>
    %get3A_312 = arith.constant 1 : index
    %get3A_313 = arith.constant 8 : index
    %get3A_314 = memref.load %arg5[%get3A_312, %get3A_313] : memref<3x16xf32, #tpu.memory_space<smem>>
    %mul3A_315 = vector.broadcast %get3A_314 : f32 to vector<784x128xf32>
    %mul3A_316 = arith.mulf %mul3A_35, %mul3A_315 : vector<784x128xf32>
    %add3A_317 = arith.addf %add3A_311, %mul3A_316 : vector<784x128xf32>
    %get3A_318 = arith.constant 2 : index
    %get3A_319 = arith.constant 8 : index
    %get3A_320 = memref.load %arg5[%get3A_318, %get3A_319] : memref<3x16xf32, #tpu.memory_space<smem>>
    %mul3A_321 = vector.broadcast %get3A_320 : f32 to vector<784x128xf32>
    %mul3A_322 = arith.mulf %mul3A_53, %mul3A_321 : vector<784x128xf32>
    %add3A_323 = arith.addf %add3A_317, %mul3A_322 : vector<784x128xf32>
    %max3A_324 = arith.constant 0.000000e+00 : f32
    %max3A_325 = vector.broadcast %max3A_324 : f32 to vector<784x128xf32>
    %max3A_326 = arith.maximumf %add3A_323, %max3A_325 : vector<784x128xf32>
    %get3A_327 = arith.constant 8 : index
    %get3A_328 = arith.constant 0 : index
    %get3A_329 = memref.load %arg7[%get3A_327, %get3A_328] : memref<16x1xf32, #tpu.memory_space<smem>>
    %mul3A_330 = vector.broadcast %get3A_329 : f32 to vector<784x128xf32>
    %mul3A_331 = arith.mulf %max3A_326, %mul3A_330 : vector<784x128xf32>
    %add3A_332 = arith.addf %add3A_301, %mul3A_331 : vector<784x128xf32>
    %get3A_333 = arith.constant 0 : index
    %get3A_334 = arith.constant 9 : index
    %get3A_335 = memref.load %arg6[%get3A_333, %get3A_334] : memref<1x16xf32, #tpu.memory_space<smem>>
    %get3A_336 = arith.constant 0 : index
    %get3A_337 = arith.constant 9 : index
    %get3A_338 = memref.load %arg5[%get3A_336, %get3A_337] : memref<3x16xf32, #tpu.memory_space<smem>>
    %mul3A_339 = vector.broadcast %get3A_338 : f32 to vector<784x128xf32>
    %mul3A_340 = arith.mulf %mul3A, %mul3A_339 : vector<784x128xf32>
    %add3A_341 = vector.broadcast %get3A_335 : f32 to vector<784x128xf32>
    %add3A_342 = arith.addf %add3A_341, %mul3A_340 : vector<784x128xf32>
    %get3A_343 = arith.constant 1 : index
    %get3A_344 = arith.constant 9 : index
    %get3A_345 = memref.load %arg5[%get3A_343, %get3A_344] : memref<3x16xf32, #tpu.memory_space<smem>>
    %mul3A_346 = vector.broadcast %get3A_345 : f32 to vector<784x128xf32>
    %mul3A_347 = arith.mulf %mul3A_35, %mul3A_346 : vector<784x128xf32>
    %add3A_348 = arith.addf %add3A_342, %mul3A_347 : vector<784x128xf32>
    %get3A_349 = arith.constant 2 : index
    %get3A_350 = arith.constant 9 : index
    %get3A_351 = memref.load %arg5[%get3A_349, %get3A_350] : memref<3x16xf32, #tpu.memory_space<smem>>
    %mul3A_352 = vector.broadcast %get3A_351 : f32 to vector<784x128xf32>
    %mul3A_353 = arith.mulf %mul3A_53, %mul3A_352 : vector<784x128xf32>
    %add3A_354 = arith.addf %add3A_348, %mul3A_353 : vector<784x128xf32>
    %max3A_355 = arith.constant 0.000000e+00 : f32
    %max3A_356 = vector.broadcast %max3A_355 : f32 to vector<784x128xf32>
    %max3A_357 = arith.maximumf %add3A_354, %max3A_356 : vector<784x128xf32>
    %get3A_358 = arith.constant 9 : index
    %get3A_359 = arith.constant 0 : index
    %get3A_360 = memref.load %arg7[%get3A_358, %get3A_359] : memref<16x1xf32, #tpu.memory_space<smem>>
    %mul3A_361 = vector.broadcast %get3A_360 : f32 to vector<784x128xf32>
    %mul3A_362 = arith.mulf %max3A_357, %mul3A_361 : vector<784x128xf32>
    %add3A_363 = arith.addf %add3A_332, %mul3A_362 : vector<784x128xf32>
    %get3A_364 = arith.constant 0 : index
    %get3A_365 = arith.constant 10 : index
    %get3A_366 = memref.load %arg6[%get3A_364, %get3A_365] : memref<1x16xf32, #tpu.memory_space<smem>>
    %get3A_367 = arith.constant 0 : index
    %get3A_368 = arith.constant 10 : index
    %get3A_369 = memref.load %arg5[%get3A_367, %get3A_368] : memref<3x16xf32, #tpu.memory_space<smem>>
    %mul3A_370 = vector.broadcast %get3A_369 : f32 to vector<784x128xf32>
    %mul3A_371 = arith.mulf %mul3A, %mul3A_370 : vector<784x128xf32>
    %add3A_372 = vector.broadcast %get3A_366 : f32 to vector<784x128xf32>
    %add3A_373 = arith.addf %add3A_372, %mul3A_371 : vector<784x128xf32>
    %get3A_374 = arith.constant 1 : index
    %get3A_375 = arith.constant 10 : index
    %get3A_376 = memref.load %arg5[%get3A_374, %get3A_375] : memref<3x16xf32, #tpu.memory_space<smem>>
    %mul3A_377 = vector.broadcast %get3A_376 : f32 to vector<784x128xf32>
    %mul3A_378 = arith.mulf %mul3A_35, %mul3A_377 : vector<784x128xf32>
    %add3A_379 = arith.addf %add3A_373, %mul3A_378 : vector<784x128xf32>
    %get3A_380 = arith.constant 2 : index
    %get3A_381 = arith.constant 10 : index
    %get3A_382 = memref.load %arg5[%get3A_380, %get3A_381] : memref<3x16xf32, #tpu.memory_space<smem>>
    %mul3A_383 = vector.broadcast %get3A_382 : f32 to vector<784x128xf32>
    %mul3A_384 = arith.mulf %mul3A_53, %mul3A_383 : vector<784x128xf32>
    %add3A_385 = arith.addf %add3A_379, %mul3A_384 : vector<784x128xf32>
    %max3A_386 = arith.constant 0.000000e+00 : f32
    %max3A_387 = vector.broadcast %max3A_386 : f32 to vector<784x128xf32>
    %max3A_388 = arith.maximumf %add3A_385, %max3A_387 : vector<784x128xf32>
    %get3A_389 = arith.constant 10 : index
    %get3A_390 = arith.constant 0 : index
    %get3A_391 = memref.load %arg7[%get3A_389, %get3A_390] : memref<16x1xf32, #tpu.memory_space<smem>>
    %mul3A_392 = vector.broadcast %get3A_391 : f32 to vector<784x128xf32>
    %mul3A_393 = arith.mulf %max3A_388, %mul3A_392 : vector<784x128xf32>
    %add3A_394 = arith.addf %add3A_363, %mul3A_393 : vector<784x128xf32>
    %get3A_395 = arith.constant 0 : index
    %get3A_396 = arith.constant 11 : index
    %get3A_397 = memref.load %arg6[%get3A_395, %get3A_396] : memref<1x16xf32, #tpu.memory_space<smem>>
    %get3A_398 = arith.constant 0 : index
    %get3A_399 = arith.constant 11 : index
    %get3A_400 = memref.load %arg5[%get3A_398, %get3A_399] : memref<3x16xf32, #tpu.memory_space<smem>>
    %mul3A_401 = vector.broadcast %get3A_400 : f32 to vector<784x128xf32>
    %mul3A_402 = arith.mulf %mul3A, %mul3A_401 : vector<784x128xf32>
    %add3A_403 = vector.broadcast %get3A_397 : f32 to vector<784x128xf32>
    %add3A_404 = arith.addf %add3A_403, %mul3A_402 : vector<784x128xf32>
    %get3A_405 = arith.constant 1 : index
    %get3A_406 = arith.constant 11 : index
    %get3A_407 = memref.load %arg5[%get3A_405, %get3A_406] : memref<3x16xf32, #tpu.memory_space<smem>>
    %mul3A_408 = vector.broadcast %get3A_407 : f32 to vector<784x128xf32>
    %mul3A_409 = arith.mulf %mul3A_35, %mul3A_408 : vector<784x128xf32>
    %add3A_410 = arith.addf %add3A_404, %mul3A_409 : vector<784x128xf32>
    %get3A_411 = arith.constant 2 : index
    %get3A_412 = arith.constant 11 : index
    %get3A_413 = memref.load %arg5[%get3A_411, %get3A_412] : memref<3x16xf32, #tpu.memory_space<smem>>
    %mul3A_414 = vector.broadcast %get3A_413 : f32 to vector<784x128xf32>
    %mul3A_415 = arith.mulf %mul3A_53, %mul3A_414 : vector<784x128xf32>
    %add3A_416 = arith.addf %add3A_410, %mul3A_415 : vector<784x128xf32>
    %max3A_417 = arith.constant 0.000000e+00 : f32
    %max3A_418 = vector.broadcast %max3A_417 : f32 to vector<784x128xf32>
    %max3A_419 = arith.maximumf %add3A_416, %max3A_418 : vector<784x128xf32>
    %get3A_420 = arith.constant 11 : index
    %get3A_421 = arith.constant 0 : index
    %get3A_422 = memref.load %arg7[%get3A_420, %get3A_421] : memref<16x1xf32, #tpu.memory_space<smem>>
    %mul3A_423 = vector.broadcast %get3A_422 : f32 to vector<784x128xf32>
    %mul3A_424 = arith.mulf %max3A_419, %mul3A_423 : vector<784x128xf32>
    %add3A_425 = arith.addf %add3A_394, %mul3A_424 : vector<784x128xf32>
    %get3A_426 = arith.constant 0 : index
    %get3A_427 = arith.constant 12 : index
    %get3A_428 = memref.load %arg6[%get3A_426, %get3A_427] : memref<1x16xf32, #tpu.memory_space<smem>>
    %get3A_429 = arith.constant 0 : index
    %get3A_430 = arith.constant 12 : index
    %get3A_431 = memref.load %arg5[%get3A_429, %get3A_430] : memref<3x16xf32, #tpu.memory_space<smem>>
    %mul3A_432 = vector.broadcast %get3A_431 : f32 to vector<784x128xf32>
    %mul3A_433 = arith.mulf %mul3A, %mul3A_432 : vector<784x128xf32>
    %add3A_434 = vector.broadcast %get3A_428 : f32 to vector<784x128xf32>
    %add3A_435 = arith.addf %add3A_434, %mul3A_433 : vector<784x128xf32>
    %get3A_436 = arith.constant 1 : index
    %get3A_437 = arith.constant 12 : index
    %get3A_438 = memref.load %arg5[%get3A_436, %get3A_437] : memref<3x16xf32, #tpu.memory_space<smem>>
    %mul3A_439 = vector.broadcast %get3A_438 : f32 to vector<784x128xf32>
    %mul3A_440 = arith.mulf %mul3A_35, %mul3A_439 : vector<784x128xf32>
    %add3A_441 = arith.addf %add3A_435, %mul3A_440 : vector<784x128xf32>
    %get3A_442 = arith.constant 2 : index
    %get3A_443 = arith.constant 12 : index
    %get3A_444 = memref.load %arg5[%get3A_442, %get3A_443] : memref<3x16xf32, #tpu.memory_space<smem>>
    %mul3A_445 = vector.broadcast %get3A_444 : f32 to vector<784x128xf32>
    %mul3A_446 = arith.mulf %mul3A_53, %mul3A_445 : vector<784x128xf32>
    %add3A_447 = arith.addf %add3A_441, %mul3A_446 : vector<784x128xf32>
    %max3A_448 = arith.constant 0.000000e+00 : f32
    %max3A_449 = vector.broadcast %max3A_448 : f32 to vector<784x128xf32>
    %max3A_450 = arith.maximumf %add3A_447, %max3A_449 : vector<784x128xf32>
    %get3A_451 = arith.constant 12 : index
    %get3A_452 = arith.constant 0 : index
    %get3A_453 = memref.load %arg7[%get3A_451, %get3A_452] : memref<16x1xf32, #tpu.memory_space<smem>>
    %mul3A_454 = vector.broadcast %get3A_453 : f32 to vector<784x128xf32>
    %mul3A_455 = arith.mulf %max3A_450, %mul3A_454 : vector<784x128xf32>
    %add3A_456 = arith.addf %add3A_425, %mul3A_455 : vector<784x128xf32>
    %get3A_457 = arith.constant 0 : index
    %get3A_458 = arith.constant 13 : index
    %get3A_459 = memref.load %arg6[%get3A_457, %get3A_458] : memref<1x16xf32, #tpu.memory_space<smem>>
    %get3A_460 = arith.constant 0 : index
    %get3A_461 = arith.constant 13 : index
    %get3A_462 = memref.load %arg5[%get3A_460, %get3A_461] : memref<3x16xf32, #tpu.memory_space<smem>>
    %mul3A_463 = vector.broadcast %get3A_462 : f32 to vector<784x128xf32>
    %mul3A_464 = arith.mulf %mul3A, %mul3A_463 : vector<784x128xf32>
    %add3A_465 = vector.broadcast %get3A_459 : f32 to vector<784x128xf32>
    %add3A_466 = arith.addf %add3A_465, %mul3A_464 : vector<784x128xf32>
    %get3A_467 = arith.constant 1 : index
    %get3A_468 = arith.constant 13 : index
    %get3A_469 = memref.load %arg5[%get3A_467, %get3A_468] : memref<3x16xf32, #tpu.memory_space<smem>>
    %mul3A_470 = vector.broadcast %get3A_469 : f32 to vector<784x128xf32>
    %mul3A_471 = arith.mulf %mul3A_35, %mul3A_470 : vector<784x128xf32>
    %add3A_472 = arith.addf %add3A_466, %mul3A_471 : vector<784x128xf32>
    %get3A_473 = arith.constant 2 : index
    %get3A_474 = arith.constant 13 : index
    %get3A_475 = memref.load %arg5[%get3A_473, %get3A_474] : memref<3x16xf32, #tpu.memory_space<smem>>
    %mul3A_476 = vector.broadcast %get3A_475 : f32 to vector<784x128xf32>
    %mul3A_477 = arith.mulf %mul3A_53, %mul3A_476 : vector<784x128xf32>
    %add3A_478 = arith.addf %add3A_472, %mul3A_477 : vector<784x128xf32>
    %max3A_479 = arith.constant 0.000000e+00 : f32
    %max3A_480 = vector.broadcast %max3A_479 : f32 to vector<784x128xf32>
    %max3A_481 = arith.maximumf %add3A_478, %max3A_480 : vector<784x128xf32>
    %get3A_482 = arith.constant 13 : index
    %get3A_483 = arith.constant 0 : index
    %get3A_484 = memref.load %arg7[%get3A_482, %get3A_483] : memref<16x1xf32, #tpu.memory_space<smem>>
    %mul3A_485 = vector.broadcast %get3A_484 : f32 to vector<784x128xf32>
    %mul3A_486 = arith.mulf %max3A_481, %mul3A_485 : vector<784x128xf32>
    %add3A_487 = arith.addf %add3A_456, %mul3A_486 : vector<784x128xf32>
    %get3A_488 = arith.constant 0 : index
    %get3A_489 = arith.constant 14 : index
    %get3A_490 = memref.load %arg6[%get3A_488, %get3A_489] : memref<1x16xf32, #tpu.memory_space<smem>>
    %get3A_491 = arith.constant 0 : index
    %get3A_492 = arith.constant 14 : index
    %get3A_493 = memref.load %arg5[%get3A_491, %get3A_492] : memref<3x16xf32, #tpu.memory_space<smem>>
    %mul3A_494 = vector.broadcast %get3A_493 : f32 to vector<784x128xf32>
    %mul3A_495 = arith.mulf %mul3A, %mul3A_494 : vector<784x128xf32>
    %add3A_496 = vector.broadcast %get3A_490 : f32 to vector<784x128xf32>
    %add3A_497 = arith.addf %add3A_496, %mul3A_495 : vector<784x128xf32>
    %get3A_498 = arith.constant 1 : index
    %get3A_499 = arith.constant 14 : index
    %get3A_500 = memref.load %arg5[%get3A_498, %get3A_499] : memref<3x16xf32, #tpu.memory_space<smem>>
    %mul3A_501 = vector.broadcast %get3A_500 : f32 to vector<784x128xf32>
    %mul3A_502 = arith.mulf %mul3A_35, %mul3A_501 : vector<784x128xf32>
    %add3A_503 = arith.addf %add3A_497, %mul3A_502 : vector<784x128xf32>
    %get3A_504 = arith.constant 2 : index
    %get3A_505 = arith.constant 14 : index
    %get3A_506 = memref.load %arg5[%get3A_504, %get3A_505] : memref<3x16xf32, #tpu.memory_space<smem>>
    %mul3A_507 = vector.broadcast %get3A_506 : f32 to vector<784x128xf32>
    %mul3A_508 = arith.mulf %mul3A_53, %mul3A_507 : vector<784x128xf32>
    %add3A_509 = arith.addf %add3A_503, %mul3A_508 : vector<784x128xf32>
    %max3A_510 = arith.constant 0.000000e+00 : f32
    %max3A_511 = vector.broadcast %max3A_510 : f32 to vector<784x128xf32>
    %max3A_512 = arith.maximumf %add3A_509, %max3A_511 : vector<784x128xf32>
    %get3A_513 = arith.constant 14 : index
    %get3A_514 = arith.constant 0 : index
    %get3A_515 = memref.load %arg7[%get3A_513, %get3A_514] : memref<16x1xf32, #tpu.memory_space<smem>>
    %mul3A_516 = vector.broadcast %get3A_515 : f32 to vector<784x128xf32>
    %mul3A_517 = arith.mulf %max3A_512, %mul3A_516 : vector<784x128xf32>
    %add3A_518 = arith.addf %add3A_487, %mul3A_517 : vector<784x128xf32>
    %get3A_519 = arith.constant 0 : index
    %get3A_520 = arith.constant 15 : index
    %get3A_521 = memref.load %arg6[%get3A_519, %get3A_520] : memref<1x16xf32, #tpu.memory_space<smem>>
    %get3A_522 = arith.constant 0 : index
    %get3A_523 = arith.constant 15 : index
    %get3A_524 = memref.load %arg5[%get3A_522, %get3A_523] : memref<3x16xf32, #tpu.memory_space<smem>>
    %mul3A_525 = vector.broadcast %get3A_524 : f32 to vector<784x128xf32>
    %mul3A_526 = arith.mulf %mul3A, %mul3A_525 : vector<784x128xf32>
    %add3A_527 = vector.broadcast %get3A_521 : f32 to vector<784x128xf32>
    %add3A_528 = arith.addf %add3A_527, %mul3A_526 : vector<784x128xf32>
    %get3A_529 = arith.constant 1 : index
    %get3A_530 = arith.constant 15 : index
    %get3A_531 = memref.load %arg5[%get3A_529, %get3A_530] : memref<3x16xf32, #tpu.memory_space<smem>>
    %mul3A_532 = vector.broadcast %get3A_531 : f32 to vector<784x128xf32>
    %mul3A_533 = arith.mulf %mul3A_35, %mul3A_532 : vector<784x128xf32>
    %add3A_534 = arith.addf %add3A_528, %mul3A_533 : vector<784x128xf32>
    %get3A_535 = arith.constant 2 : index
    %get3A_536 = arith.constant 15 : index
    %get3A_537 = memref.load %arg5[%get3A_535, %get3A_536] : memref<3x16xf32, #tpu.memory_space<smem>>
    %mul3A_538 = vector.broadcast %get3A_537 : f32 to vector<784x128xf32>
    %mul3A_539 = arith.mulf %mul3A_53, %mul3A_538 : vector<784x128xf32>
    %add3A_540 = arith.addf %add3A_534, %mul3A_539 : vector<784x128xf32>
    %max3A_541 = arith.constant 0.000000e+00 : f32
    %max3A_542 = vector.broadcast %max3A_541 : f32 to vector<784x128xf32>
    %max3A_543 = arith.maximumf %add3A_540, %max3A_542 : vector<784x128xf32>
    %get3A_544 = arith.constant 15 : index
    %get3A_545 = arith.constant 0 : index
    %get3A_546 = memref.load %arg7[%get3A_544, %get3A_545] : memref<16x1xf32, #tpu.memory_space<smem>>
    %mul3A_547 = vector.broadcast %get3A_546 : f32 to vector<784x128xf32>
    %mul3A_548 = arith.mulf %max3A_543, %mul3A_547 : vector<784x128xf32>
    %add3A_549 = arith.addf %add3A_518, %mul3A_548 : vector<784x128xf32>
    %mul3A_550 = arith.mulf %add3A_549, %get3A_1 : vector<784x128xf32>
    %swap3A = arith.constant 0 : index
    %swap3A_551 = arith.constant 0 : index
    %swap3A_552 = vector.load %arg8[%swap3A, %swap3A_551] : memref<784x128xf32, #tpu.memory_space<vmem>>, vector<784x128xf32>
    tpu.vector_store %arg8[%swap3A, %swap3A_551], %mul3A_550 {strides = array<i32>} : memref<784x128xf32, #tpu.memory_space<vmem>>, vector<784x128xf32>,
    return
  }
}

module attributes {stable_mosaic.version = 14 : i64} {
  func.func @_tc3_body(%arg0: memref<2x784x128xf32, #tpu.memory_space<vmem>>, %arg1: memref<784x128xf32, #tpu.memory_space<vmem>>, %arg2: memref<784x128xf32, #tpu.memory_space<vmem>>, %arg3: memref<1x1xf32, #tpu.memory_space<smem>>, %arg4: memref<784x128xf32, #tpu.memory_space<vmem>>) attributes {dimension_semantics = [], scalar_prefetch = 0 : i64, scratch_operands = 0 : i64, tpu.core_type = #tpu.core_type<tc>} {
    %get3A = arith.constant 0 : index
    %get3A_0 = arith.constant 0 : index
    %get3A_1 = vector.load %arg2[%get3A, %get3A_0] : memref<784x128xf32, #tpu.memory_space<vmem>>, vector<784x128xf32>
    %get3A_2 = arith.constant 0 : index
    %get3A_3 = arith.constant 0 : index
    %get3A_4 = arith.constant 0 : index
    %get3A_5 = vector.load %arg0[%get3A_2, %get3A_3, %get3A_4] : memref<2x784x128xf32, #tpu.memory_space<vmem>>, vector<1x784x128xf32>
    %get3A_6 = vector.shape_cast %get3A_5 : vector<1x784x128xf32> to vector<784x128xf32>
    %get3A_7 = arith.constant 1 : index
    %get3A_8 = arith.constant 0 : index
    %get3A_9 = arith.constant 0 : index
    %get3A_10 = vector.load %arg0[%get3A_7, %get3A_8, %get3A_9] : memref<2x784x128xf32, #tpu.memory_space<vmem>>, vector<1x784x128xf32>
    %get3A_11 = vector.shape_cast %get3A_10 : vector<1x784x128xf32> to vector<784x128xf32>
    %add3A = arith.addf %get3A_6, %get3A_11 : vector<784x128xf32>
    %get3A_12 = arith.constant 0 : index
    %get3A_13 = arith.constant 0 : index
    %get3A_14 = vector.load %arg1[%get3A_12, %get3A_13] : memref<784x128xf32, #tpu.memory_space<vmem>>, vector<784x128xf32>
    %add3A_15 = arith.addf %add3A, %get3A_14 : vector<784x128xf32>
    %mul3A = arith.mulf %get3A_1, %add3A_15 : vector<784x128xf32>
    %get3A_16 = arith.constant 0 : index
    %get3A_17 = arith.constant 0 : index
    %get3A_18 = memref.load %arg3[%get3A_16, %get3A_17] : memref<1x1xf32, #tpu.memory_space<smem>>
    %add3A_19 = vector.broadcast %get3A_18 : f32 to vector<784x128xf32>
    %add3A_20 = arith.addf %mul3A, %add3A_19 : vector<784x128xf32>
    %logistic3A = arith.negf %add3A_20 : vector<784x128xf32>
    %logistic3A_21 = math.exp %logistic3A : vector<784x128xf32>
    %logistic3A_22 = arith.constant 1.000000e+00 : f32
    %logistic3A_23 = vector.broadcast %logistic3A_22 : f32 to vector<784x128xf32>
    %logistic3A_24 = arith.addf %logistic3A_23, %logistic3A_21 : vector<784x128xf32>
    %logistic3A_25 = arith.divf %logistic3A_23, %logistic3A_24 : vector<784x128xf32>
    %swap3A = arith.constant 0 : index
    %swap3A_26 = arith.constant 0 : index
    %swap3A_27 = vector.load %arg4[%swap3A, %swap3A_26] : memref<784x128xf32, #tpu.memory_space<vmem>>, vector<784x128xf32>
    tpu.vector_store %arg4[%swap3A, %swap3A_26], %logistic3A_25 {strides = array<i32>} : memref<784x128xf32, #tpu.memory_space<vmem>>, vector<784x128xf32>,
    return
  }
}

</mosaic_0001>

<sc_bundles>
// kernel: kernel.11.cloned.1.call-start
scs
__scs_entry_jumppad:
0x0: {  	(pc) =	sbr.rel $0x88, $3  }
0x1: {  	(tag) =	ssettag $0x0;
	lr =	simm.s32 $0x1  }
0x2: {  	[smem:$0x3F9B] =	sst lr;
	_ =	strace $0xD0000000  }
0x3: {  	_ = 	snop  }
0x4: {  	_ = 	snop  }
0x5: {  	_ = 	snop  }
0x6: {  	_ = 	snop  }
0x7: {  	_ = 	snop  }
__scs_overlays_trampoline_lowered:
0x8: {  	[smem:$0x3FAA] =	sst s0  }
0x9: {  	[smem:$0x3FAB] =	sst s1  }
0xa: {  	[smem:$0x3FAC] =	sst s2  }
0xb: {  	[smem:$0x3FAD] =	sst s3  }
0xc: {  	[smem:$0x3FAE] =	sst s4  }
0xd: {  	[smem:$0x3FAF] =	sst s5  }
0xe: {  	[smem:$0x3FB0] =	sst s6  }
0xf: {  	[smem:$0x3FB1] =	sst s7  }
0x10: {  	[smem:$0x3FB2] =	sst s8  }
0x11: {  	[smem:$0x3FB3] =	sst s9;
	s0 =	simm.s32 @!p0 $0x0  }
0x12: {  	s1 =	sld [smem:$0x3F99];
	s0 =	simm.s32 @p0 $0x1  }
0x13: {  	[smem:$0x3FB4] =	sst s0;
	s0 =	simm.s32 @!p1 $0x0  }
0x14: {  	s2 =	sld [smem:$0x3F98];
	s0 =	simm.s32 @p1 $0x1  }
0x15: {  	[smem:$0x3FB5] =	sst s0;
	s0 =	simm.s32 @!p2 $0x0  }
0x16: {  	s3 =	sld [smem:$0x3FDB];
	s0 =	simm.s32 @p2 $0x1  }
0x17: {  	s4 =	simm.s32 $0x1BF5;
	[smem:$0x3FB7] =	sst s0  }
0x18: {  	s0 =	sld [smem:$0x3F9A];
	_ =	swait.ge [sflag:s4], $0x0  }
0x19: {  	s7 =	sld [smem:$0x3F9B]  }
0x1a: {  	s8 =	sadd.s32 $0xFFFFE003, lr  }
0x1b: {  	s9 =	sadd.s32 $0xFFFFFEF7, lr;
	s5 =	simm.s32 $0xFFFFFFFF;
	p2 =	slt.u32 s8, $0xFFFFF086  }
0x1c: {  	p1 =	slt.u32 s9, $0xF7A;
	s5 =	simm.s32 @!p2 $0x0  }
0x1d: {  	s5 =	simm.s32 @p1 $0x1;
	p0 =	seq.s32 s7, s2  }
0x1e: {  	s7 =	smul.u32 @!p0 $0xF7A, s2;
	p2 =	seq.s32 @!p0 s5, $0x0  }
0x1f: {  	s9 =	smul.u32 $0xF7A, s1;
	s8 =	simm.s32 @!p0 $0x1BF5;
	p2 =	por !p2, p0  }
0x20: {  	[sflag:s8] =	ssyncset.s32 @!p0 $0xFFFFF086;
	s6 =	sadd.s32 @!p0 s3, s7;
	s7 =	simm.s32 @!p0 $0x108  }
0x21: {  	s3 =	sadd.s32 s3, s9;
	s6 =	sadd.s32 @!p0 $0x88, s6;
	s7 =	simm.s32 @p2 $0x1082  }
0x22: {  	[simem:s7], [sflag:s8] =	dma.local @!p0 [hbm:s6], $0xF7A  }
0x23: {  	s9 =	sor.u32 $0xD0000000, s2;
	s6 =	simm.s32 $0x108;
	_ =	swait.ge @!p0 [sflag:s8], $0x0  }
0x24: {  	s3 =	sadd.s32 $0x88, s3;
	s6 =	simm.s32 @!p1 $0x1082;
	[sflag:s4] =	ssyncset.s32 $0xFFFFF086  }
0x25: {  	[simem:s6], [sflag:s4] =	dma.local [hbm:s3], $0xF7A  }
0x26: {  	[smem:$0x3F9B] =	sst s1;
	(tag) =	ssettag s2;
	_ =	strace s9  }
0x27: {  	s1 =	sld [smem:$0x3FAB]  }
0x28: {  	s2 =	sld [smem:$0x3FAC]  }
0x29: {  	s4 =	sld [smem:$0x3FAE]  }
0x2a: {  	p0 =	seq.s32 s5, $0x0;
	s5 =	sld [smem:$0x3FAF]  }
0x2b: {  	s6 =	sld [smem:$0x3FB0]  }
0x2c: {  	s7 =	sld [smem:$0x3FB1]  }
0x2d: {  	s3 =	simm.s32 $0x108;
	s8 =	sld [smem:$0x3FB2]  }
0x2e: {  	s3 =	simm.s32 @!p0 $0x1082;
	s9 =	sld [smem:$0x3FB3]  }
0x2f: {  	lr =	sadd.s32 s0, s3;
	s0 =	sld [smem:$0x3FAA]  }
0x30: {  	s3 =	sld [smem:$0x3FAD]  }
0x31: {  	[smem:$0x3FB6] =	sst s10  }
0x32: {  	s10 =	sld [smem:$0x3FB4];
	_ =	sdelay $0x3  }
0x33: {  	p0 =	seq.s32 s10, $0x1;
	s10 =	sld [smem:$0x3FB6];
	_ =	sdelay $0x3  }
0x34: {  	[smem:$0x3FB6] =	sst s10  }
0x35: {  	s10 =	sld [smem:$0x3FB5];
	_ =	sdelay $0x3  }
0x36: {  	p1 =	seq.s32 s10, $0x1;
	s10 =	sld [smem:$0x3FB6];
	_ =	sdelay $0x3  }
0x37: {  	[smem:$0x3FB6] =	sst s10  }
0x38: {  	s10 =	sld [smem:$0x3FB7]  }
0x39: {  	_ = 	snop;
	(pc) =	sbr.ind lr, $3  }
0x3a: {  	_ = 	snop  }
0x3b: {  	_ = 	snop  }
0x3c: {  	p2 =	seq.s32 s10, $0x1;
	s10 =	sld [smem:$0x3FB6]  }
0x3d: {  	_ =	shalt  }
0x3e: {  	_ =	shalt  }
0x3f: {  	_ =	shalt  }
0x40: {  	_ =	shalt  }
0x41: {  	_ =	shalt  }
0x42: {  	_ =	shalt  }
0x43: {  	_ =	shalt  }
0x44: {  	_ =	shalt  }
0x45: {  	_ =	shalt  }
0x46: {  	_ =	shalt  }
0x47: {  	_ =	shalt  }
0x48: {  	_ =	shalt  }
0x49: {  	_ =	shalt  }
0x4a: {  	_ =	shalt  }
0x4b: {  	_ =	shalt  }
0x4c: {  	_ =	shalt  }
0x4d: {  	_ =	shalt  }
0x4e: {  	_ =	shalt  }
0x4f: {  	_ =	shalt  }
0x50: {  	_ =	shalt  }
0x51: {  	_ =	shalt  }
0x52: {  	_ =	shalt  }
0x53: {  	_ =	shalt  }
0x54: {  	_ =	shalt  }
0x55: {  	_ =	shalt  }
0x56: {  	_ =	shalt  }
0x57: {  	_ =	shalt  }
0x58: {  	_ =	shalt  }
0x59: {  	_ =	shalt  }
0x5a: {  	_ =	shalt  }
0x5b: {  	_ =	shalt  }
0x5c: {  	_ =	shalt  }
0x5d: {  	_ =	shalt  }
0x5e: {  	_ =	shalt  }
0x5f: {  	_ =	shalt  }
0x60: {  	_ =	shalt  }
0x61: {  	_ =	shalt  }
0x62: {  	_ =	shalt  }
0x63: {  	_ =	shalt  }
0x64: {  	_ =	shalt  }
0x65: {  	_ =	shalt  }
0x66: {  	_ =	shalt  }
0x67: {  	_ =	shalt  }
0x68: {  	_ =	shalt  }
0x69: {  	_ =	shalt  }
0x6a: {  	_ =	shalt  }
0x6b: {  	_ =	shalt  }
0x6c: {  	_ =	shalt  }
0x6d: {  	_ =	shalt  }
0x6e: {  	_ =	shalt  }
0x6f: {  	_ =	shalt  }
0x70: {  	_ =	shalt  }
0x71: {  	_ =	shalt  }
0x72: {  	_ =	shalt  }
0x73: {  	_ =	shalt  }
0x74: {  	_ =	shalt  }
0x75: {  	_ =	shalt  }
0x76: {  	_ =	shalt  }
0x77: {  	_ =	shalt  }
0x78: {  	_ =	shalt  }
0x79: {  	_ =	shalt  }
0x7a: {  	_ =	shalt  }
0x7b: {  	_ =	shalt  }
0x7c: {  	_ =	shalt  }
0x7d: {  	_ =	shalt  }
0x7e: {  	_ =	shalt  }
0x7f: {  	_ =	shalt  }
0x80: {  	_ =	shalt  }
0x81: {  	_ =	shalt  }
0x82: {  	_ =	shalt  }
0x83: {  	_ =	shalt  }
0x84: {  	_ =	shalt  }
0x85: {  	_ =	shalt  }
0x86: {  	_ =	shalt  }
0x87: {  	_ =	shalt  }
.Lfunc_end0:
.L_simem_size_0:
called_computation.1_lowered:
.L_overlay_start_0:
0x88: {  	s2 =	sld [smem:$0x3FD9]  }
0x89: {  	s3 =	sld [smem:$0x3FFE];
	_ =	sdelay $0x1  }
0x8a: {  	s1 =	srdreg.scid  }
0x8b: {  	s0 =	sand.u32 $0x1, s1  }
0x8c: {  	s16 =	sshll.u32 s0, $0xA;
	s2 =	sadd.s32 s3, s2  }
0x8d: {  	s2 =	sadd.s32 s2, s16  }
0x8e: {  	[smem:$0x3FC2] =	sst s2  }
0x8f: {  	_ = 	snop  }
0x90: {  	(tm) =	ssettm $0x1  }
0x91: {  	s17 =	sld [smem:$0x3FFB];
	_ =	sdelay $0x3  }
0x92: {  	_ =	strace s17  }
0x93: {  	s2 =	sld [smem:$0x3FFC];
	_ =	sdelay $0x3  }
0x94: {  	_ =	strace s2  }
0x95: {  	s2 =	sld [smem:$0x3FFD];
	_ =	sdelay $0x3  }
0x96: {  	_ =	strace s2  }
0x97: {  	_ =	strace $0x8FFFFFFF  }
0x98: {  	s18 =	sld [smem:$0x3FDB];
	_ =	sdelay $0x1  }
0x99: {  	s19 =	simm.s32 $_scs_section_size  }
0x9a: {  	s4 =	simm.s32 $_size__tile_overlayer_lowered;
	s5 =	simm.s32 $_tile_overlayer_lowered  }
0x9b: {  	s22 =	simm.s32 $0x1BFF;
	s21 =	sshll.u32 s5, $0x1;
	s2 =	sadd.s32 s19, s18  }
0x9c: {  	s6 =	simm.s32 $0x0;
	s20 =	sshll.u32 s4, $0x1;
	s4 =	sadd.s32 s21, s2  }
0x9d: {  	[timem:s6], [sflag:s22] =	dma.local [hbm:s4], s20  }
0x9e: {  	_ =	swait.ge [sflag:s22], s20  }
0x9f: {  	s3 =	ssub.s32 $0x0, s20;
	[sflag:s22] =	ssyncset.done $0x0  }
0xa0: {  	[sflag:s22] =	ssyncadd.s32 s3;
	_ =	sdelay $0x1  }
0xa1: {  	s23 =	simm.s32 $0x1B8B  }
0xa2: {  	_ =	swait.ge [sflag:s23], $0x1  }
0xa3: {  	[sflag:s23] =	ssyncset.done $0x0  }
0xa4: {  	s25 =	simm.s32 $0x1B8E;
	s24 =	sld [smem:$0x3FFE];
	[sflag:s23] =	ssyncadd.s32 $0xFFFFFFFF  }
0xa5: {  	s26 =	simm.s32 $execute0_lowered;
	[smem:$0x3FD2] =	sst s25  }
0xa6: {  	s4 =	sshll.u32 s26, $0x1;
	_ =	strace $0x80000049;
	[dreg:$0x1] =	wrdreg $0xFFFFFFFF  }
0xa7: {  	s28 =	simm.s32 $_size_execute0_lowered;
	s2 =	sadd.s32 s2, s4;
	[dreg:$0x0] =	wrdreg $0x0  }
0xa8: {  	s4 =	sshll.u32 s28, $0x1;
	[dreg:$0x2] =	wrdreg s2  }
0xa9: {  	[dreg:$0x3] =	wrdreg s4  }
0xaa: {  	[dreg:$0x4] =	wrdreg $0xC0  }
0xab: {  	_ =	task [dreg:s6], $0x5FFFF  }
0xac: {  	[dreg:$0x1] =	wrdreg $0xFFFFFFFF  }
0xad: {  	[dreg:$0x0] =	wrdreg $0x60  }
0xae: {  	[dreg:$0x2] =	wrdreg s24  }
0xaf: {  	[dreg:$0x3] =	wrdreg $0x3E800  }
0xb0: {  	[dreg:$0x4] =	wrdreg $0x57000  }
0xb1: {  	[dreg:$0x5] =	wrdreg $0x6F800  }
0xb2: {  	[dreg:$0x6] =	wrdreg $0x88000  }
0xb3: {  	[dreg:$0x7] =	wrdreg $0xA0800  }
0xb4: {  	[dreg:$0x8] =	wrdreg $0xB9000  }
0xb5: {  	[dreg:$0x9] =	wrdreg $0x9  }
0xb6: {  	_ =	task.clear_ibuf [dreg:s6], $0xAFFFF;
	_ =	strace $0x90000049  }
0xb7: {  	s29 =	simm.s32 $0x9;
	_ =	strace $0x8000004B  }
0xb8: {  	_ =	swait.ge [sflag:s29], $0x1  }
0xb9: {  	[sflag:s29] =	ssyncadd.s32 $0xFFFFFFFF  }
0xba: {  	_ =	strace $0x9000004B  }
0xbb: {  	_ =	sfence  }
0xbc: {  	s30 =	sld [smem:$0x0];
	_ =	sdelay $0x2  }
0xbd: {  	s31 =	sshll.u32 s1, $0xD;
	s1 =	sshrl.u32 s1, $0x2  }
0xbe: {  	s3 =	sand.u32 $0x4000, s31;
	s1 =	sadd.s32 s1, s30  }
0xbf: {  	s0 =	sor.u32 s3, s0;
	s1 =	sshll.u32 s1, $0x11  }
0xc0: {  	s0 =	sor.u32 s1, s0  }
0xc1: {  	s0 =	sadd.s32 $0x8F2B, s0  }
0xc2: {  	[sflag:s0] =	ssyncadd.remote.s32 $0x1  }
0xc3: {  	_ =	sfence.sel $0xFFFF  }
0xc4: {  	[dreg:$0x0] =	wrdreg $0xFFFFFFFF;
	(pc) =	sbr.abs _section_cstart, $3  }
0xc5: {  	[dreg:$0x1] =	wrdreg $0xFFFFFFFF  }
0xc6: {  	_ =	task.clear_ibuf [dreg:s6], $0x2FFFF;
	_ =	strace $0x9FFFFFFF  }
0xc7: {  	(tm) =	ssettm $0x7FFFFFFF  }
tec
execute0_lowered:
.L_overlay_start_1:
0x0: {  	(tag) =	ssettag $0x1  }
0x1: {  	s0 =	rddreg [dreg:$0x0]  }
0x2: {  	s1 =	rddreg [dreg:$0x1]  }
0x3: {  	s2 =	rddreg [dreg:$0x2]  }
0x4: {  	s3 =	rddreg [dreg:$0x3]  }
0x5: {  	s5 =	rddreg [dreg:$0x4]  }
0x6: {  	s6 =	rddreg [dreg:$0x5]  }
0x7: {  	s7 =	rddreg [dreg:$0x6];
	s15 =	stileid.u32  }
0x8: {  	s4 =	srdreg.scid;
	s8 =	simm.s32 $0x0;
	s29 =	simm.s32 $0x5  }
0x9: {  	s30 =	simm.s32 $0x1F40;
	s31 =	simm.s32 $0x1;
	s9 =	smul.u32 $0x1880, s15  }
0xa: {  	s4 =	sand.u32 $0x1, s4;
	[smem:$0x7FF] =	sst s8;
	s12 =	sadd.s32 $0xC6200, s0  }
0xb: {  	s13 =	sadd.s32 $0x2C00, s0;
	s22 =	sshll.u32 s15, $0x6;
	s23 =	smul.u32 $0x30D40, s15  }
0xc: {  	s10 =	smul.u32 $0x18800, s4;
	_ =	strace $0x8000004A;
	s14 =	ssub.s32 $0x2, s4  }
0xd: {  	s4 =	smul.u32 $0x30D400, s4;
	s11 =	sshrl.u32 s9, $0x3;
	s18 =	sshrl.u32 s14, $0x1  }
0xe: {  	s20 =	sadd.s32 s9, s1;
	s24 =	sadd.s32 s9, s2;
	s25 =	sadd.s32 s9, s3  }
0xf: {  	s28 =	sadd.s32 s9, s6;
	s10 =	sadd.s32 s9, s10;
	[dreg:$0x8] =	wrdreg s20  }
0x10: {  	s19 =	sadd.s32 s11, s0;
	s11 =	sor.u32 $0x1C05, s22;
	[dreg:$0xa] =	wrdreg s24  }
0x11: {  	[dreg:$0xb] =	wrdreg s25;
	s20 =	sadd.s32 s9, s5;
	s4 =	sadd.s32 s23, s4  }
0x12: {  	s10 =	sshrl.u32 s10, $0x3;
	s21 =	sadd.s32 $0x189800, s19;
	s26 =	sadd.s32 $0x192E00, s19  }
0x13: {  	s16 =	sshrl.u32 s4, $0x3;
	s4 =	sadd.s32 $0xFA0, s4;
	s25 =	sshrl.u32 s20, $0x3  }
0x14: {  	s20 =	simm.s32 $0x11000;
	s0 =	sadd.s32 s10, s0;
	[dreg:$0x9] =	wrdreg s21  }
0x15: {  	s10 =	ssub.s32 s14, s18;
	[dreg:$0xc] =	wrdreg s26;
	s15 =	sadd.s32 s16, s13  }
0x16: {  	s16 =	sadd.s32 s16, s12;
	s4 =	sshrl.u32 s4, $0x3;
	s21 =	sadd.s32 $0x18CA00, s19  }
0x17: {  	[dreg:$0x13] =	wrdreg s25;
	s26 =	sshrl.u32 s28, $0x3;
	s14 =	simm.s32 $0x2  }
0x18: {  	s17 =	sadd.s32 s4, s13;
	s18 =	sadd.s32 s4, s12;
	[dreg:$0xe] =	wrdreg s21  }
0x19: {  	s12 =	sadd.s32 $0x18FC00, s19;
	s13 =	sadd.s32 s9, s7;
	[dreg:$0x14] =	wrdreg s26  }
0x1a: {  	s22 =	sadd.s32 $0x196000, s0;
	s23 =	sadd.s32 $0x19C200, s0;
	[dreg:$0xd] =	wrdreg s12  }
0x1b: {  	s0 =	sadd.s32 $0x1A2400, s0;
	s24 =	smax.u32 s10, $0x1;
	[dreg:$0xf] =	wrdreg s22  }
0x1c: {  	s4 =	simm.s32 $0xD180;
	s9 =	simm.s32 $0xE120;
	[dreg:$0x10] =	wrdreg s23  }
0x1d: {  	s19 =	simm.s32 $0x10060;
	s21 =	simm.s32 $0x11FA0;
	[dreg:$0x11] =	wrdreg s0  }
0x1e: {  	[dreg:$0x12] =	wrdreg s24;
	s28 =	sshrl.u32 s13, $0x3;
	s0 =	simm.s32 $0xFA0  }
0x1f: {  	s12 =	simm.s32 $0xF0C0;
	s13 =	simm.s32 $0x2EE0;
	s22 =	simm.s32 $0x3  }
0x20: {  	s23 =	simm.s32 $0x4;
	s24 =	simm.s32 $0x0;
	[dreg:$0x15] =	wrdreg s28  }
.LBB2_1:
0x21: {  	[dreg:$0x16] =	wrdreg s24  }
0x22: {  	s10 =	rddreg [dreg:$0x8]  }
0x23: {  	s26 =	rddreg [dreg:$0x9];
	s25 =	sshrl.u32 s10, $0x3  }
0x24: {  	[dreg:$0x17] =	wrdreg s25  }
0x25: {  	[spmem:s25], [sflag:s11] =	dma.local [hbm:s26], $0x310  }
0x26: {  	_ =	swait.ge [sflag:s29], $0x310  }
0x27: {  	s28 =	rddreg [dreg:$0xa]  }
0x28: {  	[sflag:s29] =	ssyncset.done $0x0;
	s24 =	sshrl.u32 s28, $0x3  }
0x29: {  	[sflag:s29] =	ssyncadd.s32 $0xFFFFFCF0;
	[dreg:$0x18] =	wrdreg s24  }
0x2a: {  	[spmem:s24], [sflag:s11] =	dma.local [hbm:s26], $0x310  }
0x2b: {  	_ =	swait.ge [sflag:s29], $0x310  }
0x2c: {  	s25 =	rddreg [dreg:$0xb]  }
0x2d: {  	[sflag:s29] =	ssyncset.done $0x0;
	s24 =	sshrl.u32 s25, $0x3  }
0x2e: {  	[sflag:s29] =	ssyncadd.s32 $0xFFFFFCF0;
	[dreg:$0x19] =	wrdreg s24  }
0x2f: {  	[spmem:s24], [sflag:s11] =	dma.local [hbm:s26], $0x310  }
0x30: {  	_ =	swait.ge [sflag:s29], $0x310  }
0x31: {  	[sflag:s29] =	ssyncset.done $0x0;
	s26 =	rddreg [dreg:$0xc]  }
0x32: {  	s28 =	rddreg [dreg:$0x13];
	[sflag:s29] =	ssyncadd.s32 $0xFFFFFCF0  }
0x33: {  	[spmem:s28], [sflag:s11] =	dma.local [hbm:s26], $0x310  }
0x34: {  	_ =	swait.ge [sflag:s29], $0x310  }
0x35: {  	[sflag:s29] =	ssyncset.done $0x0;
	s24 =	rddreg [dreg:$0xd]  }
0x36: {  	s25 =	rddreg [dreg:$0x14];
	[sflag:s29] =	ssyncadd.s32 $0xFFFFFCF0  }
0x37: {  	[spmem:s25], [sflag:s11] =	dma.local [hbm:s24], $0x310  }
0x38: {  	_ =	swait.ge [sflag:s29], $0x310  }
0x39: {  	[sflag:s29] =	ssyncset.done $0x0;
	s26 =	rddreg [dreg:$0xe]  }
0x3a: {  	s28 =	rddreg [dreg:$0x15];
	[sflag:s29] =	ssyncadd.s32 $0xFFFFFCF0  }
0x3b: {  	[spmem:s28], [sflag:s11] =	dma.local [hbm:s26], $0x310  }
0x3c: {  	_ =	swait.ge [sflag:s29], $0x310  }
0x3d: {  	[sflag:s29] =	ssyncset.done $0x0  }
0x3e: {  	[sflag:s29] =	ssyncadd.s32 $0xFFFFFCF0  }
0x3f: {  	s24 =	sadd.s32 $0x0, s16;
	[bflag:$0x0] =	sbarrier.arrive $0xFFFF  }
0x40: {  	[tilespmem:s8], [sflag:$0x1] =	stream.linear.gather [hbm4b:s24+s8], $0xFA0, $0x38;
	[tilespmem:$0x12F40] =	vst v63  }
0x41: {  	s25 =	sadd.s32 $0x0, s15  }
0x42: {  	[tilespmem:s30], [sflag:$0x1] =	stream.linear.gather [hbm4b:s25+s8], $0xFA0, $0x38;
	[tilespmem:$0x12F40] =	vst v63  }
0x43: {  	_ =	swait.ge [sflag:s31], $0xFA0  }
0x44: {  	[sflag:s31] =	ssyncset.done $0x0  }
0x45: {  	[sflag:s31] =	ssyncadd.s32 $0xFFFFF060  }
0x46: {  	_ =	swait.ge [sflag:s31], $0xFA0  }
0x47: {  	[sflag:s31] =	ssyncset.done $0x0  }
0x48: {  	[sflag:s31] =	ssyncadd.s32 $0xFFFFF060  }
0x49: {  	[tilespmem:s4], [sflag:$0x2] =	stream.indirect.gather [spmem:s5], $0x1, s8, s0, $0xb8;
	[tilespmem:$0x12F40] =	vst v63  }
0x4a: {  	_ = 	snop  }
0x4b: {  	[tilespmem:s9], [sflag:$0x2] =	stream.indirect.gather [spmem:s6], $0x1, s8, s0, $0xb8;
	[tilespmem:$0x12F40] =	vst v63  }
0x4c: {  	_ = 	snop  }
0x4d: {  	[tilespmem:s12], [sflag:$0x2] =	stream.indirect.gather [spmem:s7], $0x1, s8, s0, $0xb8;
	[tilespmem:$0x12F40] =	vst v63  }
0x4e: {  	s26 =	sadd.s32 $0x0, s18  }
0x4f: {  	[tilespmem:s0], [sflag:$0x1] =	stream.linear.gather [hbm4b:s26+s8], $0xFA0, $0x38;
	[tilespmem:$0x12F40] =	vst v63  }
0x50: {  	s28 =	sadd.s32 $0x0, s17  }
0x51: {  	[tilespmem:s13], [sflag:$0x1] =	stream.linear.gather [hbm4b:s28+s8], $0xFA0, $0x38;
	[tilespmem:$0x12F40] =	vst v63  }
0x52: {  	_ =	swait.ge [sflag:s14], $0xFA0  }
0x53: {  	[sflag:s14] =	ssyncset.done $0x0  }
0x54: {  	[sflag:s14] =	ssyncadd.s32 $0xFFFFF060  }
0x55: {  	_ =	swait.ge [sflag:s14], $0xFA0  }
0x56: {  	[sflag:s14] =	ssyncset.done $0x0  }
0x57: {  	[sflag:s14] =	ssyncadd.s32 $0xFFFFF060  }
0x58: {  	_ =	swait.ge [sflag:s14], $0xFA0  }
0x59: {  	[sflag:s14] =	ssyncset.done $0x0  }
0x5a: {  	[sflag:s14] =	ssyncadd.s32 $0xFFFFF060  }
0x5b: {  	[spmem:s1] =	stream.indirect.scatter.add.f32 [tilespmem:s4], [sflag:$0x3], $0x1, s30, s0, $0xb8;
	[tilespmem:$0x12F40] =	vst v63  }
0x5c: {  	_ = 	snop  }
0x5d: {  	[spmem:s2] =	stream.indirect.scatter.add.f32 [tilespmem:s9], [sflag:$0x3], $0x1, s30, s0, $0xb8;
	[tilespmem:$0x12F40] =	vst v63  }
0x5e: {  	_ = 	snop  }
0x5f: {  	[spmem:s3] =	stream.indirect.scatter.add.f32 [tilespmem:s12], [sflag:$0x3], $0x1, s30, s0, $0xb8;
	[tilespmem:$0x12F40] =	vst v63  }
0x60: {  	_ =	swait.ge [sflag:s31], $0xFA0  }
0x61: {  	[sflag:s31] =	ssyncset.done $0x0  }
0x62: {  	[sflag:s31] =	ssyncadd.s32 $0xFFFFF060  }
0x63: {  	_ =	swait.ge [sflag:s31], $0xFA0  }
0x64: {  	[sflag:s31] =	ssyncset.done $0x0  }
0x65: {  	[sflag:s31] =	ssyncadd.s32 $0xFFFFF060  }
0x66: {  	[tilespmem:s19], [sflag:$0x2] =	stream.indirect.gather [spmem:s5], $0x1, s0, s0, $0xb8;
	[tilespmem:$0x12F40] =	vst v63  }
0x67: {  	_ = 	snop  }
0x68: {  	[tilespmem:s20], [sflag:$0x2] =	stream.indirect.gather [spmem:s6], $0x1, s0, s0, $0xb8;
	[tilespmem:$0x12F40] =	vst v63  }
0x69: {  	_ = 	snop  }
0x6a: {  	[tilespmem:s21], [sflag:$0x2] =	stream.indirect.gather [spmem:s7], $0x1, s0, s0, $0xb8;
	[tilespmem:$0x12F40] =	vst v63  }
0x6b: {  	_ =	swait.ge [sflag:s14], $0xFA0  }
0x6c: {  	[sflag:s14] =	ssyncset.done $0x0  }
0x6d: {  	[sflag:s14] =	ssyncadd.s32 $0xFFFFF060  }
0x6e: {  	_ =	swait.ge [sflag:s14], $0xFA0  }
0x6f: {  	[sflag:s14] =	ssyncset.done $0x0  }
0x70: {  	[sflag:s14] =	ssyncadd.s32 $0xFFFFF060  }
0x71: {  	_ =	swait.ge [sflag:s14], $0xFA0  }
0x72: {  	[sflag:s14] =	ssyncset.done $0x0  }
0x73: {  	[sflag:s14] =	ssyncadd.s32 $0xFFFFF060  }
0x74: {  	[spmem:s1] =	stream.indirect.scatter.add.f32 [tilespmem:s19], [sflag:$0x4], $0x1, s13, s0, $0xb8;
	[tilespmem:$0x12F40] =	vst v63  }
0x75: {  	_ = 	snop  }
0x76: {  	[spmem:s2] =	stream.indirect.scatter.add.f32 [tilespmem:s20], [sflag:$0x4], $0x1, s13, s0, $0xb8;
	[tilespmem:$0x12F40] =	vst v63  }
0x77: {  	_ = 	snop  }
0x78: {  	[spmem:s3] =	stream.indirect.scatter.add.f32 [tilespmem:s21], [sflag:$0x4], $0x1, s13, s0, $0xb8;
	[tilespmem:$0x12F40] =	vst v63  }
0x79: {  	_ =	swait.ge [sflag:s22], $0xFA0  }
0x7a: {  	[sflag:s22] =	ssyncset.done $0x0  }
0x7b: {  	[sflag:s22] =	ssyncadd.s32 $0xFFFFF060  }
0x7c: {  	_ =	swait.ge [sflag:s22], $0xFA0  }
0x7d: {  	[sflag:s22] =	ssyncset.done $0x0  }
0x7e: {  	[sflag:s22] =	ssyncadd.s32 $0xFFFFF060  }
0x7f: {  	_ =	swait.ge [sflag:s22], $0xFA0  }
0x80: {  	[sflag:s22] =	ssyncset.done $0x0  }
0x81: {  	[sflag:s22] =	ssyncadd.s32 $0xFFFFF060  }
0x82: {  	_ =	swait.ge [sflag:s23], $0xFA0  }
0x83: {  	[sflag:s23] =	ssyncset.done $0x0  }
0x84: {  	[sflag:s23] =	ssyncadd.s32 $0xFFFFF060  }
0x85: {  	_ =	swait.ge [sflag:s23], $0xFA0  }
0x86: {  	[sflag:s23] =	ssyncset.done $0x0  }
0x87: {  	[sflag:s23] =	ssyncadd.s32 $0xFFFFF060  }
0x88: {  	_ =	swait.ge [sflag:s23], $0xFA0  }
0x89: {  	s10 =	simm.s32 $0x3E8;
	s25 =	simm.s32 $0x7D0;
	[sflag:s23] =	ssyncset.done $0x0  }
.LBB2_2:
0x8a: {  	s28 =	sadd.s32 s10, s16  }
0x8b: {  	[sflag:s23] =	ssyncadd.s32 $0xFFFFF060;
	s24 =	smov.u32 s25;
	s26 =	sadd.s32 $0x3E8, s25  }
0x8c: {  	[tilespmem:s8], [sflag:$0x1] =	stream.linear.gather [hbm4b:s28+s8], $0xFA0, $0x38;
	[tilespmem:$0x12F40] =	vst v63  }
0x8d: {  	p0 =	sne.s32 s25, $0x5DC0;
	s25 =	sadd.s32 s10, s15  }
0x8e: {  	[tilespmem:s30], [sflag:$0x1] =	stream.linear.gather [hbm4b:s25+s8], $0xFA0, $0x38;
	[tilespmem:$0x12F40] =	vst v63  }
0x8f: {  	_ =	swait.ge [sflag:s31], $0xFA0  }
0x90: {  	[sflag:s31] =	ssyncset.done $0x0  }
0x91: {  	[sflag:s31] =	ssyncadd.s32 $0xFFFFF060  }
0x92: {  	_ =	swait.ge [sflag:s31], $0xFA0  }
0x93: {  	[sflag:s31] =	ssyncset.done $0x0  }
0x94: {  	[sflag:s31] =	ssyncadd.s32 $0xFFFFF060  }
0x95: {  	[tilespmem:s4], [sflag:$0x2] =	stream.indirect.gather [spmem:s5], $0x1, s8, s0, $0xb8;
	[tilespmem:$0x12F40] =	vst v63  }
0x96: {  	_ = 	snop  }
0x97: {  	[tilespmem:s9], [sflag:$0x2] =	stream.indirect.gather [spmem:s6], $0x1, s8, s0, $0xb8;
	[tilespmem:$0x12F40] =	vst v63  }
0x98: {  	_ = 	snop  }
0x99: {  	[tilespmem:s12], [sflag:$0x2] =	stream.indirect.gather [spmem:s7], $0x1, s8, s0, $0xb8;
	[tilespmem:$0x12F40] =	vst v63  }
0x9a: {  	s25 =	sadd.s32 s10, s18  }
0x9b: {  	[tilespmem:s0], [sflag:$0x1] =	stream.linear.gather [hbm4b:s25+s8], $0xFA0, $0x38;
	[tilespmem:$0x12F40] =	vst v63  }
0x9c: {  	s25 =	sadd.s32 s10, s17;
	s10 =	smov.u32 s24  }
0x9d: {  	[tilespmem:s13], [sflag:$0x1] =	stream.linear.gather [hbm4b:s25+s8], $0xFA0, $0x38;
	[tilespmem:$0x12F40] =	vst v63  }
0x9e: {  	_ =	swait.ge [sflag:s14], $0xFA0  }
0x9f: {  	[sflag:s14] =	ssyncset.done $0x0  }
0xa0: {  	[sflag:s14] =	ssyncadd.s32 $0xFFFFF060  }
0xa1: {  	_ =	swait.ge [sflag:s14], $0xFA0  }
0xa2: {  	[sflag:s14] =	ssyncset.done $0x0  }
0xa3: {  	[sflag:s14] =	ssyncadd.s32 $0xFFFFF060  }
0xa4: {  	_ =	swait.ge [sflag:s14], $0xFA0  }
0xa5: {  	[sflag:s14] =	ssyncset.done $0x0  }
0xa6: {  	[sflag:s14] =	ssyncadd.s32 $0xFFFFF060  }
0xa7: {  	[spmem:s1] =	stream.indirect.scatter.add.f32 [tilespmem:s4], [sflag:$0x3], $0x1, s30, s0, $0xb8;
	[tilespmem:$0x12F40] =	vst v63  }
0xa8: {  	_ = 	snop  }
0xa9: {  	[spmem:s2] =	stream.indirect.scatter.add.f32 [tilespmem:s9], [sflag:$0x3], $0x1, s30, s0, $0xb8;
	[tilespmem:$0x12F40] =	vst v63  }
0xaa: {  	_ = 	snop  }
0xab: {  	[spmem:s3] =	stream.indirect.scatter.add.f32 [tilespmem:s12], [sflag:$0x3], $0x1, s30, s0, $0xb8;
	[tilespmem:$0x12F40] =	vst v63  }
0xac: {  	_ =	swait.ge [sflag:s31], $0xFA0  }
0xad: {  	[sflag:s31] =	ssyncset.done $0x0  }
0xae: {  	[sflag:s31] =	ssyncadd.s32 $0xFFFFF060  }
0xaf: {  	_ =	swait.ge [sflag:s31], $0xFA0  }
0xb0: {  	[sflag:s31] =	ssyncset.done $0x0  }
0xb1: {  	[sflag:s31] =	ssyncadd.s32 $0xFFFFF060  }
0xb2: {  	[tilespmem:s19], [sflag:$0x2] =	stream.indirect.gather [spmem:s5], $0x1, s0, s0, $0xb8;
	[tilespmem:$0x12F40] =	vst v63  }
0xb3: {  	_ = 	snop  }
0xb4: {  	[tilespmem:s20], [sflag:$0x2] =	stream.indirect.gather [spmem:s6], $0x1, s0, s0, $0xb8;
	[tilespmem:$0x12F40] =	vst v63  }
0xb5: {  	_ = 	snop  }
0xb6: {  	[tilespmem:s21], [sflag:$0x2] =	stream.indirect.gather [spmem:s7], $0x1, s0, s0, $0xb8;
	[tilespmem:$0x12F40] =	vst v63  }
0xb7: {  	_ =	swait.ge [sflag:s14], $0xFA0  }
0xb8: {  	[sflag:s14] =	ssyncset.done $0x0  }
0xb9: {  	[sflag:s14] =	ssyncadd.s32 $0xFFFFF060  }
0xba: {  	_ =	swait.ge [sflag:s14], $0xFA0  }
0xbb: {  	[sflag:s14] =	ssyncset.done $0x0  }
0xbc: {  	[sflag:s14] =	ssyncadd.s32 $0xFFFFF060  }
0xbd: {  	_ =	swait.ge [sflag:s14], $0xFA0  }
0xbe: {  	[sflag:s14] =	ssyncset.done $0x0  }
0xbf: {  	[sflag:s14] =	ssyncadd.s32 $0xFFFFF060  }
0xc0: {  	[spmem:s1] =	stream.indirect.scatter.add.f32 [tilespmem:s19], [sflag:$0x4], $0x1, s13, s0, $0xb8;
	[tilespmem:$0x12F40] =	vst v63  }
0xc1: {  	_ = 	snop  }
0xc2: {  	[spmem:s2] =	stream.indirect.scatter.add.f32 [tilespmem:s20], [sflag:$0x4], $0x1, s13, s0, $0xb8;
	[tilespmem:$0x12F40] =	vst v63  }
0xc3: {  	_ = 	snop  }
0xc4: {  	[spmem:s3] =	stream.indirect.scatter.add.f32 [tilespmem:s21], [sflag:$0x4], $0x1, s13, s0, $0xb8;
	[tilespmem:$0x12F40] =	vst v63  }
0xc5: {  	_ =	swait.ge [sflag:s22], $0xFA0  }
0xc6: {  	[sflag:s22] =	ssyncset.done $0x0  }
0xc7: {  	[sflag:s22] =	ssyncadd.s32 $0xFFFFF060  }
0xc8: {  	_ =	swait.ge [sflag:s22], $0xFA0  }
0xc9: {  	[sflag:s22] =	ssyncset.done $0x0  }
0xca: {  	[sflag:s22] =	ssyncadd.s32 $0xFFFFF060  }
0xcb: {  	_ =	swait.ge [sflag:s22], $0xFA0  }
0xcc: {  	[sflag:s22] =	ssyncset.done $0x0  }
0xcd: {  	[sflag:s22] =	ssyncadd.s32 $0xFFFFF060  }
0xce: {  	_ =	swait.ge [sflag:s23], $0xFA0  }
0xcf: {  	[sflag:s23] =	ssyncset.done $0x0  }
0xd0: {  	[sflag:s23] =	ssyncadd.s32 $0xFFFFF060  }
.Ltmp0:
0xd1: {  	_ =	swait.ge [sflag:s23], $0xFA0;
	(pc) =	sbr.rel @p0 .LBB2_2-.Ltmp0, $4  }
0xd2: {  	[sflag:s23] =	ssyncset.done $0x0  }
0xd3: {  	[sflag:s23] =	ssyncadd.s32 $0xFFFFF060  }
0xd4: {  	_ =	swait.ge [sflag:s23], $0xFA0  }
0xd5: {  	s25 =	smov.u32 s26;
	[sflag:s23] =	ssyncset.done $0x0  }
0xd6: {  	s24 =	sadd.s32 s10, s16;
	[sflag:s23] =	ssyncadd.s32 $0xFFFFF060  }
0xd7: {  	[tilespmem:s8], [sflag:$0x1] =	stream.linear.gather [hbm4b:s24+s8], $0xFA0, $0x38;
	[tilespmem:$0x12F40] =	vst v63  }
0xd8: {  	s25 =	sadd.s32 s10, s15  }
0xd9: {  	[tilespmem:s30], [sflag:$0x1] =	stream.linear.gather [hbm4b:s25+s8], $0xFA0, $0x38;
	[tilespmem:$0x12F40] =	vst v63  }
0xda: {  	_ =	swait.ge [sflag:s31], $0xFA0  }
0xdb: {  	[sflag:s31] =	ssyncset.done $0x0  }
0xdc: {  	[sflag:s31] =	ssyncadd.s32 $0xFFFFF060  }
0xdd: {  	_ =	swait.ge [sflag:s31], $0xFA0  }
0xde: {  	[sflag:s31] =	ssyncset.done $0x0  }
0xdf: {  	[sflag:s31] =	ssyncadd.s32 $0xFFFFF060  }
0xe0: {  	[tilespmem:s4], [sflag:$0x2] =	stream.indirect.gather [spmem:s5], $0x1, s8, s0, $0xb8;
	[tilespmem:$0x12F40] =	vst v63  }
0xe1: {  	_ = 	snop  }
0xe2: {  	[tilespmem:s9], [sflag:$0x2] =	stream.indirect.gather [spmem:s6], $0x1, s8, s0, $0xb8;
	[tilespmem:$0x12F40] =	vst v63  }
0xe3: {  	_ = 	snop  }
0xe4: {  	[tilespmem:s12], [sflag:$0x2] =	stream.indirect.gather [spmem:s7], $0x1, s8, s0, $0xb8;
	[tilespmem:$0x12F40] =	vst v63  }
0xe5: {  	s26 =	sadd.s32 s10, s18  }
0xe6: {  	[tilespmem:s0], [sflag:$0x1] =	stream.linear.gather [hbm4b:s26+s8], $0xFA0, $0x38;
	[tilespmem:$0x12F40] =	vst v63  }
0xe7: {  	s28 =	sadd.s32 s10, s17  }
0xe8: {  	[tilespmem:s13], [sflag:$0x1] =	stream.linear.gather [hbm4b:s28+s8], $0xFA0, $0x38;
	[tilespmem:$0x12F40] =	vst v63  }
0xe9: {  	_ =	swait.ge [sflag:s14], $0xFA0  }
0xea: {  	[sflag:s14] =	ssyncset.done $0x0  }
0xeb: {  	[sflag:s14] =	ssyncadd.s32 $0xFFFFF060  }
0xec: {  	_ =	swait.ge [sflag:s14], $0xFA0  }
0xed: {  	[sflag:s14] =	ssyncset.done $0x0  }
0xee: {  	[sflag:s14] =	ssyncadd.s32 $0xFFFFF060  }
0xef: {  	_ =	swait.ge [sflag:s14], $0xFA0  }
0xf0: {  	[sflag:s14] =	ssyncset.done $0x0  }
0xf1: {  	[sflag:s14] =	ssyncadd.s32 $0xFFFFF060  }
0xf2: {  	[spmem:s1] =	stream.indirect.scatter.add.f32 [tilespmem:s4], [sflag:$0x3], $0x1, s30, s0, $0xb8;
	[tilespmem:$0x12F40] =	vst v63  }
0xf3: {  	_ = 	snop  }
0xf4: {  	[spmem:s2] =	stream.indirect.scatter.add.f32 [tilespmem:s9], [sflag:$0x3], $0x1, s30, s0, $0xb8;
	[tilespmem:$0x12F40] =	vst v63  }
0xf5: {  	_ = 	snop  }
0xf6: {  	[spmem:s3] =	stream.indirect.scatter.add.f32 [tilespmem:s12], [sflag:$0x3], $0x1, s30, s0, $0xb8;
	[tilespmem:$0x12F40] =	vst v63  }
0xf7: {  	_ =	swait.ge [sflag:s31], $0xFA0  }
0xf8: {  	[sflag:s31] =	ssyncset.done $0x0  }
0xf9: {  	[sflag:s31] =	ssyncadd.s32 $0xFFFFF060  }
0xfa: {  	_ =	swait.ge [sflag:s31], $0xFA0  }
0xfb: {  	[sflag:s31] =	ssyncset.done $0x0  }
0xfc: {  	[sflag:s31] =	ssyncadd.s32 $0xFFFFF060  }
0xfd: {  	[tilespmem:s19], [sflag:$0x2] =	stream.indirect.gather [spmem:s5], $0x1, s0, s0, $0xb8;
	[tilespmem:$0x12F40] =	vst v63  }
0xfe: {  	_ = 	snop  }
0xff: {  	[tilespmem:s20], [sflag:$0x2] =	stream.indirect.gather [spmem:s6], $0x1, s0, s0, $0xb8;
	[tilespmem:$0x12F40] =	vst v63  }
0x100: {  	_ = 	snop  }
0x101: {  	[tilespmem:s21], [sflag:$0x2] =	stream.indirect.gather [spmem:s7], $0x1, s0, s0, $0xb8;
	[tilespmem:$0x12F40] =	vst v63  }
0x102: {  	_ =	swait.ge [sflag:s14], $0xFA0  }
0x103: {  	[sflag:s14] =	ssyncset.done $0x0  }
0x104: {  	[sflag:s14] =	ssyncadd.s32 $0xFFFFF060  }
0x105: {  	_ =	swait.ge [sflag:s14], $0xFA0  }
0x106: {  	[sflag:s14] =	ssyncset.done $0x0  }
0x107: {  	[sflag:s14] =	ssyncadd.s32 $0xFFFFF060  }
0x108: {  	_ =	swait.ge [sflag:s14], $0xFA0  }
0x109: {  	[sflag:s14] =	ssyncset.done $0x0  }
0x10a: {  	[sflag:s14] =	ssyncadd.s32 $0xFFFFF060  }
0x10b: {  	[spmem:s1] =	stream.indirect.scatter.add.f32 [tilespmem:s19], [sflag:$0x4], $0x1, s13, s0, $0xb8;
	[tilespmem:$0x12F40] =	vst v63  }
0x10c: {  	_ = 	snop  }
0x10d: {  	[spmem:s2] =	stream.indirect.scatter.add.f32 [tilespmem:s20], [sflag:$0x4], $0x1, s13, s0, $0xb8;
	[tilespmem:$0x12F40] =	vst v63  }
0x10e: {  	_ = 	snop  }
0x10f: {  	[spmem:s3] =	stream.indirect.scatter.add.f32 [tilespmem:s21], [sflag:$0x4], $0x1, s13, s0, $0xb8;
	[tilespmem:$0x12F40] =	vst v63  }
0x110: {  	_ =	swait.ge [sflag:s22], $0xFA0  }
0x111: {  	[sflag:s22] =	ssyncset.done $0x0  }
0x112: {  	[sflag:s22] =	ssyncadd.s32 $0xFFFFF060  }
0x113: {  	_ =	swait.ge [sflag:s22], $0xFA0  }
0x114: {  	[sflag:s22] =	ssyncset.done $0x0  }
0x115: {  	[sflag:s22] =	ssyncadd.s32 $0xFFFFF060  }
0x116: {  	_ =	swait.ge [sflag:s22], $0xFA0  }
0x117: {  	[sflag:s22] =	ssyncset.done $0x0  }
0x118: {  	[sflag:s22] =	ssyncadd.s32 $0xFFFFF060  }
0x119: {  	_ =	swait.ge [sflag:s23], $0xFA0  }
0x11a: {  	[sflag:s23] =	ssyncset.done $0x0  }
0x11b: {  	[sflag:s23] =	ssyncadd.s32 $0xFFFFF060  }
0x11c: {  	_ =	swait.ge [sflag:s23], $0xFA0  }
0x11d: {  	[sflag:s23] =	ssyncset.done $0x0  }
0x11e: {  	[sflag:s23] =	ssyncadd.s32 $0xFFFFF060  }
0x11f: {  	_ =	swait.ge [sflag:s23], $0xFA0  }
0x120: {  	[sflag:s23] =	ssyncset.done $0x0  }
0x121: {  	[sflag:s23] =	ssyncadd.s32 $0xFFFFF060  }
0x122: {  	[bflag:$0x0] =	sbarrier.arrive $0xFFFF  }
0x123: {  	s24 =	rddreg [dreg:$0xf]  }
0x124: {  	s25 =	rddreg [dreg:$0x17]  }
0x125: {  	[hbm:s24], [sflag:s11] =	dma.local [spmem:s25], $0x310  }
0x126: {  	_ =	swait.ge [sflag:s29], $0x310  }
0x127: {  	[sflag:s29] =	ssyncset.done $0x0;
	s26 =	rddreg [dreg:$0x10]  }
0x128: {  	s28 =	rddreg [dreg:$0x18];
	[sflag:s29] =	ssyncadd.s32 $0xFFFFFCF0  }
0x129: {  	[hbm:s26], [sflag:s11] =	dma.local [spmem:s28], $0x310  }
0x12a: {  	_ =	swait.ge [sflag:s29], $0x310  }
0x12b: {  	[sflag:s29] =	ssyncset.done $0x0;
	s24 =	rddreg [dreg:$0x11]  }
0x12c: {  	s25 =	rddreg [dreg:$0x19];
	[sflag:s29] =	ssyncadd.s32 $0xFFFFFCF0  }
0x12d: {  	[hbm:s24], [sflag:s11] =	dma.local [spmem:s25], $0x310  }
0x12e: {  	_ =	swait.ge [sflag:s29], $0x310  }
0x12f: {  	s26 =	rddreg [dreg:$0x16]  }
0x130: {  	s28 =	rddreg [dreg:$0x12];
	s24 =	sadd.s32 $0x1, s26  }
0x131: {  	p0 =	sne.s32 s24, s28  }
.Ltmp1:
0x132: {  	_ = 	snop;
	(pc) =	sbr.rel @p0 .LBB2_1-.Ltmp1, $3  }
0x133: {  	_ =	sdelay $0x1  }
0x134: {  	[sflag:s29] =	ssyncset.done $0x0  }
0x135: {  	[sflag:s29] =	ssyncadd.s32 $0xFFFFFCF0  }
0x136: {  	_ =	sfence.sel $0x180000  }
0x137: {  	[bflag:$0x0] =	sbarrier.arrive $0xFFFF  }
0x138: {  	_ =	strace $0x9000004A  }
0x139: {  	s0 =	stileid.u32;
	[bflag:$0x2] =	sbarrier.arrive $0xFFFF  }
0x13a: {  	p0 =	sne.s32 s0, $0x0;
	s0 =	rddreg [dreg:$0x7]  }
0x13b: {  	s0 =	sadd.s32 @!p0 $0x100000, s0  }
0x13c: {  	[sflag:s0] =	ssyncadd.tile.s32 @!p0 $0x1;
	_ =	shalt  }
.Lfunc_end2:
_tile_overlayer_lowered:
.L_overlay_start_2:
0x13d: {  	(tag) =	ssettag $0x2  }
0x13e: {  	s0 =	rddreg [dreg:$0x0];
	s2 =	stileid.u32  }
0x13f: {  	s1 =	rddreg [dreg:$0x1];
	p0 =	sne.s32 s2, $0x0  }
0x140: {  	s3 =	rddreg [dreg:$0x2];
	[bflag:$0x3] =	sbarrier.arrive $0xFFFF;
	s2 =	simm.s32 @!p0 $0x1C05  }
0x141: {  	[timem:s3], [sflag:s2] =	dma.local @!p0 [hbm:s0], s1  }
0x142: {  	s0 =	simm.s32 @!p0 $0x5  }
0x143: {  	_ =	swait.ge @!p0 [sflag:s0], s1  }
0x144: {  	s1 =	ssub.s32 @!p0 $0x0, s1;
	[sflag:s0] =	ssyncset.done @!p0 $0x0  }
0x145: {  	[sflag:s0] =	ssyncadd.s32 @!p0 s1  }
0x146: {  	[bflag:$0x3] =	sbarrier.arrive $0xFFFF  }
0x147: {  	_ =	shalt  }

// kernel: kernel.14.cloned.1.call-start
scs
__scs_entry_jumppad:
0x0: {  	(pc) =	sbr.rel $0x88, $3  }
0x1: {  	(tag) =	ssettag $0x0;
	lr =	simm.s32 $0x1  }
0x2: {  	[smem:$0x3F9B] =	sst lr;
	_ =	strace $0xD0000000  }
0x3: {  	_ = 	snop  }
0x4: {  	_ = 	snop  }
0x5: {  	_ = 	snop  }
0x6: {  	_ = 	snop  }
0x7: {  	_ = 	snop  }
__scs_overlays_trampoline_lowered:
0x8: {  	[smem:$0x3FAA] =	sst s0  }
0x9: {  	[smem:$0x3FAB] =	sst s1  }
0xa: {  	[smem:$0x3FAC] =	sst s2  }
0xb: {  	[smem:$0x3FAD] =	sst s3  }
0xc: {  	[smem:$0x3FAE] =	sst s4  }
0xd: {  	[smem:$0x3FAF] =	sst s5  }
0xe: {  	[smem:$0x3FB0] =	sst s6  }
0xf: {  	[smem:$0x3FB1] =	sst s7  }
0x10: {  	[smem:$0x3FB2] =	sst s8  }
0x11: {  	[smem:$0x3FB3] =	sst s9;
	s0 =	simm.s32 @!p0 $0x0  }
0x12: {  	s1 =	sld [smem:$0x3F99];
	s0 =	simm.s32 @p0 $0x1  }
0x13: {  	[smem:$0x3FB4] =	sst s0;
	s0 =	simm.s32 @!p1 $0x0  }
0x14: {  	s2 =	sld [smem:$0x3F98];
	s0 =	simm.s32 @p1 $0x1  }
0x15: {  	[smem:$0x3FB5] =	sst s0;
	s0 =	simm.s32 @!p2 $0x0  }
0x16: {  	s3 =	sld [smem:$0x3FDB];
	s0 =	simm.s32 @p2 $0x1  }
0x17: {  	s4 =	simm.s32 $0x1BF5;
	[smem:$0x3FB7] =	sst s0  }
0x18: {  	s0 =	sld [smem:$0x3F9A];
	_ =	swait.ge [sflag:s4], $0x0  }
0x19: {  	s7 =	sld [smem:$0x3F9B]  }
0x1a: {  	s8 =	sadd.s32 $0xFFFFE003, lr  }
0x1b: {  	s9 =	sadd.s32 $0xFFFFFEF7, lr;
	s5 =	simm.s32 $0xFFFFFFFF;
	p2 =	slt.u32 s8, $0xFFFFF086  }
0x1c: {  	p1 =	slt.u32 s9, $0xF7A;
	s5 =	simm.s32 @!p2 $0x0  }
0x1d: {  	s5 =	simm.s32 @p1 $0x1;
	p0 =	seq.s32 s7, s2  }
0x1e: {  	s7 =	smul.u32 @!p0 $0xF7A, s2;
	p2 =	seq.s32 @!p0 s5, $0x0  }
0x1f: {  	s9 =	smul.u32 $0xF7A, s1;
	s8 =	simm.s32 @!p0 $0x1BF5;
	p2 =	por !p2, p0  }
0x20: {  	[sflag:s8] =	ssyncset.s32 @!p0 $0xFFFFF086;
	s6 =	sadd.s32 @!p0 s3, s7;
	s7 =	simm.s32 @!p0 $0x108  }
0x21: {  	s3 =	sadd.s32 s3, s9;
	s6 =	sadd.s32 @!p0 $0x88, s6;
	s7 =	simm.s32 @p2 $0x1082  }
0x22: {  	[simem:s7], [sflag:s8] =	dma.local @!p0 [hbm:s6], $0xF7A  }
0x23: {  	s9 =	sor.u32 $0xD0000000, s2;
	s6 =	simm.s32 $0x108;
	_ =	swait.ge @!p0 [sflag:s8], $0x0  }
0x24: {  	s3 =	sadd.s32 $0x88, s3;
	s6 =	simm.s32 @!p1 $0x1082;
	[sflag:s4] =	ssyncset.s32 $0xFFFFF086  }
0x25: {  	[simem:s6], [sflag:s4] =	dma.local [hbm:s3], $0xF7A  }
0x26: {  	[smem:$0x3F9B] =	sst s1;
	(tag) =	ssettag s2;
	_ =	strace s9  }
0x27: {  	s1 =	sld [smem:$0x3FAB]  }
0x28: {  	s2 =	sld [smem:$0x3FAC]  }
0x29: {  	s4 =	sld [smem:$0x3FAE]  }
0x2a: {  	p0 =	seq.s32 s5, $0x0;
	s5 =	sld [smem:$0x3FAF]  }
0x2b: {  	s6 =	sld [smem:$0x3FB0]  }
0x2c: {  	s7 =	sld [smem:$0x3FB1]  }
0x2d: {  	s3 =	simm.s32 $0x108;
	s8 =	sld [smem:$0x3FB2]  }
0x2e: {  	s3 =	simm.s32 @!p0 $0x1082;
	s9 =	sld [smem:$0x3FB3]  }
0x2f: {  	lr =	sadd.s32 s0, s3;
	s0 =	sld [smem:$0x3FAA]  }
0x30: {  	s3 =	sld [smem:$0x3FAD]  }
0x31: {  	[smem:$0x3FB6] =	sst s10  }
0x32: {  	s10 =	sld [smem:$0x3FB4];
	_ =	sdelay $0x3  }
0x33: {  	p0 =	seq.s32 s10, $0x1;
	s10 =	sld [smem:$0x3FB6];
	_ =	sdelay $0x3  }
0x34: {  	[smem:$0x3FB6] =	sst s10  }
0x35: {  	s10 =	sld [smem:$0x3FB5];
	_ =	sdelay $0x3  }
0x36: {  	p1 =	seq.s32 s10, $0x1;
	s10 =	sld [smem:$0x3FB6];
	_ =	sdelay $0x3  }
0x37: {  	[smem:$0x3FB6] =	sst s10  }
0x38: {  	s10 =	sld [smem:$0x3FB7]  }
0x39: {  	_ = 	snop;
	(pc) =	sbr.ind lr, $3  }
0x3a: {  	_ = 	snop  }
0x3b: {  	_ = 	snop  }
0x3c: {  	p2 =	seq.s32 s10, $0x1;
	s10 =	sld [smem:$0x3FB6]  }
0x3d: {  	_ =	shalt  }
0x3e: {  	_ =	shalt  }
0x3f: {  	_ =	shalt  }
0x40: {  	_ =	shalt  }
0x41: {  	_ =	shalt  }
0x42: {  	_ =	shalt  }
0x43: {  	_ =	shalt  }
0x44: {  	_ =	shalt  }
0x45: {  	_ =	shalt  }
0x46: {  	_ =	shalt  }
0x47: {  	_ =	shalt  }
0x48: {  	_ =	shalt  }
0x49: {  	_ =	shalt  }
0x4a: {  	_ =	shalt  }
0x4b: {  	_ =	shalt  }
0x4c: {  	_ =	shalt  }
0x4d: {  	_ =	shalt  }
0x4e: {  	_ =	shalt  }
0x4f: {  	_ =	shalt  }
0x50: {  	_ =	shalt  }
0x51: {  	_ =	shalt  }
0x52: {  	_ =	shalt  }
0x53: {  	_ =	shalt  }
0x54: {  	_ =	shalt  }
0x55: {  	_ =	shalt  }
0x56: {  	_ =	shalt  }
0x57: {  	_ =	shalt  }
0x58: {  	_ =	shalt  }
0x59: {  	_ =	shalt  }
0x5a: {  	_ =	shalt  }
0x5b: {  	_ =	shalt  }
0x5c: {  	_ =	shalt  }
0x5d: {  	_ =	shalt  }
0x5e: {  	_ =	shalt  }
0x5f: {  	_ =	shalt  }
0x60: {  	_ =	shalt  }
0x61: {  	_ =	shalt  }
0x62: {  	_ =	shalt  }
0x63: {  	_ =	shalt  }
0x64: {  	_ =	shalt  }
0x65: {  	_ =	shalt  }
0x66: {  	_ =	shalt  }
0x67: {  	_ =	shalt  }
0x68: {  	_ =	shalt  }
0x69: {  	_ =	shalt  }
0x6a: {  	_ =	shalt  }
0x6b: {  	_ =	shalt  }
0x6c: {  	_ =	shalt  }
0x6d: {  	_ =	shalt  }
0x6e: {  	_ =	shalt  }
0x6f: {  	_ =	shalt  }
0x70: {  	_ =	shalt  }
0x71: {  	_ =	shalt  }
0x72: {  	_ =	shalt  }
0x73: {  	_ =	shalt  }
0x74: {  	_ =	shalt  }
0x75: {  	_ =	shalt  }
0x76: {  	_ =	shalt  }
0x77: {  	_ =	shalt  }
0x78: {  	_ =	shalt  }
0x79: {  	_ =	shalt  }
0x7a: {  	_ =	shalt  }
0x7b: {  	_ =	shalt  }
0x7c: {  	_ =	shalt  }
0x7d: {  	_ =	shalt  }
0x7e: {  	_ =	shalt  }
0x7f: {  	_ =	shalt  }
0x80: {  	_ =	shalt  }
0x81: {  	_ =	shalt  }
0x82: {  	_ =	shalt  }
0x83: {  	_ =	shalt  }
0x84: {  	_ =	shalt  }
0x85: {  	_ =	shalt  }
0x86: {  	_ =	shalt  }
0x87: {  	_ =	shalt  }
.Lfunc_end0:
.L_simem_size_0:
called_computation.2_lowered:
.L_overlay_start_0:
0x88: {  	s2 =	sld [smem:$0x3FD9]  }
0x89: {  	s3 =	sld [smem:$0x3FFE];
	_ =	sdelay $0x1  }
0x8a: {  	s1 =	srdreg.scid  }
0x8b: {  	s0 =	sand.u32 $0x1, s1  }
0x8c: {  	s16 =	sshll.u32 s0, $0xA;
	s2 =	sadd.s32 s3, s2  }
0x8d: {  	s2 =	sadd.s32 s2, s16  }
0x8e: {  	[smem:$0x3FC2] =	sst s2  }
0x8f: {  	_ = 	snop  }
0x90: {  	(tm) =	ssettm $0x1  }
0x91: {  	s17 =	sld [smem:$0x3FFB];
	_ =	sdelay $0x3  }
0x92: {  	_ =	strace s17  }
0x93: {  	s2 =	sld [smem:$0x3FFC];
	_ =	sdelay $0x3  }
0x94: {  	_ =	strace s2  }
0x95: {  	s2 =	sld [smem:$0x3FFD];
	_ =	sdelay $0x3  }
0x96: {  	_ =	strace s2  }
0x97: {  	_ =	strace $0x8FFFFFFF  }
0x98: {  	s18 =	sld [smem:$0x3FDB];
	_ =	sdelay $0x1  }
0x99: {  	s19 =	simm.s32 $_scs_section_size  }
0x9a: {  	s4 =	simm.s32 $_size__tile_overlayer_lowered;
	s5 =	simm.s32 $_tile_overlayer_lowered  }
0x9b: {  	s22 =	simm.s32 $0x1BFF;
	s21 =	sshll.u32 s5, $0x1;
	s2 =	sadd.s32 s19, s18  }
0x9c: {  	s6 =	simm.s32 $0x0;
	s20 =	sshll.u32 s4, $0x1;
	s4 =	sadd.s32 s21, s2  }
0x9d: {  	[timem:s6], [sflag:s22] =	dma.local [hbm:s4], s20  }
0x9e: {  	_ =	swait.ge [sflag:s22], s20  }
0x9f: {  	s3 =	ssub.s32 $0x0, s20;
	[sflag:s22] =	ssyncset.done $0x0  }
0xa0: {  	[sflag:s22] =	ssyncadd.s32 s3;
	_ =	sdelay $0x1  }
0xa1: {  	s23 =	simm.s32 $0x1B8B  }
0xa2: {  	_ =	swait.ge [sflag:s23], $0x1  }
0xa3: {  	[sflag:s23] =	ssyncset.done $0x0  }
0xa4: {  	s25 =	simm.s32 $0x1B8E;
	s24 =	sld [smem:$0x3FFE];
	[sflag:s23] =	ssyncadd.s32 $0xFFFFFFFF  }
0xa5: {  	s26 =	simm.s32 $execute0_lowered;
	[smem:$0x3FD2] =	sst s25  }
0xa6: {  	s4 =	sshll.u32 s26, $0x1;
	_ =	strace $0x8000004C;
	[dreg:$0x1] =	wrdreg $0xFFFFFFFF  }
0xa7: {  	s28 =	simm.s32 $_size_execute0_lowered;
	s2 =	sadd.s32 s2, s4;
	[dreg:$0x0] =	wrdreg $0x0  }
0xa8: {  	s4 =	sshll.u32 s28, $0x1;
	[dreg:$0x2] =	wrdreg s2  }
0xa9: {  	[dreg:$0x3] =	wrdreg s4  }
0xaa: {  	[dreg:$0x4] =	wrdreg $0xC0  }
0xab: {  	_ =	task [dreg:s6], $0x5FFFF  }
0xac: {  	[dreg:$0x1] =	wrdreg $0xFFFFFFFF  }
0xad: {  	[dreg:$0x0] =	wrdreg $0x60  }
0xae: {  	[dreg:$0x2] =	wrdreg s24  }
0xaf: {  	[dreg:$0x3] =	wrdreg $0x3E800  }
0xb0: {  	[dreg:$0x4] =	wrdreg $0x57000  }
0xb1: {  	[dreg:$0x5] =	wrdreg $0x9  }
0xb2: {  	_ =	task.clear_ibuf [dreg:s6], $0x6FFFF;
	_ =	strace $0x9000004C  }
0xb3: {  	s29 =	simm.s32 $0x9;
	_ =	strace $0x8000004E  }
0xb4: {  	_ =	swait.ge [sflag:s29], $0x1  }
0xb5: {  	[sflag:s29] =	ssyncadd.s32 $0xFFFFFFFF  }
0xb6: {  	_ =	strace $0x9000004E  }
0xb7: {  	_ =	sfence  }
0xb8: {  	s30 =	sld [smem:$0x0];
	_ =	sdelay $0x2  }
0xb9: {  	s31 =	sshll.u32 s1, $0xD;
	s1 =	sshrl.u32 s1, $0x2  }
0xba: {  	s3 =	sand.u32 $0x4000, s31;
	s1 =	sadd.s32 s1, s30  }
0xbb: {  	s0 =	sor.u32 s3, s0;
	s1 =	sshll.u32 s1, $0x11  }
0xbc: {  	s0 =	sor.u32 s1, s0  }
0xbd: {  	s0 =	sadd.s32 $0x8F2B, s0  }
0xbe: {  	[sflag:s0] =	ssyncadd.remote.s32 $0x1  }
0xbf: {  	_ =	sfence.sel $0xFFFF  }
0xc0: {  	[dreg:$0x0] =	wrdreg $0xFFFFFFFF;
	(pc) =	sbr.abs _section_cstart, $3  }
0xc1: {  	[dreg:$0x1] =	wrdreg $0xFFFFFFFF  }
0xc2: {  	_ =	task.clear_ibuf [dreg:s6], $0x2FFFF;
	_ =	strace $0x9FFFFFFF  }
0xc3: {  	(tm) =	ssettm $0x7FFFFFFF  }
tec
execute0_lowered:
.L_overlay_start_1:
0x0: {  	(tag) =	ssettag $0x1  }
0x1: {  	s5 =	rddreg [dreg:$0x0]  }
0x2: {  	s2 =	rddreg [dreg:$0x1]  }
0x3: {  	s3 =	rddreg [dreg:$0x2];
	s1 =	stileid.u32  }
0x4: {  	s6 =	srdreg.scid;
	s4 =	simm.s32 $0x0;
	s18 =	simm.s32 $0x1  }
0x5: {  	s19 =	simm.s32 $0xFA0;
	s20 =	simm.s32 $0x6F80;
	s21 =	simm.s32 $0x2EE0  }
0x6: {  	s22 =	simm.s32 $0x2;
	s23 =	simm.s32 $0x7F20;
	s24 =	simm.s32 $0x3  }
0x7: {  	s25 =	simm.s32 $0x4;
	s26 =	simm.s32 $0x0;
	s7 =	smul.u32 $0x1880, s1  }
0x8: {  	s6 =	sand.u32 $0x1, s6;
	[smem:$0x7FF] =	sst s4;
	s13 =	sadd.s32 $0xC6200, s5  }
0x9: {  	s12 =	sadd.s32 $0x2C00, s5;
	s30 =	sshll.u32 s1, $0x6;
	s15 =	smul.u32 $0x30D40, s1  }
0xa: {  	s8 =	smul.u32 $0x18800, s6;
	_ =	strace $0x8000004D;
	s10 =	ssub.s32 $0x2, s6  }
0xb: {  	s29 =	smul.u32 $0x30D400, s6;
	s6 =	sor.u32 $0x1C05, s30;
	s9 =	sshrl.u32 s7, $0x3  }
0xc: {  	s11 =	sshrl.u32 s10, $0x1;
	s14 =	sadd.s32 s7, s2;
	s16 =	sadd.s32 s7, s3  }
0xd: {  	s8 =	sadd.s32 s7, s8;
	s9 =	sadd.s32 s9, s5;
	s10 =	ssub.s32 s10, s11  }
0xe: {  	s11 =	sadd.s32 s15, s29;
	s14 =	sshrl.u32 s14, $0x3;
	s16 =	sshrl.u32 s16, $0x3  }
0xf: {  	s8 =	sshrl.u32 s8, $0x3;
	s7 =	sadd.s32 $0x18CA00, s9;
	s15 =	sshrl.u32 s11, $0x3  }
0x10: {  	s17 =	sadd.s32 $0xFA0, s11;
	s8 =	sadd.s32 s8, s5;
	s5 =	sadd.s32 $0x189800, s9  }
0x11: {  	s9 =	smax.u32 s10, $0x1;
	s10 =	sadd.s32 s15, s12;
	s11 =	sadd.s32 s15, s13  }
0x12: {  	s31 =	sshrl.u32 s17, $0x3;
	s15 =	simm.s32 $0x5;
	s17 =	simm.s32 $0x1F40  }
0x13: {  	s8 =	sadd.s32 $0x18FC00, s8;
	s12 =	sadd.s32 s31, s12;
	s13 =	sadd.s32 s31, s13  }
.LBB2_1:
0x14: {  	[spmem:s14], [sflag:s6] =	dma.local [hbm:s5], $0x310  }
0x15: {  	_ =	swait.ge [sflag:s15], $0x310  }
0x16: {  	[sflag:s15] =	ssyncset.done $0x0  }
0x17: {  	[sflag:s15] =	ssyncadd.s32 $0xFFFFFCF0  }
0x18: {  	[spmem:s16], [sflag:s6] =	dma.local [hbm:s7], $0x310  }
0x19: {  	_ =	swait.ge [sflag:s15], $0x310  }
0x1a: {  	[sflag:s15] =	ssyncset.done $0x0  }
0x1b: {  	[sflag:s15] =	ssyncadd.s32 $0xFFFFFCF0  }
0x1c: {  	s28 =	sadd.s32 $0x0, s11;
	[bflag:$0x0] =	sbarrier.arrive $0xFFFF  }
0x1d: {  	[tilespmem:s4], [sflag:$0x1] =	stream.linear.gather [hbm4b:s28+s4], $0xFA0, $0x38;
	[tilespmem:$0x8EC0] =	vst v63  }
0x1e: {  	s28 =	sadd.s32 $0x0, s10  }
0x1f: {  	[tilespmem:s17], [sflag:$0x1] =	stream.linear.gather [hbm4b:s28+s4], $0xFA0, $0x38;
	[tilespmem:$0x8EC0] =	vst v63  }
0x20: {  	_ =	swait.ge [sflag:s18], $0xFA0  }
0x21: {  	[sflag:s18] =	ssyncset.done $0x0  }
0x22: {  	[sflag:s18] =	ssyncadd.s32 $0xFFFFF060  }
0x23: {  	_ =	swait.ge [sflag:s18], $0xFA0  }
0x24: {  	[sflag:s18] =	ssyncset.done $0x0  }
0x25: {  	[sflag:s18] =	ssyncadd.s32 $0xFFFFF060  }
0x26: {  	[tilespmem:s20], [sflag:$0x2] =	stream.indirect.gather [spmem:s3], $0x1, s4, s19, $0xb8;
	[tilespmem:$0x8EC0] =	vst v63  }
0x27: {  	s28 =	sadd.s32 $0x0, s13  }
0x28: {  	[tilespmem:s19], [sflag:$0x1] =	stream.linear.gather [hbm4b:s28+s4], $0xFA0, $0x38;
	[tilespmem:$0x8EC0] =	vst v63  }
0x29: {  	s28 =	sadd.s32 $0x0, s12  }
0x2a: {  	[tilespmem:s21], [sflag:$0x1] =	stream.linear.gather [hbm4b:s28+s4], $0xFA0, $0x38;
	[tilespmem:$0x8EC0] =	vst v63  }
0x2b: {  	_ =	swait.ge [sflag:s22], $0xFA0  }
0x2c: {  	[sflag:s22] =	ssyncset.done $0x0  }
0x2d: {  	[sflag:s22] =	ssyncadd.s32 $0xFFFFF060  }
0x2e: {  	[spmem:s2] =	stream.indirect.scatter.add.f32 [tilespmem:s20], [sflag:$0x3], $0x1, s17, s19, $0xb8;
	[tilespmem:$0x8EC0] =	vst v63  }
0x2f: {  	_ =	swait.ge [sflag:s18], $0xFA0  }
0x30: {  	[sflag:s18] =	ssyncset.done $0x0  }
0x31: {  	[sflag:s18] =	ssyncadd.s32 $0xFFFFF060  }
0x32: {  	_ =	swait.ge [sflag:s18], $0xFA0  }
0x33: {  	[sflag:s18] =	ssyncset.done $0x0  }
0x34: {  	[sflag:s18] =	ssyncadd.s32 $0xFFFFF060  }
0x35: {  	[tilespmem:s23], [sflag:$0x2] =	stream.indirect.gather [spmem:s3], $0x1, s19, s19, $0xb8;
	[tilespmem:$0x8EC0] =	vst v63  }
0x36: {  	_ =	swait.ge [sflag:s22], $0xFA0  }
0x37: {  	[sflag:s22] =	ssyncset.done $0x0  }
0x38: {  	[sflag:s22] =	ssyncadd.s32 $0xFFFFF060  }
0x39: {  	[spmem:s2] =	stream.indirect.scatter.add.f32 [tilespmem:s23], [sflag:$0x4], $0x1, s21, s19, $0xb8;
	[tilespmem:$0x8EC0] =	vst v63  }
0x3a: {  	_ =	swait.ge [sflag:s24], $0xFA0  }
0x3b: {  	[sflag:s24] =	ssyncset.done $0x0  }
0x3c: {  	[sflag:s24] =	ssyncadd.s32 $0xFFFFF060  }
0x3d: {  	_ =	swait.ge [sflag:s25], $0xFA0  }
0x3e: {  	s30 =	simm.s32 $0x7D0;
	s28 =	simm.s32 $0x3E8;
	[sflag:s25] =	ssyncset.done $0x0  }
.LBB2_2:
0x3f: {  	s31 =	sadd.s32 s28, s11  }
0x40: {  	[sflag:s25] =	ssyncadd.s32 $0xFFFFF060;
	s0 =	smov.u32 s30;
	s29 =	sadd.s32 $0x3E8, s30  }
0x41: {  	[tilespmem:s4], [sflag:$0x1] =	stream.linear.gather [hbm4b:s31+s4], $0xFA0, $0x38;
	[tilespmem:$0x8EC0] =	vst v63  }
0x42: {  	p0 =	sne.s32 s30, $0x5DC0;
	s30 =	sadd.s32 s28, s10  }
0x43: {  	[tilespmem:s17], [sflag:$0x1] =	stream.linear.gather [hbm4b:s30+s4], $0xFA0, $0x38;
	[tilespmem:$0x8EC0] =	vst v63  }
0x44: {  	_ =	swait.ge [sflag:s18], $0xFA0  }
0x45: {  	[sflag:s18] =	ssyncset.done $0x0  }
0x46: {  	[sflag:s18] =	ssyncadd.s32 $0xFFFFF060  }
0x47: {  	_ =	swait.ge [sflag:s18], $0xFA0  }
0x48: {  	[sflag:s18] =	ssyncset.done $0x0  }
0x49: {  	[sflag:s18] =	ssyncadd.s32 $0xFFFFF060  }
0x4a: {  	[tilespmem:s20], [sflag:$0x2] =	stream.indirect.gather [spmem:s3], $0x1, s4, s19, $0xb8;
	[tilespmem:$0x8EC0] =	vst v63  }
0x4b: {  	s30 =	sadd.s32 s28, s13  }
0x4c: {  	[tilespmem:s19], [sflag:$0x1] =	stream.linear.gather [hbm4b:s30+s4], $0xFA0, $0x38;
	[tilespmem:$0x8EC0] =	vst v63  }
0x4d: {  	s30 =	sadd.s32 s28, s12;
	s28 =	smov.u32 s0  }
0x4e: {  	[tilespmem:s21], [sflag:$0x1] =	stream.linear.gather [hbm4b:s30+s4], $0xFA0, $0x38;
	[tilespmem:$0x8EC0] =	vst v63  }
0x4f: {  	_ =	swait.ge [sflag:s22], $0xFA0  }
0x50: {  	[sflag:s22] =	ssyncset.done $0x0  }
0x51: {  	[sflag:s22] =	ssyncadd.s32 $0xFFFFF060  }
0x52: {  	[spmem:s2] =	stream.indirect.scatter.add.f32 [tilespmem:s20], [sflag:$0x3], $0x1, s17, s19, $0xb8;
	[tilespmem:$0x8EC0] =	vst v63  }
0x53: {  	_ =	swait.ge [sflag:s18], $0xFA0  }
0x54: {  	[sflag:s18] =	ssyncset.done $0x0  }
0x55: {  	[sflag:s18] =	ssyncadd.s32 $0xFFFFF060  }
0x56: {  	_ =	swait.ge [sflag:s18], $0xFA0  }
0x57: {  	[sflag:s18] =	ssyncset.done $0x0  }
0x58: {  	[sflag:s18] =	ssyncadd.s32 $0xFFFFF060  }
0x59: {  	[tilespmem:s23], [sflag:$0x2] =	stream.indirect.gather [spmem:s3], $0x1, s19, s19, $0xb8;
	[tilespmem:$0x8EC0] =	vst v63  }
0x5a: {  	_ =	swait.ge [sflag:s22], $0xFA0  }
0x5b: {  	[sflag:s22] =	ssyncset.done $0x0  }
0x5c: {  	[sflag:s22] =	ssyncadd.s32 $0xFFFFF060  }
0x5d: {  	[spmem:s2] =	stream.indirect.scatter.add.f32 [tilespmem:s23], [sflag:$0x4], $0x1, s21, s19, $0xb8;
	[tilespmem:$0x8EC0] =	vst v63  }
.Ltmp0:
0x5e: {  	_ =	swait.ge [sflag:s24], $0xFA0;
	(pc) =	sbr.rel @p0 .LBB2_2-.Ltmp0, $4  }
0x5f: {  	[sflag:s24] =	ssyncset.done $0x0  }
0x60: {  	[sflag:s24] =	ssyncadd.s32 $0xFFFFF060  }
0x61: {  	_ =	swait.ge [sflag:s25], $0xFA0  }
0x62: {  	s30 =	smov.u32 s29;
	[sflag:s25] =	ssyncset.done $0x0  }
0x63: {  	s0 =	sadd.s32 s28, s11;
	[sflag:s25] =	ssyncadd.s32 $0xFFFFF060  }
0x64: {  	[tilespmem:s4], [sflag:$0x1] =	stream.linear.gather [hbm4b:s0+s4], $0xFA0, $0x38;
	[tilespmem:$0x8EC0] =	vst v63  }
0x65: {  	s29 =	sadd.s32 s28, s10  }
0x66: {  	[tilespmem:s17], [sflag:$0x1] =	stream.linear.gather [hbm4b:s29+s4], $0xFA0, $0x38;
	[tilespmem:$0x8EC0] =	vst v63  }
0x67: {  	_ =	swait.ge [sflag:s18], $0xFA0  }
0x68: {  	[sflag:s18] =	ssyncset.done $0x0  }
0x69: {  	[sflag:s18] =	ssyncadd.s32 $0xFFFFF060  }
0x6a: {  	_ =	swait.ge [sflag:s18], $0xFA0  }
0x6b: {  	[sflag:s18] =	ssyncset.done $0x0  }
0x6c: {  	[sflag:s18] =	ssyncadd.s32 $0xFFFFF060  }
0x6d: {  	[tilespmem:s20], [sflag:$0x2] =	stream.indirect.gather [spmem:s3], $0x1, s4, s19, $0xb8;
	[tilespmem:$0x8EC0] =	vst v63  }
0x6e: {  	s30 =	sadd.s32 s28, s13  }
0x6f: {  	[tilespmem:s19], [sflag:$0x1] =	stream.linear.gather [hbm4b:s30+s4], $0xFA0, $0x38;
	[tilespmem:$0x8EC0] =	vst v63  }
0x70: {  	s31 =	sadd.s32 s28, s12  }
0x71: {  	[tilespmem:s21], [sflag:$0x1] =	stream.linear.gather [hbm4b:s31+s4], $0xFA0, $0x38;
	[tilespmem:$0x8EC0] =	vst v63  }
0x72: {  	_ =	swait.ge [sflag:s22], $0xFA0  }
0x73: {  	[sflag:s22] =	ssyncset.done $0x0  }
0x74: {  	[sflag:s22] =	ssyncadd.s32 $0xFFFFF060  }
0x75: {  	[spmem:s2] =	stream.indirect.scatter.add.f32 [tilespmem:s20], [sflag:$0x3], $0x1, s17, s19, $0xb8;
	[tilespmem:$0x8EC0] =	vst v63  }
0x76: {  	_ =	swait.ge [sflag:s18], $0xFA0  }
0x77: {  	[sflag:s18] =	ssyncset.done $0x0  }
0x78: {  	[sflag:s18] =	ssyncadd.s32 $0xFFFFF060  }
0x79: {  	_ =	swait.ge [sflag:s18], $0xFA0  }
0x7a: {  	[sflag:s18] =	ssyncset.done $0x0  }
0x7b: {  	[sflag:s18] =	ssyncadd.s32 $0xFFFFF060  }
0x7c: {  	[tilespmem:s23], [sflag:$0x2] =	stream.indirect.gather [spmem:s3], $0x1, s19, s19, $0xb8;
	[tilespmem:$0x8EC0] =	vst v63  }
0x7d: {  	_ =	swait.ge [sflag:s22], $0xFA0  }
0x7e: {  	[sflag:s22] =	ssyncset.done $0x0  }
0x7f: {  	[sflag:s22] =	ssyncadd.s32 $0xFFFFF060  }
0x80: {  	[spmem:s2] =	stream.indirect.scatter.add.f32 [tilespmem:s23], [sflag:$0x4], $0x1, s21, s19, $0xb8;
	[tilespmem:$0x8EC0] =	vst v63  }
0x81: {  	_ =	swait.ge [sflag:s24], $0xFA0  }
0x82: {  	[sflag:s24] =	ssyncset.done $0x0  }
0x83: {  	[sflag:s24] =	ssyncadd.s32 $0xFFFFF060  }
0x84: {  	_ =	swait.ge [sflag:s25], $0xFA0  }
0x85: {  	s26 =	sadd.s32 $0x1, s26;
	[sflag:s25] =	ssyncset.done $0x0  }
0x86: {  	p0 =	sne.s32 s26, s9;
	[sflag:s25] =	ssyncadd.s32 $0xFFFFF060  }
.Ltmp1:
0x87: {  	[bflag:$0x0] =	sbarrier.arrive $0xFFFF;
	(pc) =	sbr.rel @p0 .LBB2_1-.Ltmp1, $4  }
0x88: {  	[hbm:s8], [sflag:s6] =	dma.local [spmem:s14], $0x310  }
0x89: {  	_ =	swait.ge [sflag:s15], $0x310  }
0x8a: {  	[sflag:s15] =	ssyncset.done $0x0  }
0x8b: {  	[sflag:s15] =	ssyncadd.s32 $0xFFFFFCF0  }
0x8c: {  	_ =	sfence.sel $0x180000  }
0x8d: {  	[bflag:$0x0] =	sbarrier.arrive $0xFFFF  }
0x8e: {  	_ =	strace $0x9000004D  }
0x8f: {  	[bflag:$0x2] =	sbarrier.arrive $0xFFFF  }
0x90: {  	p0 =	sne.s32 s1, $0x0;
	s0 =	rddreg [dreg:$0x3]  }
0x91: {  	s0 =	sadd.s32 @!p0 $0x100000, s0  }
0x92: {  	[sflag:s0] =	ssyncadd.tile.s32 @!p0 $0x1;
	_ =	shalt  }
.Lfunc_end2:
_tile_overlayer_lowered:
.L_overlay_start_2:
0x93: {  	(tag) =	ssettag $0x2  }
0x94: {  	s0 =	rddreg [dreg:$0x0];
	s2 =	stileid.u32  }
0x95: {  	s1 =	rddreg [dreg:$0x1];
	p0 =	sne.s32 s2, $0x0  }
0x96: {  	s3 =	rddreg [dreg:$0x2];
	[bflag:$0x3] =	sbarrier.arrive $0xFFFF;
	s2 =	simm.s32 @!p0 $0x1C05  }
0x97: {  	[timem:s3], [sflag:s2] =	dma.local @!p0 [hbm:s0], s1  }
0x98: {  	s0 =	simm.s32 @!p0 $0x5  }
0x99: {  	_ =	swait.ge @!p0 [sflag:s0], s1  }
0x9a: {  	s1 =	ssub.s32 @!p0 $0x0, s1;
	[sflag:s0] =	ssyncset.done @!p0 $0x0  }
0x9b: {  	[sflag:s0] =	ssyncadd.s32 @!p0 s1  }
0x9c: {  	[bflag:$0x3] =	sbarrier.arrive $0xFFFF  }
0x9d: {  	_ =	shalt  }

// kernel: kernel.8.cloned.1.call-start
scs
__scs_entry_jumppad:
0x0: {  	(pc) =	sbr.rel $0x88, $3  }
0x1: {  	(tag) =	ssettag $0x0;
	lr =	simm.s32 $0x1  }
0x2: {  	[smem:$0x3F9B] =	sst lr;
	_ =	strace $0xD0000000  }
0x3: {  	_ = 	snop  }
0x4: {  	_ = 	snop  }
0x5: {  	_ = 	snop  }
0x6: {  	_ = 	snop  }
0x7: {  	_ = 	snop  }
__scs_overlays_trampoline_lowered:
0x8: {  	[smem:$0x3FAA] =	sst s0  }
0x9: {  	[smem:$0x3FAB] =	sst s1  }
0xa: {  	[smem:$0x3FAC] =	sst s2  }
0xb: {  	[smem:$0x3FAD] =	sst s3  }
0xc: {  	[smem:$0x3FAE] =	sst s4  }
0xd: {  	[smem:$0x3FAF] =	sst s5  }
0xe: {  	[smem:$0x3FB0] =	sst s6  }
0xf: {  	[smem:$0x3FB1] =	sst s7  }
0x10: {  	[smem:$0x3FB2] =	sst s8  }
0x11: {  	[smem:$0x3FB3] =	sst s9;
	s0 =	simm.s32 @!p0 $0x0  }
0x12: {  	s1 =	sld [smem:$0x3F99];
	s0 =	simm.s32 @p0 $0x1  }
0x13: {  	[smem:$0x3FB4] =	sst s0;
	s0 =	simm.s32 @!p1 $0x0  }
0x14: {  	s2 =	sld [smem:$0x3F98];
	s0 =	simm.s32 @p1 $0x1  }
0x15: {  	[smem:$0x3FB5] =	sst s0;
	s0 =	simm.s32 @!p2 $0x0  }
0x16: {  	s3 =	sld [smem:$0x3FDB];
	s0 =	simm.s32 @p2 $0x1  }
0x17: {  	s4 =	simm.s32 $0x1BF5;
	[smem:$0x3FB7] =	sst s0  }
0x18: {  	s0 =	sld [smem:$0x3F9A];
	_ =	swait.ge [sflag:s4], $0x0  }
0x19: {  	s7 =	sld [smem:$0x3F9B]  }
0x1a: {  	s8 =	sadd.s32 $0xFFFFE003, lr  }
0x1b: {  	s9 =	sadd.s32 $0xFFFFFEF7, lr;
	s5 =	simm.s32 $0xFFFFFFFF;
	p2 =	slt.u32 s8, $0xFFFFF086  }
0x1c: {  	p1 =	slt.u32 s9, $0xF7A;
	s5 =	simm.s32 @!p2 $0x0  }
0x1d: {  	s5 =	simm.s32 @p1 $0x1;
	p0 =	seq.s32 s7, s2  }
0x1e: {  	s7 =	smul.u32 @!p0 $0xF7A, s2;
	p2 =	seq.s32 @!p0 s5, $0x0  }
0x1f: {  	s9 =	smul.u32 $0xF7A, s1;
	s8 =	simm.s32 @!p0 $0x1BF5;
	p2 =	por !p2, p0  }
0x20: {  	[sflag:s8] =	ssyncset.s32 @!p0 $0xFFFFF086;
	s6 =	sadd.s32 @!p0 s3, s7;
	s7 =	simm.s32 @!p0 $0x108  }
0x21: {  	s3 =	sadd.s32 s3, s9;
	s6 =	sadd.s32 @!p0 $0x88, s6;
	s7 =	simm.s32 @p2 $0x1082  }
0x22: {  	[simem:s7], [sflag:s8] =	dma.local @!p0 [hbm:s6], $0xF7A  }
0x23: {  	s9 =	sor.u32 $0xD0000000, s2;
	s6 =	simm.s32 $0x108;
	_ =	swait.ge @!p0 [sflag:s8], $0x0  }
0x24: {  	s3 =	sadd.s32 $0x88, s3;
	s6 =	simm.s32 @!p1 $0x1082;
	[sflag:s4] =	ssyncset.s32 $0xFFFFF086  }
0x25: {  	[simem:s6], [sflag:s4] =	dma.local [hbm:s3], $0xF7A  }
0x26: {  	[smem:$0x3F9B] =	sst s1;
	(tag) =	ssettag s2;
	_ =	strace s9  }
0x27: {  	s1 =	sld [smem:$0x3FAB]  }
0x28: {  	s2 =	sld [smem:$0x3FAC]  }
0x29: {  	s4 =	sld [smem:$0x3FAE]  }
0x2a: {  	p0 =	seq.s32 s5, $0x0;
	s5 =	sld [smem:$0x3FAF]  }
0x2b: {  	s6 =	sld [smem:$0x3FB0]  }
0x2c: {  	s7 =	sld [smem:$0x3FB1]  }
0x2d: {  	s3 =	simm.s32 $0x108;
	s8 =	sld [smem:$0x3FB2]  }
0x2e: {  	s3 =	simm.s32 @!p0 $0x1082;
	s9 =	sld [smem:$0x3FB3]  }
0x2f: {  	lr =	sadd.s32 s0, s3;
	s0 =	sld [smem:$0x3FAA]  }
0x30: {  	s3 =	sld [smem:$0x3FAD]  }
0x31: {  	[smem:$0x3FB6] =	sst s10  }
0x32: {  	s10 =	sld [smem:$0x3FB4];
	_ =	sdelay $0x3  }
0x33: {  	p0 =	seq.s32 s10, $0x1;
	s10 =	sld [smem:$0x3FB6];
	_ =	sdelay $0x3  }
0x34: {  	[smem:$0x3FB6] =	sst s10  }
0x35: {  	s10 =	sld [smem:$0x3FB5];
	_ =	sdelay $0x3  }
0x36: {  	p1 =	seq.s32 s10, $0x1;
	s10 =	sld [smem:$0x3FB6];
	_ =	sdelay $0x3  }
0x37: {  	[smem:$0x3FB6] =	sst s10  }
0x38: {  	s10 =	sld [smem:$0x3FB7]  }
0x39: {  	_ = 	snop;
	(pc) =	sbr.ind lr, $3  }
0x3a: {  	_ = 	snop  }
0x3b: {  	_ = 	snop  }
0x3c: {  	p2 =	seq.s32 s10, $0x1;
	s10 =	sld [smem:$0x3FB6]  }
0x3d: {  	_ =	shalt  }
0x3e: {  	_ =	shalt  }
0x3f: {  	_ =	shalt  }
0x40: {  	_ =	shalt  }
0x41: {  	_ =	shalt  }
0x42: {  	_ =	shalt  }
0x43: {  	_ =	shalt  }
0x44: {  	_ =	shalt  }
0x45: {  	_ =	shalt  }
0x46: {  	_ =	shalt  }
0x47: {  	_ =	shalt  }
0x48: {  	_ =	shalt  }
0x49: {  	_ =	shalt  }
0x4a: {  	_ =	shalt  }
0x4b: {  	_ =	shalt  }
0x4c: {  	_ =	shalt  }
0x4d: {  	_ =	shalt  }
0x4e: {  	_ =	shalt  }
0x4f: {  	_ =	shalt  }
0x50: {  	_ =	shalt  }
0x51: {  	_ =	shalt  }
0x52: {  	_ =	shalt  }
0x53: {  	_ =	shalt  }
0x54: {  	_ =	shalt  }
0x55: {  	_ =	shalt  }
0x56: {  	_ =	shalt  }
0x57: {  	_ =	shalt  }
0x58: {  	_ =	shalt  }
0x59: {  	_ =	shalt  }
0x5a: {  	_ =	shalt  }
0x5b: {  	_ =	shalt  }
0x5c: {  	_ =	shalt  }
0x5d: {  	_ =	shalt  }
0x5e: {  	_ =	shalt  }
0x5f: {  	_ =	shalt  }
0x60: {  	_ =	shalt  }
0x61: {  	_ =	shalt  }
0x62: {  	_ =	shalt  }
0x63: {  	_ =	shalt  }
0x64: {  	_ =	shalt  }
0x65: {  	_ =	shalt  }
0x66: {  	_ =	shalt  }
0x67: {  	_ =	shalt  }
0x68: {  	_ =	shalt  }
0x69: {  	_ =	shalt  }
0x6a: {  	_ =	shalt  }
0x6b: {  	_ =	shalt  }
0x6c: {  	_ =	shalt  }
0x6d: {  	_ =	shalt  }
0x6e: {  	_ =	shalt  }
0x6f: {  	_ =	shalt  }
0x70: {  	_ =	shalt  }
0x71: {  	_ =	shalt  }
0x72: {  	_ =	shalt  }
0x73: {  	_ =	shalt  }
0x74: {  	_ =	shalt  }
0x75: {  	_ =	shalt  }
0x76: {  	_ =	shalt  }
0x77: {  	_ =	shalt  }
0x78: {  	_ =	shalt  }
0x79: {  	_ =	shalt  }
0x7a: {  	_ =	shalt  }
0x7b: {  	_ =	shalt  }
0x7c: {  	_ =	shalt  }
0x7d: {  	_ =	shalt  }
0x7e: {  	_ =	shalt  }
0x7f: {  	_ =	shalt  }
0x80: {  	_ =	shalt  }
0x81: {  	_ =	shalt  }
0x82: {  	_ =	shalt  }
0x83: {  	_ =	shalt  }
0x84: {  	_ =	shalt  }
0x85: {  	_ =	shalt  }
0x86: {  	_ =	shalt  }
0x87: {  	_ =	shalt  }
.Lfunc_end0:
.L_simem_size_0:
called_computation_lowered:
.L_overlay_start_0:
0x88: {  	s2 =	sld [smem:$0x3FD9]  }
0x89: {  	s3 =	sld [smem:$0x3FFE];
	_ =	sdelay $0x1  }
0x8a: {  	s1 =	srdreg.scid  }
0x8b: {  	s0 =	sand.u32 $0x1, s1  }
0x8c: {  	s16 =	sshll.u32 s0, $0xA;
	s2 =	sadd.s32 s3, s2  }
0x8d: {  	s2 =	sadd.s32 s2, s16  }
0x8e: {  	[smem:$0x3FC2] =	sst s2  }
0x8f: {  	_ = 	snop  }
0x90: {  	(tm) =	ssettm $0x1  }
0x91: {  	s17 =	sld [smem:$0x3FFB];
	_ =	sdelay $0x3  }
0x92: {  	_ =	strace s17  }
0x93: {  	s2 =	sld [smem:$0x3FFC];
	_ =	sdelay $0x3  }
0x94: {  	_ =	strace s2  }
0x95: {  	s2 =	sld [smem:$0x3FFD];
	_ =	sdelay $0x3  }
0x96: {  	_ =	strace s2  }
0x97: {  	_ =	strace $0x8FFFFFFF  }
0x98: {  	s18 =	sld [smem:$0x3FDB];
	_ =	sdelay $0x1  }
0x99: {  	s19 =	simm.s32 $_scs_section_size  }
0x9a: {  	s4 =	simm.s32 $_size__tile_overlayer_lowered;
	s5 =	simm.s32 $_tile_overlayer_lowered  }
0x9b: {  	s22 =	simm.s32 $0x1BFF;
	s21 =	sshll.u32 s5, $0x1;
	s2 =	sadd.s32 s19, s18  }
0x9c: {  	s6 =	simm.s32 $0x0;
	s20 =	sshll.u32 s4, $0x1;
	s4 =	sadd.s32 s21, s2  }
0x9d: {  	[timem:s6], [sflag:s22] =	dma.local [hbm:s4], s20  }
0x9e: {  	_ =	swait.ge [sflag:s22], s20  }
0x9f: {  	s3 =	ssub.s32 $0x0, s20;
	[sflag:s22] =	ssyncset.done $0x0  }
0xa0: {  	[sflag:s22] =	ssyncadd.s32 s3;
	_ =	sdelay $0x1  }
0xa1: {  	s23 =	simm.s32 $0x1B8B  }
0xa2: {  	_ =	swait.ge [sflag:s23], $0x1  }
0xa3: {  	[sflag:s23] =	ssyncset.done $0x0  }
0xa4: {  	s25 =	simm.s32 $0x1B8E;
	s24 =	sld [smem:$0x3FFE];
	[sflag:s23] =	ssyncadd.s32 $0xFFFFFFFF  }
0xa5: {  	s26 =	simm.s32 $execute0_lowered;
	[smem:$0x3FD2] =	sst s25  }
0xa6: {  	s4 =	sshll.u32 s26, $0x1;
	_ =	strace $0x80000046;
	[dreg:$0x1] =	wrdreg $0xFFFFFFFF  }
0xa7: {  	s28 =	simm.s32 $_size_execute0_lowered;
	s2 =	sadd.s32 s2, s4;
	[dreg:$0x0] =	wrdreg $0x0  }
0xa8: {  	s4 =	sshll.u32 s28, $0x1;
	[dreg:$0x2] =	wrdreg s2  }
0xa9: {  	[dreg:$0x3] =	wrdreg s4  }
0xaa: {  	[dreg:$0x4] =	wrdreg $0xC0  }
0xab: {  	_ =	task [dreg:s6], $0x5FFFF  }
0xac: {  	[dreg:$0x1] =	wrdreg $0xFFFFFFFF  }
0xad: {  	[dreg:$0x0] =	wrdreg $0x60  }
0xae: {  	[dreg:$0x2] =	wrdreg s24  }
0xaf: {  	[dreg:$0x3] =	wrdreg $0x1F400  }
0xb0: {  	[dreg:$0x4] =	wrdreg $0x9  }
0xb1: {  	_ =	task.clear_ibuf [dreg:s6], $0x5FFFF;
	_ =	strace $0x90000046  }
0xb2: {  	s29 =	simm.s32 $0x9;
	_ =	strace $0x80000048  }
0xb3: {  	_ =	swait.ge [sflag:s29], $0x1  }
0xb4: {  	[sflag:s29] =	ssyncadd.s32 $0xFFFFFFFF  }
0xb5: {  	_ =	strace $0x90000048  }
0xb6: {  	_ =	sfence  }
0xb7: {  	s30 =	sld [smem:$0x0];
	_ =	sdelay $0x2  }
0xb8: {  	s31 =	sshll.u32 s1, $0xD;
	s1 =	sshrl.u32 s1, $0x2  }
0xb9: {  	s3 =	sand.u32 $0x4000, s31;
	s1 =	sadd.s32 s1, s30  }
0xba: {  	s0 =	sor.u32 s3, s0;
	s1 =	sshll.u32 s1, $0x11  }
0xbb: {  	s0 =	sor.u32 s1, s0  }
0xbc: {  	s0 =	sadd.s32 $0x8F2B, s0  }
0xbd: {  	[sflag:s0] =	ssyncadd.remote.s32 $0x1  }
0xbe: {  	_ =	sfence.sel $0xFFFF  }
0xbf: {  	[dreg:$0x0] =	wrdreg $0xFFFFFFFF;
	(pc) =	sbr.abs _section_cstart, $3  }
0xc0: {  	[dreg:$0x1] =	wrdreg $0xFFFFFFFF  }
0xc1: {  	_ =	task.clear_ibuf [dreg:s6], $0x2FFFF;
	_ =	strace $0x9FFFFFFF  }
0xc2: {  	(tm) =	ssettm $0x7FFFFFFF  }
0xc3: {  	_ =	shalt  }
tec
execute0_lowered:
.L_overlay_start_1:
0x0: {  	(tag) =	ssettag $0x1  }
0x1: {  	s4 =	rddreg [dreg:$0x0]  }
0x2: {  	s2 =	rddreg [dreg:$0x1]  }
0x3: {  	s0 =	rddreg [dreg:$0x2]  }
0x4: {  	s1 =	stileid.u32;
	s5 =	srdreg.scid;
	s3 =	simm.s32 $0x0  }
0x5: {  	s14 =	simm.s32 $0x37C0;
	s15 =	simm.s32 $0x2;
	s16 =	simm.s32 $0x3  }
0x6: {  	s17 =	simm.s32 $0x0;
	s6 =	smul.u32 $0x1880, s1;
	s5 =	sand.u32 $0x1, s5  }
0x7: {  	[smem:$0x7FF] =	sst s3;
	s9 =	sadd.s32 $0x2C00, s4;
	s12 =	smul.u32 $0x30D40, s1  }
0x8: {  	s29 =	sshll.u32 s1, $0x6;
	s7 =	smul.u32 $0x18800, s5;
	_ =	strace $0x80000047  }
0x9: {  	s10 =	ssub.s32 $0x2, s5;
	s11 =	smul.u32 $0x30D400, s5;
	s5 =	sor.u32 $0x1C04, s29  }
0xa: {  	s8 =	sshrl.u32 s6, $0x3;
	s28 =	sshrl.u32 s10, $0x1;
	s13 =	sadd.s32 s6, s2  }
0xb: {  	s8 =	sadd.s32 s8, s4;
	s7 =	sadd.s32 s6, s7;
	s30 =	sadd.s32 s12, s11  }
0xc: {  	s10 =	ssub.s32 s10, s28;
	s7 =	sshrl.u32 s7, $0x3;
	s11 =	sshrl.u32 s30, $0x3  }
0xd: {  	s12 =	sadd.s32 $0xFA0, s30;
	s7 =	sadd.s32 s7, s4;
	s4 =	sadd.s32 $0x189800, s8  }
0xe: {  	s8 =	sadd.s32 s11, s9;
	s31 =	sshrl.u32 s12, $0x3;
	s11 =	simm.s32 $0x4  }
0xf: {  	s12 =	simm.s32 $0x1;
	s6 =	sadd.s32 $0x18CA00, s7;
	s7 =	smax.u32 s10, $0x1  }
0x10: {  	v0 =	vimm.f32 $1.000000000e+00;
	s9 =	sadd.s32 s31, s9;
	s10 =	sshrl.u32 s13, $0x3;
	s13 =	simm.s32 $0xFA0  }
.LBB2_1:
0x11: {  	[spmem:s10], [sflag:s5] =	dma.local [hbm:s4], $0x310  }
0x12: {  	_ =	swait.ge [sflag:s11], $0x310  }
0x13: {  	[sflag:s11] =	ssyncset.done $0x0  }
0x14: {  	[sflag:s11] =	ssyncadd.s32 $0xFFFFFCF0  }
0x15: {  	[tilespmem:$0x37C0] =	vst v0  }
0x16: {  	[tilespmem:$0x37D0] =	vst v0  }
0x17: {  	[tilespmem:$0x37E0] =	vst v0  }
0x18: {  	[tilespmem:$0x37F0] =	vst v0  }
0x19: {  	[tilespmem:$0x3800] =	vst v0  }
0x1a: {  	[tilespmem:$0x3810] =	vst v0  }
0x1b: {  	[tilespmem:$0x3820] =	vst v0  }
0x1c: {  	[tilespmem:$0x3830] =	vst v0  }
0x1d: {  	[tilespmem:$0x3840] =	vst v0  }
0x1e: {  	[tilespmem:$0x3850] =	vst v0  }
0x1f: {  	[tilespmem:$0x3860] =	vst v0  }
0x20: {  	[tilespmem:$0x3870] =	vst v0  }
0x21: {  	[tilespmem:$0x3880] =	vst v0  }
0x22: {  	[tilespmem:$0x3890] =	vst v0  }
0x23: {  	[tilespmem:$0x38A0] =	vst v0  }
0x24: {  	[tilespmem:$0x38B0] =	vst v0  }
0x25: {  	[tilespmem:$0x38C0] =	vst v0  }
0x26: {  	[tilespmem:$0x38D0] =	vst v0  }
0x27: {  	[tilespmem:$0x38E0] =	vst v0  }
0x28: {  	[tilespmem:$0x38F0] =	vst v0  }
0x29: {  	[tilespmem:$0x3900] =	vst v0  }
0x2a: {  	[tilespmem:$0x3910] =	vst v0  }
0x2b: {  	[tilespmem:$0x3920] =	vst v0  }
0x2c: {  	[tilespmem:$0x3930] =	vst v0  }
0x2d: {  	[tilespmem:$0x3940] =	vst v0  }
0x2e: {  	[tilespmem:$0x3950] =	vst v0  }
0x2f: {  	[tilespmem:$0x3960] =	vst v0  }
0x30: {  	[tilespmem:$0x3970] =	vst v0  }
0x31: {  	[tilespmem:$0x3980] =	vst v0  }
0x32: {  	[tilespmem:$0x3990] =	vst v0  }
0x33: {  	[tilespmem:$0x39A0] =	vst v0  }
0x34: {  	[tilespmem:$0x39B0] =	vst v0  }
0x35: {  	[tilespmem:$0x39C0] =	vst v0  }
0x36: {  	[tilespmem:$0x39D0] =	vst v0  }
0x37: {  	[tilespmem:$0x39E0] =	vst v0  }
0x38: {  	[tilespmem:$0x39F0] =	vst v0  }
0x39: {  	[tilespmem:$0x3A00] =	vst v0  }
0x3a: {  	[tilespmem:$0x3A10] =	vst v0  }
0x3b: {  	[tilespmem:$0x3A20] =	vst v0  }
0x3c: {  	[tilespmem:$0x3A30] =	vst v0  }
0x3d: {  	[tilespmem:$0x3A40] =	vst v0  }
0x3e: {  	[tilespmem:$0x3A50] =	vst v0  }
0x3f: {  	[tilespmem:$0x3A60] =	vst v0  }
0x40: {  	[tilespmem:$0x3A70] =	vst v0  }
0x41: {  	[tilespmem:$0x3A80] =	vst v0  }
0x42: {  	[tilespmem:$0x3A90] =	vst v0  }
0x43: {  	[tilespmem:$0x3AA0] =	vst v0  }
0x44: {  	[tilespmem:$0x3AB0] =	vst v0  }
0x45: {  	[tilespmem:$0x3AC0] =	vst v0  }
0x46: {  	[tilespmem:$0x3AD0] =	vst v0  }
0x47: {  	[tilespmem:$0x3AE0] =	vst v0  }
0x48: {  	[tilespmem:$0x3AF0] =	vst v0  }
0x49: {  	[tilespmem:$0x3B00] =	vst v0  }
0x4a: {  	[tilespmem:$0x3B10] =	vst v0  }
0x4b: {  	[tilespmem:$0x3B20] =	vst v0  }
0x4c: {  	[tilespmem:$0x3B30] =	vst v0  }
0x4d: {  	[tilespmem:$0x3B40] =	vst v0  }
0x4e: {  	[tilespmem:$0x3B50] =	vst v0  }
0x4f: {  	[tilespmem:$0x3B60] =	vst v0  }
0x50: {  	[tilespmem:$0x3B70] =	vst v0  }
0x51: {  	[tilespmem:$0x3B80] =	vst v0  }
0x52: {  	[tilespmem:$0x3B90] =	vst v0  }
0x53: {  	[tilespmem:$0x3BA0] =	vst v0  }
0x54: {  	[tilespmem:$0x3BB0] =	vst v0  }
0x55: {  	[tilespmem:$0x3BC0] =	vst v0  }
0x56: {  	[tilespmem:$0x3BD0] =	vst v0  }
0x57: {  	[tilespmem:$0x3BE0] =	vst v0  }
0x58: {  	[tilespmem:$0x3BF0] =	vst v0  }
0x59: {  	[tilespmem:$0x3C00] =	vst v0  }
0x5a: {  	[tilespmem:$0x3C10] =	vst v0  }
0x5b: {  	[tilespmem:$0x3C20] =	vst v0  }
0x5c: {  	[tilespmem:$0x3C30] =	vst v0  }
0x5d: {  	[tilespmem:$0x3C40] =	vst v0  }
0x5e: {  	[tilespmem:$0x3C50] =	vst v0  }
0x5f: {  	[tilespmem:$0x3C60] =	vst v0  }
0x60: {  	[tilespmem:$0x3C70] =	vst v0  }
0x61: {  	[tilespmem:$0x3C80] =	vst v0  }
0x62: {  	[tilespmem:$0x3C90] =	vst v0  }
0x63: {  	[tilespmem:$0x3CA0] =	vst v0  }
0x64: {  	[tilespmem:$0x3CB0] =	vst v0  }
0x65: {  	[tilespmem:$0x3CC0] =	vst v0  }
0x66: {  	[tilespmem:$0x3CD0] =	vst v0  }
0x67: {  	[tilespmem:$0x3CE0] =	vst v0  }
0x68: {  	[tilespmem:$0x3CF0] =	vst v0  }
0x69: {  	[tilespmem:$0x3D00] =	vst v0  }
0x6a: {  	[tilespmem:$0x3D10] =	vst v0  }
0x6b: {  	[tilespmem:$0x3D20] =	vst v0  }
0x6c: {  	[tilespmem:$0x3D30] =	vst v0  }
0x6d: {  	[tilespmem:$0x3D40] =	vst v0  }
0x6e: {  	[tilespmem:$0x3D50] =	vst v0  }
0x6f: {  	[tilespmem:$0x3D60] =	vst v0  }
0x70: {  	[tilespmem:$0x3D70] =	vst v0  }
0x71: {  	[tilespmem:$0x3D80] =	vst v0  }
0x72: {  	[tilespmem:$0x3D90] =	vst v0  }
0x73: {  	[tilespmem:$0x3DA0] =	vst v0  }
0x74: {  	[tilespmem:$0x3DB0] =	vst v0  }
0x75: {  	[tilespmem:$0x3DC0] =	vst v0  }
0x76: {  	[tilespmem:$0x3DD0] =	vst v0  }
0x77: {  	[tilespmem:$0x3DE0] =	vst v0  }
0x78: {  	[tilespmem:$0x3DF0] =	vst v0  }
0x79: {  	[tilespmem:$0x3E00] =	vst v0  }
0x7a: {  	[tilespmem:$0x3E10] =	vst v0  }
0x7b: {  	[tilespmem:$0x3E20] =	vst v0  }
0x7c: {  	[tilespmem:$0x3E30] =	vst v0  }
0x7d: {  	[tilespmem:$0x3E40] =	vst v0  }
0x7e: {  	[tilespmem:$0x3E50] =	vst v0  }
0x7f: {  	[tilespmem:$0x3E60] =	vst v0  }
0x80: {  	[tilespmem:$0x3E70] =	vst v0  }
0x81: {  	[tilespmem:$0x3E80] =	vst v0  }
0x82: {  	[tilespmem:$0x3E90] =	vst v0  }
0x83: {  	[tilespmem:$0x3EA0] =	vst v0  }
0x84: {  	[tilespmem:$0x3EB0] =	vst v0  }
0x85: {  	[tilespmem:$0x3EC0] =	vst v0  }
0x86: {  	[tilespmem:$0x3ED0] =	vst v0  }
0x87: {  	[tilespmem:$0x3EE0] =	vst v0  }
0x88: {  	[tilespmem:$0x3EF0] =	vst v0  }
0x89: {  	[tilespmem:$0x3F00] =	vst v0  }
0x8a: {  	[tilespmem:$0x3F10] =	vst v0  }
0x8b: {  	[tilespmem:$0x3F20] =	vst v0  }
0x8c: {  	[tilespmem:$0x3F30] =	vst v0  }
0x8d: {  	[tilespmem:$0x3F40] =	vst v0  }
0x8e: {  	[tilespmem:$0x3F50] =	vst v0  }
0x8f: {  	[tilespmem:$0x3F60] =	vst v0  }
0x90: {  	[tilespmem:$0x3F70] =	vst v0  }
0x91: {  	[tilespmem:$0x3F80] =	vst v0  }
0x92: {  	[tilespmem:$0x3F90] =	vst v0  }
0x93: {  	[tilespmem:$0x3FA0] =	vst v0  }
0x94: {  	[tilespmem:$0x3FB0] =	vst v0  }
0x95: {  	[tilespmem:$0x3FC0] =	vst v0  }
0x96: {  	[tilespmem:$0x3FD0] =	vst v0  }
0x97: {  	[tilespmem:$0x3FE0] =	vst v0  }
0x98: {  	[tilespmem:$0x3FF0] =	vst v0  }
0x99: {  	[tilespmem:$0x4000] =	vst v0  }
0x9a: {  	[tilespmem:$0x4010] =	vst v0  }
0x9b: {  	[tilespmem:$0x4020] =	vst v0  }
0x9c: {  	[tilespmem:$0x4030] =	vst v0  }
0x9d: {  	[tilespmem:$0x4040] =	vst v0  }
0x9e: {  	[tilespmem:$0x4050] =	vst v0  }
0x9f: {  	[tilespmem:$0x4060] =	vst v0  }
0xa0: {  	[tilespmem:$0x4070] =	vst v0  }
0xa1: {  	[tilespmem:$0x4080] =	vst v0  }
0xa2: {  	[tilespmem:$0x4090] =	vst v0  }
0xa3: {  	[tilespmem:$0x40A0] =	vst v0  }
0xa4: {  	[tilespmem:$0x40B0] =	vst v0  }
0xa5: {  	[tilespmem:$0x40C0] =	vst v0  }
0xa6: {  	[tilespmem:$0x40D0] =	vst v0  }
0xa7: {  	[tilespmem:$0x40E0] =	vst v0  }
0xa8: {  	[tilespmem:$0x40F0] =	vst v0  }
0xa9: {  	[tilespmem:$0x4100] =	vst v0  }
0xaa: {  	[tilespmem:$0x4110] =	vst v0  }
0xab: {  	[tilespmem:$0x4120] =	vst v0  }
0xac: {  	[tilespmem:$0x4130] =	vst v0  }
0xad: {  	[tilespmem:$0x4140] =	vst v0  }
0xae: {  	[tilespmem:$0x4150] =	vst v0  }
0xaf: {  	[tilespmem:$0x4160] =	vst v0  }
0xb0: {  	[tilespmem:$0x4170] =	vst v0  }
0xb1: {  	[tilespmem:$0x4180] =	vst v0  }
0xb2: {  	[tilespmem:$0x4190] =	vst v0  }
0xb3: {  	[tilespmem:$0x41A0] =	vst v0  }
0xb4: {  	[tilespmem:$0x41B0] =	vst v0  }
0xb5: {  	[tilespmem:$0x41C0] =	vst v0  }
0xb6: {  	[tilespmem:$0x41D0] =	vst v0  }
0xb7: {  	[tilespmem:$0x41E0] =	vst v0  }
0xb8: {  	[tilespmem:$0x41F0] =	vst v0  }
0xb9: {  	[tilespmem:$0x4200] =	vst v0  }
0xba: {  	[tilespmem:$0x4210] =	vst v0  }
0xbb: {  	[tilespmem:$0x4220] =	vst v0  }
0xbc: {  	[tilespmem:$0x4230] =	vst v0  }
0xbd: {  	[tilespmem:$0x4240] =	vst v0  }
0xbe: {  	[tilespmem:$0x4250] =	vst v0  }
0xbf: {  	[tilespmem:$0x4260] =	vst v0  }
0xc0: {  	[tilespmem:$0x4270] =	vst v0  }
0xc1: {  	[tilespmem:$0x4280] =	vst v0  }
0xc2: {  	[tilespmem:$0x4290] =	vst v0  }
0xc3: {  	[tilespmem:$0x42A0] =	vst v0  }
0xc4: {  	[tilespmem:$0x42B0] =	vst v0  }
0xc5: {  	[tilespmem:$0x42C0] =	vst v0  }
0xc6: {  	[tilespmem:$0x42D0] =	vst v0  }
0xc7: {  	[tilespmem:$0x42E0] =	vst v0  }
0xc8: {  	[tilespmem:$0x42F0] =	vst v0  }
0xc9: {  	[tilespmem:$0x4300] =	vst v0  }
0xca: {  	[tilespmem:$0x4310] =	vst v0  }
0xcb: {  	[tilespmem:$0x4320] =	vst v0  }
0xcc: {  	[tilespmem:$0x4330] =	vst v0  }
0xcd: {  	[tilespmem:$0x4340] =	vst v0  }
0xce: {  	[tilespmem:$0x4350] =	vst v0  }
0xcf: {  	[tilespmem:$0x4360] =	vst v0  }
0xd0: {  	[tilespmem:$0x4370] =	vst v0  }
0xd1: {  	[tilespmem:$0x4380] =	vst v0  }
0xd2: {  	[tilespmem:$0x4390] =	vst v0  }
0xd3: {  	[tilespmem:$0x43A0] =	vst v0  }
0xd4: {  	[tilespmem:$0x43B0] =	vst v0  }
0xd5: {  	[tilespmem:$0x43C0] =	vst v0  }
0xd6: {  	[tilespmem:$0x43D0] =	vst v0  }
0xd7: {  	[tilespmem:$0x43E0] =	vst v0  }
0xd8: {  	[tilespmem:$0x43F0] =	vst v0  }
0xd9: {  	[tilespmem:$0x4400] =	vst v0  }
0xda: {  	[tilespmem:$0x4410] =	vst v0  }
0xdb: {  	[tilespmem:$0x4420] =	vst v0  }
0xdc: {  	[tilespmem:$0x4430] =	vst v0  }
0xdd: {  	[tilespmem:$0x4440] =	vst v0  }
0xde: {  	[tilespmem:$0x4450] =	vst v0  }
0xdf: {  	[tilespmem:$0x4460] =	vst v0  }
0xe0: {  	[tilespmem:$0x4470] =	vst v0  }
0xe1: {  	[tilespmem:$0x4480] =	vst v0  }
0xe2: {  	[tilespmem:$0x4490] =	vst v0  }
0xe3: {  	[tilespmem:$0x44A0] =	vst v0  }
0xe4: {  	[tilespmem:$0x44B0] =	vst v0  }
0xe5: {  	[tilespmem:$0x44C0] =	vst v0  }
0xe6: {  	[tilespmem:$0x44D0] =	vst v0  }
0xe7: {  	[tilespmem:$0x44E0] =	vst v0  }
0xe8: {  	[tilespmem:$0x44F0] =	vst v0  }
0xe9: {  	[tilespmem:$0x4500] =	vst v0  }
0xea: {  	[tilespmem:$0x4510] =	vst v0  }
0xeb: {  	[tilespmem:$0x4520] =	vst v0  }
0xec: {  	[tilespmem:$0x4530] =	vst v0  }
0xed: {  	[tilespmem:$0x4540] =	vst v0  }
0xee: {  	[tilespmem:$0x4550] =	vst v0  }
0xef: {  	[tilespmem:$0x4560] =	vst v0  }
0xf0: {  	[tilespmem:$0x4570] =	vst v0  }
0xf1: {  	[tilespmem:$0x4580] =	vst v0  }
0xf2: {  	[tilespmem:$0x4590] =	vst v0  }
0xf3: {  	[tilespmem:$0x45A0] =	vst v0  }
0xf4: {  	[tilespmem:$0x45B0] =	vst v0  }
0xf5: {  	[tilespmem:$0x45C0] =	vst v0  }
0xf6: {  	[tilespmem:$0x45D0] =	vst v0  }
0xf7: {  	[tilespmem:$0x45E0] =	vst v0  }
0xf8: {  	[tilespmem:$0x45F0] =	vst v0  }
0xf9: {  	[tilespmem:$0x4600] =	vst v0  }
0xfa: {  	[tilespmem:$0x4610] =	vst v0  }
0xfb: {  	[tilespmem:$0x4620] =	vst v0  }
0xfc: {  	[tilespmem:$0x4630] =	vst v0  }
0xfd: {  	[tilespmem:$0x4640] =	vst v0  }
0xfe: {  	[tilespmem:$0x4650] =	vst v0  }
0xff: {  	[tilespmem:$0x4660] =	vst v0  }
0x100: {  	[tilespmem:$0x4670] =	vst v0  }
0x101: {  	[tilespmem:$0x4680] =	vst v0  }
0x102: {  	[tilespmem:$0x4690] =	vst v0  }
0x103: {  	[tilespmem:$0x46A0] =	vst v0  }
0x104: {  	[tilespmem:$0x46B0] =	vst v0  }
0x105: {  	[tilespmem:$0x46C0] =	vst v0  }
0x106: {  	[tilespmem:$0x46D0] =	vst v0  }
0x107: {  	[tilespmem:$0x46E0] =	vst v0  }
0x108: {  	[tilespmem:$0x46F0] =	vst v0  }
0x109: {  	[tilespmem:$0x4700] =	vst v0  }
0x10a: {  	[tilespmem:$0x4710] =	vst v0  }
0x10b: {  	[tilespmem:$0x4720] =	vst v0  }
0x10c: {  	[tilespmem:$0x4730] =	vst v0  }
0x10d: {  	[tilespmem:$0x4740] =	vst v0  }
0x10e: {  	[tilespmem:$0x4750] =	vst v0  }
0x10f: {  	s18 =	sadd.s32 $0x0, s8;
	[bflag:$0x0] =	sbarrier.arrive $0xFFFF  }
0x110: {  	[tilespmem:s3], [sflag:$0x1] =	stream.linear.gather [hbm4b:s18+s3], $0xFA0, $0x38;
	[tilespmem:$0x4760] =	vst v63  }
0x111: {  	_ =	swait.ge [sflag:s12], $0xFA0  }
0x112: {  	[sflag:s12] =	ssyncset.done $0x0  }
0x113: {  	s31 =	sadd.s32 $0x0, s9;
	[sflag:s12] =	ssyncadd.s32 $0xFFFFF060  }
0x114: {  	[tilespmem:s13], [sflag:$0x1] =	stream.linear.gather [hbm4b:s31+s3], $0xFA0, $0x38;
	[tilespmem:$0x4760] =	vst v63  }
0x115: {  	_ = 	snop  }
0x116: {  	[spmem:s2] =	stream.indirect.scatter.add.f32 [tilespmem:s14], [sflag:$0x2], $0x1, s3, s13, $0xb8;
	[tilespmem:$0x4760] =	vst v63  }
0x117: {  	_ =	swait.ge [sflag:s12], $0xFA0  }
0x118: {  	[sflag:s12] =	ssyncset.done $0x0  }
0x119: {  	[sflag:s12] =	ssyncadd.s32 $0xFFFFF060  }
0x11a: {  	[spmem:s2] =	stream.indirect.scatter.add.f32 [tilespmem:s14], [sflag:$0x3], $0x1, s13, s13, $0xb8;
	[tilespmem:$0x4760] =	vst v63  }
0x11b: {  	_ =	swait.ge [sflag:s15], $0xFA0  }
0x11c: {  	[sflag:s15] =	ssyncset.done $0x0  }
0x11d: {  	[sflag:s15] =	ssyncadd.s32 $0xFFFFF060  }
0x11e: {  	_ =	swait.ge [sflag:s16], $0xFA0  }
0x11f: {  	s19 =	simm.s32 $0x7D0;
	s18 =	simm.s32 $0x3E8;
	[sflag:s16] =	ssyncset.done $0x0  }
.LBB2_2:
0x120: {  	s20 =	sadd.s32 s18, s8  }
0x121: {  	[sflag:s16] =	ssyncadd.s32 $0xFFFFF060;
	s21 =	smov.u32 s19;
	s22 =	sadd.s32 $0x3E8, s19  }
0x122: {  	[tilespmem:s3], [sflag:$0x1] =	stream.linear.gather [hbm4b:s20+s3], $0xFA0, $0x38;
	[tilespmem:$0x4760] =	vst v63  }
0x123: {  	p0 =	sne.s32 s19, $0x5DC0;
	_ =	swait.ge [sflag:s12], $0xFA0  }
0x124: {  	[sflag:s12] =	ssyncset.done $0x0  }
0x125: {  	s19 =	sadd.s32 s18, s9;
	s18 =	smov.u32 s21;
	[sflag:s12] =	ssyncadd.s32 $0xFFFFF060  }
0x126: {  	[tilespmem:s13], [sflag:$0x1] =	stream.linear.gather [hbm4b:s19+s3], $0xFA0, $0x38;
	[tilespmem:$0x4760] =	vst v63  }
0x127: {  	_ = 	snop  }
0x128: {  	[spmem:s2] =	stream.indirect.scatter.add.f32 [tilespmem:s14], [sflag:$0x2], $0x1, s3, s13, $0xb8;
	[tilespmem:$0x4760] =	vst v63  }
0x129: {  	_ =	swait.ge [sflag:s12], $0xFA0  }
0x12a: {  	[sflag:s12] =	ssyncset.done $0x0  }
0x12b: {  	[sflag:s12] =	ssyncadd.s32 $0xFFFFF060  }
0x12c: {  	[spmem:s2] =	stream.indirect.scatter.add.f32 [tilespmem:s14], [sflag:$0x3], $0x1, s13, s13, $0xb8;
	[tilespmem:$0x4760] =	vst v63  }
.Ltmp0:
0x12d: {  	_ =	swait.ge [sflag:s15], $0xFA0;
	(pc) =	sbr.rel @p0 .LBB2_2-.Ltmp0, $4  }
0x12e: {  	[sflag:s15] =	ssyncset.done $0x0  }
0x12f: {  	[sflag:s15] =	ssyncadd.s32 $0xFFFFF060  }
0x130: {  	_ =	swait.ge [sflag:s16], $0xFA0  }
0x131: {  	s19 =	smov.u32 s22;
	[sflag:s16] =	ssyncset.done $0x0  }
0x132: {  	s19 =	sadd.s32 s18, s8;
	[sflag:s16] =	ssyncadd.s32 $0xFFFFF060  }
0x133: {  	[tilespmem:s3], [sflag:$0x1] =	stream.linear.gather [hbm4b:s19+s3], $0xFA0, $0x38;
	[tilespmem:$0x4760] =	vst v63  }
0x134: {  	_ =	swait.ge [sflag:s12], $0xFA0  }
0x135: {  	[sflag:s12] =	ssyncset.done $0x0  }
0x136: {  	s31 =	sadd.s32 s18, s9;
	[sflag:s12] =	ssyncadd.s32 $0xFFFFF060  }
0x137: {  	[tilespmem:s13], [sflag:$0x1] =	stream.linear.gather [hbm4b:s31+s3], $0xFA0, $0x38;
	[tilespmem:$0x4760] =	vst v63  }
0x138: {  	_ = 	snop  }
0x139: {  	[spmem:s2] =	stream.indirect.scatter.add.f32 [tilespmem:s14], [sflag:$0x2], $0x1, s3, s13, $0xb8;
	[tilespmem:$0x4760] =	vst v63  }
0x13a: {  	_ =	swait.ge [sflag:s12], $0xFA0  }
0x13b: {  	[sflag:s12] =	ssyncset.done $0x0  }
0x13c: {  	[sflag:s12] =	ssyncadd.s32 $0xFFFFF060  }
0x13d: {  	[spmem:s2] =	stream.indirect.scatter.add.f32 [tilespmem:s14], [sflag:$0x3], $0x1, s13, s13, $0xb8;
	[tilespmem:$0x4760] =	vst v63  }
0x13e: {  	_ =	swait.ge [sflag:s15], $0xFA0  }
0x13f: {  	[sflag:s15] =	ssyncset.done $0x0  }
0x140: {  	[sflag:s15] =	ssyncadd.s32 $0xFFFFF060  }
0x141: {  	_ =	swait.ge [sflag:s16], $0xFA0  }
0x142: {  	s17 =	sadd.s32 $0x1, s17;
	[sflag:s16] =	ssyncset.done $0x0  }
0x143: {  	p0 =	sne.s32 s17, s7;
	[sflag:s16] =	ssyncadd.s32 $0xFFFFF060  }
.Ltmp1:
0x144: {  	[bflag:$0x0] =	sbarrier.arrive $0xFFFF;
	(pc) =	sbr.rel @p0 .LBB2_1-.Ltmp1, $4  }
0x145: {  	[hbm:s6], [sflag:s5] =	dma.local [spmem:s10], $0x310  }
0x146: {  	_ =	swait.ge [sflag:s11], $0x310  }
0x147: {  	[sflag:s11] =	ssyncset.done $0x0  }
0x148: {  	[sflag:s11] =	ssyncadd.s32 $0xFFFFFCF0  }
0x149: {  	_ =	sfence.sel $0x180000  }
0x14a: {  	[bflag:$0x0] =	sbarrier.arrive $0xFFFF  }
0x14b: {  	p0 =	sne.s32 s1, $0x0;
	_ =	strace $0x90000047  }
0x14c: {  	s0 =	sadd.s32 @!p0 $0x100000, s0;
	[bflag:$0x2] =	sbarrier.arrive $0xFFFF  }
0x14d: {  	[sflag:s0] =	ssyncadd.tile.s32 @!p0 $0x1;
	_ =	shalt  }
.Lfunc_end2:
_tile_overlayer_lowered:
.L_overlay_start_2:
0x14e: {  	(tag) =	ssettag $0x2  }
0x14f: {  	s0 =	rddreg [dreg:$0x0];
	s2 =	stileid.u32  }
0x150: {  	s1 =	rddreg [dreg:$0x1];
	p0 =	sne.s32 s2, $0x0  }
0x151: {  	s3 =	rddreg [dreg:$0x2];
	[bflag:$0x3] =	sbarrier.arrive $0xFFFF;
	s2 =	simm.s32 @!p0 $0x1C04  }
0x152: {  	[timem:s3], [sflag:s2] =	dma.local @!p0 [hbm:s0], s1  }
0x153: {  	s0 =	simm.s32 @!p0 $0x4  }
0x154: {  	_ =	swait.ge @!p0 [sflag:s0], s1  }
0x155: {  	s1 =	ssub.s32 @!p0 $0x0, s1;
	[sflag:s0] =	ssyncset.done @!p0 $0x0  }
0x156: {  	[sflag:s0] =	ssyncadd.s32 @!p0 s1  }
0x157: {  	[bflag:$0x3] =	sbarrier.arrive $0xFFFF  }
0x158: {  	_ =	shalt  }

</sc_bundles>
